<compile_context>
chip_gen: v7x
topology: tpu7x:2x2x1
jax: 0.10.2.dev20260603
libtpu: 0.0.44.dev20260713+nightly
codegen_flags: <defaults>
</compile_context>

<pallas_src>
import functools

import jax
import jax.numpy as jnp
from jax import lax
from jax.experimental import pallas as pl
from jax.experimental.pallas import tpu as pltpu
from jax.experimental.pallas import tpu_sc as plsc

_R_CUTOFF = 4.5
_GAMMA = 10.0
_LN2 = 0.6931471805599453

_NC = 2
_NS = 16
_CH = 128


def _pick_blk(total, cands):
    return next(c for c in cands if total % c == 0)


def _ssp(v):
    return jnp.maximum(v, 0.0) + jnp.log(1.0 + jnp.exp(-jnp.abs(v))) - _LN2


def _silu(v):
    return v / (1.0 + jnp.exp(-v))


def _embed_body(x_ref, emb_ref, lin_ref, s_ref, slin_ref):
    xv = x_ref[...]
    ids = lax.broadcasted_iota(jnp.int32, (1, 128), 1)
    onehot = (xv == ids).astype(jnp.float32)
    s = jnp.dot(onehot, emb_ref[...], preferred_element_type=jnp.float32)
    s_ref[...] = s
    slin_ref[...] = jnp.dot(s, lin_ref[...], preferred_element_type=jnp.float32)


def _embed(x2d, emb_pad, lin_in0, n, blk):
    grid = n // blk
    return pl.pallas_call(
        _embed_body,
        grid=(grid,),
        in_specs=[
            pl.BlockSpec((blk, 1), lambda i: (i, 0)),
            pl.BlockSpec((128, 128), lambda i: (0, 0)),
            pl.BlockSpec((128, 128), lambda i: (0, 0)),
        ],
        out_specs=[
            pl.BlockSpec((blk, 128), lambda i: (i, 0)),
            pl.BlockSpec((blk, 128), lambda i: (i, 0)),
        ],
        out_shape=[
            jax.ShapeDtypeStruct((n, 128), jnp.float32),
            jax.ShapeDtypeStruct((n, 128), jnp.float32),
        ],
    )(x2d, emb_pad, lin_in0)


def _filt_body(ew_ref, w1_ref, b1_ref, w2_ref, b2_ref, out_ref, *, num_radial):
    ew = ew_ref[...].reshape(ew_ref.shape[0], 1)
    mu = lax.broadcasted_iota(jnp.int32, (1, num_radial), 1).astype(
        jnp.float32) * (_R_CUTOFF / (num_radial - 1))
    rbf = jnp.exp(-_GAMMA * (ew - mu) ** 2)
    h = _ssp(jnp.dot(rbf, w1_ref[...], preferred_element_type=jnp.float32)
             + b1_ref[...])
    out_ref[...] = (jnp.dot(h, w2_ref[...], preferred_element_type=jnp.float32)
                    + b2_ref[...])


def _filters1(ew1d, w1l, b1l, w2l, b2l, e, num_radial, blk):
    return pl.pallas_call(
        functools.partial(_filt_body, num_radial=num_radial),
        grid=(e // blk,),
        in_specs=[
            pl.BlockSpec((blk,), lambda i: (i,)),
            pl.BlockSpec((num_radial, 128), lambda i: (0, 0)),
            pl.BlockSpec((1, 128), lambda i: (0, 0)),
            pl.BlockSpec((128, 128), lambda i: (0, 0)),
            pl.BlockSpec((1, 128), lambda i: (0, 0)),
        ],
        out_specs=pl.BlockSpec((blk, 128), lambda i: (i, 0)),
        out_shape=jax.ShapeDtypeStruct((e, 128), jnp.float32),
    )(ew1d, w1l, b1l.reshape(1, 128), w2l, b2l.reshape(1, 128))


def _tile_copy(src, dst, sid, n):
    npt = (n // _NS) // 8 * 8
    rem = n - _NS * npt
    off = pl.multiple_of(sid * npt, 8)
    pltpu.sync_copy(src.at[pl.ds(off, npt)], dst.at[pl.ds(off, npt)])
    if rem:
        @pl.when(sid == _NS - 1)
        def _():
            pltpu.sync_copy(src.at[pl.ds(_NS * npt, rem)],
                            dst.at[pl.ds(_NS * npt, rem)])


def _deg_body(row2d, zeros_ns, out, rowv, onesb, degsh, *, n, rows_per_core,
              rows_per_tile):
    cid = lax.axis_index("c")
    sid = lax.axis_index("s")
    _tile_copy(zeros_ns, degsh, sid, n)

    def fill_row(r, _):
        for c8 in range(8):
            onesb[r, pl.ds(c8 * 16, 16)] = jnp.full((16,), 1.0, jnp.float32)
        return 0

    lax.fori_loop(0, _CH, fill_row, 0)
    plsc.subcore_barrier()

    base = cid * rows_per_core + sid * rows_per_tile

    def do_chunk(ck):
        pltpu.sync_copy(row2d.at[ck], rowv)
        pltpu.sync_copy(onesb, degsh.at[rowv], add=True)

    def chunk_loop(i, _):
        do_chunk(base + i)
        return 0

    lax.fori_loop(0, rows_per_tile, chunk_loop, 0)
    nextra = rows_per_core - _NS * rows_per_tile

    @pl.when(sid < nextra)
    def _():
        do_chunk(cid * rows_per_core + _NS * rows_per_tile + sid)

    plsc.subcore_barrier()
    _tile_copy(degsh, out.at[cid], sid, n)


def _degree(row2d, zeros_ns, n, e):
    nrows = e // _CH
    rows_per_core = nrows // _NC
    rows_per_tile = rows_per_core // _NS
    mesh = plsc.VectorSubcoreMesh(core_axis_name="c", subcore_axis_name="s",
                                  num_cores=_NC, num_subcores=_NS)
    body = functools.partial(_deg_body, n=n, rows_per_core=rows_per_core,
                             rows_per_tile=rows_per_tile)
    f = pl.kernel(
        body,
        out_type=jax.ShapeDtypeStruct((_NC, n, 128), jnp.float32),
        mesh=mesh,
        scratch_types=[
            pltpu.VMEM((_CH,), jnp.int32),
            pltpu.VMEM((_CH, 128), jnp.float32),
            pltpu.VMEM_SHARED((n, 128), jnp.float32),
        ],
    )
    return f(row2d, zeros_ns)


def _cfconv_body(slin, filt, row2d, col2d, zeros_ns, out, colv, rowv, xr, fc,
                 aggsh, sem, *, n, rows_per_core, rows_per_tile):
    cid = lax.axis_index("c")
    sid = lax.axis_index("s")
    _tile_copy(zeros_ns, aggsh, sid, n)
    plsc.subcore_barrier()

    base = cid * rows_per_core + sid * rows_per_tile

    def do_chunk(ck):
        pltpu.sync_copy(col2d.at[ck], colv)
        pltpu.sync_copy(row2d.at[ck], rowv)
        gather = pltpu.async_copy(slin.at[colv], xr, sem)
        off = pl.multiple_of(ck * _CH, _CH)
        pltpu.sync_copy(filt.at[pl.ds(off, _CH)], fc)
        gather.wait()

        def mul_row(r, _):
            for c8 in range(8):
                sl = pl.ds(c8 * 16, 16)
                xr[r, sl] = xr[r, sl] * fc[r, sl]
            return 0

        lax.fori_loop(0, _CH, mul_row, 0)
        pltpu.sync_copy(xr, aggsh.at[rowv], add=True)

    def chunk_loop(i, _):
        do_chunk(base + i)
        return 0

    lax.fori_loop(0, rows_per_tile, chunk_loop, 0)
    nextra = rows_per_core - _NS * rows_per_tile

    @pl.when(sid < nextra)
    def _():
        do_chunk(cid * rows_per_core + _NS * rows_per_tile + sid)

    plsc.subcore_barrier()
    _tile_copy(aggsh, out.at[cid], sid, n)


def _cfconv(slin, filt_l, row2d, col2d, zeros_ns, n, e):
    nrows = e // _CH
    rows_per_core = nrows // _NC
    rows_per_tile = rows_per_core // _NS
    mesh = plsc.VectorSubcoreMesh(core_axis_name="c", subcore_axis_name="s",
                                  num_cores=_NC, num_subcores=_NS)
    body = functools.partial(_cfconv_body, n=n, rows_per_core=rows_per_core,
                             rows_per_tile=rows_per_tile)
    f = pl.kernel(
        body,
        out_type=jax.ShapeDtypeStruct((_NC, n, 128), jnp.float32),
        mesh=mesh,
        scratch_types=[
            pltpu.VMEM((_CH,), jnp.int32),
            pltpu.VMEM((_CH,), jnp.int32),
            pltpu.VMEM((_CH, 128), jnp.float32),
            pltpu.VMEM((_CH, 128), jnp.float32),
            pltpu.VMEM_SHARED((n, 128), jnp.float32),
            pltpu.SemaphoreType.DMA,
        ],
    )
    return f(slin, filt_l, row2d, col2d, zeros_ns)


def _update_body(s_ref, agg_ref, deg_ref, lo_ref, ln_ref, s_out, slin_out, *,
                 has_next):
    agg = agg_ref[0] + agg_ref[1]
    deg = jnp.maximum(deg_ref[0, :, 0:1] + deg_ref[1, :, 0:1], 1.0)
    u = _ssp(agg / deg)
    s_new = s_ref[...] + jnp.dot(u, lo_ref[...],
                                 preferred_element_type=jnp.float32)
    s_out[...] = s_new
    if has_next:
        slin_out[...] = jnp.dot(s_new, ln_ref[...],
                                preferred_element_type=jnp.float32)
    else:
        slin_out[...] = s_new


def _update(s, aggp, degp, lin_out_l, lin_in_next, n, blk, has_next):
    grid = n // blk
    return pl.pallas_call(
        functools.partial(_update_body, has_next=has_next),
        grid=(grid,),
        in_specs=[
            pl.BlockSpec((blk, 128), lambda i: (i, 0)),
            pl.BlockSpec((_NC, blk, 128), lambda i: (0, i, 0)),
            pl.BlockSpec((_NC, blk, 128), lambda i: (0, i, 0)),
            pl.BlockSpec((128, 128), lambda i: (0, 0)),
            pl.BlockSpec((128, 128), lambda i: (0, 0)),
        ],
        out_specs=[
            pl.BlockSpec((blk, 128), lambda i: (i, 0)),
            pl.BlockSpec((blk, 128), lambda i: (i, 0)),
        ],
        out_shape=[
            jax.ShapeDtypeStruct((n, 128), jnp.float32),
            jax.ShapeDtypeStruct((n, 128), jnp.float32),
        ],
    )(s, aggp, degp, lin_out_l, lin_in_next)


def _final_body(s_ref, batch_ref, lig_ref, ch_ref, g_ref, be_ref, pw_ref,
                aw1_ref, ab1_ref, aw2_ref, ab2_ref, pw1_ref, pb1_ref, pw2_ref,
                pb2_ref, aff_ref, prop_ref, *, n, n_graphs, n_chains, n_aff,
                n_prop, prop_classes):
    s = s_ref[...]
    m = jnp.mean(s, axis=1, keepdims=True)
    d = s - m
    var = jnp.mean(d * d, axis=1, keepdims=True)
    sn = g_ref[...] * d * lax.rsqrt(var + 1e-5) + be_ref[...]
    sp = jnp.dot(sn, pw_ref[...], preferred_element_type=jnp.float32)

    bt = batch_ref[...]
    gids = lax.broadcasted_iota(jnp.int32, (n_graphs, 1), 0)
    oh_g = (bt == gids).astype(jnp.float32)
    gsum = jnp.dot(oh_g, sp, preferred_element_type=jnp.float32)
    gcnt = jnp.maximum(jnp.sum(oh_g, axis=1, keepdims=True), 1.0)
    g = gsum / gcnt

    for i in range(n_aff):
        h = _silu(jnp.dot(g, aw1_ref[i], preferred_element_type=jnp.float32)
                  + ab1_ref[i])
        val = jnp.sum(h * aw2_ref[i], axis=1, keepdims=True) + ab2_ref[i, 0, 0]
        aff_ref[i] = jnp.broadcast_to(val, (n_graphs, 128))

    w = (lig_ref[...] != 0).astype(jnp.float32)
    cidx = ch_ref[...] - 1
    cids = lax.broadcasted_iota(jnp.int32, (n_chains, 1), 0)
    oh_c = (cidx == cids).astype(jnp.float32) * w
    csum = jnp.dot(oh_c, sp, preferred_element_type=jnp.float32)
    ccnt = jnp.maximum(jnp.sum(oh_c, axis=1, keepdims=True), 1.0)
    cg = csum / ccnt

    for i in range(n_prop):
        h = _silu(jnp.dot(cg, pw1_ref[i], preferred_element_type=jnp.float32)
                  + pb1_ref[i])
        for c in range(prop_classes):
            val = (jnp.sum(h * pw2_ref[i, c][None, :], axis=1, keepdims=True)
                   + pb2_ref[i, 0, c])
            prop_ref[i * prop_classes + c] = jnp.broadcast_to(
                val, (n_chains, 128))


def _final(s, batch_r, lig_r, ch_r, ln_gamma, ln_beta, post_w, aff_w1, aff_b1,
           aff_w2, aff_b2, prop_w1, prop_b1, prop_w2, prop_b2, n, n_graphs,
           n_chains):
    n_aff = aff_w1.shape[0]
    n_prop = prop_w1.shape[0]
    prop_classes = prop_w2.shape[2]
    body = functools.partial(
        _final_body, n=n, n_graphs=n_graphs, n_chains=n_chains, n_aff=n_aff,
        n_prop=n_prop, prop_classes=prop_classes)
    return pl.pallas_call(
        body,
        out_shape=[
            jax.ShapeDtypeStruct((n_aff, n_graphs, 128), jnp.float32),
            jax.ShapeDtypeStruct((n_prop * prop_classes, n_chains, 128),
                                 jnp.float32),
        ],
    )(s, batch_r, lig_r, ch_r, ln_gamma.reshape(1, 128),
      ln_beta.reshape(1, 128), post_w, aff_w1,
      aff_b1.reshape(n_aff, 1, 128), aff_w2.reshape(n_aff, 1, 128),
      aff_b2.reshape(n_aff, 1, 1), prop_w1, prop_b1.reshape(n_prop, 1, 128),
      jnp.transpose(prop_w2, (0, 2, 1)),
      prop_b2.reshape(n_prop, 1, prop_classes))


def kernel(x, pos, batch, channel_weights, edge_index, edge_weights, lig_flag,
           chains, emb, gnn_w1, gnn_b1, gnn_w2, gnn_b2, gnn_lin_in,
           gnn_lin_out, ln_gamma, ln_beta, post_w, aff_w1, aff_b1, aff_w2,
           aff_b2, prop_w1, prop_b1, prop_w2, prop_b2):
    n = x.shape[0]
    e = edge_index.shape[1]
    depth = gnn_w1.shape[0]
    num_radial = gnn_w1.shape[1]
    n_graphs = 16
    n_chains = 8
    blk_n = _pick_blk(n, (2000, 1000, 500, 250, 200, 8))
    blk_e = _pick_blk(e, (2000, 2048, 1024, 512, 256, 128))

    x2d = x.astype(jnp.int32).reshape(n, 1)
    row2d = edge_index[0].astype(jnp.int32).reshape(e // _CH, _CH)
    col2d = edge_index[1].astype(jnp.int32).reshape(e // _CH, _CH)
    e_pad = (e + 2047) // 2048 * 2048
    ew1d = jnp.pad(edge_weights.reshape(e), (0, e_pad - e))
    emb_pad = jnp.zeros((128, 128), jnp.float32).at[:emb.shape[0]].set(emb)
    zeros_ns = jnp.zeros((n, 128), jnp.float32)

    s, slin = _embed(x2d, emb_pad, gnn_lin_in[0], n, blk_n)
    filt = [_filters1(ew1d, gnn_w1[l], gnn_b1[l], gnn_w2[l], gnn_b2[l],
                      e_pad, num_radial, 2048) for l in range(depth)]
    degp = _degree(row2d, zeros_ns, n, e)
    slin, _ = lax.optimization_barrier((slin, degp))

    for l in range(depth):
        aggp = _cfconv(slin, filt[l], row2d, col2d, zeros_ns, n, e)
        has_next = l + 1 < depth
        nxt = gnn_lin_in[l + 1] if has_next else gnn_lin_in[0]
        s, slin = _update(s, aggp, degp, gnn_lin_out[l], nxt, n, blk_n,
                          has_next)

    aff_pad, prop_pad = _final(
        s, batch.astype(jnp.int32).reshape(1, n),
        lig_flag.astype(jnp.int32).reshape(1, n),
        chains.astype(jnp.int32).reshape(1, n), ln_gamma, ln_beta, post_w,
        aff_w1, aff_b1, aff_w2, aff_b2, prop_w1, prop_b1, prop_w2, prop_b2,
        n, n_graphs, n_chains)

    n_aff = aff_w1.shape[0]
    n_prop = prop_w1.shape[0]
    prop_classes = prop_w2.shape[2]
    aff_out = aff_pad[:, :, :1]
    prop_out = jnp.transpose(
        prop_pad[:, :, 0].reshape(n_prop, prop_classes, n_chains), (0, 2, 1))
    return aff_out, prop_out

# --- scband reference (transcript-rebuilt; emitter-appended) ---
"""Pipeline reference for scband-base-model-77266461655556 (READ-ONLY COPY).

The authoritative reference and input builder live on the scoring server;
editing this copy changes nothing except your own understanding.
"""

import jax, jax.numpy as jnp
import numpy as np

N = 10000
E = 320000
SDIM = 128
NUM_RADIAL = 32
DEPTH = 3
NUM_ELEMENTS = 100
R_CUTOFF = 4.5
N_GRAPHS = 16
N_CHAINS = 8
N_AFF = 2
N_PROP = 1
PROP_CLASSES = 2


def setup_inputs(seed: int = 0) -> dict:
    key = jax.random.key(seed)
    ks = jax.random.split(key, 40)
    inp = {}
    inp['x'] = jax.random.randint(ks[0], (N,), 0, NUM_ELEMENTS)
    inp['pos'] = jax.random.normal(ks[1], (N, 3), dtype=jnp.float32) * 10.0
    inp['batch'] = jnp.sort(jax.random.randint(ks[2], (N,), 0, N_GRAPHS))
    inp['channel_weights'] = jnp.ones((N, 1), dtype=jnp.float32)
    inp['edge_index'] = jax.random.randint(ks[3], (2, E), 0, N)
    inp['edge_weights'] = jax.random.uniform(ks[4], (E,), dtype=jnp.float32) * R_CUTOFF
    inp['lig_flag'] = jax.random.randint(ks[5], (N,), 0, 2)
    inp['chains'] = jax.random.randint(ks[6], (N,), 1, N_CHAINS + 1)
    inp['emb'] = jax.random.normal(ks[7], (NUM_ELEMENTS, SDIM), dtype=jnp.float32) * 0.05
    inp['gnn_w1'] = jax.random.normal(ks[8], (DEPTH, NUM_RADIAL, SDIM), dtype=jnp.float32) / np.sqrt(NUM_RADIAL)
    inp['gnn_b1'] = jnp.zeros((DEPTH, SDIM), dtype=jnp.float32)
    inp['gnn_w2'] = jax.random.normal(ks[9], (DEPTH, SDIM, SDIM), dtype=jnp.float32) / np.sqrt(SDIM)
    inp['gnn_b2'] = jnp.zeros((DEPTH, SDIM), dtype=jnp.float32)
    inp['gnn_lin_in'] = jax.random.normal(ks[10], (DEPTH, SDIM, SDIM), dtype=jnp.float32) / np.sqrt(SDIM)
    inp['gnn_lin_out'] = jax.random.normal(ks[11], (DEPTH, SDIM, SDIM), dtype=jnp.float32) / np.sqrt(SDIM)
    inp['ln_gamma'] = jnp.ones((SDIM,), dtype=jnp.float32)
    inp['ln_beta'] = jnp.zeros((SDIM,), dtype=jnp.float32)
    inp['post_w'] = jax.random.normal(ks[12], (SDIM, SDIM), dtype=jnp.float32) / np.sqrt(SDIM)
    inp['aff_w1'] = jax.random.normal(ks[13], (N_AFF, SDIM, SDIM), dtype=jnp.float32) / np.sqrt(SDIM)
    inp['aff_b1'] = jnp.zeros((N_AFF, SDIM), dtype=jnp.float32)
    inp['aff_w2'] = jax.random.normal(ks[14], (N_AFF, SDIM, 1), dtype=jnp.float32) / np.sqrt(SDIM)
    inp['aff_b2'] = jnp.zeros((N_AFF, 1), dtype=jnp.float32)
    inp['prop_w1'] = jax.random.normal(ks[15], (N_PROP, SDIM, SDIM), dtype=jnp.float32) / np.sqrt(SDIM)
    inp['prop_b1'] = jnp.zeros((N_PROP, SDIM), dtype=jnp.float32)
    inp['prop_w2'] = jax.random.normal(ks[16], (N_PROP, SDIM, PROP_CLASSES), dtype=jnp.float32) / np.sqrt(SDIM)
    inp['prop_b2'] = jnp.zeros((N_PROP, PROP_CLASSES), dtype=jnp.float32)
    return inp


def _ssp(v):
    return jax.nn.softplus(v) - jnp.log(2.0)


def _forward(x, pos, batch, channel_weights, edge_index, edge_weights, lig_flag, chains, emb,
             gnn_w1, gnn_b1, gnn_w2, gnn_b2, gnn_lin_in, gnn_lin_out, ln_gamma, ln_beta, post_w,
             aff_w1, aff_b1, aff_w2, aff_b2, prop_w1, prop_b1, prop_w2, prop_b2):
    # init_embedding lookup
    s = jnp.take(emb, x, axis=0)
    row, col = edge_index[0], edge_index[1]
    rel = pos[row] - pos[col]
    rel = rel / jnp.maximum(jnp.linalg.norm(rel, axis=-1, keepdims=True), 1e-6)  # F.normalize
    # SchNet-style CFConv stack (model_type='schnet'), aggr='mean'
    mu = jnp.linspace(0.0, R_CUTOFF, NUM_RADIAL)
    gamma = 10.0
    rbf = jnp.exp(-gamma * (edge_weights[:, None] - mu[None, :]) ** 2)
    ones_e = jnp.ones((edge_weights.shape[0],), dtype=s.dtype)
    deg = jnp.maximum(jax.ops.segment_sum(ones_e, row, num_segments=N), 1.0)[:, None]
    for l in range(DEPTH):
        filt = _ssp(rbf @ gnn_w1[l] + gnn_b1[l]) @ gnn_w2[l] + gnn_b2[l]
        xj = (s @ gnn_lin_in[l])[col]
        msg = xj * filt
        agg = jax.ops.segment_sum(msg, row, num_segments=N) / deg
        s = s + _ssp(agg) @ gnn_lin_out[l]
    # post_norm (LayerNorm) + post_lin (bias=False)
    mean = jnp.mean(s, axis=-1, keepdims=True)
    var = jnp.var(s, axis=-1, keepdims=True)
    s = ln_gamma * (s - mean) / jnp.sqrt(var + 1e-5) + ln_beta
    s = s @ post_w
    # vallina readout: scatter-mean per graph then affinity heads
    gsum = jax.ops.segment_sum(s, batch, num_segments=N_GRAPHS)
    gcnt = jnp.maximum(jax.ops.segment_sum(jnp.ones((s.shape[0],), dtype=s.dtype), batch, num_segments=N_GRAPHS), 1.0)[:, None]
    g = gsum / gcnt
    aff = []
    for i in range(N_AFF):
        h = jax.nn.silu(g @ aff_w1[i] + aff_b1[i])
        aff.append(h @ aff_w2[i] + aff_b2[i])
    aff_out = jnp.stack(aff, axis=0)
    # chain readout over ligand-flagged nodes, scatter-mean by (chains - 1)
    mask = lig_flag != 0
    w = mask.astype(s.dtype)
    ch = chains - 1
    csum = jax.ops.segment_sum(s * w[:, None], ch, num_segments=N_CHAINS)
    ccnt = jnp.maximum(jax.ops.segment_sum(w, ch, num_segments=N_CHAINS), 1.0)[:, None]
    cg = csum / ccnt
    prop = []
    for i in range(N_PROP):
        h = jax.nn.silu(cg @ prop_w1[i] + prop_b1[i])
        prop.append(h @ prop_w2[i] + prop_b2[i])
    prop_out = jnp.stack(prop, axis=0)
    return aff_out, prop_out


def reference(x, pos, batch, channel_weights, edge_index, edge_weights, lig_flag, chains, emb,
              gnn_w1, gnn_b1, gnn_w2, gnn_b2, gnn_lin_in, gnn_lin_out, ln_gamma, ln_beta, post_w,
              aff_w1, aff_b1, aff_w2, aff_b2, prop_w1, prop_b1, prop_w2, prop_b2):
    return _forward(x, pos, batch, channel_weights, edge_index, edge_weights, lig_flag, chains, emb,
                    gnn_w1, gnn_b1, gnn_w2, gnn_b2, gnn_lin_in, gnn_lin_out, ln_gamma, ln_beta, post_w,
                    aff_w1, aff_b1, aff_w2, aff_b2, prop_w1, prop_b1, prop_w2, prop_b2)

if __name__ == "__main__":
    import jax
    _d = setup_inputs()
    print(jax.jit(kernel)(*tuple(_d.values())))

</pallas_src>

<mosaic_0001>
#map = affine_map<(d0, d1) -> (0, 0)>
#map1 = affine_map<(d0, d1) -> (0, 0, 0)>
module attributes {stable_mosaic.version = 14 : i64} {
  func.func @_deg_body(%arg0: i32, %arg1: i32, %arg2: memref<2500x128xi32, #tpu.memory_space<hbm>>, %arg3: memref<10000x128xf32, #tpu.memory_space<hbm>>, %arg4: memref<2x10000x128xf32, #tpu.memory_space<hbm>>, %arg5: memref<128xi32, #tpu.memory_space<vmem>>, %arg6: memref<128x128xf32, #tpu.memory_space<vmem>>, %arg7: memref<10000x128xf32, #tpu.memory_space<vmem_shared>>) attributes {dimension_semantics = [#tpu.dimension_semantics<core_parallel>, #tpu.dimension_semantics<subcore_parallel>], iteration_bounds = array<i64: 2, 16>, scalar_prefetch = 0 : i64, scratch_operands = 3 : i64, tpu.core_type = #tpu.core_type<sc_vector_subcore>, window_params = [{transform_indices = #map}, {transform_indices = #map}, {transform_indices = #map1}]} {
    %mul3A = arith.constant 624 : i32
    %mul3A_0 = arith.muli %arg1, %mul3A : i32
    %multiple_of3A = tpu.assume_multiple %mul3A_0, 8 : i32
    "tpu.region"() ({
      %run_scoped3A = tpu.sem_alloc : memref<!tpu.dma_semaphore, #tpu.memory_space<semaphore_mem>>
      %dma_start3A = arith.constant 0 : i32
      %dma_start3A_33 = tpu.memref_slice %arg7[%multiple_of3A, %dma_start3A] : memref<10000x128xf32, #tpu.memory_space<vmem_shared>> -> memref<624x128xf32, #tpu.memory_space<vmem_shared>>
      %dma_start3A_34 = arith.constant 0 : i32
      %dma_start3A_35 = tpu.memref_slice %arg3[%multiple_of3A, %dma_start3A_34] : memref<10000x128xf32, #tpu.memory_space<hbm>> -> memref<624x128xf32, #tpu.memory_space<hbm>>
      tpu.enqueue_dma source(%dma_start3A_35 : memref<624x128xf32, #tpu.memory_space<hbm>>) target(%dma_start3A_33 : memref<624x128xf32, #tpu.memory_space<vmem_shared>>) target_semaphore(%run_scoped3A : memref<!tpu.dma_semaphore, #tpu.memory_space<semaphore_mem>>)
      %dma_wait3A = arith.constant 0 : i32
      %dma_wait3A_36 = tpu.memref_slice %arg7[%multiple_of3A, %dma_wait3A] : memref<10000x128xf32, #tpu.memory_space<vmem_shared>> -> memref<624x128xf32, #tpu.memory_space<vmem_shared>>
      %dma_wait3A_37 = arith.constant 0 : i32
      %dma_wait3A_38 = tpu.memref_slice %arg3[%multiple_of3A, %dma_wait3A_37] : memref<10000x128xf32, #tpu.memory_space<hbm>> -> memref<624x128xf32, #tpu.memory_space<hbm>>
      tpu.wait_dma2 semaphore(%run_scoped3A : memref<!tpu.dma_semaphore, #tpu.memory_space<semaphore_mem>>) src(%dma_wait3A_38 : memref<624x128xf32, #tpu.memory_space<hbm>>) dst(%dma_wait3A_36 : memref<624x128xf32, #tpu.memory_space<vmem_shared>>)
      tpu.yield
    }) : () -> ()
    %eq3A = arith.constant 15 : i32
    %eq3A_1 = arith.cmpi eq, %arg1, %eq3A : i32
    %convert_element_type3A = arith.extui %eq3A_1 : i1 to i32
    %cond3A = arith.constant 0 : i32
    %cond3A_2 = arith.cmpi ne, %convert_element_type3A, %cond3A : i32
    scf.if %cond3A_2 {
      "tpu.region"() ({
        %run_scoped3A = tpu.sem_alloc : memref<!tpu.dma_semaphore, #tpu.memory_space<semaphore_mem>>
        %dma_start3A = arith.constant 9984 : i32
        %dma_start3A_33 = arith.constant 0 : i32
        %dma_start3A_34 = tpu.memref_slice %arg7[%dma_start3A, %dma_start3A_33] : memref<10000x128xf32, #tpu.memory_space<vmem_shared>> -> memref<16x128xf32, #tpu.memory_space<vmem_shared>>
        %dma_start3A_35 = arith.constant 9984 : i32
        %dma_start3A_36 = arith.constant 0 : i32
        %dma_start3A_37 = tpu.memref_slice %arg3[%dma_start3A_35, %dma_start3A_36] : memref<10000x128xf32, #tpu.memory_space<hbm>> -> memref<16x128xf32, #tpu.memory_space<hbm>>
        tpu.enqueue_dma source(%dma_start3A_37 : memref<16x128xf32, #tpu.memory_space<hbm>>) target(%dma_start3A_34 : memref<16x128xf32, #tpu.memory_space<vmem_shared>>) target_semaphore(%run_scoped3A : memref<!tpu.dma_semaphore, #tpu.memory_space<semaphore_mem>>)
        %dma_wait3A = arith.constant 9984 : i32
        %dma_wait3A_38 = arith.constant 0 : i32
        %dma_wait3A_39 = tpu.memref_slice %arg7[%dma_wait3A, %dma_wait3A_38] : memref<10000x128xf32, #tpu.memory_space<vmem_shared>> -> memref<16x128xf32, #tpu.memory_space<vmem_shared>>
        %dma_wait3A_40 = arith.constant 9984 : i32
        %dma_wait3A_41 = arith.constant 0 : i32
        %dma_wait3A_42 = tpu.memref_slice %arg3[%dma_wait3A_40, %dma_wait3A_41] : memref<10000x128xf32, #tpu.memory_space<hbm>> -> memref<16x128xf32, #tpu.memory_space<hbm>>
        tpu.wait_dma2 semaphore(%run_scoped3A : memref<!tpu.dma_semaphore, #tpu.memory_space<semaphore_mem>>) src(%dma_wait3A_42 : memref<16x128xf32, #tpu.memory_space<hbm>>) dst(%dma_wait3A_39 : memref<16x128xf32, #tpu.memory_space<vmem_shared>>)
        tpu.yield
      }) : () -> ()
    } else {
    }
    %scan3A = arith.constant 0 : i32
    %scan3A_3 = arith.constant 0 : i32
    %scan3A_4 = arith.constant 128 : i32
    %scan3A_5 = arith.addi %scan3A_3, %scan3A_4 : i32
    %scan3A_6 = arith.constant 1 : i32
    %scan3A_7 = scf.for %scan3A_33 = %scan3A_3 to %scan3A_5 step %scan3A_6 iter_args(%scan3A_34 = %scan3A) -> (i32)  : i32 {
      %broadcast_in_dim3A = arith.constant 1.000000e+00 : f32
      %broadcast_in_dim3A_35 = vector.broadcast %broadcast_in_dim3A : f32 to vector<16xf32>
      %swap3A = arith.index_cast %scan3A_33 : i32 to index
      %swap3A_36 = arith.constant 0 : index
      %swap3A_37 = tpu.vector_load %arg6[%swap3A, %swap3A_36] {strides = array<i32>} : memref<128x128xf32, #tpu.memory_space<vmem>>, vector<1x16xf32>,
      %swap3A_38 = vector.shape_cast %swap3A_37 : vector<1x16xf32> to vector<16xf32>
      %swap3A_39 = vector.shape_cast %broadcast_in_dim3A_35 : vector<16xf32> to vector<1x16xf32>
      tpu.vector_store %arg6[%swap3A, %swap3A_36], %swap3A_39 {strides = array<i32>} : memref<128x128xf32, #tpu.memory_space<vmem>>, vector<1x16xf32>,
      %broadcast_in_dim3A_40 = arith.constant 1.000000e+00 : f32
      %broadcast_in_dim3A_41 = vector.broadcast %broadcast_in_dim3A_40 : f32 to vector<16xf32>
      %swap3A_42 = arith.index_cast %scan3A_33 : i32 to index
      %swap3A_43 = arith.constant 16 : index
      %swap3A_44 = tpu.vector_load %arg6[%swap3A_42, %swap3A_43] {strides = array<i32>} : memref<128x128xf32, #tpu.memory_space<vmem>>, vector<1x16xf32>,
      %swap3A_45 = vector.shape_cast %swap3A_44 : vector<1x16xf32> to vector<16xf32>
      %swap3A_46 = vector.shape_cast %broadcast_in_dim3A_41 : vector<16xf32> to vector<1x16xf32>
      tpu.vector_store %arg6[%swap3A_42, %swap3A_43], %swap3A_46 {strides = array<i32>} : memref<128x128xf32, #tpu.memory_space<vmem>>, vector<1x16xf32>,
      %broadcast_in_dim3A_47 = arith.constant 1.000000e+00 : f32
      %broadcast_in_dim3A_48 = vector.broadcast %broadcast_in_dim3A_47 : f32 to vector<16xf32>
      %swap3A_49 = arith.index_cast %scan3A_33 : i32 to index
      %swap3A_50 = arith.constant 32 : index
      %swap3A_51 = tpu.vector_load %arg6[%swap3A_49, %swap3A_50] {strides = array<i32>} : memref<128x128xf32, #tpu.memory_space<vmem>>, vector<1x16xf32>,
      %swap3A_52 = vector.shape_cast %swap3A_51 : vector<1x16xf32> to vector<16xf32>
      %swap3A_53 = vector.shape_cast %broadcast_in_dim3A_48 : vector<16xf32> to vector<1x16xf32>
      tpu.vector_store %arg6[%swap3A_49, %swap3A_50], %swap3A_53 {strides = array<i32>} : memref<128x128xf32, #tpu.memory_space<vmem>>, vector<1x16xf32>,
      %broadcast_in_dim3A_54 = arith.constant 1.000000e+00 : f32
      %broadcast_in_dim3A_55 = vector.broadcast %broadcast_in_dim3A_54 : f32 to vector<16xf32>
      %swap3A_56 = arith.index_cast %scan3A_33 : i32 to index
      %swap3A_57 = arith.constant 48 : index
      %swap3A_58 = tpu.vector_load %arg6[%swap3A_56, %swap3A_57] {strides = array<i32>} : memref<128x128xf32, #tpu.memory_space<vmem>>, vector<1x16xf32>,
      %swap3A_59 = vector.shape_cast %swap3A_58 : vector<1x16xf32> to vector<16xf32>
      %swap3A_60 = vector.shape_cast %broadcast_in_dim3A_55 : vector<16xf32> to vector<1x16xf32>
      tpu.vector_store %arg6[%swap3A_56, %swap3A_57], %swap3A_60 {strides = array<i32>} : memref<128x128xf32, #tpu.memory_space<vmem>>, vector<1x16xf32>,
      %broadcast_in_dim3A_61 = arith.constant 1.000000e+00 : f32
      %broadcast_in_dim3A_62 = vector.broadcast %broadcast_in_dim3A_61 : f32 to vector<16xf32>
      %swap3A_63 = arith.index_cast %scan3A_33 : i32 to index
      %swap3A_64 = arith.constant 64 : index
      %swap3A_65 = tpu.vector_load %arg6[%swap3A_63, %swap3A_64] {strides = array<i32>} : memref<128x128xf32, #tpu.memory_space<vmem>>, vector<1x16xf32>,
      %swap3A_66 = vector.shape_cast %swap3A_65 : vector<1x16xf32> to vector<16xf32>
      %swap3A_67 = vector.shape_cast %broadcast_in_dim3A_62 : vector<16xf32> to vector<1x16xf32>
      tpu.vector_store %arg6[%swap3A_63, %swap3A_64], %swap3A_67 {strides = array<i32>} : memref<128x128xf32, #tpu.memory_space<vmem>>, vector<1x16xf32>,
      %broadcast_in_dim3A_68 = arith.constant 1.000000e+00 : f32
      %broadcast_in_dim3A_69 = vector.broadcast %broadcast_in_dim3A_68 : f32 to vector<16xf32>
      %swap3A_70 = arith.index_cast %scan3A_33 : i32 to index
      %swap3A_71 = arith.constant 80 : index
      %swap3A_72 = tpu.vector_load %arg6[%swap3A_70, %swap3A_71] {strides = array<i32>} : memref<128x128xf32, #tpu.memory_space<vmem>>, vector<1x16xf32>,
      %swap3A_73 = vector.shape_cast %swap3A_72 : vector<1x16xf32> to vector<16xf32>
      %swap3A_74 = vector.shape_cast %broadcast_in_dim3A_69 : vector<16xf32> to vector<1x16xf32>
      tpu.vector_store %arg6[%swap3A_70, %swap3A_71], %swap3A_74 {strides = array<i32>} : memref<128x128xf32, #tpu.memory_space<vmem>>, vector<1x16xf32>,
      %broadcast_in_dim3A_75 = arith.constant 1.000000e+00 : f32
      %broadcast_in_dim3A_76 = vector.broadcast %broadcast_in_dim3A_75 : f32 to vector<16xf32>
      %swap3A_77 = arith.index_cast %scan3A_33 : i32 to index
      %swap3A_78 = arith.constant 96 : index
      %swap3A_79 = tpu.vector_load %arg6[%swap3A_77, %swap3A_78] {strides = array<i32>} : memref<128x128xf32, #tpu.memory_space<vmem>>, vector<1x16xf32>,
      %swap3A_80 = vector.shape_cast %swap3A_79 : vector<1x16xf32> to vector<16xf32>
      %swap3A_81 = vector.shape_cast %broadcast_in_dim3A_76 : vector<16xf32> to vector<1x16xf32>
      tpu.vector_store %arg6[%swap3A_77, %swap3A_78], %swap3A_81 {strides = array<i32>} : memref<128x128xf32, #tpu.memory_space<vmem>>, vector<1x16xf32>,
      %broadcast_in_dim3A_82 = arith.constant 1.000000e+00 : f32
      %broadcast_in_dim3A_83 = vector.broadcast %broadcast_in_dim3A_82 : f32 to vector<16xf32>
      %swap3A_84 = arith.index_cast %scan3A_33 : i32 to index
      %swap3A_85 = arith.constant 112 : index
      %swap3A_86 = tpu.vector_load %arg6[%swap3A_84, %swap3A_85] {strides = array<i32>} : memref<128x128xf32, #tpu.memory_space<vmem>>, vector<1x16xf32>,
      %swap3A_87 = vector.shape_cast %swap3A_86 : vector<1x16xf32> to vector<16xf32>
      %swap3A_88 = vector.shape_cast %broadcast_in_dim3A_83 : vector<16xf32> to vector<1x16xf32>
      tpu.vector_store %arg6[%swap3A_84, %swap3A_85], %swap3A_88 {strides = array<i32>} : memref<128x128xf32, #tpu.memory_space<vmem>>, vector<1x16xf32>,
      %scan3A_89 = arith.constant 0 : i32
      scf.yield %scan3A_89 : i32
    }
    %scan3A_8 = arith.constant 128 : i32
    %barrier3A = arith.constant 0 : index
    tpu.barrier barrier_id(%barrier3A)
    %mul3A_9 = arith.constant 1250 : i32
    %mul3A_10 = arith.muli %arg0, %mul3A_9 : i32
    %mul3A_11 = arith.constant 78 : i32
    %mul3A_12 = arith.muli %arg1, %mul3A_11 : i32
    %add3A = arith.addi %mul3A_10, %mul3A_12 : i32
    %scan3A_13 = arith.constant 0 : i32
    %scan3A_14 = arith.constant 0 : i32
    %scan3A_15 = arith.constant 78 : i32
    %scan3A_16 = arith.addi %scan3A_14, %scan3A_15 : i32
    %scan3A_17 = arith.constant 1 : i32
    %scan3A_18 = scf.for %scan3A_33 = %scan3A_14 to %scan3A_16 step %scan3A_17 iter_args(%scan3A_34 = %scan3A_13) -> (i32)  : i32 {
      %add3A_35 = arith.addi %add3A, %scan3A_33 : i32
      "tpu.region"() ({
        %run_scoped3A = tpu.sem_alloc : memref<!tpu.dma_semaphore, #tpu.memory_space<semaphore_mem>>
        %dma_start3A = arith.constant 0 : i32
        %dma_start3A_37 = tpu.memref_slice %arg2[%add3A_35, %dma_start3A] : memref<2500x128xi32, #tpu.memory_space<hbm>> -> memref<1x128xi32, #tpu.memory_space<hbm>>
        %dma_start3A_38 = tpu.memref_squeeze %dma_start3A_37 : memref<1x128xi32, #tpu.memory_space<hbm>> -> memref<128xi32, #tpu.memory_space<hbm>>
        %dma_start3A_39 = arith.constant 0 : i32
        %dma_start3A_40 = tpu.memref_slice %arg2[%add3A_35, %dma_start3A_39] : memref<2500x128xi32, #tpu.memory_space<hbm>> -> memref<1x128xi32, #tpu.memory_space<hbm>>
        %dma_start3A_41 = tpu.memref_squeeze %dma_start3A_40 : memref<1x128xi32, #tpu.memory_space<hbm>> -> memref<128xi32, #tpu.memory_space<hbm>>
        tpu.enqueue_dma source(%dma_start3A_41 : memref<128xi32, #tpu.memory_space<hbm>>) target(%arg5 : memref<128xi32, #tpu.memory_space<vmem>>) target_semaphore(%run_scoped3A : memref<!tpu.dma_semaphore, #tpu.memory_space<semaphore_mem>>)
        %dma_wait3A = arith.constant 0 : i32
        %dma_wait3A_42 = tpu.memref_slice %arg2[%add3A_35, %dma_wait3A] : memref<2500x128xi32, #tpu.memory_space<hbm>> -> memref<1x128xi32, #tpu.memory_space<hbm>>
        %dma_wait3A_43 = tpu.memref_squeeze %dma_wait3A_42 : memref<1x128xi32, #tpu.memory_space<hbm>> -> memref<128xi32, #tpu.memory_space<hbm>>
        %dma_wait3A_44 = arith.constant 0 : i32
        %dma_wait3A_45 = tpu.memref_slice %arg2[%add3A_35, %dma_wait3A_44] : memref<2500x128xi32, #tpu.memory_space<hbm>> -> memref<1x128xi32, #tpu.memory_space<hbm>>
        %dma_wait3A_46 = tpu.memref_squeeze %dma_wait3A_45 : memref<1x128xi32, #tpu.memory_space<hbm>> -> memref<128xi32, #tpu.memory_space<hbm>>
        tpu.wait_dma2 semaphore(%run_scoped3A : memref<!tpu.dma_semaphore, #tpu.memory_space<semaphore_mem>>) src(%dma_wait3A_46 : memref<128xi32, #tpu.memory_space<hbm>>) dst(%arg5 : memref<128xi32, #tpu.memory_space<vmem>>)
        tpu.yield
      }) : () -> ()
      "tpu.region"() ({
        %run_scoped3A = tpu.sem_alloc : memref<!tpu.dma_semaphore, #tpu.memory_space<semaphore_mem>>
        %dma_start3A = arith.constant 0 : i32
        %dma_start3A_37 = arith.constant 0 : i32
        %dma_start3A_38 = tpu.memref_slice %arg7[%dma_start3A, %dma_start3A_37] : memref<10000x128xf32, #tpu.memory_space<vmem_shared>> -> memref<10000x128xf32, #tpu.memory_space<vmem_shared>>
        tpu.enqueue_indirect_dma source(%arg6 : memref<128x128xf32, #tpu.memory_space<vmem>>) target(%dma_start3A_38 : memref<10000x128xf32, #tpu.memory_space<vmem_shared>>) offsets(%arg5 : memref<128xi32, #tpu.memory_space<vmem>>) semaphore(%run_scoped3A : memref<!tpu.dma_semaphore, #tpu.memory_space<semaphore_mem>>) {add = true}
        %dma_wait3A = arith.constant 0 : i32
        %dma_wait3A_39 = arith.constant 0 : i32
        %dma_wait3A_40 = tpu.memref_slice %arg7[%dma_wait3A, %dma_wait3A_39] : memref<10000x128xf32, #tpu.memory_space<vmem_shared>> -> memref<10000x128xf32, #tpu.memory_space<vmem_shared>>
        tpu.wait_indirect_dma semaphore(%run_scoped3A : memref<!tpu.dma_semaphore, #tpu.memory_space<semaphore_mem>>) src(%arg6 : memref<128x128xf32, #tpu.memory_space<vmem>>) dst(%dma_wait3A_40 : memref<10000x128xf32, #tpu.memory_space<vmem_shared>>)
        tpu.yield
      }) : () -> ()
      %scan3A_36 = arith.constant 0 : i32
      scf.yield %scan3A_36 : i32
    }
    %scan3A_19 = arith.constant 78 : i32
    %lt3A = arith.constant 2 : i32
    %lt3A_20 = arith.cmpi slt, %arg1, %lt3A : i32
    %convert_element_type3A_21 = arith.extui %lt3A_20 : i1 to i32
    %cond3A_22 = arith.constant 0 : i32
    %cond3A_23 = arith.cmpi ne, %convert_element_type3A_21, %cond3A_22 : i32
    scf.if %cond3A_23 {
      %mul3A_33 = arith.constant 1250 : i32
      %mul3A_34 = arith.muli %arg0, %mul3A_33 : i32
      %add3A_35 = arith.constant 1248 : i32
      %add3A_36 = arith.addi %mul3A_34, %add3A_35 : i32
      %add3A_37 = arith.addi %add3A_36, %arg1 : i32
      "tpu.region"() ({
        %run_scoped3A = tpu.sem_alloc : memref<!tpu.dma_semaphore, #tpu.memory_space<semaphore_mem>>
        %dma_start3A = arith.constant 0 : i32
        %dma_start3A_38 = tpu.memref_slice %arg2[%add3A_37, %dma_start3A] : memref<2500x128xi32, #tpu.memory_space<hbm>> -> memref<1x128xi32, #tpu.memory_space<hbm>>
        %dma_start3A_39 = tpu.memref_squeeze %dma_start3A_38 : memref<1x128xi32, #tpu.memory_space<hbm>> -> memref<128xi32, #tpu.memory_space<hbm>>
        %dma_start3A_40 = arith.constant 0 : i32
        %dma_start3A_41 = tpu.memref_slice %arg2[%add3A_37, %dma_start3A_40] : memref<2500x128xi32, #tpu.memory_space<hbm>> -> memref<1x128xi32, #tpu.memory_space<hbm>>
        %dma_start3A_42 = tpu.memref_squeeze %dma_start3A_41 : memref<1x128xi32, #tpu.memory_space<hbm>> -> memref<128xi32, #tpu.memory_space<hbm>>
        tpu.enqueue_dma source(%dma_start3A_42 : memref<128xi32, #tpu.memory_space<hbm>>) target(%arg5 : memref<128xi32, #tpu.memory_space<vmem>>) target_semaphore(%run_scoped3A : memref<!tpu.dma_semaphore, #tpu.memory_space<semaphore_mem>>)
        %dma_wait3A = arith.constant 0 : i32
        %dma_wait3A_43 = tpu.memref_slice %arg2[%add3A_37, %dma_wait3A] : memref<2500x128xi32, #tpu.memory_space<hbm>> -> memref<1x128xi32, #tpu.memory_space<hbm>>
        %dma_wait3A_44 = tpu.memref_squeeze %dma_wait3A_43 : memref<1x128xi32, #tpu.memory_space<hbm>> -> memref<128xi32, #tpu.memory_space<hbm>>
        %dma_wait3A_45 = arith.constant 0 : i32
        %dma_wait3A_46 = tpu.memref_slice %arg2[%add3A_37, %dma_wait3A_45] : memref<2500x128xi32, #tpu.memory_space<hbm>> -> memref<1x128xi32, #tpu.memory_space<hbm>>
        %dma_wait3A_47 = tpu.memref_squeeze %dma_wait3A_46 : memref<1x128xi32, #tpu.memory_space<hbm>> -> memref<128xi32, #tpu.memory_space<hbm>>
        tpu.wait_dma2 semaphore(%run_scoped3A : memref<!tpu.dma_semaphore, #tpu.memory_space<semaphore_mem>>) src(%dma_wait3A_47 : memref<128xi32, #tpu.memory_space<hbm>>) dst(%arg5 : memref<128xi32, #tpu.memory_space<vmem>>)
        tpu.yield
      }) : () -> ()
      "tpu.region"() ({
        %run_scoped3A = tpu.sem_alloc : memref<!tpu.dma_semaphore, #tpu.memory_space<semaphore_mem>>
        %dma_start3A = arith.constant 0 : i32
        %dma_start3A_38 = arith.constant 0 : i32
        %dma_start3A_39 = tpu.memref_slice %arg7[%dma_start3A, %dma_start3A_38] : memref<10000x128xf32, #tpu.memory_space<vmem_shared>> -> memref<10000x128xf32, #tpu.memory_space<vmem_shared>>
        tpu.enqueue_indirect_dma source(%arg6 : memref<128x128xf32, #tpu.memory_space<vmem>>) target(%dma_start3A_39 : memref<10000x128xf32, #tpu.memory_space<vmem_shared>>) offsets(%arg5 : memref<128xi32, #tpu.memory_space<vmem>>) semaphore(%run_scoped3A : memref<!tpu.dma_semaphore, #tpu.memory_space<semaphore_mem>>) {add = true}
        %dma_wait3A = arith.constant 0 : i32
        %dma_wait3A_40 = arith.constant 0 : i32
        %dma_wait3A_41 = tpu.memref_slice %arg7[%dma_wait3A, %dma_wait3A_40] : memref<10000x128xf32, #tpu.memory_space<vmem_shared>> -> memref<10000x128xf32, #tpu.memory_space<vmem_shared>>
        tpu.wait_indirect_dma semaphore(%run_scoped3A : memref<!tpu.dma_semaphore, #tpu.memory_space<semaphore_mem>>) src(%arg6 : memref<128x128xf32, #tpu.memory_space<vmem>>) dst(%dma_wait3A_41 : memref<10000x128xf32, #tpu.memory_space<vmem_shared>>)
        tpu.yield
      }) : () -> ()
    } else {
    }
    %barrier3A_24 = arith.constant 0 : index
    tpu.barrier barrier_id(%barrier3A_24)
    %mul3A_25 = arith.constant 624 : i32
    %mul3A_26 = arith.muli %arg1, %mul3A_25 : i32
    %multiple_of3A_27 = tpu.assume_multiple %mul3A_26, 8 : i32
    "tpu.region"() ({
      %run_scoped3A = tpu.sem_alloc : memref<!tpu.dma_semaphore, #tpu.memory_space<semaphore_mem>>
      %dma_start3A = arith.constant 0 : i32
      %dma_start3A_33 = arith.constant 0 : i32
      %dma_start3A_34 = tpu.memref_slice %arg4[%arg0, %dma_start3A, %dma_start3A_33] : memref<2x10000x128xf32, #tpu.memory_space<hbm>> -> memref<1x10000x128xf32, #tpu.memory_space<hbm>>
      %dma_start3A_35 = tpu.memref_squeeze %dma_start3A_34 : memref<1x10000x128xf32, #tpu.memory_space<hbm>> -> memref<10000x128xf32, #tpu.memory_space<hbm>>
      %dma_start3A_36 = arith.constant 0 : i32
      %dma_start3A_37 = tpu.memref_slice %dma_start3A_35[%multiple_of3A_27, %dma_start3A_36] : memref<10000x128xf32, #tpu.memory_space<hbm>> -> memref<624x128xf32, #tpu.memory_space<hbm>>
      %dma_start3A_38 = arith.constant 0 : i32
      %dma_start3A_39 = tpu.memref_slice %arg7[%multiple_of3A_27, %dma_start3A_38] : memref<10000x128xf32, #tpu.memory_space<vmem_shared>> -> memref<624x128xf32, #tpu.memory_space<vmem_shared>>
      tpu.enqueue_dma source(%dma_start3A_39 : memref<624x128xf32, #tpu.memory_space<vmem_shared>>) target(%dma_start3A_37 : memref<624x128xf32, #tpu.memory_space<hbm>>) target_semaphore(%run_scoped3A : memref<!tpu.dma_semaphore, #tpu.memory_space<semaphore_mem>>)
      %dma_wait3A = arith.constant 0 : i32
      %dma_wait3A_40 = arith.constant 0 : i32
      %dma_wait3A_41 = tpu.memref_slice %arg4[%arg0, %dma_wait3A, %dma_wait3A_40] : memref<2x10000x128xf32, #tpu.memory_space<hbm>> -> memref<1x10000x128xf32, #tpu.memory_space<hbm>>
      %dma_wait3A_42 = tpu.memref_squeeze %dma_wait3A_41 : memref<1x10000x128xf32, #tpu.memory_space<hbm>> -> memref<10000x128xf32, #tpu.memory_space<hbm>>
      %dma_wait3A_43 = arith.constant 0 : i32
      %dma_wait3A_44 = tpu.memref_slice %dma_wait3A_42[%multiple_of3A_27, %dma_wait3A_43] : memref<10000x128xf32, #tpu.memory_space<hbm>> -> memref<624x128xf32, #tpu.memory_space<hbm>>
      %dma_wait3A_45 = arith.constant 0 : i32
      %dma_wait3A_46 = tpu.memref_slice %arg7[%multiple_of3A_27, %dma_wait3A_45] : memref<10000x128xf32, #tpu.memory_space<vmem_shared>> -> memref<624x128xf32, #tpu.memory_space<vmem_shared>>
      tpu.wait_dma2 semaphore(%run_scoped3A : memref<!tpu.dma_semaphore, #tpu.memory_space<semaphore_mem>>) src(%dma_wait3A_46 : memref<624x128xf32, #tpu.memory_space<vmem_shared>>) dst(%dma_wait3A_44 : memref<624x128xf32, #tpu.memory_space<hbm>>)
      tpu.yield
    }) : () -> ()
    %eq3A_28 = arith.constant 15 : i32
    %eq3A_29 = arith.cmpi eq, %arg1, %eq3A_28 : i32
    %convert_element_type3A_30 = arith.extui %eq3A_29 : i1 to i32
    %cond3A_31 = arith.constant 0 : i32
    %cond3A_32 = arith.cmpi ne, %convert_element_type3A_30, %cond3A_31 : i32
    scf.if %cond3A_32 {
      "tpu.region"() ({
        %run_scoped3A = tpu.sem_alloc : memref<!tpu.dma_semaphore, #tpu.memory_space<semaphore_mem>>
        %dma_start3A = arith.constant 0 : i32
        %dma_start3A_33 = arith.constant 0 : i32
        %dma_start3A_34 = tpu.memref_slice %arg4[%arg0, %dma_start3A, %dma_start3A_33] : memref<2x10000x128xf32, #tpu.memory_space<hbm>> -> memref<1x10000x128xf32, #tpu.memory_space<hbm>>
        %dma_start3A_35 = tpu.memref_squeeze %dma_start3A_34 : memref<1x10000x128xf32, #tpu.memory_space<hbm>> -> memref<10000x128xf32, #tpu.memory_space<hbm>>
        %dma_start3A_36 = arith.constant 9984 : i32
        %dma_start3A_37 = arith.constant 0 : i32
        %dma_start3A_38 = tpu.memref_slice %dma_start3A_35[%dma_start3A_36, %dma_start3A_37] : memref<10000x128xf32, #tpu.memory_space<hbm>> -> memref<16x128xf32, #tpu.memory_space<hbm>>
        %dma_start3A_39 = arith.constant 9984 : i32
        %dma_start3A_40 = arith.constant 0 : i32
        %dma_start3A_41 = tpu.memref_slice %arg7[%dma_start3A_39, %dma_start3A_40] : memref<10000x128xf32, #tpu.memory_space<vmem_shared>> -> memref<16x128xf32, #tpu.memory_space<vmem_shared>>
        tpu.enqueue_dma source(%dma_start3A_41 : memref<16x128xf32, #tpu.memory_space<vmem_shared>>) target(%dma_start3A_38 : memref<16x128xf32, #tpu.memory_space<hbm>>) target_semaphore(%run_scoped3A : memref<!tpu.dma_semaphore, #tpu.memory_space<semaphore_mem>>)
        %dma_wait3A = arith.constant 0 : i32
        %dma_wait3A_42 = arith.constant 0 : i32
        %dma_wait3A_43 = tpu.memref_slice %arg4[%arg0, %dma_wait3A, %dma_wait3A_42] : memref<2x10000x128xf32, #tpu.memory_space<hbm>> -> memref<1x10000x128xf32, #tpu.memory_space<hbm>>
        %dma_wait3A_44 = tpu.memref_squeeze %dma_wait3A_43 : memref<1x10000x128xf32, #tpu.memory_space<hbm>> -> memref<10000x128xf32, #tpu.memory_space<hbm>>
        %dma_wait3A_45 = arith.constant 9984 : i32
        %dma_wait3A_46 = arith.constant 0 : i32
        %dma_wait3A_47 = tpu.memref_slice %dma_wait3A_44[%dma_wait3A_45, %dma_wait3A_46] : memref<10000x128xf32, #tpu.memory_space<hbm>> -> memref<16x128xf32, #tpu.memory_space<hbm>>
        %dma_wait3A_48 = arith.constant 9984 : i32
        %dma_wait3A_49 = arith.constant 0 : i32
        %dma_wait3A_50 = tpu.memref_slice %arg7[%dma_wait3A_48, %dma_wait3A_49] : memref<10000x128xf32, #tpu.memory_space<vmem_shared>> -> memref<16x128xf32, #tpu.memory_space<vmem_shared>>
        tpu.wait_dma2 semaphore(%run_scoped3A : memref<!tpu.dma_semaphore, #tpu.memory_space<semaphore_mem>>) src(%dma_wait3A_50 : memref<16x128xf32, #tpu.memory_space<vmem_shared>>) dst(%dma_wait3A_47 : memref<16x128xf32, #tpu.memory_space<hbm>>)
        tpu.yield
      }) : () -> ()
    } else {
    }
    return
  }
}

#map = affine_map<(d0, d1) -> (0, 0)>
#map1 = affine_map<(d0, d1) -> (0, 0, 0)>
module attributes {stable_mosaic.version = 14 : i64} {
  func.func @_cfconv_body(%arg0: i32, %arg1: i32, %arg2: memref<10000x128xf32, #tpu.memory_space<hbm>>, %arg3: memref<321536x128xf32, #tpu.memory_space<hbm>>, %arg4: memref<2500x128xi32, #tpu.memory_space<hbm>>, %arg5: memref<2500x128xi32, #tpu.memory_space<hbm>>, %arg6: memref<10000x128xf32, #tpu.memory_space<hbm>>, %arg7: memref<2x10000x128xf32, #tpu.memory_space<hbm>>, %arg8: memref<128xi32, #tpu.memory_space<vmem>>, %arg9: memref<128xi32, #tpu.memory_space<vmem>>, %arg10: memref<128x128xf32, #tpu.memory_space<vmem>>, %arg11: memref<128x128xf32, #tpu.memory_space<vmem>>, %arg12: memref<10000x128xf32, #tpu.memory_space<vmem_shared>>, %arg13: memref<!tpu.dma_semaphore, #tpu.memory_space<semaphore_mem>>) attributes {dimension_semantics = [#tpu.dimension_semantics<core_parallel>, #tpu.dimension_semantics<subcore_parallel>], iteration_bounds = array<i64: 2, 16>, scalar_prefetch = 0 : i64, scratch_operands = 6 : i64, tpu.core_type = #tpu.core_type<sc_vector_subcore>, window_params = [{transform_indices = #map}, {transform_indices = #map}, {transform_indices = #map}, {transform_indices = #map}, {transform_indices = #map}, {transform_indices = #map1}]} {
    %mul3A = arith.constant 624 : i32
    %mul3A_0 = arith.muli %arg1, %mul3A : i32
    %multiple_of3A = tpu.assume_multiple %mul3A_0, 8 : i32
    "tpu.region"() ({
      %run_scoped3A = tpu.sem_alloc : memref<!tpu.dma_semaphore, #tpu.memory_space<semaphore_mem>>
      %dma_start3A = arith.constant 0 : i32
      %dma_start3A_26 = tpu.memref_slice %arg12[%multiple_of3A, %dma_start3A] : memref<10000x128xf32, #tpu.memory_space<vmem_shared>> -> memref<624x128xf32, #tpu.memory_space<vmem_shared>>
      %dma_start3A_27 = arith.constant 0 : i32
      %dma_start3A_28 = tpu.memref_slice %arg6[%multiple_of3A, %dma_start3A_27] : memref<10000x128xf32, #tpu.memory_space<hbm>> -> memref<624x128xf32, #tpu.memory_space<hbm>>
      tpu.enqueue_dma source(%dma_start3A_28 : memref<624x128xf32, #tpu.memory_space<hbm>>) target(%dma_start3A_26 : memref<624x128xf32, #tpu.memory_space<vmem_shared>>) target_semaphore(%run_scoped3A : memref<!tpu.dma_semaphore, #tpu.memory_space<semaphore_mem>>)
      %dma_wait3A = arith.constant 0 : i32
      %dma_wait3A_29 = tpu.memref_slice %arg12[%multiple_of3A, %dma_wait3A] : memref<10000x128xf32, #tpu.memory_space<vmem_shared>> -> memref<624x128xf32, #tpu.memory_space<vmem_shared>>
      %dma_wait3A_30 = arith.constant 0 : i32
      %dma_wait3A_31 = tpu.memref_slice %arg6[%multiple_of3A, %dma_wait3A_30] : memref<10000x128xf32, #tpu.memory_space<hbm>> -> memref<624x128xf32, #tpu.memory_space<hbm>>
      tpu.wait_dma2 semaphore(%run_scoped3A : memref<!tpu.dma_semaphore, #tpu.memory_space<semaphore_mem>>) src(%dma_wait3A_31 : memref<624x128xf32, #tpu.memory_space<hbm>>) dst(%dma_wait3A_29 : memref<624x128xf32, #tpu.memory_space<vmem_shared>>)
      tpu.yield
    }) : () -> ()
    %eq3A = arith.constant 15 : i32
    %eq3A_1 = arith.cmpi eq, %arg1, %eq3A : i32
    %convert_element_type3A = arith.extui %eq3A_1 : i1 to i32
    %cond3A = arith.constant 0 : i32
    %cond3A_2 = arith.cmpi ne, %convert_element_type3A, %cond3A : i32
    scf.if %cond3A_2 {
      "tpu.region"() ({
        %run_scoped3A = tpu.sem_alloc : memref<!tpu.dma_semaphore, #tpu.memory_space<semaphore_mem>>
        %dma_start3A = arith.constant 9984 : i32
        %dma_start3A_26 = arith.constant 0 : i32
        %dma_start3A_27 = tpu.memref_slice %arg12[%dma_start3A, %dma_start3A_26] : memref<10000x128xf32, #tpu.memory_space<vmem_shared>> -> memref<16x128xf32, #tpu.memory_space<vmem_shared>>
        %dma_start3A_28 = arith.constant 9984 : i32
        %dma_start3A_29 = arith.constant 0 : i32
        %dma_start3A_30 = tpu.memref_slice %arg6[%dma_start3A_28, %dma_start3A_29] : memref<10000x128xf32, #tpu.memory_space<hbm>> -> memref<16x128xf32, #tpu.memory_space<hbm>>
        tpu.enqueue_dma source(%dma_start3A_30 : memref<16x128xf32, #tpu.memory_space<hbm>>) target(%dma_start3A_27 : memref<16x128xf32, #tpu.memory_space<vmem_shared>>) target_semaphore(%run_scoped3A : memref<!tpu.dma_semaphore, #tpu.memory_space<semaphore_mem>>)
        %dma_wait3A = arith.constant 9984 : i32
        %dma_wait3A_31 = arith.constant 0 : i32
        %dma_wait3A_32 = tpu.memref_slice %arg12[%dma_wait3A, %dma_wait3A_31] : memref<10000x128xf32, #tpu.memory_space<vmem_shared>> -> memref<16x128xf32, #tpu.memory_space<vmem_shared>>
        %dma_wait3A_33 = arith.constant 9984 : i32
        %dma_wait3A_34 = arith.constant 0 : i32
        %dma_wait3A_35 = tpu.memref_slice %arg6[%dma_wait3A_33, %dma_wait3A_34] : memref<10000x128xf32, #tpu.memory_space<hbm>> -> memref<16x128xf32, #tpu.memory_space<hbm>>
        tpu.wait_dma2 semaphore(%run_scoped3A : memref<!tpu.dma_semaphore, #tpu.memory_space<semaphore_mem>>) src(%dma_wait3A_35 : memref<16x128xf32, #tpu.memory_space<hbm>>) dst(%dma_wait3A_32 : memref<16x128xf32, #tpu.memory_space<vmem_shared>>)
        tpu.yield
      }) : () -> ()
    } else {
    }
    %barrier3A = arith.constant 0 : index
    tpu.barrier barrier_id(%barrier3A)
    %mul3A_3 = arith.constant 1250 : i32
    %mul3A_4 = arith.muli %arg0, %mul3A_3 : i32
    %mul3A_5 = arith.constant 78 : i32
    %mul3A_6 = arith.muli %arg1, %mul3A_5 : i32
    %add3A = arith.addi %mul3A_4, %mul3A_6 : i32
    %scan3A = arith.constant 0 : i32
    %scan3A_7 = arith.constant 0 : i32
    %scan3A_8 = arith.constant 78 : i32
    %scan3A_9 = arith.addi %scan3A_7, %scan3A_8 : i32
    %scan3A_10 = arith.constant 1 : i32
    %scan3A_11 = scf.for %scan3A_26 = %scan3A_7 to %scan3A_9 step %scan3A_10 iter_args(%scan3A_27 = %scan3A) -> (i32)  : i32 {
      %add3A_28 = arith.addi %add3A, %scan3A_26 : i32
      "tpu.region"() ({
        %run_scoped3A = tpu.sem_alloc : memref<!tpu.dma_semaphore, #tpu.memory_space<semaphore_mem>>
        %dma_start3A_44 = arith.constant 0 : i32
        %dma_start3A_45 = tpu.memref_slice %arg5[%add3A_28, %dma_start3A_44] : memref<2500x128xi32, #tpu.memory_space<hbm>> -> memref<1x128xi32, #tpu.memory_space<hbm>>
        %dma_start3A_46 = tpu.memref_squeeze %dma_start3A_45 : memref<1x128xi32, #tpu.memory_space<hbm>> -> memref<128xi32, #tpu.memory_space<hbm>>
        %dma_start3A_47 = arith.constant 0 : i32
        %dma_start3A_48 = tpu.memref_slice %arg5[%add3A_28, %dma_start3A_47] : memref<2500x128xi32, #tpu.memory_space<hbm>> -> memref<1x128xi32, #tpu.memory_space<hbm>>
        %dma_start3A_49 = tpu.memref_squeeze %dma_start3A_48 : memref<1x128xi32, #tpu.memory_space<hbm>> -> memref<128xi32, #tpu.memory_space<hbm>>
        tpu.enqueue_dma source(%dma_start3A_49 : memref<128xi32, #tpu.memory_space<hbm>>) target(%arg8 : memref<128xi32, #tpu.memory_space<vmem>>) target_semaphore(%run_scoped3A : memref<!tpu.dma_semaphore, #tpu.memory_space<semaphore_mem>>)
        %dma_wait3A_50 = arith.constant 0 : i32
        %dma_wait3A_51 = tpu.memref_slice %arg5[%add3A_28, %dma_wait3A_50] : memref<2500x128xi32, #tpu.memory_space<hbm>> -> memref<1x128xi32, #tpu.memory_space<hbm>>
        %dma_wait3A_52 = tpu.memref_squeeze %dma_wait3A_51 : memref<1x128xi32, #tpu.memory_space<hbm>> -> memref<128xi32, #tpu.memory_space<hbm>>
        %dma_wait3A_53 = arith.constant 0 : i32
        %dma_wait3A_54 = tpu.memref_slice %arg5[%add3A_28, %dma_wait3A_53] : memref<2500x128xi32, #tpu.memory_space<hbm>> -> memref<1x128xi32, #tpu.memory_space<hbm>>
        %dma_wait3A_55 = tpu.memref_squeeze %dma_wait3A_54 : memref<1x128xi32, #tpu.memory_space<hbm>> -> memref<128xi32, #tpu.memory_space<hbm>>
        tpu.wait_dma2 semaphore(%run_scoped3A : memref<!tpu.dma_semaphore, #tpu.memory_space<semaphore_mem>>) src(%dma_wait3A_55 : memref<128xi32, #tpu.memory_space<hbm>>) dst(%arg8 : memref<128xi32, #tpu.memory_space<vmem>>)
        tpu.yield
      }) : () -> ()
      "tpu.region"() ({
        %run_scoped3A = tpu.sem_alloc : memref<!tpu.dma_semaphore, #tpu.memory_space<semaphore_mem>>
        %dma_start3A_44 = arith.constant 0 : i32
        %dma_start3A_45 = tpu.memref_slice %arg4[%add3A_28, %dma_start3A_44] : memref<2500x128xi32, #tpu.memory_space<hbm>> -> memref<1x128xi32, #tpu.memory_space<hbm>>
        %dma_start3A_46 = tpu.memref_squeeze %dma_start3A_45 : memref<1x128xi32, #tpu.memory_space<hbm>> -> memref<128xi32, #tpu.memory_space<hbm>>
        %dma_start3A_47 = arith.constant 0 : i32
        %dma_start3A_48 = tpu.memref_slice %arg4[%add3A_28, %dma_start3A_47] : memref<2500x128xi32, #tpu.memory_space<hbm>> -> memref<1x128xi32, #tpu.memory_space<hbm>>
        %dma_start3A_49 = tpu.memref_squeeze %dma_start3A_48 : memref<1x128xi32, #tpu.memory_space<hbm>> -> memref<128xi32, #tpu.memory_space<hbm>>
        tpu.enqueue_dma source(%dma_start3A_49 : memref<128xi32, #tpu.memory_space<hbm>>) target(%arg9 : memref<128xi32, #tpu.memory_space<vmem>>) target_semaphore(%run_scoped3A : memref<!tpu.dma_semaphore, #tpu.memory_space<semaphore_mem>>)
        %dma_wait3A_50 = arith.constant 0 : i32
        %dma_wait3A_51 = tpu.memref_slice %arg4[%add3A_28, %dma_wait3A_50] : memref<2500x128xi32, #tpu.memory_space<hbm>> -> memref<1x128xi32, #tpu.memory_space<hbm>>
        %dma_wait3A_52 = tpu.memref_squeeze %dma_wait3A_51 : memref<1x128xi32, #tpu.memory_space<hbm>> -> memref<128xi32, #tpu.memory_space<hbm>>
        %dma_wait3A_53 = arith.constant 0 : i32
        %dma_wait3A_54 = tpu.memref_slice %arg4[%add3A_28, %dma_wait3A_53] : memref<2500x128xi32, #tpu.memory_space<hbm>> -> memref<1x128xi32, #tpu.memory_space<hbm>>
        %dma_wait3A_55 = tpu.memref_squeeze %dma_wait3A_54 : memref<1x128xi32, #tpu.memory_space<hbm>> -> memref<128xi32, #tpu.memory_space<hbm>>
        tpu.wait_dma2 semaphore(%run_scoped3A : memref<!tpu.dma_semaphore, #tpu.memory_space<semaphore_mem>>) src(%dma_wait3A_55 : memref<128xi32, #tpu.memory_space<hbm>>) dst(%arg9 : memref<128xi32, #tpu.memory_space<vmem>>)
        tpu.yield
      }) : () -> ()
      %dma_start3A = arith.constant 0 : i32
      %dma_start3A_29 = arith.constant 0 : i32
      %dma_start3A_30 = tpu.memref_slice %arg2[%dma_start3A, %dma_start3A_29] : memref<10000x128xf32, #tpu.memory_space<hbm>> -> memref<10000x128xf32, #tpu.memory_space<hbm>>
      tpu.enqueue_indirect_dma source(%dma_start3A_30 : memref<10000x128xf32, #tpu.memory_space<hbm>>) target(%arg10 : memref<128x128xf32, #tpu.memory_space<vmem>>) offsets(%arg8 : memref<128xi32, #tpu.memory_space<vmem>>) semaphore(%arg13 : memref<!tpu.dma_semaphore, #tpu.memory_space<semaphore_mem>>)
      %mul3A_31 = arith.constant 128 : i32
      %mul3A_32 = arith.muli %add3A_28, %mul3A_31 : i32
      %multiple_of3A_33 = tpu.assume_multiple %mul3A_32, 128 : i32
      "tpu.region"() ({
        %run_scoped3A = tpu.sem_alloc : memref<!tpu.dma_semaphore, #tpu.memory_space<semaphore_mem>>
        %dma_start3A_44 = arith.constant 0 : i32
        %dma_start3A_45 = tpu.memref_slice %arg3[%multiple_of3A_33, %dma_start3A_44] : memref<321536x128xf32, #tpu.memory_space<hbm>> -> memref<128x128xf32, #tpu.memory_space<hbm>>
        %dma_start3A_46 = arith.constant 0 : i32
        %dma_start3A_47 = tpu.memref_slice %arg3[%multiple_of3A_33, %dma_start3A_46] : memref<321536x128xf32, #tpu.memory_space<hbm>> -> memref<128x128xf32, #tpu.memory_space<hbm>>
        tpu.enqueue_dma source(%dma_start3A_47 : memref<128x128xf32, #tpu.memory_space<hbm>>) target(%arg11 : memref<128x128xf32, #tpu.memory_space<vmem>>) target_semaphore(%run_scoped3A : memref<!tpu.dma_semaphore, #tpu.memory_space<semaphore_mem>>)
        %dma_wait3A_48 = arith.constant 0 : i32
        %dma_wait3A_49 = tpu.memref_slice %arg3[%multiple_of3A_33, %dma_wait3A_48] : memref<321536x128xf32, #tpu.memory_space<hbm>> -> memref<128x128xf32, #tpu.memory_space<hbm>>
        %dma_wait3A_50 = arith.constant 0 : i32
        %dma_wait3A_51 = tpu.memref_slice %arg3[%multiple_of3A_33, %dma_wait3A_50] : memref<321536x128xf32, #tpu.memory_space<hbm>> -> memref<128x128xf32, #tpu.memory_space<hbm>>
        tpu.wait_dma2 semaphore(%run_scoped3A : memref<!tpu.dma_semaphore, #tpu.memory_space<semaphore_mem>>) src(%dma_wait3A_51 : memref<128x128xf32, #tpu.memory_space<hbm>>) dst(%arg11 : memref<128x128xf32, #tpu.memory_space<vmem>>)
        tpu.yield
      }) : () -> ()
      %dma_wait3A = arith.constant 0 : i32
      %dma_wait3A_34 = arith.constant 0 : i32
      %dma_wait3A_35 = tpu.memref_slice %arg2[%dma_wait3A, %dma_wait3A_34] : memref<10000x128xf32, #tpu.memory_space<hbm>> -> memref<10000x128xf32, #tpu.memory_space<hbm>>
      tpu.wait_indirect_dma semaphore(%arg13 : memref<!tpu.dma_semaphore, #tpu.memory_space<semaphore_mem>>) src(%dma_wait3A_35 : memref<10000x128xf32, #tpu.memory_space<hbm>>) dst(%arg10 : memref<128x128xf32, #tpu.memory_space<vmem>>)
      %scan3A_36 = arith.constant 0 : i32
      %scan3A_37 = arith.constant 0 : i32
      %scan3A_38 = arith.constant 128 : i32
      %scan3A_39 = arith.addi %scan3A_37, %scan3A_38 : i32
      %scan3A_40 = arith.constant 1 : i32
      %scan3A_41 = scf.for %scan3A_44 = %scan3A_37 to %scan3A_39 step %scan3A_40 iter_args(%scan3A_45 = %scan3A_36) -> (i32)  : i32 {
        %get3A = arith.index_cast %scan3A_44 : i32 to index
        %get3A_46 = arith.constant 0 : index
        %get3A_47 = tpu.vector_load %arg10[%get3A, %get3A_46] {strides = array<i32>} : memref<128x128xf32, #tpu.memory_space<vmem>>, vector<1x16xf32>,
        %get3A_48 = vector.shape_cast %get3A_47 : vector<1x16xf32> to vector<16xf32>
        %get3A_49 = arith.index_cast %scan3A_44 : i32 to index
        %get3A_50 = arith.constant 0 : index
        %get3A_51 = tpu.vector_load %arg11[%get3A_49, %get3A_50] {strides = array<i32>} : memref<128x128xf32, #tpu.memory_space<vmem>>, vector<1x16xf32>,
        %get3A_52 = vector.shape_cast %get3A_51 : vector<1x16xf32> to vector<16xf32>
        %mul3A_53 = arith.mulf %get3A_48, %get3A_52 : vector<16xf32>
        %swap3A = arith.index_cast %scan3A_44 : i32 to index
        %swap3A_54 = arith.constant 0 : index
        %swap3A_55 = tpu.vector_load %arg10[%swap3A, %swap3A_54] {strides = array<i32>} : memref<128x128xf32, #tpu.memory_space<vmem>>, vector<1x16xf32>,
        %swap3A_56 = vector.shape_cast %swap3A_55 : vector<1x16xf32> to vector<16xf32>
        %swap3A_57 = vector.shape_cast %mul3A_53 : vector<16xf32> to vector<1x16xf32>
        tpu.vector_store %arg10[%swap3A, %swap3A_54], %swap3A_57 {strides = array<i32>} : memref<128x128xf32, #tpu.memory_space<vmem>>, vector<1x16xf32>,
        %get3A_58 = arith.index_cast %scan3A_44 : i32 to index
        %get3A_59 = arith.constant 16 : index
        %get3A_60 = tpu.vector_load %arg10[%get3A_58, %get3A_59] {strides = array<i32>} : memref<128x128xf32, #tpu.memory_space<vmem>>, vector<1x16xf32>,
        %get3A_61 = vector.shape_cast %get3A_60 : vector<1x16xf32> to vector<16xf32>
        %get3A_62 = arith.index_cast %scan3A_44 : i32 to index
        %get3A_63 = arith.constant 16 : index
        %get3A_64 = tpu.vector_load %arg11[%get3A_62, %get3A_63] {strides = array<i32>} : memref<128x128xf32, #tpu.memory_space<vmem>>, vector<1x16xf32>,
        %get3A_65 = vector.shape_cast %get3A_64 : vector<1x16xf32> to vector<16xf32>
        %mul3A_66 = arith.mulf %get3A_61, %get3A_65 : vector<16xf32>
        %swap3A_67 = arith.index_cast %scan3A_44 : i32 to index
        %swap3A_68 = arith.constant 16 : index
        %swap3A_69 = tpu.vector_load %arg10[%swap3A_67, %swap3A_68] {strides = array<i32>} : memref<128x128xf32, #tpu.memory_space<vmem>>, vector<1x16xf32>,
        %swap3A_70 = vector.shape_cast %swap3A_69 : vector<1x16xf32> to vector<16xf32>
        %swap3A_71 = vector.shape_cast %mul3A_66 : vector<16xf32> to vector<1x16xf32>
        tpu.vector_store %arg10[%swap3A_67, %swap3A_68], %swap3A_71 {strides = array<i32>} : memref<128x128xf32, #tpu.memory_space<vmem>>, vector<1x16xf32>,
        %get3A_72 = arith.index_cast %scan3A_44 : i32 to index
        %get3A_73 = arith.constant 32 : index
        %get3A_74 = tpu.vector_load %arg10[%get3A_72, %get3A_73] {strides = array<i32>} : memref<128x128xf32, #tpu.memory_space<vmem>>, vector<1x16xf32>,
        %get3A_75 = vector.shape_cast %get3A_74 : vector<1x16xf32> to vector<16xf32>
        %get3A_76 = arith.index_cast %scan3A_44 : i32 to index
        %get3A_77 = arith.constant 32 : index
        %get3A_78 = tpu.vector_load %arg11[%get3A_76, %get3A_77] {strides = array<i32>} : memref<128x128xf32, #tpu.memory_space<vmem>>, vector<1x16xf32>,
        %get3A_79 = vector.shape_cast %get3A_78 : vector<1x16xf32> to vector<16xf32>
        %mul3A_80 = arith.mulf %get3A_75, %get3A_79 : vector<16xf32>
        %swap3A_81 = arith.index_cast %scan3A_44 : i32 to index
        %swap3A_82 = arith.constant 32 : index
        %swap3A_83 = tpu.vector_load %arg10[%swap3A_81, %swap3A_82] {strides = array<i32>} : memref<128x128xf32, #tpu.memory_space<vmem>>, vector<1x16xf32>,
        %swap3A_84 = vector.shape_cast %swap3A_83 : vector<1x16xf32> to vector<16xf32>
        %swap3A_85 = vector.shape_cast %mul3A_80 : vector<16xf32> to vector<1x16xf32>
        tpu.vector_store %arg10[%swap3A_81, %swap3A_82], %swap3A_85 {strides = array<i32>} : memref<128x128xf32, #tpu.memory_space<vmem>>, vector<1x16xf32>,
        %get3A_86 = arith.index_cast %scan3A_44 : i32 to index
        %get3A_87 = arith.constant 48 : index
        %get3A_88 = tpu.vector_load %arg10[%get3A_86, %get3A_87] {strides = array<i32>} : memref<128x128xf32, #tpu.memory_space<vmem>>, vector<1x16xf32>,
        %get3A_89 = vector.shape_cast %get3A_88 : vector<1x16xf32> to vector<16xf32>
        %get3A_90 = arith.index_cast %scan3A_44 : i32 to index
        %get3A_91 = arith.constant 48 : index
        %get3A_92 = tpu.vector_load %arg11[%get3A_90, %get3A_91] {strides = array<i32>} : memref<128x128xf32, #tpu.memory_space<vmem>>, vector<1x16xf32>,
        %get3A_93 = vector.shape_cast %get3A_92 : vector<1x16xf32> to vector<16xf32>
        %mul3A_94 = arith.mulf %get3A_89, %get3A_93 : vector<16xf32>
        %swap3A_95 = arith.index_cast %scan3A_44 : i32 to index
        %swap3A_96 = arith.constant 48 : index
        %swap3A_97 = tpu.vector_load %arg10[%swap3A_95, %swap3A_96] {strides = array<i32>} : memref<128x128xf32, #tpu.memory_space<vmem>>, vector<1x16xf32>,
        %swap3A_98 = vector.shape_cast %swap3A_97 : vector<1x16xf32> to vector<16xf32>
        %swap3A_99 = vector.shape_cast %mul3A_94 : vector<16xf32> to vector<1x16xf32>
        tpu.vector_store %arg10[%swap3A_95, %swap3A_96], %swap3A_99 {strides = array<i32>} : memref<128x128xf32, #tpu.memory_space<vmem>>, vector<1x16xf32>,
        %get3A_100 = arith.index_cast %scan3A_44 : i32 to index
        %get3A_101 = arith.constant 64 : index
        %get3A_102 = tpu.vector_load %arg10[%get3A_100, %get3A_101] {strides = array<i32>} : memref<128x128xf32, #tpu.memory_space<vmem>>, vector<1x16xf32>,
        %get3A_103 = vector.shape_cast %get3A_102 : vector<1x16xf32> to vector<16xf32>
        %get3A_104 = arith.index_cast %scan3A_44 : i32 to index
        %get3A_105 = arith.constant 64 : index
        %get3A_106 = tpu.vector_load %arg11[%get3A_104, %get3A_105] {strides = array<i32>} : memref<128x128xf32, #tpu.memory_space<vmem>>, vector<1x16xf32>,
        %get3A_107 = vector.shape_cast %get3A_106 : vector<1x16xf32> to vector<16xf32>
        %mul3A_108 = arith.mulf %get3A_103, %get3A_107 : vector<16xf32>
        %swap3A_109 = arith.index_cast %scan3A_44 : i32 to index
        %swap3A_110 = arith.constant 64 : index
        %swap3A_111 = tpu.vector_load %arg10[%swap3A_109, %swap3A_110] {strides = array<i32>} : memref<128x128xf32, #tpu.memory_space<vmem>>, vector<1x16xf32>,
        %swap3A_112 = vector.shape_cast %swap3A_111 : vector<1x16xf32> to vector<16xf32>
        %swap3A_113 = vector.shape_cast %mul3A_108 : vector<16xf32> to vector<1x16xf32>
        tpu.vector_store %arg10[%swap3A_109, %swap3A_110], %swap3A_113 {strides = array<i32>} : memref<128x128xf32, #tpu.memory_space<vmem>>, vector<1x16xf32>,
        %get3A_114 = arith.index_cast %scan3A_44 : i32 to index
        %get3A_115 = arith.constant 80 : index
        %get3A_116 = tpu.vector_load %arg10[%get3A_114, %get3A_115] {strides = array<i32>} : memref<128x128xf32, #tpu.memory_space<vmem>>, vector<1x16xf32>,
        %get3A_117 = vector.shape_cast %get3A_116 : vector<1x16xf32> to vector<16xf32>
        %get3A_118 = arith.index_cast %scan3A_44 : i32 to index
        %get3A_119 = arith.constant 80 : index
        %get3A_120 = tpu.vector_load %arg11[%get3A_118, %get3A_119] {strides = array<i32>} : memref<128x128xf32, #tpu.memory_space<vmem>>, vector<1x16xf32>,
        %get3A_121 = vector.shape_cast %get3A_120 : vector<1x16xf32> to vector<16xf32>
        %mul3A_122 = arith.mulf %get3A_117, %get3A_121 : vector<16xf32>
        %swap3A_123 = arith.index_cast %scan3A_44 : i32 to index
        %swap3A_124 = arith.constant 80 : index
        %swap3A_125 = tpu.vector_load %arg10[%swap3A_123, %swap3A_124] {strides = array<i32>} : memref<128x128xf32, #tpu.memory_space<vmem>>, vector<1x16xf32>,
        %swap3A_126 = vector.shape_cast %swap3A_125 : vector<1x16xf32> to vector<16xf32>
        %swap3A_127 = vector.shape_cast %mul3A_122 : vector<16xf32> to vector<1x16xf32>
        tpu.vector_store %arg10[%swap3A_123, %swap3A_124], %swap3A_127 {strides = array<i32>} : memref<128x128xf32, #tpu.memory_space<vmem>>, vector<1x16xf32>,
        %get3A_128 = arith.index_cast %scan3A_44 : i32 to index
        %get3A_129 = arith.constant 96 : index
        %get3A_130 = tpu.vector_load %arg10[%get3A_128, %get3A_129] {strides = array<i32>} : memref<128x128xf32, #tpu.memory_space<vmem>>, vector<1x16xf32>,
        %get3A_131 = vector.shape_cast %get3A_130 : vector<1x16xf32> to vector<16xf32>
        %get3A_132 = arith.index_cast %scan3A_44 : i32 to index
        %get3A_133 = arith.constant 96 : index
        %get3A_134 = tpu.vector_load %arg11[%get3A_132, %get3A_133] {strides = array<i32>} : memref<128x128xf32, #tpu.memory_space<vmem>>, vector<1x16xf32>,
        %get3A_135 = vector.shape_cast %get3A_134 : vector<1x16xf32> to vector<16xf32>
        %mul3A_136 = arith.mulf %get3A_131, %get3A_135 : vector<16xf32>
        %swap3A_137 = arith.index_cast %scan3A_44 : i32 to index
        %swap3A_138 = arith.constant 96 : index
        %swap3A_139 = tpu.vector_load %arg10[%swap3A_137, %swap3A_138] {strides = array<i32>} : memref<128x128xf32, #tpu.memory_space<vmem>>, vector<1x16xf32>,
        %swap3A_140 = vector.shape_cast %swap3A_139 : vector<1x16xf32> to vector<16xf32>
        %swap3A_141 = vector.shape_cast %mul3A_136 : vector<16xf32> to vector<1x16xf32>
        tpu.vector_store %arg10[%swap3A_137, %swap3A_138], %swap3A_141 {strides = array<i32>} : memref<128x128xf32, #tpu.memory_space<vmem>>, vector<1x16xf32>,
        %get3A_142 = arith.index_cast %scan3A_44 : i32 to index
        %get3A_143 = arith.constant 112 : index
        %get3A_144 = tpu.vector_load %arg10[%get3A_142, %get3A_143] {strides = array<i32>} : memref<128x128xf32, #tpu.memory_space<vmem>>, vector<1x16xf32>,
        %get3A_145 = vector.shape_cast %get3A_144 : vector<1x16xf32> to vector<16xf32>
        %get3A_146 = arith.index_cast %scan3A_44 : i32 to index
        %get3A_147 = arith.constant 112 : index
        %get3A_148 = tpu.vector_load %arg11[%get3A_146, %get3A_147] {strides = array<i32>} : memref<128x128xf32, #tpu.memory_space<vmem>>, vector<1x16xf32>,
        %get3A_149 = vector.shape_cast %get3A_148 : vector<1x16xf32> to vector<16xf32>
        %mul3A_150 = arith.mulf %get3A_145, %get3A_149 : vector<16xf32>
        %swap3A_151 = arith.index_cast %scan3A_44 : i32 to index
        %swap3A_152 = arith.constant 112 : index
        %swap3A_153 = tpu.vector_load %arg10[%swap3A_151, %swap3A_152] {strides = array<i32>} : memref<128x128xf32, #tpu.memory_space<vmem>>, vector<1x16xf32>,
        %swap3A_154 = vector.shape_cast %swap3A_153 : vector<1x16xf32> to vector<16xf32>
        %swap3A_155 = vector.shape_cast %mul3A_150 : vector<16xf32> to vector<1x16xf32>
        tpu.vector_store %arg10[%swap3A_151, %swap3A_152], %swap3A_155 {strides = array<i32>} : memref<128x128xf32, #tpu.memory_space<vmem>>, vector<1x16xf32>,
        %scan3A_156 = arith.constant 0 : i32
        scf.yield %scan3A_156 : i32
      }
      %scan3A_42 = arith.constant 128 : i32
      "tpu.region"() ({
        %run_scoped3A = tpu.sem_alloc : memref<!tpu.dma_semaphore, #tpu.memory_space<semaphore_mem>>
        %dma_start3A_44 = arith.constant 0 : i32
        %dma_start3A_45 = arith.constant 0 : i32
        %dma_start3A_46 = tpu.memref_slice %arg12[%dma_start3A_44, %dma_start3A_45] : memref<10000x128xf32, #tpu.memory_space<vmem_shared>> -> memref<10000x128xf32, #tpu.memory_space<vmem_shared>>
        tpu.enqueue_indirect_dma source(%arg10 : memref<128x128xf32, #tpu.memory_space<vmem>>) target(%dma_start3A_46 : memref<10000x128xf32, #tpu.memory_space<vmem_shared>>) offsets(%arg9 : memref<128xi32, #tpu.memory_space<vmem>>) semaphore(%run_scoped3A : memref<!tpu.dma_semaphore, #tpu.memory_space<semaphore_mem>>) {add = true}
        %dma_wait3A_47 = arith.constant 0 : i32
        %dma_wait3A_48 = arith.constant 0 : i32
        %dma_wait3A_49 = tpu.memref_slice %arg12[%dma_wait3A_47, %dma_wait3A_48] : memref<10000x128xf32, #tpu.memory_space<vmem_shared>> -> memref<10000x128xf32, #tpu.memory_space<vmem_shared>>
        tpu.wait_indirect_dma semaphore(%run_scoped3A : memref<!tpu.dma_semaphore, #tpu.memory_space<semaphore_mem>>) src(%arg10 : memref<128x128xf32, #tpu.memory_space<vmem>>) dst(%dma_wait3A_49 : memref<10000x128xf32, #tpu.memory_space<vmem_shared>>)
        tpu.yield
      }) : () -> ()
      %scan3A_43 = arith.constant 0 : i32
      scf.yield %scan3A_43 : i32
    }
    %scan3A_12 = arith.constant 78 : i32
    %lt3A = arith.constant 2 : i32
    %lt3A_13 = arith.cmpi slt, %arg1, %lt3A : i32
    %convert_element_type3A_14 = arith.extui %lt3A_13 : i1 to i32
    %cond3A_15 = arith.constant 0 : i32
    %cond3A_16 = arith.cmpi ne, %convert_element_type3A_14, %cond3A_15 : i32
    scf.if %cond3A_16 {
      %mul3A_26 = arith.constant 1250 : i32
      %mul3A_27 = arith.muli %arg0, %mul3A_26 : i32
      %add3A_28 = arith.constant 1248 : i32
      %add3A_29 = arith.addi %mul3A_27, %add3A_28 : i32
      %add3A_30 = arith.addi %add3A_29, %arg1 : i32
      "tpu.region"() ({
        %run_scoped3A = tpu.sem_alloc : memref<!tpu.dma_semaphore, #tpu.memory_space<semaphore_mem>>
        %dma_start3A_45 = arith.constant 0 : i32
        %dma_start3A_46 = tpu.memref_slice %arg5[%add3A_30, %dma_start3A_45] : memref<2500x128xi32, #tpu.memory_space<hbm>> -> memref<1x128xi32, #tpu.memory_space<hbm>>
        %dma_start3A_47 = tpu.memref_squeeze %dma_start3A_46 : memref<1x128xi32, #tpu.memory_space<hbm>> -> memref<128xi32, #tpu.memory_space<hbm>>
        %dma_start3A_48 = arith.constant 0 : i32
        %dma_start3A_49 = tpu.memref_slice %arg5[%add3A_30, %dma_start3A_48] : memref<2500x128xi32, #tpu.memory_space<hbm>> -> memref<1x128xi32, #tpu.memory_space<hbm>>
        %dma_start3A_50 = tpu.memref_squeeze %dma_start3A_49 : memref<1x128xi32, #tpu.memory_space<hbm>> -> memref<128xi32, #tpu.memory_space<hbm>>
        tpu.enqueue_dma source(%dma_start3A_50 : memref<128xi32, #tpu.memory_space<hbm>>) target(%arg8 : memref<128xi32, #tpu.memory_space<vmem>>) target_semaphore(%run_scoped3A : memref<!tpu.dma_semaphore, #tpu.memory_space<semaphore_mem>>)
        %dma_wait3A_51 = arith.constant 0 : i32
        %dma_wait3A_52 = tpu.memref_slice %arg5[%add3A_30, %dma_wait3A_51] : memref<2500x128xi32, #tpu.memory_space<hbm>> -> memref<1x128xi32, #tpu.memory_space<hbm>>
        %dma_wait3A_53 = tpu.memref_squeeze %dma_wait3A_52 : memref<1x128xi32, #tpu.memory_space<hbm>> -> memref<128xi32, #tpu.memory_space<hbm>>
        %dma_wait3A_54 = arith.constant 0 : i32
        %dma_wait3A_55 = tpu.memref_slice %arg5[%add3A_30, %dma_wait3A_54] : memref<2500x128xi32, #tpu.memory_space<hbm>> -> memref<1x128xi32, #tpu.memory_space<hbm>>
        %dma_wait3A_56 = tpu.memref_squeeze %dma_wait3A_55 : memref<1x128xi32, #tpu.memory_space<hbm>> -> memref<128xi32, #tpu.memory_space<hbm>>
        tpu.wait_dma2 semaphore(%run_scoped3A : memref<!tpu.dma_semaphore, #tpu.memory_space<semaphore_mem>>) src(%dma_wait3A_56 : memref<128xi32, #tpu.memory_space<hbm>>) dst(%arg8 : memref<128xi32, #tpu.memory_space<vmem>>)
        tpu.yield
      }) : () -> ()
      "tpu.region"() ({
        %run_scoped3A = tpu.sem_alloc : memref<!tpu.dma_semaphore, #tpu.memory_space<semaphore_mem>>
        %dma_start3A_45 = arith.constant 0 : i32
        %dma_start3A_46 = tpu.memref_slice %arg4[%add3A_30, %dma_start3A_45] : memref<2500x128xi32, #tpu.memory_space<hbm>> -> memref<1x128xi32, #tpu.memory_space<hbm>>
        %dma_start3A_47 = tpu.memref_squeeze %dma_start3A_46 : memref<1x128xi32, #tpu.memory_space<hbm>> -> memref<128xi32, #tpu.memory_space<hbm>>
        %dma_start3A_48 = arith.constant 0 : i32
        %dma_start3A_49 = tpu.memref_slice %arg4[%add3A_30, %dma_start3A_48] : memref<2500x128xi32, #tpu.memory_space<hbm>> -> memref<1x128xi32, #tpu.memory_space<hbm>>
        %dma_start3A_50 = tpu.memref_squeeze %dma_start3A_49 : memref<1x128xi32, #tpu.memory_space<hbm>> -> memref<128xi32, #tpu.memory_space<hbm>>
        tpu.enqueue_dma source(%dma_start3A_50 : memref<128xi32, #tpu.memory_space<hbm>>) target(%arg9 : memref<128xi32, #tpu.memory_space<vmem>>) target_semaphore(%run_scoped3A : memref<!tpu.dma_semaphore, #tpu.memory_space<semaphore_mem>>)
        %dma_wait3A_51 = arith.constant 0 : i32
        %dma_wait3A_52 = tpu.memref_slice %arg4[%add3A_30, %dma_wait3A_51] : memref<2500x128xi32, #tpu.memory_space<hbm>> -> memref<1x128xi32, #tpu.memory_space<hbm>>
        %dma_wait3A_53 = tpu.memref_squeeze %dma_wait3A_52 : memref<1x128xi32, #tpu.memory_space<hbm>> -> memref<128xi32, #tpu.memory_space<hbm>>
        %dma_wait3A_54 = arith.constant 0 : i32
        %dma_wait3A_55 = tpu.memref_slice %arg4[%add3A_30, %dma_wait3A_54] : memref<2500x128xi32, #tpu.memory_space<hbm>> -> memref<1x128xi32, #tpu.memory_space<hbm>>
        %dma_wait3A_56 = tpu.memref_squeeze %dma_wait3A_55 : memref<1x128xi32, #tpu.memory_space<hbm>> -> memref<128xi32, #tpu.memory_space<hbm>>
        tpu.wait_dma2 semaphore(%run_scoped3A : memref<!tpu.dma_semaphore, #tpu.memory_space<semaphore_mem>>) src(%dma_wait3A_56 : memref<128xi32, #tpu.memory_space<hbm>>) dst(%arg9 : memref<128xi32, #tpu.memory_space<vmem>>)
        tpu.yield
      }) : () -> ()
      %dma_start3A = arith.constant 0 : i32
      %dma_start3A_31 = arith.constant 0 : i32
      %dma_start3A_32 = tpu.memref_slice %arg2[%dma_start3A, %dma_start3A_31] : memref<10000x128xf32, #tpu.memory_space<hbm>> -> memref<10000x128xf32, #tpu.memory_space<hbm>>
      tpu.enqueue_indirect_dma source(%dma_start3A_32 : memref<10000x128xf32, #tpu.memory_space<hbm>>) target(%arg10 : memref<128x128xf32, #tpu.memory_space<vmem>>) offsets(%arg8 : memref<128xi32, #tpu.memory_space<vmem>>) semaphore(%arg13 : memref<!tpu.dma_semaphore, #tpu.memory_space<semaphore_mem>>)
      %mul3A_33 = arith.constant 128 : i32
      %mul3A_34 = arith.muli %add3A_30, %mul3A_33 : i32
      %multiple_of3A_35 = tpu.assume_multiple %mul3A_34, 128 : i32
      "tpu.region"() ({
        %run_scoped3A = tpu.sem_alloc : memref<!tpu.dma_semaphore, #tpu.memory_space<semaphore_mem>>
        %dma_start3A_45 = arith.constant 0 : i32
        %dma_start3A_46 = tpu.memref_slice %arg3[%multiple_of3A_35, %dma_start3A_45] : memref<321536x128xf32, #tpu.memory_space<hbm>> -> memref<128x128xf32, #tpu.memory_space<hbm>>
        %dma_start3A_47 = arith.constant 0 : i32
        %dma_start3A_48 = tpu.memref_slice %arg3[%multiple_of3A_35, %dma_start3A_47] : memref<321536x128xf32, #tpu.memory_space<hbm>> -> memref<128x128xf32, #tpu.memory_space<hbm>>
        tpu.enqueue_dma source(%dma_start3A_48 : memref<128x128xf32, #tpu.memory_space<hbm>>) target(%arg11 : memref<128x128xf32, #tpu.memory_space<vmem>>) target_semaphore(%run_scoped3A : memref<!tpu.dma_semaphore, #tpu.memory_space<semaphore_mem>>)
        %dma_wait3A_49 = arith.constant 0 : i32
        %dma_wait3A_50 = tpu.memref_slice %arg3[%multiple_of3A_35, %dma_wait3A_49] : memref<321536x128xf32, #tpu.memory_space<hbm>> -> memref<128x128xf32, #tpu.memory_space<hbm>>
        %dma_wait3A_51 = arith.constant 0 : i32
        %dma_wait3A_52 = tpu.memref_slice %arg3[%multiple_of3A_35, %dma_wait3A_51] : memref<321536x128xf32, #tpu.memory_space<hbm>> -> memref<128x128xf32, #tpu.memory_space<hbm>>
        tpu.wait_dma2 semaphore(%run_scoped3A : memref<!tpu.dma_semaphore, #tpu.memory_space<semaphore_mem>>) src(%dma_wait3A_52 : memref<128x128xf32, #tpu.memory_space<hbm>>) dst(%arg11 : memref<128x128xf32, #tpu.memory_space<vmem>>)
        tpu.yield
      }) : () -> ()
      %dma_wait3A = arith.constant 0 : i32
      %dma_wait3A_36 = arith.constant 0 : i32
      %dma_wait3A_37 = tpu.memref_slice %arg2[%dma_wait3A, %dma_wait3A_36] : memref<10000x128xf32, #tpu.memory_space<hbm>> -> memref<10000x128xf32, #tpu.memory_space<hbm>>
      tpu.wait_indirect_dma semaphore(%arg13 : memref<!tpu.dma_semaphore, #tpu.memory_space<semaphore_mem>>) src(%dma_wait3A_37 : memref<10000x128xf32, #tpu.memory_space<hbm>>) dst(%arg10 : memref<128x128xf32, #tpu.memory_space<vmem>>)
      %scan3A_38 = arith.constant 0 : i32
      %scan3A_39 = arith.constant 0 : i32
      %scan3A_40 = arith.constant 128 : i32
      %scan3A_41 = arith.addi %scan3A_39, %scan3A_40 : i32
      %scan3A_42 = arith.constant 1 : i32
      %scan3A_43 = scf.for %scan3A_45 = %scan3A_39 to %scan3A_41 step %scan3A_42 iter_args(%scan3A_46 = %scan3A_38) -> (i32)  : i32 {
        %get3A = arith.index_cast %scan3A_45 : i32 to index
        %get3A_47 = arith.constant 0 : index
        %get3A_48 = tpu.vector_load %arg10[%get3A, %get3A_47] {strides = array<i32>} : memref<128x128xf32, #tpu.memory_space<vmem>>, vector<1x16xf32>,
        %get3A_49 = vector.shape_cast %get3A_48 : vector<1x16xf32> to vector<16xf32>
        %get3A_50 = arith.index_cast %scan3A_45 : i32 to index
        %get3A_51 = arith.constant 0 : index
        %get3A_52 = tpu.vector_load %arg11[%get3A_50, %get3A_51] {strides = array<i32>} : memref<128x128xf32, #tpu.memory_space<vmem>>, vector<1x16xf32>,
        %get3A_53 = vector.shape_cast %get3A_52 : vector<1x16xf32> to vector<16xf32>
        %mul3A_54 = arith.mulf %get3A_49, %get3A_53 : vector<16xf32>
        %swap3A = arith.index_cast %scan3A_45 : i32 to index
        %swap3A_55 = arith.constant 0 : index
        %swap3A_56 = tpu.vector_load %arg10[%swap3A, %swap3A_55] {strides = array<i32>} : memref<128x128xf32, #tpu.memory_space<vmem>>, vector<1x16xf32>,
        %swap3A_57 = vector.shape_cast %swap3A_56 : vector<1x16xf32> to vector<16xf32>
        %swap3A_58 = vector.shape_cast %mul3A_54 : vector<16xf32> to vector<1x16xf32>
        tpu.vector_store %arg10[%swap3A, %swap3A_55], %swap3A_58 {strides = array<i32>} : memref<128x128xf32, #tpu.memory_space<vmem>>, vector<1x16xf32>,
        %get3A_59 = arith.index_cast %scan3A_45 : i32 to index
        %get3A_60 = arith.constant 16 : index
        %get3A_61 = tpu.vector_load %arg10[%get3A_59, %get3A_60] {strides = array<i32>} : memref<128x128xf32, #tpu.memory_space<vmem>>, vector<1x16xf32>,
        %get3A_62 = vector.shape_cast %get3A_61 : vector<1x16xf32> to vector<16xf32>
        %get3A_63 = arith.index_cast %scan3A_45 : i32 to index
        %get3A_64 = arith.constant 16 : index
        %get3A_65 = tpu.vector_load %arg11[%get3A_63, %get3A_64] {strides = array<i32>} : memref<128x128xf32, #tpu.memory_space<vmem>>, vector<1x16xf32>,
        %get3A_66 = vector.shape_cast %get3A_65 : vector<1x16xf32> to vector<16xf32>
        %mul3A_67 = arith.mulf %get3A_62, %get3A_66 : vector<16xf32>
        %swap3A_68 = arith.index_cast %scan3A_45 : i32 to index
        %swap3A_69 = arith.constant 16 : index
        %swap3A_70 = tpu.vector_load %arg10[%swap3A_68, %swap3A_69] {strides = array<i32>} : memref<128x128xf32, #tpu.memory_space<vmem>>, vector<1x16xf32>,
        %swap3A_71 = vector.shape_cast %swap3A_70 : vector<1x16xf32> to vector<16xf32>
        %swap3A_72 = vector.shape_cast %mul3A_67 : vector<16xf32> to vector<1x16xf32>
        tpu.vector_store %arg10[%swap3A_68, %swap3A_69], %swap3A_72 {strides = array<i32>} : memref<128x128xf32, #tpu.memory_space<vmem>>, vector<1x16xf32>,
        %get3A_73 = arith.index_cast %scan3A_45 : i32 to index
        %get3A_74 = arith.constant 32 : index
        %get3A_75 = tpu.vector_load %arg10[%get3A_73, %get3A_74] {strides = array<i32>} : memref<128x128xf32, #tpu.memory_space<vmem>>, vector<1x16xf32>,
        %get3A_76 = vector.shape_cast %get3A_75 : vector<1x16xf32> to vector<16xf32>
        %get3A_77 = arith.index_cast %scan3A_45 : i32 to index
        %get3A_78 = arith.constant 32 : index
        %get3A_79 = tpu.vector_load %arg11[%get3A_77, %get3A_78] {strides = array<i32>} : memref<128x128xf32, #tpu.memory_space<vmem>>, vector<1x16xf32>,
        %get3A_80 = vector.shape_cast %get3A_79 : vector<1x16xf32> to vector<16xf32>
        %mul3A_81 = arith.mulf %get3A_76, %get3A_80 : vector<16xf32>
        %swap3A_82 = arith.index_cast %scan3A_45 : i32 to index
        %swap3A_83 = arith.constant 32 : index
        %swap3A_84 = tpu.vector_load %arg10[%swap3A_82, %swap3A_83] {strides = array<i32>} : memref<128x128xf32, #tpu.memory_space<vmem>>, vector<1x16xf32>,
        %swap3A_85 = vector.shape_cast %swap3A_84 : vector<1x16xf32> to vector<16xf32>
        %swap3A_86 = vector.shape_cast %mul3A_81 : vector<16xf32> to vector<1x16xf32>
        tpu.vector_store %arg10[%swap3A_82, %swap3A_83], %swap3A_86 {strides = array<i32>} : memref<128x128xf32, #tpu.memory_space<vmem>>, vector<1x16xf32>,
        %get3A_87 = arith.index_cast %scan3A_45 : i32 to index
        %get3A_88 = arith.constant 48 : index
        %get3A_89 = tpu.vector_load %arg10[%get3A_87, %get3A_88] {strides = array<i32>} : memref<128x128xf32, #tpu.memory_space<vmem>>, vector<1x16xf32>,
        %get3A_90 = vector.shape_cast %get3A_89 : vector<1x16xf32> to vector<16xf32>
        %get3A_91 = arith.index_cast %scan3A_45 : i32 to index
        %get3A_92 = arith.constant 48 : index
        %get3A_93 = tpu.vector_load %arg11[%get3A_91, %get3A_92] {strides = array<i32>} : memref<128x128xf32, #tpu.memory_space<vmem>>, vector<1x16xf32>,
        %get3A_94 = vector.shape_cast %get3A_93 : vector<1x16xf32> to vector<16xf32>
        %mul3A_95 = arith.mulf %get3A_90, %get3A_94 : vector<16xf32>
        %swap3A_96 = arith.index_cast %scan3A_45 : i32 to index
        %swap3A_97 = arith.constant 48 : index
        %swap3A_98 = tpu.vector_load %arg10[%swap3A_96, %swap3A_97] {strides = array<i32>} : memref<128x128xf32, #tpu.memory_space<vmem>>, vector<1x16xf32>,
        %swap3A_99 = vector.shape_cast %swap3A_98 : vector<1x16xf32> to vector<16xf32>
        %swap3A_100 = vector.shape_cast %mul3A_95 : vector<16xf32> to vector<1x16xf32>
        tpu.vector_store %arg10[%swap3A_96, %swap3A_97], %swap3A_100 {strides = array<i32>} : memref<128x128xf32, #tpu.memory_space<vmem>>, vector<1x16xf32>,
        %get3A_101 = arith.index_cast %scan3A_45 : i32 to index
        %get3A_102 = arith.constant 64 : index
        %get3A_103 = tpu.vector_load %arg10[%get3A_101, %get3A_102] {strides = array<i32>} : memref<128x128xf32, #tpu.memory_space<vmem>>, vector<1x16xf32>,
        %get3A_104 = vector.shape_cast %get3A_103 : vector<1x16xf32> to vector<16xf32>
        %get3A_105 = arith.index_cast %scan3A_45 : i32 to index
        %get3A_106 = arith.constant 64 : index
        %get3A_107 = tpu.vector_load %arg11[%get3A_105, %get3A_106] {strides = array<i32>} : memref<128x128xf32, #tpu.memory_space<vmem>>, vector<1x16xf32>,
        %get3A_108 = vector.shape_cast %get3A_107 : vector<1x16xf32> to vector<16xf32>
        %mul3A_109 = arith.mulf %get3A_104, %get3A_108 : vector<16xf32>
        %swap3A_110 = arith.index_cast %scan3A_45 : i32 to index
        %swap3A_111 = arith.constant 64 : index
        %swap3A_112 = tpu.vector_load %arg10[%swap3A_110, %swap3A_111] {strides = array<i32>} : memref<128x128xf32, #tpu.memory_space<vmem>>, vector<1x16xf32>,
        %swap3A_113 = vector.shape_cast %swap3A_112 : vector<1x16xf32> to vector<16xf32>
        %swap3A_114 = vector.shape_cast %mul3A_109 : vector<16xf32> to vector<1x16xf32>
        tpu.vector_store %arg10[%swap3A_110, %swap3A_111], %swap3A_114 {strides = array<i32>} : memref<128x128xf32, #tpu.memory_space<vmem>>, vector<1x16xf32>,
        %get3A_115 = arith.index_cast %scan3A_45 : i32 to index
        %get3A_116 = arith.constant 80 : index
        %get3A_117 = tpu.vector_load %arg10[%get3A_115, %get3A_116] {strides = array<i32>} : memref<128x128xf32, #tpu.memory_space<vmem>>, vector<1x16xf32>,
        %get3A_118 = vector.shape_cast %get3A_117 : vector<1x16xf32> to vector<16xf32>
        %get3A_119 = arith.index_cast %scan3A_45 : i32 to index
        %get3A_120 = arith.constant 80 : index
        %get3A_121 = tpu.vector_load %arg11[%get3A_119, %get3A_120] {strides = array<i32>} : memref<128x128xf32, #tpu.memory_space<vmem>>, vector<1x16xf32>,
        %get3A_122 = vector.shape_cast %get3A_121 : vector<1x16xf32> to vector<16xf32>
        %mul3A_123 = arith.mulf %get3A_118, %get3A_122 : vector<16xf32>
        %swap3A_124 = arith.index_cast %scan3A_45 : i32 to index
        %swap3A_125 = arith.constant 80 : index
        %swap3A_126 = tpu.vector_load %arg10[%swap3A_124, %swap3A_125] {strides = array<i32>} : memref<128x128xf32, #tpu.memory_space<vmem>>, vector<1x16xf32>,
        %swap3A_127 = vector.shape_cast %swap3A_126 : vector<1x16xf32> to vector<16xf32>
        %swap3A_128 = vector.shape_cast %mul3A_123 : vector<16xf32> to vector<1x16xf32>
        tpu.vector_store %arg10[%swap3A_124, %swap3A_125], %swap3A_128 {strides = array<i32>} : memref<128x128xf32, #tpu.memory_space<vmem>>, vector<1x16xf32>,
        %get3A_129 = arith.index_cast %scan3A_45 : i32 to index
        %get3A_130 = arith.constant 96 : index
        %get3A_131 = tpu.vector_load %arg10[%get3A_129, %get3A_130] {strides = array<i32>} : memref<128x128xf32, #tpu.memory_space<vmem>>, vector<1x16xf32>,
        %get3A_132 = vector.shape_cast %get3A_131 : vector<1x16xf32> to vector<16xf32>
        %get3A_133 = arith.index_cast %scan3A_45 : i32 to index
        %get3A_134 = arith.constant 96 : index
        %get3A_135 = tpu.vector_load %arg11[%get3A_133, %get3A_134] {strides = array<i32>} : memref<128x128xf32, #tpu.memory_space<vmem>>, vector<1x16xf32>,
        %get3A_136 = vector.shape_cast %get3A_135 : vector<1x16xf32> to vector<16xf32>
        %mul3A_137 = arith.mulf %get3A_132, %get3A_136 : vector<16xf32>
        %swap3A_138 = arith.index_cast %scan3A_45 : i32 to index
        %swap3A_139 = arith.constant 96 : index
        %swap3A_140 = tpu.vector_load %arg10[%swap3A_138, %swap3A_139] {strides = array<i32>} : memref<128x128xf32, #tpu.memory_space<vmem>>, vector<1x16xf32>,
        %swap3A_141 = vector.shape_cast %swap3A_140 : vector<1x16xf32> to vector<16xf32>
        %swap3A_142 = vector.shape_cast %mul3A_137 : vector<16xf32> to vector<1x16xf32>
        tpu.vector_store %arg10[%swap3A_138, %swap3A_139], %swap3A_142 {strides = array<i32>} : memref<128x128xf32, #tpu.memory_space<vmem>>, vector<1x16xf32>,
        %get3A_143 = arith.index_cast %scan3A_45 : i32 to index
        %get3A_144 = arith.constant 112 : index
        %get3A_145 = tpu.vector_load %arg10[%get3A_143, %get3A_144] {strides = array<i32>} : memref<128x128xf32, #tpu.memory_space<vmem>>, vector<1x16xf32>,
        %get3A_146 = vector.shape_cast %get3A_145 : vector<1x16xf32> to vector<16xf32>
        %get3A_147 = arith.index_cast %scan3A_45 : i32 to index
        %get3A_148 = arith.constant 112 : index
        %get3A_149 = tpu.vector_load %arg11[%get3A_147, %get3A_148] {strides = array<i32>} : memref<128x128xf32, #tpu.memory_space<vmem>>, vector<1x16xf32>,
        %get3A_150 = vector.shape_cast %get3A_149 : vector<1x16xf32> to vector<16xf32>
        %mul3A_151 = arith.mulf %get3A_146, %get3A_150 : vector<16xf32>
        %swap3A_152 = arith.index_cast %scan3A_45 : i32 to index
        %swap3A_153 = arith.constant 112 : index
        %swap3A_154 = tpu.vector_load %arg10[%swap3A_152, %swap3A_153] {strides = array<i32>} : memref<128x128xf32, #tpu.memory_space<vmem>>, vector<1x16xf32>,
        %swap3A_155 = vector.shape_cast %swap3A_154 : vector<1x16xf32> to vector<16xf32>
        %swap3A_156 = vector.shape_cast %mul3A_151 : vector<16xf32> to vector<1x16xf32>
        tpu.vector_store %arg10[%swap3A_152, %swap3A_153], %swap3A_156 {strides = array<i32>} : memref<128x128xf32, #tpu.memory_space<vmem>>, vector<1x16xf32>,
        %scan3A_157 = arith.constant 0 : i32
        scf.yield %scan3A_157 : i32
      }
      %scan3A_44 = arith.constant 128 : i32
      "tpu.region"() ({
        %run_scoped3A = tpu.sem_alloc : memref<!tpu.dma_semaphore, #tpu.memory_space<semaphore_mem>>
        %dma_start3A_45 = arith.constant 0 : i32
        %dma_start3A_46 = arith.constant 0 : i32
        %dma_start3A_47 = tpu.memref_slice %arg12[%dma_start3A_45, %dma_start3A_46] : memref<10000x128xf32, #tpu.memory_space<vmem_shared>> -> memref<10000x128xf32, #tpu.memory_space<vmem_shared>>
        tpu.enqueue_indirect_dma source(%arg10 : memref<128x128xf32, #tpu.memory_space<vmem>>) target(%dma_start3A_47 : memref<10000x128xf32, #tpu.memory_space<vmem_shared>>) offsets(%arg9 : memref<128xi32, #tpu.memory_space<vmem>>) semaphore(%run_scoped3A : memref<!tpu.dma_semaphore, #tpu.memory_space<semaphore_mem>>) {add = true}
        %dma_wait3A_48 = arith.constant 0 : i32
        %dma_wait3A_49 = arith.constant 0 : i32
        %dma_wait3A_50 = tpu.memref_slice %arg12[%dma_wait3A_48, %dma_wait3A_49] : memref<10000x128xf32, #tpu.memory_space<vmem_shared>> -> memref<10000x128xf32, #tpu.memory_space<vmem_shared>>
        tpu.wait_indirect_dma semaphore(%run_scoped3A : memref<!tpu.dma_semaphore, #tpu.memory_space<semaphore_mem>>) src(%arg10 : memref<128x128xf32, #tpu.memory_space<vmem>>) dst(%dma_wait3A_50 : memref<10000x128xf32, #tpu.memory_space<vmem_shared>>)
        tpu.yield
      }) : () -> ()
    } else {
    }
    %barrier3A_17 = arith.constant 0 : index
    tpu.barrier barrier_id(%barrier3A_17)
    %mul3A_18 = arith.constant 624 : i32
    %mul3A_19 = arith.muli %arg1, %mul3A_18 : i32
    %multiple_of3A_20 = tpu.assume_multiple %mul3A_19, 8 : i32
    "tpu.region"() ({
      %run_scoped3A = tpu.sem_alloc : memref<!tpu.dma_semaphore, #tpu.memory_space<semaphore_mem>>
      %dma_start3A = arith.constant 0 : i32
      %dma_start3A_26 = arith.constant 0 : i32
      %dma_start3A_27 = tpu.memref_slice %arg7[%arg0, %dma_start3A, %dma_start3A_26] : memref<2x10000x128xf32, #tpu.memory_space<hbm>> -> memref<1x10000x128xf32, #tpu.memory_space<hbm>>
      %dma_start3A_28 = tpu.memref_squeeze %dma_start3A_27 : memref<1x10000x128xf32, #tpu.memory_space<hbm>> -> memref<10000x128xf32, #tpu.memory_space<hbm>>
      %dma_start3A_29 = arith.constant 0 : i32
      %dma_start3A_30 = tpu.memref_slice %dma_start3A_28[%multiple_of3A_20, %dma_start3A_29] : memref<10000x128xf32, #tpu.memory_space<hbm>> -> memref<624x128xf32, #tpu.memory_space<hbm>>
      %dma_start3A_31 = arith.constant 0 : i32
      %dma_start3A_32 = tpu.memref_slice %arg12[%multiple_of3A_20, %dma_start3A_31] : memref<10000x128xf32, #tpu.memory_space<vmem_shared>> -> memref<624x128xf32, #tpu.memory_space<vmem_shared>>
      tpu.enqueue_dma source(%dma_start3A_32 : memref<624x128xf32, #tpu.memory_space<vmem_shared>>) target(%dma_start3A_30 : memref<624x128xf32, #tpu.memory_space<hbm>>) target_semaphore(%run_scoped3A : memref<!tpu.dma_semaphore, #tpu.memory_space<semaphore_mem>>)
      %dma_wait3A = arith.constant 0 : i32
      %dma_wait3A_33 = arith.constant 0 : i32
      %dma_wait3A_34 = tpu.memref_slice %arg7[%arg0, %dma_wait3A, %dma_wait3A_33] : memref<2x10000x128xf32, #tpu.memory_space<hbm>> -> memref<1x10000x128xf32, #tpu.memory_space<hbm>>
      %dma_wait3A_35 = tpu.memref_squeeze %dma_wait3A_34 : memref<1x10000x128xf32, #tpu.memory_space<hbm>> -> memref<10000x128xf32, #tpu.memory_space<hbm>>
      %dma_wait3A_36 = arith.constant 0 : i32
      %dma_wait3A_37 = tpu.memref_slice %dma_wait3A_35[%multiple_of3A_20, %dma_wait3A_36] : memref<10000x128xf32, #tpu.memory_space<hbm>> -> memref<624x128xf32, #tpu.memory_space<hbm>>
      %dma_wait3A_38 = arith.constant 0 : i32
      %dma_wait3A_39 = tpu.memref_slice %arg12[%multiple_of3A_20, %dma_wait3A_38] : memref<10000x128xf32, #tpu.memory_space<vmem_shared>> -> memref<624x128xf32, #tpu.memory_space<vmem_shared>>
      tpu.wait_dma2 semaphore(%run_scoped3A : memref<!tpu.dma_semaphore, #tpu.memory_space<semaphore_mem>>) src(%dma_wait3A_39 : memref<624x128xf32, #tpu.memory_space<vmem_shared>>) dst(%dma_wait3A_37 : memref<624x128xf32, #tpu.memory_space<hbm>>)
      tpu.yield
    }) : () -> ()
    %eq3A_21 = arith.constant 15 : i32
    %eq3A_22 = arith.cmpi eq, %arg1, %eq3A_21 : i32
    %convert_element_type3A_23 = arith.extui %eq3A_22 : i1 to i32
    %cond3A_24 = arith.constant 0 : i32
    %cond3A_25 = arith.cmpi ne, %convert_element_type3A_23, %cond3A_24 : i32
    scf.if %cond3A_25 {
      "tpu.region"() ({
        %run_scoped3A = tpu.sem_alloc : memref<!tpu.dma_semaphore, #tpu.memory_space<semaphore_mem>>
        %dma_start3A = arith.constant 0 : i32
        %dma_start3A_26 = arith.constant 0 : i32
        %dma_start3A_27 = tpu.memref_slice %arg7[%arg0, %dma_start3A, %dma_start3A_26] : memref<2x10000x128xf32, #tpu.memory_space<hbm>> -> memref<1x10000x128xf32, #tpu.memory_space<hbm>>
        %dma_start3A_28 = tpu.memref_squeeze %dma_start3A_27 : memref<1x10000x128xf32, #tpu.memory_space<hbm>> -> memref<10000x128xf32, #tpu.memory_space<hbm>>
        %dma_start3A_29 = arith.constant 9984 : i32
        %dma_start3A_30 = arith.constant 0 : i32
        %dma_start3A_31 = tpu.memref_slice %dma_start3A_28[%dma_start3A_29, %dma_start3A_30] : memref<10000x128xf32, #tpu.memory_space<hbm>> -> memref<16x128xf32, #tpu.memory_space<hbm>>
        %dma_start3A_32 = arith.constant 9984 : i32
        %dma_start3A_33 = arith.constant 0 : i32
        %dma_start3A_34 = tpu.memref_slice %arg12[%dma_start3A_32, %dma_start3A_33] : memref<10000x128xf32, #tpu.memory_space<vmem_shared>> -> memref<16x128xf32, #tpu.memory_space<vmem_shared>>
        tpu.enqueue_dma source(%dma_start3A_34 : memref<16x128xf32, #tpu.memory_space<vmem_shared>>) target(%dma_start3A_31 : memref<16x128xf32, #tpu.memory_space<hbm>>) target_semaphore(%run_scoped3A : memref<!tpu.dma_semaphore, #tpu.memory_space<semaphore_mem>>)
        %dma_wait3A = arith.constant 0 : i32
        %dma_wait3A_35 = arith.constant 0 : i32
        %dma_wait3A_36 = tpu.memref_slice %arg7[%arg0, %dma_wait3A, %dma_wait3A_35] : memref<2x10000x128xf32, #tpu.memory_space<hbm>> -> memref<1x10000x128xf32, #tpu.memory_space<hbm>>
        %dma_wait3A_37 = tpu.memref_squeeze %dma_wait3A_36 : memref<1x10000x128xf32, #tpu.memory_space<hbm>> -> memref<10000x128xf32, #tpu.memory_space<hbm>>
        %dma_wait3A_38 = arith.constant 9984 : i32
        %dma_wait3A_39 = arith.constant 0 : i32
        %dma_wait3A_40 = tpu.memref_slice %dma_wait3A_37[%dma_wait3A_38, %dma_wait3A_39] : memref<10000x128xf32, #tpu.memory_space<hbm>> -> memref<16x128xf32, #tpu.memory_space<hbm>>
        %dma_wait3A_41 = arith.constant 9984 : i32
        %dma_wait3A_42 = arith.constant 0 : i32
        %dma_wait3A_43 = tpu.memref_slice %arg12[%dma_wait3A_41, %dma_wait3A_42] : memref<10000x128xf32, #tpu.memory_space<vmem_shared>> -> memref<16x128xf32, #tpu.memory_space<vmem_shared>>
        tpu.wait_dma2 semaphore(%run_scoped3A : memref<!tpu.dma_semaphore, #tpu.memory_space<semaphore_mem>>) src(%dma_wait3A_43 : memref<16x128xf32, #tpu.memory_space<vmem_shared>>) dst(%dma_wait3A_40 : memref<16x128xf32, #tpu.memory_space<hbm>>)
        tpu.yield
      }) : () -> ()
    } else {
    }
    return
  }
}

#map = affine_map<(d0, d1) -> (0, 0)>
#map1 = affine_map<(d0, d1) -> (0, 0, 0)>
module attributes {stable_mosaic.version = 14 : i64} {
  func.func @_cfconv_body(%arg0: i32, %arg1: i32, %arg2: memref<10000x128xf32, #tpu.memory_space<hbm>>, %arg3: memref<321536x128xf32, #tpu.memory_space<hbm>>, %arg4: memref<2500x128xi32, #tpu.memory_space<hbm>>, %arg5: memref<2500x128xi32, #tpu.memory_space<hbm>>, %arg6: memref<10000x128xf32, #tpu.memory_space<hbm>>, %arg7: memref<2x10000x128xf32, #tpu.memory_space<hbm>>, %arg8: memref<128xi32, #tpu.memory_space<vmem>>, %arg9: memref<128xi32, #tpu.memory_space<vmem>>, %arg10: memref<128x128xf32, #tpu.memory_space<vmem>>, %arg11: memref<128x128xf32, #tpu.memory_space<vmem>>, %arg12: memref<10000x128xf32, #tpu.memory_space<vmem_shared>>, %arg13: memref<!tpu.dma_semaphore, #tpu.memory_space<semaphore_mem>>) attributes {dimension_semantics = [#tpu.dimension_semantics<core_parallel>, #tpu.dimension_semantics<subcore_parallel>], iteration_bounds = array<i64: 2, 16>, scalar_prefetch = 0 : i64, scratch_operands = 6 : i64, tpu.core_type = #tpu.core_type<sc_vector_subcore>, window_params = [{transform_indices = #map}, {transform_indices = #map}, {transform_indices = #map}, {transform_indices = #map}, {transform_indices = #map}, {transform_indices = #map1}]} {
    %mul3A = arith.constant 624 : i32
    %mul3A_0 = arith.muli %arg1, %mul3A : i32
    %multiple_of3A = tpu.assume_multiple %mul3A_0, 8 : i32
    "tpu.region"() ({
      %run_scoped3A = tpu.sem_alloc : memref<!tpu.dma_semaphore, #tpu.memory_space<semaphore_mem>>
      %dma_start3A = arith.constant 0 : i32
      %dma_start3A_26 = tpu.memref_slice %arg12[%multiple_of3A, %dma_start3A] : memref<10000x128xf32, #tpu.memory_space<vmem_shared>> -> memref<624x128xf32, #tpu.memory_space<vmem_shared>>
      %dma_start3A_27 = arith.constant 0 : i32
      %dma_start3A_28 = tpu.memref_slice %arg6[%multiple_of3A, %dma_start3A_27] : memref<10000x128xf32, #tpu.memory_space<hbm>> -> memref<624x128xf32, #tpu.memory_space<hbm>>
      tpu.enqueue_dma source(%dma_start3A_28 : memref<624x128xf32, #tpu.memory_space<hbm>>) target(%dma_start3A_26 : memref<624x128xf32, #tpu.memory_space<vmem_shared>>) target_semaphore(%run_scoped3A : memref<!tpu.dma_semaphore, #tpu.memory_space<semaphore_mem>>)
      %dma_wait3A = arith.constant 0 : i32
      %dma_wait3A_29 = tpu.memref_slice %arg12[%multiple_of3A, %dma_wait3A] : memref<10000x128xf32, #tpu.memory_space<vmem_shared>> -> memref<624x128xf32, #tpu.memory_space<vmem_shared>>
      %dma_wait3A_30 = arith.constant 0 : i32
      %dma_wait3A_31 = tpu.memref_slice %arg6[%multiple_of3A, %dma_wait3A_30] : memref<10000x128xf32, #tpu.memory_space<hbm>> -> memref<624x128xf32, #tpu.memory_space<hbm>>
      tpu.wait_dma2 semaphore(%run_scoped3A : memref<!tpu.dma_semaphore, #tpu.memory_space<semaphore_mem>>) src(%dma_wait3A_31 : memref<624x128xf32, #tpu.memory_space<hbm>>) dst(%dma_wait3A_29 : memref<624x128xf32, #tpu.memory_space<vmem_shared>>)
      tpu.yield
    }) : () -> ()
    %eq3A = arith.constant 15 : i32
    %eq3A_1 = arith.cmpi eq, %arg1, %eq3A : i32
    %convert_element_type3A = arith.extui %eq3A_1 : i1 to i32
    %cond3A = arith.constant 0 : i32
    %cond3A_2 = arith.cmpi ne, %convert_element_type3A, %cond3A : i32
    scf.if %cond3A_2 {
      "tpu.region"() ({
        %run_scoped3A = tpu.sem_alloc : memref<!tpu.dma_semaphore, #tpu.memory_space<semaphore_mem>>
        %dma_start3A = arith.constant 9984 : i32
        %dma_start3A_26 = arith.constant 0 : i32
        %dma_start3A_27 = tpu.memref_slice %arg12[%dma_start3A, %dma_start3A_26] : memref<10000x128xf32, #tpu.memory_space<vmem_shared>> -> memref<16x128xf32, #tpu.memory_space<vmem_shared>>
        %dma_start3A_28 = arith.constant 9984 : i32
        %dma_start3A_29 = arith.constant 0 : i32
        %dma_start3A_30 = tpu.memref_slice %arg6[%dma_start3A_28, %dma_start3A_29] : memref<10000x128xf32, #tpu.memory_space<hbm>> -> memref<16x128xf32, #tpu.memory_space<hbm>>
        tpu.enqueue_dma source(%dma_start3A_30 : memref<16x128xf32, #tpu.memory_space<hbm>>) target(%dma_start3A_27 : memref<16x128xf32, #tpu.memory_space<vmem_shared>>) target_semaphore(%run_scoped3A : memref<!tpu.dma_semaphore, #tpu.memory_space<semaphore_mem>>)
        %dma_wait3A = arith.constant 9984 : i32
        %dma_wait3A_31 = arith.constant 0 : i32
        %dma_wait3A_32 = tpu.memref_slice %arg12[%dma_wait3A, %dma_wait3A_31] : memref<10000x128xf32, #tpu.memory_space<vmem_shared>> -> memref<16x128xf32, #tpu.memory_space<vmem_shared>>
        %dma_wait3A_33 = arith.constant 9984 : i32
        %dma_wait3A_34 = arith.constant 0 : i32
        %dma_wait3A_35 = tpu.memref_slice %arg6[%dma_wait3A_33, %dma_wait3A_34] : memref<10000x128xf32, #tpu.memory_space<hbm>> -> memref<16x128xf32, #tpu.memory_space<hbm>>
        tpu.wait_dma2 semaphore(%run_scoped3A : memref<!tpu.dma_semaphore, #tpu.memory_space<semaphore_mem>>) src(%dma_wait3A_35 : memref<16x128xf32, #tpu.memory_space<hbm>>) dst(%dma_wait3A_32 : memref<16x128xf32, #tpu.memory_space<vmem_shared>>)
        tpu.yield
      }) : () -> ()
    } else {
    }
    %barrier3A = arith.constant 0 : index
    tpu.barrier barrier_id(%barrier3A)
    %mul3A_3 = arith.constant 1250 : i32
    %mul3A_4 = arith.muli %arg0, %mul3A_3 : i32
    %mul3A_5 = arith.constant 78 : i32
    %mul3A_6 = arith.muli %arg1, %mul3A_5 : i32
    %add3A = arith.addi %mul3A_4, %mul3A_6 : i32
    %scan3A = arith.constant 0 : i32
    %scan3A_7 = arith.constant 0 : i32
    %scan3A_8 = arith.constant 78 : i32
    %scan3A_9 = arith.addi %scan3A_7, %scan3A_8 : i32
    %scan3A_10 = arith.constant 1 : i32
    %scan3A_11 = scf.for %scan3A_26 = %scan3A_7 to %scan3A_9 step %scan3A_10 iter_args(%scan3A_27 = %scan3A) -> (i32)  : i32 {
      %add3A_28 = arith.addi %add3A, %scan3A_26 : i32
      "tpu.region"() ({
        %run_scoped3A = tpu.sem_alloc : memref<!tpu.dma_semaphore, #tpu.memory_space<semaphore_mem>>
        %dma_start3A_44 = arith.constant 0 : i32
        %dma_start3A_45 = tpu.memref_slice %arg5[%add3A_28, %dma_start3A_44] : memref<2500x128xi32, #tpu.memory_space<hbm>> -> memref<1x128xi32, #tpu.memory_space<hbm>>
        %dma_start3A_46 = tpu.memref_squeeze %dma_start3A_45 : memref<1x128xi32, #tpu.memory_space<hbm>> -> memref<128xi32, #tpu.memory_space<hbm>>
        %dma_start3A_47 = arith.constant 0 : i32
        %dma_start3A_48 = tpu.memref_slice %arg5[%add3A_28, %dma_start3A_47] : memref<2500x128xi32, #tpu.memory_space<hbm>> -> memref<1x128xi32, #tpu.memory_space<hbm>>
        %dma_start3A_49 = tpu.memref_squeeze %dma_start3A_48 : memref<1x128xi32, #tpu.memory_space<hbm>> -> memref<128xi32, #tpu.memory_space<hbm>>
        tpu.enqueue_dma source(%dma_start3A_49 : memref<128xi32, #tpu.memory_space<hbm>>) target(%arg8 : memref<128xi32, #tpu.memory_space<vmem>>) target_semaphore(%run_scoped3A : memref<!tpu.dma_semaphore, #tpu.memory_space<semaphore_mem>>)
        %dma_wait3A_50 = arith.constant 0 : i32
        %dma_wait3A_51 = tpu.memref_slice %arg5[%add3A_28, %dma_wait3A_50] : memref<2500x128xi32, #tpu.memory_space<hbm>> -> memref<1x128xi32, #tpu.memory_space<hbm>>
        %dma_wait3A_52 = tpu.memref_squeeze %dma_wait3A_51 : memref<1x128xi32, #tpu.memory_space<hbm>> -> memref<128xi32, #tpu.memory_space<hbm>>
        %dma_wait3A_53 = arith.constant 0 : i32
        %dma_wait3A_54 = tpu.memref_slice %arg5[%add3A_28, %dma_wait3A_53] : memref<2500x128xi32, #tpu.memory_space<hbm>> -> memref<1x128xi32, #tpu.memory_space<hbm>>
        %dma_wait3A_55 = tpu.memref_squeeze %dma_wait3A_54 : memref<1x128xi32, #tpu.memory_space<hbm>> -> memref<128xi32, #tpu.memory_space<hbm>>
        tpu.wait_dma2 semaphore(%run_scoped3A : memref<!tpu.dma_semaphore, #tpu.memory_space<semaphore_mem>>) src(%dma_wait3A_55 : memref<128xi32, #tpu.memory_space<hbm>>) dst(%arg8 : memref<128xi32, #tpu.memory_space<vmem>>)
        tpu.yield
      }) : () -> ()
      "tpu.region"() ({
        %run_scoped3A = tpu.sem_alloc : memref<!tpu.dma_semaphore, #tpu.memory_space<semaphore_mem>>
        %dma_start3A_44 = arith.constant 0 : i32
        %dma_start3A_45 = tpu.memref_slice %arg4[%add3A_28, %dma_start3A_44] : memref<2500x128xi32, #tpu.memory_space<hbm>> -> memref<1x128xi32, #tpu.memory_space<hbm>>
        %dma_start3A_46 = tpu.memref_squeeze %dma_start3A_45 : memref<1x128xi32, #tpu.memory_space<hbm>> -> memref<128xi32, #tpu.memory_space<hbm>>
        %dma_start3A_47 = arith.constant 0 : i32
        %dma_start3A_48 = tpu.memref_slice %arg4[%add3A_28, %dma_start3A_47] : memref<2500x128xi32, #tpu.memory_space<hbm>> -> memref<1x128xi32, #tpu.memory_space<hbm>>
        %dma_start3A_49 = tpu.memref_squeeze %dma_start3A_48 : memref<1x128xi32, #tpu.memory_space<hbm>> -> memref<128xi32, #tpu.memory_space<hbm>>
        tpu.enqueue_dma source(%dma_start3A_49 : memref<128xi32, #tpu.memory_space<hbm>>) target(%arg9 : memref<128xi32, #tpu.memory_space<vmem>>) target_semaphore(%run_scoped3A : memref<!tpu.dma_semaphore, #tpu.memory_space<semaphore_mem>>)
        %dma_wait3A_50 = arith.constant 0 : i32
        %dma_wait3A_51 = tpu.memref_slice %arg4[%add3A_28, %dma_wait3A_50] : memref<2500x128xi32, #tpu.memory_space<hbm>> -> memref<1x128xi32, #tpu.memory_space<hbm>>
        %dma_wait3A_52 = tpu.memref_squeeze %dma_wait3A_51 : memref<1x128xi32, #tpu.memory_space<hbm>> -> memref<128xi32, #tpu.memory_space<hbm>>
        %dma_wait3A_53 = arith.constant 0 : i32
        %dma_wait3A_54 = tpu.memref_slice %arg4[%add3A_28, %dma_wait3A_53] : memref<2500x128xi32, #tpu.memory_space<hbm>> -> memref<1x128xi32, #tpu.memory_space<hbm>>
        %dma_wait3A_55 = tpu.memref_squeeze %dma_wait3A_54 : memref<1x128xi32, #tpu.memory_space<hbm>> -> memref<128xi32, #tpu.memory_space<hbm>>
        tpu.wait_dma2 semaphore(%run_scoped3A : memref<!tpu.dma_semaphore, #tpu.memory_space<semaphore_mem>>) src(%dma_wait3A_55 : memref<128xi32, #tpu.memory_space<hbm>>) dst(%arg9 : memref<128xi32, #tpu.memory_space<vmem>>)
        tpu.yield
      }) : () -> ()
      %dma_start3A = arith.constant 0 : i32
      %dma_start3A_29 = arith.constant 0 : i32
      %dma_start3A_30 = tpu.memref_slice %arg2[%dma_start3A, %dma_start3A_29] : memref<10000x128xf32, #tpu.memory_space<hbm>> -> memref<10000x128xf32, #tpu.memory_space<hbm>>
      tpu.enqueue_indirect_dma source(%dma_start3A_30 : memref<10000x128xf32, #tpu.memory_space<hbm>>) target(%arg10 : memref<128x128xf32, #tpu.memory_space<vmem>>) offsets(%arg8 : memref<128xi32, #tpu.memory_space<vmem>>) semaphore(%arg13 : memref<!tpu.dma_semaphore, #tpu.memory_space<semaphore_mem>>)
      %mul3A_31 = arith.constant 128 : i32
      %mul3A_32 = arith.muli %add3A_28, %mul3A_31 : i32
      %multiple_of3A_33 = tpu.assume_multiple %mul3A_32, 128 : i32
      "tpu.region"() ({
        %run_scoped3A = tpu.sem_alloc : memref<!tpu.dma_semaphore, #tpu.memory_space<semaphore_mem>>
        %dma_start3A_44 = arith.constant 0 : i32
        %dma_start3A_45 = tpu.memref_slice %arg3[%multiple_of3A_33, %dma_start3A_44] : memref<321536x128xf32, #tpu.memory_space<hbm>> -> memref<128x128xf32, #tpu.memory_space<hbm>>
        %dma_start3A_46 = arith.constant 0 : i32
        %dma_start3A_47 = tpu.memref_slice %arg3[%multiple_of3A_33, %dma_start3A_46] : memref<321536x128xf32, #tpu.memory_space<hbm>> -> memref<128x128xf32, #tpu.memory_space<hbm>>
        tpu.enqueue_dma source(%dma_start3A_47 : memref<128x128xf32, #tpu.memory_space<hbm>>) target(%arg11 : memref<128x128xf32, #tpu.memory_space<vmem>>) target_semaphore(%run_scoped3A : memref<!tpu.dma_semaphore, #tpu.memory_space<semaphore_mem>>)
        %dma_wait3A_48 = arith.constant 0 : i32
        %dma_wait3A_49 = tpu.memref_slice %arg3[%multiple_of3A_33, %dma_wait3A_48] : memref<321536x128xf32, #tpu.memory_space<hbm>> -> memref<128x128xf32, #tpu.memory_space<hbm>>
        %dma_wait3A_50 = arith.constant 0 : i32
        %dma_wait3A_51 = tpu.memref_slice %arg3[%multiple_of3A_33, %dma_wait3A_50] : memref<321536x128xf32, #tpu.memory_space<hbm>> -> memref<128x128xf32, #tpu.memory_space<hbm>>
        tpu.wait_dma2 semaphore(%run_scoped3A : memref<!tpu.dma_semaphore, #tpu.memory_space<semaphore_mem>>) src(%dma_wait3A_51 : memref<128x128xf32, #tpu.memory_space<hbm>>) dst(%arg11 : memref<128x128xf32, #tpu.memory_space<vmem>>)
        tpu.yield
      }) : () -> ()
      %dma_wait3A = arith.constant 0 : i32
      %dma_wait3A_34 = arith.constant 0 : i32
      %dma_wait3A_35 = tpu.memref_slice %arg2[%dma_wait3A, %dma_wait3A_34] : memref<10000x128xf32, #tpu.memory_space<hbm>> -> memref<10000x128xf32, #tpu.memory_space<hbm>>
      tpu.wait_indirect_dma semaphore(%arg13 : memref<!tpu.dma_semaphore, #tpu.memory_space<semaphore_mem>>) src(%dma_wait3A_35 : memref<10000x128xf32, #tpu.memory_space<hbm>>) dst(%arg10 : memref<128x128xf32, #tpu.memory_space<vmem>>)
      %scan3A_36 = arith.constant 0 : i32
      %scan3A_37 = arith.constant 0 : i32
      %scan3A_38 = arith.constant 128 : i32
      %scan3A_39 = arith.addi %scan3A_37, %scan3A_38 : i32
      %scan3A_40 = arith.constant 1 : i32
      %scan3A_41 = scf.for %scan3A_44 = %scan3A_37 to %scan3A_39 step %scan3A_40 iter_args(%scan3A_45 = %scan3A_36) -> (i32)  : i32 {
        %get3A = arith.index_cast %scan3A_44 : i32 to index
        %get3A_46 = arith.constant 0 : index
        %get3A_47 = tpu.vector_load %arg10[%get3A, %get3A_46] {strides = array<i32>} : memref<128x128xf32, #tpu.memory_space<vmem>>, vector<1x16xf32>,
        %get3A_48 = vector.shape_cast %get3A_47 : vector<1x16xf32> to vector<16xf32>
        %get3A_49 = arith.index_cast %scan3A_44 : i32 to index
        %get3A_50 = arith.constant 0 : index
        %get3A_51 = tpu.vector_load %arg11[%get3A_49, %get3A_50] {strides = array<i32>} : memref<128x128xf32, #tpu.memory_space<vmem>>, vector<1x16xf32>,
        %get3A_52 = vector.shape_cast %get3A_51 : vector<1x16xf32> to vector<16xf32>
        %mul3A_53 = arith.mulf %get3A_48, %get3A_52 : vector<16xf32>
        %swap3A = arith.index_cast %scan3A_44 : i32 to index
        %swap3A_54 = arith.constant 0 : index
        %swap3A_55 = tpu.vector_load %arg10[%swap3A, %swap3A_54] {strides = array<i32>} : memref<128x128xf32, #tpu.memory_space<vmem>>, vector<1x16xf32>,
        %swap3A_56 = vector.shape_cast %swap3A_55 : vector<1x16xf32> to vector<16xf32>
        %swap3A_57 = vector.shape_cast %mul3A_53 : vector<16xf32> to vector<1x16xf32>
        tpu.vector_store %arg10[%swap3A, %swap3A_54], %swap3A_57 {strides = array<i32>} : memref<128x128xf32, #tpu.memory_space<vmem>>, vector<1x16xf32>,
        %get3A_58 = arith.index_cast %scan3A_44 : i32 to index
        %get3A_59 = arith.constant 16 : index
        %get3A_60 = tpu.vector_load %arg10[%get3A_58, %get3A_59] {strides = array<i32>} : memref<128x128xf32, #tpu.memory_space<vmem>>, vector<1x16xf32>,
        %get3A_61 = vector.shape_cast %get3A_60 : vector<1x16xf32> to vector<16xf32>
        %get3A_62 = arith.index_cast %scan3A_44 : i32 to index
        %get3A_63 = arith.constant 16 : index
        %get3A_64 = tpu.vector_load %arg11[%get3A_62, %get3A_63] {strides = array<i32>} : memref<128x128xf32, #tpu.memory_space<vmem>>, vector<1x16xf32>,
        %get3A_65 = vector.shape_cast %get3A_64 : vector<1x16xf32> to vector<16xf32>
        %mul3A_66 = arith.mulf %get3A_61, %get3A_65 : vector<16xf32>
        %swap3A_67 = arith.index_cast %scan3A_44 : i32 to index
        %swap3A_68 = arith.constant 16 : index
        %swap3A_69 = tpu.vector_load %arg10[%swap3A_67, %swap3A_68] {strides = array<i32>} : memref<128x128xf32, #tpu.memory_space<vmem>>, vector<1x16xf32>,
        %swap3A_70 = vector.shape_cast %swap3A_69 : vector<1x16xf32> to vector<16xf32>
        %swap3A_71 = vector.shape_cast %mul3A_66 : vector<16xf32> to vector<1x16xf32>
        tpu.vector_store %arg10[%swap3A_67, %swap3A_68], %swap3A_71 {strides = array<i32>} : memref<128x128xf32, #tpu.memory_space<vmem>>, vector<1x16xf32>,
        %get3A_72 = arith.index_cast %scan3A_44 : i32 to index
        %get3A_73 = arith.constant 32 : index
        %get3A_74 = tpu.vector_load %arg10[%get3A_72, %get3A_73] {strides = array<i32>} : memref<128x128xf32, #tpu.memory_space<vmem>>, vector<1x16xf32>,
        %get3A_75 = vector.shape_cast %get3A_74 : vector<1x16xf32> to vector<16xf32>
        %get3A_76 = arith.index_cast %scan3A_44 : i32 to index
        %get3A_77 = arith.constant 32 : index
        %get3A_78 = tpu.vector_load %arg11[%get3A_76, %get3A_77] {strides = array<i32>} : memref<128x128xf32, #tpu.memory_space<vmem>>, vector<1x16xf32>,
        %get3A_79 = vector.shape_cast %get3A_78 : vector<1x16xf32> to vector<16xf32>
        %mul3A_80 = arith.mulf %get3A_75, %get3A_79 : vector<16xf32>
        %swap3A_81 = arith.index_cast %scan3A_44 : i32 to index
        %swap3A_82 = arith.constant 32 : index
        %swap3A_83 = tpu.vector_load %arg10[%swap3A_81, %swap3A_82] {strides = array<i32>} : memref<128x128xf32, #tpu.memory_space<vmem>>, vector<1x16xf32>,
        %swap3A_84 = vector.shape_cast %swap3A_83 : vector<1x16xf32> to vector<16xf32>
        %swap3A_85 = vector.shape_cast %mul3A_80 : vector<16xf32> to vector<1x16xf32>
        tpu.vector_store %arg10[%swap3A_81, %swap3A_82], %swap3A_85 {strides = array<i32>} : memref<128x128xf32, #tpu.memory_space<vmem>>, vector<1x16xf32>,
        %get3A_86 = arith.index_cast %scan3A_44 : i32 to index
        %get3A_87 = arith.constant 48 : index
        %get3A_88 = tpu.vector_load %arg10[%get3A_86, %get3A_87] {strides = array<i32>} : memref<128x128xf32, #tpu.memory_space<vmem>>, vector<1x16xf32>,
        %get3A_89 = vector.shape_cast %get3A_88 : vector<1x16xf32> to vector<16xf32>
        %get3A_90 = arith.index_cast %scan3A_44 : i32 to index
        %get3A_91 = arith.constant 48 : index
        %get3A_92 = tpu.vector_load %arg11[%get3A_90, %get3A_91] {strides = array<i32>} : memref<128x128xf32, #tpu.memory_space<vmem>>, vector<1x16xf32>,
        %get3A_93 = vector.shape_cast %get3A_92 : vector<1x16xf32> to vector<16xf32>
        %mul3A_94 = arith.mulf %get3A_89, %get3A_93 : vector<16xf32>
        %swap3A_95 = arith.index_cast %scan3A_44 : i32 to index
        %swap3A_96 = arith.constant 48 : index
        %swap3A_97 = tpu.vector_load %arg10[%swap3A_95, %swap3A_96] {strides = array<i32>} : memref<128x128xf32, #tpu.memory_space<vmem>>, vector<1x16xf32>,
        %swap3A_98 = vector.shape_cast %swap3A_97 : vector<1x16xf32> to vector<16xf32>
        %swap3A_99 = vector.shape_cast %mul3A_94 : vector<16xf32> to vector<1x16xf32>
        tpu.vector_store %arg10[%swap3A_95, %swap3A_96], %swap3A_99 {strides = array<i32>} : memref<128x128xf32, #tpu.memory_space<vmem>>, vector<1x16xf32>,
        %get3A_100 = arith.index_cast %scan3A_44 : i32 to index
        %get3A_101 = arith.constant 64 : index
        %get3A_102 = tpu.vector_load %arg10[%get3A_100, %get3A_101] {strides = array<i32>} : memref<128x128xf32, #tpu.memory_space<vmem>>, vector<1x16xf32>,
        %get3A_103 = vector.shape_cast %get3A_102 : vector<1x16xf32> to vector<16xf32>
        %get3A_104 = arith.index_cast %scan3A_44 : i32 to index
        %get3A_105 = arith.constant 64 : index
        %get3A_106 = tpu.vector_load %arg11[%get3A_104, %get3A_105] {strides = array<i32>} : memref<128x128xf32, #tpu.memory_space<vmem>>, vector<1x16xf32>,
        %get3A_107 = vector.shape_cast %get3A_106 : vector<1x16xf32> to vector<16xf32>
        %mul3A_108 = arith.mulf %get3A_103, %get3A_107 : vector<16xf32>
        %swap3A_109 = arith.index_cast %scan3A_44 : i32 to index
        %swap3A_110 = arith.constant 64 : index
        %swap3A_111 = tpu.vector_load %arg10[%swap3A_109, %swap3A_110] {strides = array<i32>} : memref<128x128xf32, #tpu.memory_space<vmem>>, vector<1x16xf32>,
        %swap3A_112 = vector.shape_cast %swap3A_111 : vector<1x16xf32> to vector<16xf32>
        %swap3A_113 = vector.shape_cast %mul3A_108 : vector<16xf32> to vector<1x16xf32>
        tpu.vector_store %arg10[%swap3A_109, %swap3A_110], %swap3A_113 {strides = array<i32>} : memref<128x128xf32, #tpu.memory_space<vmem>>, vector<1x16xf32>,
        %get3A_114 = arith.index_cast %scan3A_44 : i32 to index
        %get3A_115 = arith.constant 80 : index
        %get3A_116 = tpu.vector_load %arg10[%get3A_114, %get3A_115] {strides = array<i32>} : memref<128x128xf32, #tpu.memory_space<vmem>>, vector<1x16xf32>,
        %get3A_117 = vector.shape_cast %get3A_116 : vector<1x16xf32> to vector<16xf32>
        %get3A_118 = arith.index_cast %scan3A_44 : i32 to index
        %get3A_119 = arith.constant 80 : index
        %get3A_120 = tpu.vector_load %arg11[%get3A_118, %get3A_119] {strides = array<i32>} : memref<128x128xf32, #tpu.memory_space<vmem>>, vector<1x16xf32>,
        %get3A_121 = vector.shape_cast %get3A_120 : vector<1x16xf32> to vector<16xf32>
        %mul3A_122 = arith.mulf %get3A_117, %get3A_121 : vector<16xf32>
        %swap3A_123 = arith.index_cast %scan3A_44 : i32 to index
        %swap3A_124 = arith.constant 80 : index
        %swap3A_125 = tpu.vector_load %arg10[%swap3A_123, %swap3A_124] {strides = array<i32>} : memref<128x128xf32, #tpu.memory_space<vmem>>, vector<1x16xf32>,
        %swap3A_126 = vector.shape_cast %swap3A_125 : vector<1x16xf32> to vector<16xf32>
        %swap3A_127 = vector.shape_cast %mul3A_122 : vector<16xf32> to vector<1x16xf32>
        tpu.vector_store %arg10[%swap3A_123, %swap3A_124], %swap3A_127 {strides = array<i32>} : memref<128x128xf32, #tpu.memory_space<vmem>>, vector<1x16xf32>,
        %get3A_128 = arith.index_cast %scan3A_44 : i32 to index
        %get3A_129 = arith.constant 96 : index
        %get3A_130 = tpu.vector_load %arg10[%get3A_128, %get3A_129] {strides = array<i32>} : memref<128x128xf32, #tpu.memory_space<vmem>>, vector<1x16xf32>,
        %get3A_131 = vector.shape_cast %get3A_130 : vector<1x16xf32> to vector<16xf32>
        %get3A_132 = arith.index_cast %scan3A_44 : i32 to index
        %get3A_133 = arith.constant 96 : index
        %get3A_134 = tpu.vector_load %arg11[%get3A_132, %get3A_133] {strides = array<i32>} : memref<128x128xf32, #tpu.memory_space<vmem>>, vector<1x16xf32>,
        %get3A_135 = vector.shape_cast %get3A_134 : vector<1x16xf32> to vector<16xf32>
        %mul3A_136 = arith.mulf %get3A_131, %get3A_135 : vector<16xf32>
        %swap3A_137 = arith.index_cast %scan3A_44 : i32 to index
        %swap3A_138 = arith.constant 96 : index
        %swap3A_139 = tpu.vector_load %arg10[%swap3A_137, %swap3A_138] {strides = array<i32>} : memref<128x128xf32, #tpu.memory_space<vmem>>, vector<1x16xf32>,
        %swap3A_140 = vector.shape_cast %swap3A_139 : vector<1x16xf32> to vector<16xf32>
        %swap3A_141 = vector.shape_cast %mul3A_136 : vector<16xf32> to vector<1x16xf32>
        tpu.vector_store %arg10[%swap3A_137, %swap3A_138], %swap3A_141 {strides = array<i32>} : memref<128x128xf32, #tpu.memory_space<vmem>>, vector<1x16xf32>,
        %get3A_142 = arith.index_cast %scan3A_44 : i32 to index
        %get3A_143 = arith.constant 112 : index
        %get3A_144 = tpu.vector_load %arg10[%get3A_142, %get3A_143] {strides = array<i32>} : memref<128x128xf32, #tpu.memory_space<vmem>>, vector<1x16xf32>,
        %get3A_145 = vector.shape_cast %get3A_144 : vector<1x16xf32> to vector<16xf32>
        %get3A_146 = arith.index_cast %scan3A_44 : i32 to index
        %get3A_147 = arith.constant 112 : index
        %get3A_148 = tpu.vector_load %arg11[%get3A_146, %get3A_147] {strides = array<i32>} : memref<128x128xf32, #tpu.memory_space<vmem>>, vector<1x16xf32>,
        %get3A_149 = vector.shape_cast %get3A_148 : vector<1x16xf32> to vector<16xf32>
        %mul3A_150 = arith.mulf %get3A_145, %get3A_149 : vector<16xf32>
        %swap3A_151 = arith.index_cast %scan3A_44 : i32 to index
        %swap3A_152 = arith.constant 112 : index
        %swap3A_153 = tpu.vector_load %arg10[%swap3A_151, %swap3A_152] {strides = array<i32>} : memref<128x128xf32, #tpu.memory_space<vmem>>, vector<1x16xf32>,
        %swap3A_154 = vector.shape_cast %swap3A_153 : vector<1x16xf32> to vector<16xf32>
        %swap3A_155 = vector.shape_cast %mul3A_150 : vector<16xf32> to vector<1x16xf32>
        tpu.vector_store %arg10[%swap3A_151, %swap3A_152], %swap3A_155 {strides = array<i32>} : memref<128x128xf32, #tpu.memory_space<vmem>>, vector<1x16xf32>,
        %scan3A_156 = arith.constant 0 : i32
        scf.yield %scan3A_156 : i32
      }
      %scan3A_42 = arith.constant 128 : i32
      "tpu.region"() ({
        %run_scoped3A = tpu.sem_alloc : memref<!tpu.dma_semaphore, #tpu.memory_space<semaphore_mem>>
        %dma_start3A_44 = arith.constant 0 : i32
        %dma_start3A_45 = arith.constant 0 : i32
        %dma_start3A_46 = tpu.memref_slice %arg12[%dma_start3A_44, %dma_start3A_45] : memref<10000x128xf32, #tpu.memory_space<vmem_shared>> -> memref<10000x128xf32, #tpu.memory_space<vmem_shared>>
        tpu.enqueue_indirect_dma source(%arg10 : memref<128x128xf32, #tpu.memory_space<vmem>>) target(%dma_start3A_46 : memref<10000x128xf32, #tpu.memory_space<vmem_shared>>) offsets(%arg9 : memref<128xi32, #tpu.memory_space<vmem>>) semaphore(%run_scoped3A : memref<!tpu.dma_semaphore, #tpu.memory_space<semaphore_mem>>) {add = true}
        %dma_wait3A_47 = arith.constant 0 : i32
        %dma_wait3A_48 = arith.constant 0 : i32
        %dma_wait3A_49 = tpu.memref_slice %arg12[%dma_wait3A_47, %dma_wait3A_48] : memref<10000x128xf32, #tpu.memory_space<vmem_shared>> -> memref<10000x128xf32, #tpu.memory_space<vmem_shared>>
        tpu.wait_indirect_dma semaphore(%run_scoped3A : memref<!tpu.dma_semaphore, #tpu.memory_space<semaphore_mem>>) src(%arg10 : memref<128x128xf32, #tpu.memory_space<vmem>>) dst(%dma_wait3A_49 : memref<10000x128xf32, #tpu.memory_space<vmem_shared>>)
        tpu.yield
      }) : () -> ()
      %scan3A_43 = arith.constant 0 : i32
      scf.yield %scan3A_43 : i32
    }
    %scan3A_12 = arith.constant 78 : i32
    %lt3A = arith.constant 2 : i32
    %lt3A_13 = arith.cmpi slt, %arg1, %lt3A : i32
    %convert_element_type3A_14 = arith.extui %lt3A_13 : i1 to i32
    %cond3A_15 = arith.constant 0 : i32
    %cond3A_16 = arith.cmpi ne, %convert_element_type3A_14, %cond3A_15 : i32
    scf.if %cond3A_16 {
      %mul3A_26 = arith.constant 1250 : i32
      %mul3A_27 = arith.muli %arg0, %mul3A_26 : i32
      %add3A_28 = arith.constant 1248 : i32
      %add3A_29 = arith.addi %mul3A_27, %add3A_28 : i32
      %add3A_30 = arith.addi %add3A_29, %arg1 : i32
      "tpu.region"() ({
        %run_scoped3A = tpu.sem_alloc : memref<!tpu.dma_semaphore, #tpu.memory_space<semaphore_mem>>
        %dma_start3A_45 = arith.constant 0 : i32
        %dma_start3A_46 = tpu.memref_slice %arg5[%add3A_30, %dma_start3A_45] : memref<2500x128xi32, #tpu.memory_space<hbm>> -> memref<1x128xi32, #tpu.memory_space<hbm>>
        %dma_start3A_47 = tpu.memref_squeeze %dma_start3A_46 : memref<1x128xi32, #tpu.memory_space<hbm>> -> memref<128xi32, #tpu.memory_space<hbm>>
        %dma_start3A_48 = arith.constant 0 : i32
        %dma_start3A_49 = tpu.memref_slice %arg5[%add3A_30, %dma_start3A_48] : memref<2500x128xi32, #tpu.memory_space<hbm>> -> memref<1x128xi32, #tpu.memory_space<hbm>>
        %dma_start3A_50 = tpu.memref_squeeze %dma_start3A_49 : memref<1x128xi32, #tpu.memory_space<hbm>> -> memref<128xi32, #tpu.memory_space<hbm>>
        tpu.enqueue_dma source(%dma_start3A_50 : memref<128xi32, #tpu.memory_space<hbm>>) target(%arg8 : memref<128xi32, #tpu.memory_space<vmem>>) target_semaphore(%run_scoped3A : memref<!tpu.dma_semaphore, #tpu.memory_space<semaphore_mem>>)
        %dma_wait3A_51 = arith.constant 0 : i32
        %dma_wait3A_52 = tpu.memref_slice %arg5[%add3A_30, %dma_wait3A_51] : memref<2500x128xi32, #tpu.memory_space<hbm>> -> memref<1x128xi32, #tpu.memory_space<hbm>>
        %dma_wait3A_53 = tpu.memref_squeeze %dma_wait3A_52 : memref<1x128xi32, #tpu.memory_space<hbm>> -> memref<128xi32, #tpu.memory_space<hbm>>
        %dma_wait3A_54 = arith.constant 0 : i32
        %dma_wait3A_55 = tpu.memref_slice %arg5[%add3A_30, %dma_wait3A_54] : memref<2500x128xi32, #tpu.memory_space<hbm>> -> memref<1x128xi32, #tpu.memory_space<hbm>>
        %dma_wait3A_56 = tpu.memref_squeeze %dma_wait3A_55 : memref<1x128xi32, #tpu.memory_space<hbm>> -> memref<128xi32, #tpu.memory_space<hbm>>
        tpu.wait_dma2 semaphore(%run_scoped3A : memref<!tpu.dma_semaphore, #tpu.memory_space<semaphore_mem>>) src(%dma_wait3A_56 : memref<128xi32, #tpu.memory_space<hbm>>) dst(%arg8 : memref<128xi32, #tpu.memory_space<vmem>>)
        tpu.yield
      }) : () -> ()
      "tpu.region"() ({
        %run_scoped3A = tpu.sem_alloc : memref<!tpu.dma_semaphore, #tpu.memory_space<semaphore_mem>>
        %dma_start3A_45 = arith.constant 0 : i32
        %dma_start3A_46 = tpu.memref_slice %arg4[%add3A_30, %dma_start3A_45] : memref<2500x128xi32, #tpu.memory_space<hbm>> -> memref<1x128xi32, #tpu.memory_space<hbm>>
        %dma_start3A_47 = tpu.memref_squeeze %dma_start3A_46 : memref<1x128xi32, #tpu.memory_space<hbm>> -> memref<128xi32, #tpu.memory_space<hbm>>
        %dma_start3A_48 = arith.constant 0 : i32
        %dma_start3A_49 = tpu.memref_slice %arg4[%add3A_30, %dma_start3A_48] : memref<2500x128xi32, #tpu.memory_space<hbm>> -> memref<1x128xi32, #tpu.memory_space<hbm>>
        %dma_start3A_50 = tpu.memref_squeeze %dma_start3A_49 : memref<1x128xi32, #tpu.memory_space<hbm>> -> memref<128xi32, #tpu.memory_space<hbm>>
        tpu.enqueue_dma source(%dma_start3A_50 : memref<128xi32, #tpu.memory_space<hbm>>) target(%arg9 : memref<128xi32, #tpu.memory_space<vmem>>) target_semaphore(%run_scoped3A : memref<!tpu.dma_semaphore, #tpu.memory_space<semaphore_mem>>)
        %dma_wait3A_51 = arith.constant 0 : i32
        %dma_wait3A_52 = tpu.memref_slice %arg4[%add3A_30, %dma_wait3A_51] : memref<2500x128xi32, #tpu.memory_space<hbm>> -> memref<1x128xi32, #tpu.memory_space<hbm>>
        %dma_wait3A_53 = tpu.memref_squeeze %dma_wait3A_52 : memref<1x128xi32, #tpu.memory_space<hbm>> -> memref<128xi32, #tpu.memory_space<hbm>>
        %dma_wait3A_54 = arith.constant 0 : i32
        %dma_wait3A_55 = tpu.memref_slice %arg4[%add3A_30, %dma_wait3A_54] : memref<2500x128xi32, #tpu.memory_space<hbm>> -> memref<1x128xi32, #tpu.memory_space<hbm>>
        %dma_wait3A_56 = tpu.memref_squeeze %dma_wait3A_55 : memref<1x128xi32, #tpu.memory_space<hbm>> -> memref<128xi32, #tpu.memory_space<hbm>>
        tpu.wait_dma2 semaphore(%run_scoped3A : memref<!tpu.dma_semaphore, #tpu.memory_space<semaphore_mem>>) src(%dma_wait3A_56 : memref<128xi32, #tpu.memory_space<hbm>>) dst(%arg9 : memref<128xi32, #tpu.memory_space<vmem>>)
        tpu.yield
      }) : () -> ()
      %dma_start3A = arith.constant 0 : i32
      %dma_start3A_31 = arith.constant 0 : i32
      %dma_start3A_32 = tpu.memref_slice %arg2[%dma_start3A, %dma_start3A_31] : memref<10000x128xf32, #tpu.memory_space<hbm>> -> memref<10000x128xf32, #tpu.memory_space<hbm>>
      tpu.enqueue_indirect_dma source(%dma_start3A_32 : memref<10000x128xf32, #tpu.memory_space<hbm>>) target(%arg10 : memref<128x128xf32, #tpu.memory_space<vmem>>) offsets(%arg8 : memref<128xi32, #tpu.memory_space<vmem>>) semaphore(%arg13 : memref<!tpu.dma_semaphore, #tpu.memory_space<semaphore_mem>>)
      %mul3A_33 = arith.constant 128 : i32
      %mul3A_34 = arith.muli %add3A_30, %mul3A_33 : i32
      %multiple_of3A_35 = tpu.assume_multiple %mul3A_34, 128 : i32
      "tpu.region"() ({
        %run_scoped3A = tpu.sem_alloc : memref<!tpu.dma_semaphore, #tpu.memory_space<semaphore_mem>>
        %dma_start3A_45 = arith.constant 0 : i32
        %dma_start3A_46 = tpu.memref_slice %arg3[%multiple_of3A_35, %dma_start3A_45] : memref<321536x128xf32, #tpu.memory_space<hbm>> -> memref<128x128xf32, #tpu.memory_space<hbm>>
        %dma_start3A_47 = arith.constant 0 : i32
        %dma_start3A_48 = tpu.memref_slice %arg3[%multiple_of3A_35, %dma_start3A_47] : memref<321536x128xf32, #tpu.memory_space<hbm>> -> memref<128x128xf32, #tpu.memory_space<hbm>>
        tpu.enqueue_dma source(%dma_start3A_48 : memref<128x128xf32, #tpu.memory_space<hbm>>) target(%arg11 : memref<128x128xf32, #tpu.memory_space<vmem>>) target_semaphore(%run_scoped3A : memref<!tpu.dma_semaphore, #tpu.memory_space<semaphore_mem>>)
        %dma_wait3A_49 = arith.constant 0 : i32
        %dma_wait3A_50 = tpu.memref_slice %arg3[%multiple_of3A_35, %dma_wait3A_49] : memref<321536x128xf32, #tpu.memory_space<hbm>> -> memref<128x128xf32, #tpu.memory_space<hbm>>
        %dma_wait3A_51 = arith.constant 0 : i32
        %dma_wait3A_52 = tpu.memref_slice %arg3[%multiple_of3A_35, %dma_wait3A_51] : memref<321536x128xf32, #tpu.memory_space<hbm>> -> memref<128x128xf32, #tpu.memory_space<hbm>>
        tpu.wait_dma2 semaphore(%run_scoped3A : memref<!tpu.dma_semaphore, #tpu.memory_space<semaphore_mem>>) src(%dma_wait3A_52 : memref<128x128xf32, #tpu.memory_space<hbm>>) dst(%arg11 : memref<128x128xf32, #tpu.memory_space<vmem>>)
        tpu.yield
      }) : () -> ()
      %dma_wait3A = arith.constant 0 : i32
      %dma_wait3A_36 = arith.constant 0 : i32
      %dma_wait3A_37 = tpu.memref_slice %arg2[%dma_wait3A, %dma_wait3A_36] : memref<10000x128xf32, #tpu.memory_space<hbm>> -> memref<10000x128xf32, #tpu.memory_space<hbm>>
      tpu.wait_indirect_dma semaphore(%arg13 : memref<!tpu.dma_semaphore, #tpu.memory_space<semaphore_mem>>) src(%dma_wait3A_37 : memref<10000x128xf32, #tpu.memory_space<hbm>>) dst(%arg10 : memref<128x128xf32, #tpu.memory_space<vmem>>)
      %scan3A_38 = arith.constant 0 : i32
      %scan3A_39 = arith.constant 0 : i32
      %scan3A_40 = arith.constant 128 : i32
      %scan3A_41 = arith.addi %scan3A_39, %scan3A_40 : i32
      %scan3A_42 = arith.constant 1 : i32
      %scan3A_43 = scf.for %scan3A_45 = %scan3A_39 to %scan3A_41 step %scan3A_42 iter_args(%scan3A_46 = %scan3A_38) -> (i32)  : i32 {
        %get3A = arith.index_cast %scan3A_45 : i32 to index
        %get3A_47 = arith.constant 0 : index
        %get3A_48 = tpu.vector_load %arg10[%get3A, %get3A_47] {strides = array<i32>} : memref<128x128xf32, #tpu.memory_space<vmem>>, vector<1x16xf32>,
        %get3A_49 = vector.shape_cast %get3A_48 : vector<1x16xf32> to vector<16xf32>
        %get3A_50 = arith.index_cast %scan3A_45 : i32 to index
        %get3A_51 = arith.constant 0 : index
        %get3A_52 = tpu.vector_load %arg11[%get3A_50, %get3A_51] {strides = array<i32>} : memref<128x128xf32, #tpu.memory_space<vmem>>, vector<1x16xf32>,
        %get3A_53 = vector.shape_cast %get3A_52 : vector<1x16xf32> to vector<16xf32>
        %mul3A_54 = arith.mulf %get3A_49, %get3A_53 : vector<16xf32>
        %swap3A = arith.index_cast %scan3A_45 : i32 to index
        %swap3A_55 = arith.constant 0 : index
        %swap3A_56 = tpu.vector_load %arg10[%swap3A, %swap3A_55] {strides = array<i32>} : memref<128x128xf32, #tpu.memory_space<vmem>>, vector<1x16xf32>,
        %swap3A_57 = vector.shape_cast %swap3A_56 : vector<1x16xf32> to vector<16xf32>
        %swap3A_58 = vector.shape_cast %mul3A_54 : vector<16xf32> to vector<1x16xf32>
        tpu.vector_store %arg10[%swap3A, %swap3A_55], %swap3A_58 {strides = array<i32>} : memref<128x128xf32, #tpu.memory_space<vmem>>, vector<1x16xf32>,
        %get3A_59 = arith.index_cast %scan3A_45 : i32 to index
        %get3A_60 = arith.constant 16 : index
        %get3A_61 = tpu.vector_load %arg10[%get3A_59, %get3A_60] {strides = array<i32>} : memref<128x128xf32, #tpu.memory_space<vmem>>, vector<1x16xf32>,
        %get3A_62 = vector.shape_cast %get3A_61 : vector<1x16xf32> to vector<16xf32>
        %get3A_63 = arith.index_cast %scan3A_45 : i32 to index
        %get3A_64 = arith.constant 16 : index
        %get3A_65 = tpu.vector_load %arg11[%get3A_63, %get3A_64] {strides = array<i32>} : memref<128x128xf32, #tpu.memory_space<vmem>>, vector<1x16xf32>,
        %get3A_66 = vector.shape_cast %get3A_65 : vector<1x16xf32> to vector<16xf32>
        %mul3A_67 = arith.mulf %get3A_62, %get3A_66 : vector<16xf32>
        %swap3A_68 = arith.index_cast %scan3A_45 : i32 to index
        %swap3A_69 = arith.constant 16 : index
        %swap3A_70 = tpu.vector_load %arg10[%swap3A_68, %swap3A_69] {strides = array<i32>} : memref<128x128xf32, #tpu.memory_space<vmem>>, vector<1x16xf32>,
        %swap3A_71 = vector.shape_cast %swap3A_70 : vector<1x16xf32> to vector<16xf32>
        %swap3A_72 = vector.shape_cast %mul3A_67 : vector<16xf32> to vector<1x16xf32>
        tpu.vector_store %arg10[%swap3A_68, %swap3A_69], %swap3A_72 {strides = array<i32>} : memref<128x128xf32, #tpu.memory_space<vmem>>, vector<1x16xf32>,
        %get3A_73 = arith.index_cast %scan3A_45 : i32 to index
        %get3A_74 = arith.constant 32 : index
        %get3A_75 = tpu.vector_load %arg10[%get3A_73, %get3A_74] {strides = array<i32>} : memref<128x128xf32, #tpu.memory_space<vmem>>, vector<1x16xf32>,
        %get3A_76 = vector.shape_cast %get3A_75 : vector<1x16xf32> to vector<16xf32>
        %get3A_77 = arith.index_cast %scan3A_45 : i32 to index
        %get3A_78 = arith.constant 32 : index
        %get3A_79 = tpu.vector_load %arg11[%get3A_77, %get3A_78] {strides = array<i32>} : memref<128x128xf32, #tpu.memory_space<vmem>>, vector<1x16xf32>,
        %get3A_80 = vector.shape_cast %get3A_79 : vector<1x16xf32> to vector<16xf32>
        %mul3A_81 = arith.mulf %get3A_76, %get3A_80 : vector<16xf32>
        %swap3A_82 = arith.index_cast %scan3A_45 : i32 to index
        %swap3A_83 = arith.constant 32 : index
        %swap3A_84 = tpu.vector_load %arg10[%swap3A_82, %swap3A_83] {strides = array<i32>} : memref<128x128xf32, #tpu.memory_space<vmem>>, vector<1x16xf32>,
        %swap3A_85 = vector.shape_cast %swap3A_84 : vector<1x16xf32> to vector<16xf32>
        %swap3A_86 = vector.shape_cast %mul3A_81 : vector<16xf32> to vector<1x16xf32>
        tpu.vector_store %arg10[%swap3A_82, %swap3A_83], %swap3A_86 {strides = array<i32>} : memref<128x128xf32, #tpu.memory_space<vmem>>, vector<1x16xf32>,
        %get3A_87 = arith.index_cast %scan3A_45 : i32 to index
        %get3A_88 = arith.constant 48 : index
        %get3A_89 = tpu.vector_load %arg10[%get3A_87, %get3A_88] {strides = array<i32>} : memref<128x128xf32, #tpu.memory_space<vmem>>, vector<1x16xf32>,
        %get3A_90 = vector.shape_cast %get3A_89 : vector<1x16xf32> to vector<16xf32>
        %get3A_91 = arith.index_cast %scan3A_45 : i32 to index
        %get3A_92 = arith.constant 48 : index
        %get3A_93 = tpu.vector_load %arg11[%get3A_91, %get3A_92] {strides = array<i32>} : memref<128x128xf32, #tpu.memory_space<vmem>>, vector<1x16xf32>,
        %get3A_94 = vector.shape_cast %get3A_93 : vector<1x16xf32> to vector<16xf32>
        %mul3A_95 = arith.mulf %get3A_90, %get3A_94 : vector<16xf32>
        %swap3A_96 = arith.index_cast %scan3A_45 : i32 to index
        %swap3A_97 = arith.constant 48 : index
        %swap3A_98 = tpu.vector_load %arg10[%swap3A_96, %swap3A_97] {strides = array<i32>} : memref<128x128xf32, #tpu.memory_space<vmem>>, vector<1x16xf32>,
        %swap3A_99 = vector.shape_cast %swap3A_98 : vector<1x16xf32> to vector<16xf32>
        %swap3A_100 = vector.shape_cast %mul3A_95 : vector<16xf32> to vector<1x16xf32>
        tpu.vector_store %arg10[%swap3A_96, %swap3A_97], %swap3A_100 {strides = array<i32>} : memref<128x128xf32, #tpu.memory_space<vmem>>, vector<1x16xf32>,
        %get3A_101 = arith.index_cast %scan3A_45 : i32 to index
        %get3A_102 = arith.constant 64 : index
        %get3A_103 = tpu.vector_load %arg10[%get3A_101, %get3A_102] {strides = array<i32>} : memref<128x128xf32, #tpu.memory_space<vmem>>, vector<1x16xf32>,
        %get3A_104 = vector.shape_cast %get3A_103 : vector<1x16xf32> to vector<16xf32>
        %get3A_105 = arith.index_cast %scan3A_45 : i32 to index
        %get3A_106 = arith.constant 64 : index
        %get3A_107 = tpu.vector_load %arg11[%get3A_105, %get3A_106] {strides = array<i32>} : memref<128x128xf32, #tpu.memory_space<vmem>>, vector<1x16xf32>,
        %get3A_108 = vector.shape_cast %get3A_107 : vector<1x16xf32> to vector<16xf32>
        %mul3A_109 = arith.mulf %get3A_104, %get3A_108 : vector<16xf32>
        %swap3A_110 = arith.index_cast %scan3A_45 : i32 to index
        %swap3A_111 = arith.constant 64 : index
        %swap3A_112 = tpu.vector_load %arg10[%swap3A_110, %swap3A_111] {strides = array<i32>} : memref<128x128xf32, #tpu.memory_space<vmem>>, vector<1x16xf32>,
        %swap3A_113 = vector.shape_cast %swap3A_112 : vector<1x16xf32> to vector<16xf32>
        %swap3A_114 = vector.shape_cast %mul3A_109 : vector<16xf32> to vector<1x16xf32>
        tpu.vector_store %arg10[%swap3A_110, %swap3A_111], %swap3A_114 {strides = array<i32>} : memref<128x128xf32, #tpu.memory_space<vmem>>, vector<1x16xf32>,
        %get3A_115 = arith.index_cast %scan3A_45 : i32 to index
        %get3A_116 = arith.constant 80 : index
        %get3A_117 = tpu.vector_load %arg10[%get3A_115, %get3A_116] {strides = array<i32>} : memref<128x128xf32, #tpu.memory_space<vmem>>, vector<1x16xf32>,
        %get3A_118 = vector.shape_cast %get3A_117 : vector<1x16xf32> to vector<16xf32>
        %get3A_119 = arith.index_cast %scan3A_45 : i32 to index
        %get3A_120 = arith.constant 80 : index
        %get3A_121 = tpu.vector_load %arg11[%get3A_119, %get3A_120] {strides = array<i32>} : memref<128x128xf32, #tpu.memory_space<vmem>>, vector<1x16xf32>,
        %get3A_122 = vector.shape_cast %get3A_121 : vector<1x16xf32> to vector<16xf32>
        %mul3A_123 = arith.mulf %get3A_118, %get3A_122 : vector<16xf32>
        %swap3A_124 = arith.index_cast %scan3A_45 : i32 to index
        %swap3A_125 = arith.constant 80 : index
        %swap3A_126 = tpu.vector_load %arg10[%swap3A_124, %swap3A_125] {strides = array<i32>} : memref<128x128xf32, #tpu.memory_space<vmem>>, vector<1x16xf32>,
        %swap3A_127 = vector.shape_cast %swap3A_126 : vector<1x16xf32> to vector<16xf32>
        %swap3A_128 = vector.shape_cast %mul3A_123 : vector<16xf32> to vector<1x16xf32>
        tpu.vector_store %arg10[%swap3A_124, %swap3A_125], %swap3A_128 {strides = array<i32>} : memref<128x128xf32, #tpu.memory_space<vmem>>, vector<1x16xf32>,
        %get3A_129 = arith.index_cast %scan3A_45 : i32 to index
        %get3A_130 = arith.constant 96 : index
        %get3A_131 = tpu.vector_load %arg10[%get3A_129, %get3A_130] {strides = array<i32>} : memref<128x128xf32, #tpu.memory_space<vmem>>, vector<1x16xf32>,
        %get3A_132 = vector.shape_cast %get3A_131 : vector<1x16xf32> to vector<16xf32>
        %get3A_133 = arith.index_cast %scan3A_45 : i32 to index
        %get3A_134 = arith.constant 96 : index
        %get3A_135 = tpu.vector_load %arg11[%get3A_133, %get3A_134] {strides = array<i32>} : memref<128x128xf32, #tpu.memory_space<vmem>>, vector<1x16xf32>,
        %get3A_136 = vector.shape_cast %get3A_135 : vector<1x16xf32> to vector<16xf32>
        %mul3A_137 = arith.mulf %get3A_132, %get3A_136 : vector<16xf32>
        %swap3A_138 = arith.index_cast %scan3A_45 : i32 to index
        %swap3A_139 = arith.constant 96 : index
        %swap3A_140 = tpu.vector_load %arg10[%swap3A_138, %swap3A_139] {strides = array<i32>} : memref<128x128xf32, #tpu.memory_space<vmem>>, vector<1x16xf32>,
        %swap3A_141 = vector.shape_cast %swap3A_140 : vector<1x16xf32> to vector<16xf32>
        %swap3A_142 = vector.shape_cast %mul3A_137 : vector<16xf32> to vector<1x16xf32>
        tpu.vector_store %arg10[%swap3A_138, %swap3A_139], %swap3A_142 {strides = array<i32>} : memref<128x128xf32, #tpu.memory_space<vmem>>, vector<1x16xf32>,
        %get3A_143 = arith.index_cast %scan3A_45 : i32 to index
        %get3A_144 = arith.constant 112 : index
        %get3A_145 = tpu.vector_load %arg10[%get3A_143, %get3A_144] {strides = array<i32>} : memref<128x128xf32, #tpu.memory_space<vmem>>, vector<1x16xf32>,
        %get3A_146 = vector.shape_cast %get3A_145 : vector<1x16xf32> to vector<16xf32>
        %get3A_147 = arith.index_cast %scan3A_45 : i32 to index
        %get3A_148 = arith.constant 112 : index
        %get3A_149 = tpu.vector_load %arg11[%get3A_147, %get3A_148] {strides = array<i32>} : memref<128x128xf32, #tpu.memory_space<vmem>>, vector<1x16xf32>,
        %get3A_150 = vector.shape_cast %get3A_149 : vector<1x16xf32> to vector<16xf32>
        %mul3A_151 = arith.mulf %get3A_146, %get3A_150 : vector<16xf32>
        %swap3A_152 = arith.index_cast %scan3A_45 : i32 to index
        %swap3A_153 = arith.constant 112 : index
        %swap3A_154 = tpu.vector_load %arg10[%swap3A_152, %swap3A_153] {strides = array<i32>} : memref<128x128xf32, #tpu.memory_space<vmem>>, vector<1x16xf32>,
        %swap3A_155 = vector.shape_cast %swap3A_154 : vector<1x16xf32> to vector<16xf32>
        %swap3A_156 = vector.shape_cast %mul3A_151 : vector<16xf32> to vector<1x16xf32>
        tpu.vector_store %arg10[%swap3A_152, %swap3A_153], %swap3A_156 {strides = array<i32>} : memref<128x128xf32, #tpu.memory_space<vmem>>, vector<1x16xf32>,
        %scan3A_157 = arith.constant 0 : i32
        scf.yield %scan3A_157 : i32
      }
      %scan3A_44 = arith.constant 128 : i32
      "tpu.region"() ({
        %run_scoped3A = tpu.sem_alloc : memref<!tpu.dma_semaphore, #tpu.memory_space<semaphore_mem>>
        %dma_start3A_45 = arith.constant 0 : i32
        %dma_start3A_46 = arith.constant 0 : i32
        %dma_start3A_47 = tpu.memref_slice %arg12[%dma_start3A_45, %dma_start3A_46] : memref<10000x128xf32, #tpu.memory_space<vmem_shared>> -> memref<10000x128xf32, #tpu.memory_space<vmem_shared>>
        tpu.enqueue_indirect_dma source(%arg10 : memref<128x128xf32, #tpu.memory_space<vmem>>) target(%dma_start3A_47 : memref<10000x128xf32, #tpu.memory_space<vmem_shared>>) offsets(%arg9 : memref<128xi32, #tpu.memory_space<vmem>>) semaphore(%run_scoped3A : memref<!tpu.dma_semaphore, #tpu.memory_space<semaphore_mem>>) {add = true}
        %dma_wait3A_48 = arith.constant 0 : i32
        %dma_wait3A_49 = arith.constant 0 : i32
        %dma_wait3A_50 = tpu.memref_slice %arg12[%dma_wait3A_48, %dma_wait3A_49] : memref<10000x128xf32, #tpu.memory_space<vmem_shared>> -> memref<10000x128xf32, #tpu.memory_space<vmem_shared>>
        tpu.wait_indirect_dma semaphore(%run_scoped3A : memref<!tpu.dma_semaphore, #tpu.memory_space<semaphore_mem>>) src(%arg10 : memref<128x128xf32, #tpu.memory_space<vmem>>) dst(%dma_wait3A_50 : memref<10000x128xf32, #tpu.memory_space<vmem_shared>>)
        tpu.yield
      }) : () -> ()
    } else {
    }
    %barrier3A_17 = arith.constant 0 : index
    tpu.barrier barrier_id(%barrier3A_17)
    %mul3A_18 = arith.constant 624 : i32
    %mul3A_19 = arith.muli %arg1, %mul3A_18 : i32
    %multiple_of3A_20 = tpu.assume_multiple %mul3A_19, 8 : i32
    "tpu.region"() ({
      %run_scoped3A = tpu.sem_alloc : memref<!tpu.dma_semaphore, #tpu.memory_space<semaphore_mem>>
      %dma_start3A = arith.constant 0 : i32
      %dma_start3A_26 = arith.constant 0 : i32
      %dma_start3A_27 = tpu.memref_slice %arg7[%arg0, %dma_start3A, %dma_start3A_26] : memref<2x10000x128xf32, #tpu.memory_space<hbm>> -> memref<1x10000x128xf32, #tpu.memory_space<hbm>>
      %dma_start3A_28 = tpu.memref_squeeze %dma_start3A_27 : memref<1x10000x128xf32, #tpu.memory_space<hbm>> -> memref<10000x128xf32, #tpu.memory_space<hbm>>
      %dma_start3A_29 = arith.constant 0 : i32
      %dma_start3A_30 = tpu.memref_slice %dma_start3A_28[%multiple_of3A_20, %dma_start3A_29] : memref<10000x128xf32, #tpu.memory_space<hbm>> -> memref<624x128xf32, #tpu.memory_space<hbm>>
      %dma_start3A_31 = arith.constant 0 : i32
      %dma_start3A_32 = tpu.memref_slice %arg12[%multiple_of3A_20, %dma_start3A_31] : memref<10000x128xf32, #tpu.memory_space<vmem_shared>> -> memref<624x128xf32, #tpu.memory_space<vmem_shared>>
      tpu.enqueue_dma source(%dma_start3A_32 : memref<624x128xf32, #tpu.memory_space<vmem_shared>>) target(%dma_start3A_30 : memref<624x128xf32, #tpu.memory_space<hbm>>) target_semaphore(%run_scoped3A : memref<!tpu.dma_semaphore, #tpu.memory_space<semaphore_mem>>)
      %dma_wait3A = arith.constant 0 : i32
      %dma_wait3A_33 = arith.constant 0 : i32
      %dma_wait3A_34 = tpu.memref_slice %arg7[%arg0, %dma_wait3A, %dma_wait3A_33] : memref<2x10000x128xf32, #tpu.memory_space<hbm>> -> memref<1x10000x128xf32, #tpu.memory_space<hbm>>
      %dma_wait3A_35 = tpu.memref_squeeze %dma_wait3A_34 : memref<1x10000x128xf32, #tpu.memory_space<hbm>> -> memref<10000x128xf32, #tpu.memory_space<hbm>>
      %dma_wait3A_36 = arith.constant 0 : i32
      %dma_wait3A_37 = tpu.memref_slice %dma_wait3A_35[%multiple_of3A_20, %dma_wait3A_36] : memref<10000x128xf32, #tpu.memory_space<hbm>> -> memref<624x128xf32, #tpu.memory_space<hbm>>
      %dma_wait3A_38 = arith.constant 0 : i32
      %dma_wait3A_39 = tpu.memref_slice %arg12[%multiple_of3A_20, %dma_wait3A_38] : memref<10000x128xf32, #tpu.memory_space<vmem_shared>> -> memref<624x128xf32, #tpu.memory_space<vmem_shared>>
      tpu.wait_dma2 semaphore(%run_scoped3A : memref<!tpu.dma_semaphore, #tpu.memory_space<semaphore_mem>>) src(%dma_wait3A_39 : memref<624x128xf32, #tpu.memory_space<vmem_shared>>) dst(%dma_wait3A_37 : memref<624x128xf32, #tpu.memory_space<hbm>>)
      tpu.yield
    }) : () -> ()
    %eq3A_21 = arith.constant 15 : i32
    %eq3A_22 = arith.cmpi eq, %arg1, %eq3A_21 : i32
    %convert_element_type3A_23 = arith.extui %eq3A_22 : i1 to i32
    %cond3A_24 = arith.constant 0 : i32
    %cond3A_25 = arith.cmpi ne, %convert_element_type3A_23, %cond3A_24 : i32
    scf.if %cond3A_25 {
      "tpu.region"() ({
        %run_scoped3A = tpu.sem_alloc : memref<!tpu.dma_semaphore, #tpu.memory_space<semaphore_mem>>
        %dma_start3A = arith.constant 0 : i32
        %dma_start3A_26 = arith.constant 0 : i32
        %dma_start3A_27 = tpu.memref_slice %arg7[%arg0, %dma_start3A, %dma_start3A_26] : memref<2x10000x128xf32, #tpu.memory_space<hbm>> -> memref<1x10000x128xf32, #tpu.memory_space<hbm>>
        %dma_start3A_28 = tpu.memref_squeeze %dma_start3A_27 : memref<1x10000x128xf32, #tpu.memory_space<hbm>> -> memref<10000x128xf32, #tpu.memory_space<hbm>>
        %dma_start3A_29 = arith.constant 9984 : i32
        %dma_start3A_30 = arith.constant 0 : i32
        %dma_start3A_31 = tpu.memref_slice %dma_start3A_28[%dma_start3A_29, %dma_start3A_30] : memref<10000x128xf32, #tpu.memory_space<hbm>> -> memref<16x128xf32, #tpu.memory_space<hbm>>
        %dma_start3A_32 = arith.constant 9984 : i32
        %dma_start3A_33 = arith.constant 0 : i32
        %dma_start3A_34 = tpu.memref_slice %arg12[%dma_start3A_32, %dma_start3A_33] : memref<10000x128xf32, #tpu.memory_space<vmem_shared>> -> memref<16x128xf32, #tpu.memory_space<vmem_shared>>
        tpu.enqueue_dma source(%dma_start3A_34 : memref<16x128xf32, #tpu.memory_space<vmem_shared>>) target(%dma_start3A_31 : memref<16x128xf32, #tpu.memory_space<hbm>>) target_semaphore(%run_scoped3A : memref<!tpu.dma_semaphore, #tpu.memory_space<semaphore_mem>>)
        %dma_wait3A = arith.constant 0 : i32
        %dma_wait3A_35 = arith.constant 0 : i32
        %dma_wait3A_36 = tpu.memref_slice %arg7[%arg0, %dma_wait3A, %dma_wait3A_35] : memref<2x10000x128xf32, #tpu.memory_space<hbm>> -> memref<1x10000x128xf32, #tpu.memory_space<hbm>>
        %dma_wait3A_37 = tpu.memref_squeeze %dma_wait3A_36 : memref<1x10000x128xf32, #tpu.memory_space<hbm>> -> memref<10000x128xf32, #tpu.memory_space<hbm>>
        %dma_wait3A_38 = arith.constant 9984 : i32
        %dma_wait3A_39 = arith.constant 0 : i32
        %dma_wait3A_40 = tpu.memref_slice %dma_wait3A_37[%dma_wait3A_38, %dma_wait3A_39] : memref<10000x128xf32, #tpu.memory_space<hbm>> -> memref<16x128xf32, #tpu.memory_space<hbm>>
        %dma_wait3A_41 = arith.constant 9984 : i32
        %dma_wait3A_42 = arith.constant 0 : i32
        %dma_wait3A_43 = tpu.memref_slice %arg12[%dma_wait3A_41, %dma_wait3A_42] : memref<10000x128xf32, #tpu.memory_space<vmem_shared>> -> memref<16x128xf32, #tpu.memory_space<vmem_shared>>
        tpu.wait_dma2 semaphore(%run_scoped3A : memref<!tpu.dma_semaphore, #tpu.memory_space<semaphore_mem>>) src(%dma_wait3A_43 : memref<16x128xf32, #tpu.memory_space<vmem_shared>>) dst(%dma_wait3A_40 : memref<16x128xf32, #tpu.memory_space<hbm>>)
        tpu.yield
      }) : () -> ()
    } else {
    }
    return
  }
}

#map = affine_map<(d0, d1) -> (0, 0)>
#map1 = affine_map<(d0, d1) -> (0, 0, 0)>
module attributes {stable_mosaic.version = 14 : i64} {
  func.func @_cfconv_body(%arg0: i32, %arg1: i32, %arg2: memref<10000x128xf32, #tpu.memory_space<hbm>>, %arg3: memref<321536x128xf32, #tpu.memory_space<hbm>>, %arg4: memref<2500x128xi32, #tpu.memory_space<hbm>>, %arg5: memref<2500x128xi32, #tpu.memory_space<hbm>>, %arg6: memref<10000x128xf32, #tpu.memory_space<hbm>>, %arg7: memref<2x10000x128xf32, #tpu.memory_space<hbm>>, %arg8: memref<128xi32, #tpu.memory_space<vmem>>, %arg9: memref<128xi32, #tpu.memory_space<vmem>>, %arg10: memref<128x128xf32, #tpu.memory_space<vmem>>, %arg11: memref<128x128xf32, #tpu.memory_space<vmem>>, %arg12: memref<10000x128xf32, #tpu.memory_space<vmem_shared>>, %arg13: memref<!tpu.dma_semaphore, #tpu.memory_space<semaphore_mem>>) attributes {dimension_semantics = [#tpu.dimension_semantics<core_parallel>, #tpu.dimension_semantics<subcore_parallel>], iteration_bounds = array<i64: 2, 16>, scalar_prefetch = 0 : i64, scratch_operands = 6 : i64, tpu.core_type = #tpu.core_type<sc_vector_subcore>, window_params = [{transform_indices = #map}, {transform_indices = #map}, {transform_indices = #map}, {transform_indices = #map}, {transform_indices = #map}, {transform_indices = #map1}]} {
    %mul3A = arith.constant 624 : i32
    %mul3A_0 = arith.muli %arg1, %mul3A : i32
    %multiple_of3A = tpu.assume_multiple %mul3A_0, 8 : i32
    "tpu.region"() ({
      %run_scoped3A = tpu.sem_alloc : memref<!tpu.dma_semaphore, #tpu.memory_space<semaphore_mem>>
      %dma_start3A = arith.constant 0 : i32
      %dma_start3A_26 = tpu.memref_slice %arg12[%multiple_of3A, %dma_start3A] : memref<10000x128xf32, #tpu.memory_space<vmem_shared>> -> memref<624x128xf32, #tpu.memory_space<vmem_shared>>
      %dma_start3A_27 = arith.constant 0 : i32
      %dma_start3A_28 = tpu.memref_slice %arg6[%multiple_of3A, %dma_start3A_27] : memref<10000x128xf32, #tpu.memory_space<hbm>> -> memref<624x128xf32, #tpu.memory_space<hbm>>
      tpu.enqueue_dma source(%dma_start3A_28 : memref<624x128xf32, #tpu.memory_space<hbm>>) target(%dma_start3A_26 : memref<624x128xf32, #tpu.memory_space<vmem_shared>>) target_semaphore(%run_scoped3A : memref<!tpu.dma_semaphore, #tpu.memory_space<semaphore_mem>>)
      %dma_wait3A = arith.constant 0 : i32
      %dma_wait3A_29 = tpu.memref_slice %arg12[%multiple_of3A, %dma_wait3A] : memref<10000x128xf32, #tpu.memory_space<vmem_shared>> -> memref<624x128xf32, #tpu.memory_space<vmem_shared>>
      %dma_wait3A_30 = arith.constant 0 : i32
      %dma_wait3A_31 = tpu.memref_slice %arg6[%multiple_of3A, %dma_wait3A_30] : memref<10000x128xf32, #tpu.memory_space<hbm>> -> memref<624x128xf32, #tpu.memory_space<hbm>>
      tpu.wait_dma2 semaphore(%run_scoped3A : memref<!tpu.dma_semaphore, #tpu.memory_space<semaphore_mem>>) src(%dma_wait3A_31 : memref<624x128xf32, #tpu.memory_space<hbm>>) dst(%dma_wait3A_29 : memref<624x128xf32, #tpu.memory_space<vmem_shared>>)
      tpu.yield
    }) : () -> ()
    %eq3A = arith.constant 15 : i32
    %eq3A_1 = arith.cmpi eq, %arg1, %eq3A : i32
    %convert_element_type3A = arith.extui %eq3A_1 : i1 to i32
    %cond3A = arith.constant 0 : i32
    %cond3A_2 = arith.cmpi ne, %convert_element_type3A, %cond3A : i32
    scf.if %cond3A_2 {
      "tpu.region"() ({
        %run_scoped3A = tpu.sem_alloc : memref<!tpu.dma_semaphore, #tpu.memory_space<semaphore_mem>>
        %dma_start3A = arith.constant 9984 : i32
        %dma_start3A_26 = arith.constant 0 : i32
        %dma_start3A_27 = tpu.memref_slice %arg12[%dma_start3A, %dma_start3A_26] : memref<10000x128xf32, #tpu.memory_space<vmem_shared>> -> memref<16x128xf32, #tpu.memory_space<vmem_shared>>
        %dma_start3A_28 = arith.constant 9984 : i32
        %dma_start3A_29 = arith.constant 0 : i32
        %dma_start3A_30 = tpu.memref_slice %arg6[%dma_start3A_28, %dma_start3A_29] : memref<10000x128xf32, #tpu.memory_space<hbm>> -> memref<16x128xf32, #tpu.memory_space<hbm>>
        tpu.enqueue_dma source(%dma_start3A_30 : memref<16x128xf32, #tpu.memory_space<hbm>>) target(%dma_start3A_27 : memref<16x128xf32, #tpu.memory_space<vmem_shared>>) target_semaphore(%run_scoped3A : memref<!tpu.dma_semaphore, #tpu.memory_space<semaphore_mem>>)
        %dma_wait3A = arith.constant 9984 : i32
        %dma_wait3A_31 = arith.constant 0 : i32
        %dma_wait3A_32 = tpu.memref_slice %arg12[%dma_wait3A, %dma_wait3A_31] : memref<10000x128xf32, #tpu.memory_space<vmem_shared>> -> memref<16x128xf32, #tpu.memory_space<vmem_shared>>
        %dma_wait3A_33 = arith.constant 9984 : i32
        %dma_wait3A_34 = arith.constant 0 : i32
        %dma_wait3A_35 = tpu.memref_slice %arg6[%dma_wait3A_33, %dma_wait3A_34] : memref<10000x128xf32, #tpu.memory_space<hbm>> -> memref<16x128xf32, #tpu.memory_space<hbm>>
        tpu.wait_dma2 semaphore(%run_scoped3A : memref<!tpu.dma_semaphore, #tpu.memory_space<semaphore_mem>>) src(%dma_wait3A_35 : memref<16x128xf32, #tpu.memory_space<hbm>>) dst(%dma_wait3A_32 : memref<16x128xf32, #tpu.memory_space<vmem_shared>>)
        tpu.yield
      }) : () -> ()
    } else {
    }
    %barrier3A = arith.constant 0 : index
    tpu.barrier barrier_id(%barrier3A)
    %mul3A_3 = arith.constant 1250 : i32
    %mul3A_4 = arith.muli %arg0, %mul3A_3 : i32
    %mul3A_5 = arith.constant 78 : i32
    %mul3A_6 = arith.muli %arg1, %mul3A_5 : i32
    %add3A = arith.addi %mul3A_4, %mul3A_6 : i32
    %scan3A = arith.constant 0 : i32
    %scan3A_7 = arith.constant 0 : i32
    %scan3A_8 = arith.constant 78 : i32
    %scan3A_9 = arith.addi %scan3A_7, %scan3A_8 : i32
    %scan3A_10 = arith.constant 1 : i32
    %scan3A_11 = scf.for %scan3A_26 = %scan3A_7 to %scan3A_9 step %scan3A_10 iter_args(%scan3A_27 = %scan3A) -> (i32)  : i32 {
      %add3A_28 = arith.addi %add3A, %scan3A_26 : i32
      "tpu.region"() ({
        %run_scoped3A = tpu.sem_alloc : memref<!tpu.dma_semaphore, #tpu.memory_space<semaphore_mem>>
        %dma_start3A_44 = arith.constant 0 : i32
        %dma_start3A_45 = tpu.memref_slice %arg5[%add3A_28, %dma_start3A_44] : memref<2500x128xi32, #tpu.memory_space<hbm>> -> memref<1x128xi32, #tpu.memory_space<hbm>>
        %dma_start3A_46 = tpu.memref_squeeze %dma_start3A_45 : memref<1x128xi32, #tpu.memory_space<hbm>> -> memref<128xi32, #tpu.memory_space<hbm>>
        %dma_start3A_47 = arith.constant 0 : i32
        %dma_start3A_48 = tpu.memref_slice %arg5[%add3A_28, %dma_start3A_47] : memref<2500x128xi32, #tpu.memory_space<hbm>> -> memref<1x128xi32, #tpu.memory_space<hbm>>
        %dma_start3A_49 = tpu.memref_squeeze %dma_start3A_48 : memref<1x128xi32, #tpu.memory_space<hbm>> -> memref<128xi32, #tpu.memory_space<hbm>>
        tpu.enqueue_dma source(%dma_start3A_49 : memref<128xi32, #tpu.memory_space<hbm>>) target(%arg8 : memref<128xi32, #tpu.memory_space<vmem>>) target_semaphore(%run_scoped3A : memref<!tpu.dma_semaphore, #tpu.memory_space<semaphore_mem>>)
        %dma_wait3A_50 = arith.constant 0 : i32
        %dma_wait3A_51 = tpu.memref_slice %arg5[%add3A_28, %dma_wait3A_50] : memref<2500x128xi32, #tpu.memory_space<hbm>> -> memref<1x128xi32, #tpu.memory_space<hbm>>
        %dma_wait3A_52 = tpu.memref_squeeze %dma_wait3A_51 : memref<1x128xi32, #tpu.memory_space<hbm>> -> memref<128xi32, #tpu.memory_space<hbm>>
        %dma_wait3A_53 = arith.constant 0 : i32
        %dma_wait3A_54 = tpu.memref_slice %arg5[%add3A_28, %dma_wait3A_53] : memref<2500x128xi32, #tpu.memory_space<hbm>> -> memref<1x128xi32, #tpu.memory_space<hbm>>
        %dma_wait3A_55 = tpu.memref_squeeze %dma_wait3A_54 : memref<1x128xi32, #tpu.memory_space<hbm>> -> memref<128xi32, #tpu.memory_space<hbm>>
        tpu.wait_dma2 semaphore(%run_scoped3A : memref<!tpu.dma_semaphore, #tpu.memory_space<semaphore_mem>>) src(%dma_wait3A_55 : memref<128xi32, #tpu.memory_space<hbm>>) dst(%arg8 : memref<128xi32, #tpu.memory_space<vmem>>)
        tpu.yield
      }) : () -> ()
      "tpu.region"() ({
        %run_scoped3A = tpu.sem_alloc : memref<!tpu.dma_semaphore, #tpu.memory_space<semaphore_mem>>
        %dma_start3A_44 = arith.constant 0 : i32
        %dma_start3A_45 = tpu.memref_slice %arg4[%add3A_28, %dma_start3A_44] : memref<2500x128xi32, #tpu.memory_space<hbm>> -> memref<1x128xi32, #tpu.memory_space<hbm>>
        %dma_start3A_46 = tpu.memref_squeeze %dma_start3A_45 : memref<1x128xi32, #tpu.memory_space<hbm>> -> memref<128xi32, #tpu.memory_space<hbm>>
        %dma_start3A_47 = arith.constant 0 : i32
        %dma_start3A_48 = tpu.memref_slice %arg4[%add3A_28, %dma_start3A_47] : memref<2500x128xi32, #tpu.memory_space<hbm>> -> memref<1x128xi32, #tpu.memory_space<hbm>>
        %dma_start3A_49 = tpu.memref_squeeze %dma_start3A_48 : memref<1x128xi32, #tpu.memory_space<hbm>> -> memref<128xi32, #tpu.memory_space<hbm>>
        tpu.enqueue_dma source(%dma_start3A_49 : memref<128xi32, #tpu.memory_space<hbm>>) target(%arg9 : memref<128xi32, #tpu.memory_space<vmem>>) target_semaphore(%run_scoped3A : memref<!tpu.dma_semaphore, #tpu.memory_space<semaphore_mem>>)
        %dma_wait3A_50 = arith.constant 0 : i32
        %dma_wait3A_51 = tpu.memref_slice %arg4[%add3A_28, %dma_wait3A_50] : memref<2500x128xi32, #tpu.memory_space<hbm>> -> memref<1x128xi32, #tpu.memory_space<hbm>>
        %dma_wait3A_52 = tpu.memref_squeeze %dma_wait3A_51 : memref<1x128xi32, #tpu.memory_space<hbm>> -> memref<128xi32, #tpu.memory_space<hbm>>
        %dma_wait3A_53 = arith.constant 0 : i32
        %dma_wait3A_54 = tpu.memref_slice %arg4[%add3A_28, %dma_wait3A_53] : memref<2500x128xi32, #tpu.memory_space<hbm>> -> memref<1x128xi32, #tpu.memory_space<hbm>>
        %dma_wait3A_55 = tpu.memref_squeeze %dma_wait3A_54 : memref<1x128xi32, #tpu.memory_space<hbm>> -> memref<128xi32, #tpu.memory_space<hbm>>
        tpu.wait_dma2 semaphore(%run_scoped3A : memref<!tpu.dma_semaphore, #tpu.memory_space<semaphore_mem>>) src(%dma_wait3A_55 : memref<128xi32, #tpu.memory_space<hbm>>) dst(%arg9 : memref<128xi32, #tpu.memory_space<vmem>>)
        tpu.yield
      }) : () -> ()
      %dma_start3A = arith.constant 0 : i32
      %dma_start3A_29 = arith.constant 0 : i32
      %dma_start3A_30 = tpu.memref_slice %arg2[%dma_start3A, %dma_start3A_29] : memref<10000x128xf32, #tpu.memory_space<hbm>> -> memref<10000x128xf32, #tpu.memory_space<hbm>>
      tpu.enqueue_indirect_dma source(%dma_start3A_30 : memref<10000x128xf32, #tpu.memory_space<hbm>>) target(%arg10 : memref<128x128xf32, #tpu.memory_space<vmem>>) offsets(%arg8 : memref<128xi32, #tpu.memory_space<vmem>>) semaphore(%arg13 : memref<!tpu.dma_semaphore, #tpu.memory_space<semaphore_mem>>)
      %mul3A_31 = arith.constant 128 : i32
      %mul3A_32 = arith.muli %add3A_28, %mul3A_31 : i32
      %multiple_of3A_33 = tpu.assume_multiple %mul3A_32, 128 : i32
      "tpu.region"() ({
        %run_scoped3A = tpu.sem_alloc : memref<!tpu.dma_semaphore, #tpu.memory_space<semaphore_mem>>
        %dma_start3A_44 = arith.constant 0 : i32
        %dma_start3A_45 = tpu.memref_slice %arg3[%multiple_of3A_33, %dma_start3A_44] : memref<321536x128xf32, #tpu.memory_space<hbm>> -> memref<128x128xf32, #tpu.memory_space<hbm>>
        %dma_start3A_46 = arith.constant 0 : i32
        %dma_start3A_47 = tpu.memref_slice %arg3[%multiple_of3A_33, %dma_start3A_46] : memref<321536x128xf32, #tpu.memory_space<hbm>> -> memref<128x128xf32, #tpu.memory_space<hbm>>
        tpu.enqueue_dma source(%dma_start3A_47 : memref<128x128xf32, #tpu.memory_space<hbm>>) target(%arg11 : memref<128x128xf32, #tpu.memory_space<vmem>>) target_semaphore(%run_scoped3A : memref<!tpu.dma_semaphore, #tpu.memory_space<semaphore_mem>>)
        %dma_wait3A_48 = arith.constant 0 : i32
        %dma_wait3A_49 = tpu.memref_slice %arg3[%multiple_of3A_33, %dma_wait3A_48] : memref<321536x128xf32, #tpu.memory_space<hbm>> -> memref<128x128xf32, #tpu.memory_space<hbm>>
        %dma_wait3A_50 = arith.constant 0 : i32
        %dma_wait3A_51 = tpu.memref_slice %arg3[%multiple_of3A_33, %dma_wait3A_50] : memref<321536x128xf32, #tpu.memory_space<hbm>> -> memref<128x128xf32, #tpu.memory_space<hbm>>
        tpu.wait_dma2 semaphore(%run_scoped3A : memref<!tpu.dma_semaphore, #tpu.memory_space<semaphore_mem>>) src(%dma_wait3A_51 : memref<128x128xf32, #tpu.memory_space<hbm>>) dst(%arg11 : memref<128x128xf32, #tpu.memory_space<vmem>>)
        tpu.yield
      }) : () -> ()
      %dma_wait3A = arith.constant 0 : i32
      %dma_wait3A_34 = arith.constant 0 : i32
      %dma_wait3A_35 = tpu.memref_slice %arg2[%dma_wait3A, %dma_wait3A_34] : memref<10000x128xf32, #tpu.memory_space<hbm>> -> memref<10000x128xf32, #tpu.memory_space<hbm>>
      tpu.wait_indirect_dma semaphore(%arg13 : memref<!tpu.dma_semaphore, #tpu.memory_space<semaphore_mem>>) src(%dma_wait3A_35 : memref<10000x128xf32, #tpu.memory_space<hbm>>) dst(%arg10 : memref<128x128xf32, #tpu.memory_space<vmem>>)
      %scan3A_36 = arith.constant 0 : i32
      %scan3A_37 = arith.constant 0 : i32
      %scan3A_38 = arith.constant 128 : i32
      %scan3A_39 = arith.addi %scan3A_37, %scan3A_38 : i32
      %scan3A_40 = arith.constant 1 : i32
      %scan3A_41 = scf.for %scan3A_44 = %scan3A_37 to %scan3A_39 step %scan3A_40 iter_args(%scan3A_45 = %scan3A_36) -> (i32)  : i32 {
        %get3A = arith.index_cast %scan3A_44 : i32 to index
        %get3A_46 = arith.constant 0 : index
        %get3A_47 = tpu.vector_load %arg10[%get3A, %get3A_46] {strides = array<i32>} : memref<128x128xf32, #tpu.memory_space<vmem>>, vector<1x16xf32>,
        %get3A_48 = vector.shape_cast %get3A_47 : vector<1x16xf32> to vector<16xf32>
        %get3A_49 = arith.index_cast %scan3A_44 : i32 to index
        %get3A_50 = arith.constant 0 : index
        %get3A_51 = tpu.vector_load %arg11[%get3A_49, %get3A_50] {strides = array<i32>} : memref<128x128xf32, #tpu.memory_space<vmem>>, vector<1x16xf32>,
        %get3A_52 = vector.shape_cast %get3A_51 : vector<1x16xf32> to vector<16xf32>
        %mul3A_53 = arith.mulf %get3A_48, %get3A_52 : vector<16xf32>
        %swap3A = arith.index_cast %scan3A_44 : i32 to index
        %swap3A_54 = arith.constant 0 : index
        %swap3A_55 = tpu.vector_load %arg10[%swap3A, %swap3A_54] {strides = array<i32>} : memref<128x128xf32, #tpu.memory_space<vmem>>, vector<1x16xf32>,
        %swap3A_56 = vector.shape_cast %swap3A_55 : vector<1x16xf32> to vector<16xf32>
        %swap3A_57 = vector.shape_cast %mul3A_53 : vector<16xf32> to vector<1x16xf32>
        tpu.vector_store %arg10[%swap3A, %swap3A_54], %swap3A_57 {strides = array<i32>} : memref<128x128xf32, #tpu.memory_space<vmem>>, vector<1x16xf32>,
        %get3A_58 = arith.index_cast %scan3A_44 : i32 to index
        %get3A_59 = arith.constant 16 : index
        %get3A_60 = tpu.vector_load %arg10[%get3A_58, %get3A_59] {strides = array<i32>} : memref<128x128xf32, #tpu.memory_space<vmem>>, vector<1x16xf32>,
        %get3A_61 = vector.shape_cast %get3A_60 : vector<1x16xf32> to vector<16xf32>
        %get3A_62 = arith.index_cast %scan3A_44 : i32 to index
        %get3A_63 = arith.constant 16 : index
        %get3A_64 = tpu.vector_load %arg11[%get3A_62, %get3A_63] {strides = array<i32>} : memref<128x128xf32, #tpu.memory_space<vmem>>, vector<1x16xf32>,
        %get3A_65 = vector.shape_cast %get3A_64 : vector<1x16xf32> to vector<16xf32>
        %mul3A_66 = arith.mulf %get3A_61, %get3A_65 : vector<16xf32>
        %swap3A_67 = arith.index_cast %scan3A_44 : i32 to index
        %swap3A_68 = arith.constant 16 : index
        %swap3A_69 = tpu.vector_load %arg10[%swap3A_67, %swap3A_68] {strides = array<i32>} : memref<128x128xf32, #tpu.memory_space<vmem>>, vector<1x16xf32>,
        %swap3A_70 = vector.shape_cast %swap3A_69 : vector<1x16xf32> to vector<16xf32>
        %swap3A_71 = vector.shape_cast %mul3A_66 : vector<16xf32> to vector<1x16xf32>
        tpu.vector_store %arg10[%swap3A_67, %swap3A_68], %swap3A_71 {strides = array<i32>} : memref<128x128xf32, #tpu.memory_space<vmem>>, vector<1x16xf32>,
        %get3A_72 = arith.index_cast %scan3A_44 : i32 to index
        %get3A_73 = arith.constant 32 : index
        %get3A_74 = tpu.vector_load %arg10[%get3A_72, %get3A_73] {strides = array<i32>} : memref<128x128xf32, #tpu.memory_space<vmem>>, vector<1x16xf32>,
        %get3A_75 = vector.shape_cast %get3A_74 : vector<1x16xf32> to vector<16xf32>
        %get3A_76 = arith.index_cast %scan3A_44 : i32 to index
        %get3A_77 = arith.constant 32 : index
        %get3A_78 = tpu.vector_load %arg11[%get3A_76, %get3A_77] {strides = array<i32>} : memref<128x128xf32, #tpu.memory_space<vmem>>, vector<1x16xf32>,
        %get3A_79 = vector.shape_cast %get3A_78 : vector<1x16xf32> to vector<16xf32>
        %mul3A_80 = arith.mulf %get3A_75, %get3A_79 : vector<16xf32>
        %swap3A_81 = arith.index_cast %scan3A_44 : i32 to index
        %swap3A_82 = arith.constant 32 : index
        %swap3A_83 = tpu.vector_load %arg10[%swap3A_81, %swap3A_82] {strides = array<i32>} : memref<128x128xf32, #tpu.memory_space<vmem>>, vector<1x16xf32>,
        %swap3A_84 = vector.shape_cast %swap3A_83 : vector<1x16xf32> to vector<16xf32>
        %swap3A_85 = vector.shape_cast %mul3A_80 : vector<16xf32> to vector<1x16xf32>
        tpu.vector_store %arg10[%swap3A_81, %swap3A_82], %swap3A_85 {strides = array<i32>} : memref<128x128xf32, #tpu.memory_space<vmem>>, vector<1x16xf32>,
        %get3A_86 = arith.index_cast %scan3A_44 : i32 to index
        %get3A_87 = arith.constant 48 : index
        %get3A_88 = tpu.vector_load %arg10[%get3A_86, %get3A_87] {strides = array<i32>} : memref<128x128xf32, #tpu.memory_space<vmem>>, vector<1x16xf32>,
        %get3A_89 = vector.shape_cast %get3A_88 : vector<1x16xf32> to vector<16xf32>
        %get3A_90 = arith.index_cast %scan3A_44 : i32 to index
        %get3A_91 = arith.constant 48 : index
        %get3A_92 = tpu.vector_load %arg11[%get3A_90, %get3A_91] {strides = array<i32>} : memref<128x128xf32, #tpu.memory_space<vmem>>, vector<1x16xf32>,
        %get3A_93 = vector.shape_cast %get3A_92 : vector<1x16xf32> to vector<16xf32>
        %mul3A_94 = arith.mulf %get3A_89, %get3A_93 : vector<16xf32>
        %swap3A_95 = arith.index_cast %scan3A_44 : i32 to index
        %swap3A_96 = arith.constant 48 : index
        %swap3A_97 = tpu.vector_load %arg10[%swap3A_95, %swap3A_96] {strides = array<i32>} : memref<128x128xf32, #tpu.memory_space<vmem>>, vector<1x16xf32>,
        %swap3A_98 = vector.shape_cast %swap3A_97 : vector<1x16xf32> to vector<16xf32>
        %swap3A_99 = vector.shape_cast %mul3A_94 : vector<16xf32> to vector<1x16xf32>
        tpu.vector_store %arg10[%swap3A_95, %swap3A_96], %swap3A_99 {strides = array<i32>} : memref<128x128xf32, #tpu.memory_space<vmem>>, vector<1x16xf32>,
        %get3A_100 = arith.index_cast %scan3A_44 : i32 to index
        %get3A_101 = arith.constant 64 : index
        %get3A_102 = tpu.vector_load %arg10[%get3A_100, %get3A_101] {strides = array<i32>} : memref<128x128xf32, #tpu.memory_space<vmem>>, vector<1x16xf32>,
        %get3A_103 = vector.shape_cast %get3A_102 : vector<1x16xf32> to vector<16xf32>
        %get3A_104 = arith.index_cast %scan3A_44 : i32 to index
        %get3A_105 = arith.constant 64 : index
        %get3A_106 = tpu.vector_load %arg11[%get3A_104, %get3A_105] {strides = array<i32>} : memref<128x128xf32, #tpu.memory_space<vmem>>, vector<1x16xf32>,
        %get3A_107 = vector.shape_cast %get3A_106 : vector<1x16xf32> to vector<16xf32>
        %mul3A_108 = arith.mulf %get3A_103, %get3A_107 : vector<16xf32>
        %swap3A_109 = arith.index_cast %scan3A_44 : i32 to index
        %swap3A_110 = arith.constant 64 : index
        %swap3A_111 = tpu.vector_load %arg10[%swap3A_109, %swap3A_110] {strides = array<i32>} : memref<128x128xf32, #tpu.memory_space<vmem>>, vector<1x16xf32>,
        %swap3A_112 = vector.shape_cast %swap3A_111 : vector<1x16xf32> to vector<16xf32>
        %swap3A_113 = vector.shape_cast %mul3A_108 : vector<16xf32> to vector<1x16xf32>
        tpu.vector_store %arg10[%swap3A_109, %swap3A_110], %swap3A_113 {strides = array<i32>} : memref<128x128xf32, #tpu.memory_space<vmem>>, vector<1x16xf32>,
        %get3A_114 = arith.index_cast %scan3A_44 : i32 to index
        %get3A_115 = arith.constant 80 : index
        %get3A_116 = tpu.vector_load %arg10[%get3A_114, %get3A_115] {strides = array<i32>} : memref<128x128xf32, #tpu.memory_space<vmem>>, vector<1x16xf32>,
        %get3A_117 = vector.shape_cast %get3A_116 : vector<1x16xf32> to vector<16xf32>
        %get3A_118 = arith.index_cast %scan3A_44 : i32 to index
        %get3A_119 = arith.constant 80 : index
        %get3A_120 = tpu.vector_load %arg11[%get3A_118, %get3A_119] {strides = array<i32>} : memref<128x128xf32, #tpu.memory_space<vmem>>, vector<1x16xf32>,
        %get3A_121 = vector.shape_cast %get3A_120 : vector<1x16xf32> to vector<16xf32>
        %mul3A_122 = arith.mulf %get3A_117, %get3A_121 : vector<16xf32>
        %swap3A_123 = arith.index_cast %scan3A_44 : i32 to index
        %swap3A_124 = arith.constant 80 : index
        %swap3A_125 = tpu.vector_load %arg10[%swap3A_123, %swap3A_124] {strides = array<i32>} : memref<128x128xf32, #tpu.memory_space<vmem>>, vector<1x16xf32>,
        %swap3A_126 = vector.shape_cast %swap3A_125 : vector<1x16xf32> to vector<16xf32>
        %swap3A_127 = vector.shape_cast %mul3A_122 : vector<16xf32> to vector<1x16xf32>
        tpu.vector_store %arg10[%swap3A_123, %swap3A_124], %swap3A_127 {strides = array<i32>} : memref<128x128xf32, #tpu.memory_space<vmem>>, vector<1x16xf32>,
        %get3A_128 = arith.index_cast %scan3A_44 : i32 to index
        %get3A_129 = arith.constant 96 : index
        %get3A_130 = tpu.vector_load %arg10[%get3A_128, %get3A_129] {strides = array<i32>} : memref<128x128xf32, #tpu.memory_space<vmem>>, vector<1x16xf32>,
        %get3A_131 = vector.shape_cast %get3A_130 : vector<1x16xf32> to vector<16xf32>
        %get3A_132 = arith.index_cast %scan3A_44 : i32 to index
        %get3A_133 = arith.constant 96 : index
        %get3A_134 = tpu.vector_load %arg11[%get3A_132, %get3A_133] {strides = array<i32>} : memref<128x128xf32, #tpu.memory_space<vmem>>, vector<1x16xf32>,
        %get3A_135 = vector.shape_cast %get3A_134 : vector<1x16xf32> to vector<16xf32>
        %mul3A_136 = arith.mulf %get3A_131, %get3A_135 : vector<16xf32>
        %swap3A_137 = arith.index_cast %scan3A_44 : i32 to index
        %swap3A_138 = arith.constant 96 : index
        %swap3A_139 = tpu.vector_load %arg10[%swap3A_137, %swap3A_138] {strides = array<i32>} : memref<128x128xf32, #tpu.memory_space<vmem>>, vector<1x16xf32>,
        %swap3A_140 = vector.shape_cast %swap3A_139 : vector<1x16xf32> to vector<16xf32>
        %swap3A_141 = vector.shape_cast %mul3A_136 : vector<16xf32> to vector<1x16xf32>
        tpu.vector_store %arg10[%swap3A_137, %swap3A_138], %swap3A_141 {strides = array<i32>} : memref<128x128xf32, #tpu.memory_space<vmem>>, vector<1x16xf32>,
        %get3A_142 = arith.index_cast %scan3A_44 : i32 to index
        %get3A_143 = arith.constant 112 : index
        %get3A_144 = tpu.vector_load %arg10[%get3A_142, %get3A_143] {strides = array<i32>} : memref<128x128xf32, #tpu.memory_space<vmem>>, vector<1x16xf32>,
        %get3A_145 = vector.shape_cast %get3A_144 : vector<1x16xf32> to vector<16xf32>
        %get3A_146 = arith.index_cast %scan3A_44 : i32 to index
        %get3A_147 = arith.constant 112 : index
        %get3A_148 = tpu.vector_load %arg11[%get3A_146, %get3A_147] {strides = array<i32>} : memref<128x128xf32, #tpu.memory_space<vmem>>, vector<1x16xf32>,
        %get3A_149 = vector.shape_cast %get3A_148 : vector<1x16xf32> to vector<16xf32>
        %mul3A_150 = arith.mulf %get3A_145, %get3A_149 : vector<16xf32>
        %swap3A_151 = arith.index_cast %scan3A_44 : i32 to index
        %swap3A_152 = arith.constant 112 : index
        %swap3A_153 = tpu.vector_load %arg10[%swap3A_151, %swap3A_152] {strides = array<i32>} : memref<128x128xf32, #tpu.memory_space<vmem>>, vector<1x16xf32>,
        %swap3A_154 = vector.shape_cast %swap3A_153 : vector<1x16xf32> to vector<16xf32>
        %swap3A_155 = vector.shape_cast %mul3A_150 : vector<16xf32> to vector<1x16xf32>
        tpu.vector_store %arg10[%swap3A_151, %swap3A_152], %swap3A_155 {strides = array<i32>} : memref<128x128xf32, #tpu.memory_space<vmem>>, vector<1x16xf32>,
        %scan3A_156 = arith.constant 0 : i32
        scf.yield %scan3A_156 : i32
      }
      %scan3A_42 = arith.constant 128 : i32
      "tpu.region"() ({
        %run_scoped3A = tpu.sem_alloc : memref<!tpu.dma_semaphore, #tpu.memory_space<semaphore_mem>>
        %dma_start3A_44 = arith.constant 0 : i32
        %dma_start3A_45 = arith.constant 0 : i32
        %dma_start3A_46 = tpu.memref_slice %arg12[%dma_start3A_44, %dma_start3A_45] : memref<10000x128xf32, #tpu.memory_space<vmem_shared>> -> memref<10000x128xf32, #tpu.memory_space<vmem_shared>>
        tpu.enqueue_indirect_dma source(%arg10 : memref<128x128xf32, #tpu.memory_space<vmem>>) target(%dma_start3A_46 : memref<10000x128xf32, #tpu.memory_space<vmem_shared>>) offsets(%arg9 : memref<128xi32, #tpu.memory_space<vmem>>) semaphore(%run_scoped3A : memref<!tpu.dma_semaphore, #tpu.memory_space<semaphore_mem>>) {add = true}
        %dma_wait3A_47 = arith.constant 0 : i32
        %dma_wait3A_48 = arith.constant 0 : i32
        %dma_wait3A_49 = tpu.memref_slice %arg12[%dma_wait3A_47, %dma_wait3A_48] : memref<10000x128xf32, #tpu.memory_space<vmem_shared>> -> memref<10000x128xf32, #tpu.memory_space<vmem_shared>>
        tpu.wait_indirect_dma semaphore(%run_scoped3A : memref<!tpu.dma_semaphore, #tpu.memory_space<semaphore_mem>>) src(%arg10 : memref<128x128xf32, #tpu.memory_space<vmem>>) dst(%dma_wait3A_49 : memref<10000x128xf32, #tpu.memory_space<vmem_shared>>)
        tpu.yield
      }) : () -> ()
      %scan3A_43 = arith.constant 0 : i32
      scf.yield %scan3A_43 : i32
    }
    %scan3A_12 = arith.constant 78 : i32
    %lt3A = arith.constant 2 : i32
    %lt3A_13 = arith.cmpi slt, %arg1, %lt3A : i32
    %convert_element_type3A_14 = arith.extui %lt3A_13 : i1 to i32
    %cond3A_15 = arith.constant 0 : i32
    %cond3A_16 = arith.cmpi ne, %convert_element_type3A_14, %cond3A_15 : i32
    scf.if %cond3A_16 {
      %mul3A_26 = arith.constant 1250 : i32
      %mul3A_27 = arith.muli %arg0, %mul3A_26 : i32
      %add3A_28 = arith.constant 1248 : i32
      %add3A_29 = arith.addi %mul3A_27, %add3A_28 : i32
      %add3A_30 = arith.addi %add3A_29, %arg1 : i32
      "tpu.region"() ({
        %run_scoped3A = tpu.sem_alloc : memref<!tpu.dma_semaphore, #tpu.memory_space<semaphore_mem>>
        %dma_start3A_45 = arith.constant 0 : i32
        %dma_start3A_46 = tpu.memref_slice %arg5[%add3A_30, %dma_start3A_45] : memref<2500x128xi32, #tpu.memory_space<hbm>> -> memref<1x128xi32, #tpu.memory_space<hbm>>
        %dma_start3A_47 = tpu.memref_squeeze %dma_start3A_46 : memref<1x128xi32, #tpu.memory_space<hbm>> -> memref<128xi32, #tpu.memory_space<hbm>>
        %dma_start3A_48 = arith.constant 0 : i32
        %dma_start3A_49 = tpu.memref_slice %arg5[%add3A_30, %dma_start3A_48] : memref<2500x128xi32, #tpu.memory_space<hbm>> -> memref<1x128xi32, #tpu.memory_space<hbm>>
        %dma_start3A_50 = tpu.memref_squeeze %dma_start3A_49 : memref<1x128xi32, #tpu.memory_space<hbm>> -> memref<128xi32, #tpu.memory_space<hbm>>
        tpu.enqueue_dma source(%dma_start3A_50 : memref<128xi32, #tpu.memory_space<hbm>>) target(%arg8 : memref<128xi32, #tpu.memory_space<vmem>>) target_semaphore(%run_scoped3A : memref<!tpu.dma_semaphore, #tpu.memory_space<semaphore_mem>>)
        %dma_wait3A_51 = arith.constant 0 : i32
        %dma_wait3A_52 = tpu.memref_slice %arg5[%add3A_30, %dma_wait3A_51] : memref<2500x128xi32, #tpu.memory_space<hbm>> -> memref<1x128xi32, #tpu.memory_space<hbm>>
        %dma_wait3A_53 = tpu.memref_squeeze %dma_wait3A_52 : memref<1x128xi32, #tpu.memory_space<hbm>> -> memref<128xi32, #tpu.memory_space<hbm>>
        %dma_wait3A_54 = arith.constant 0 : i32
        %dma_wait3A_55 = tpu.memref_slice %arg5[%add3A_30, %dma_wait3A_54] : memref<2500x128xi32, #tpu.memory_space<hbm>> -> memref<1x128xi32, #tpu.memory_space<hbm>>
        %dma_wait3A_56 = tpu.memref_squeeze %dma_wait3A_55 : memref<1x128xi32, #tpu.memory_space<hbm>> -> memref<128xi32, #tpu.memory_space<hbm>>
        tpu.wait_dma2 semaphore(%run_scoped3A : memref<!tpu.dma_semaphore, #tpu.memory_space<semaphore_mem>>) src(%dma_wait3A_56 : memref<128xi32, #tpu.memory_space<hbm>>) dst(%arg8 : memref<128xi32, #tpu.memory_space<vmem>>)
        tpu.yield
      }) : () -> ()
      "tpu.region"() ({
        %run_scoped3A = tpu.sem_alloc : memref<!tpu.dma_semaphore, #tpu.memory_space<semaphore_mem>>
        %dma_start3A_45 = arith.constant 0 : i32
        %dma_start3A_46 = tpu.memref_slice %arg4[%add3A_30, %dma_start3A_45] : memref<2500x128xi32, #tpu.memory_space<hbm>> -> memref<1x128xi32, #tpu.memory_space<hbm>>
        %dma_start3A_47 = tpu.memref_squeeze %dma_start3A_46 : memref<1x128xi32, #tpu.memory_space<hbm>> -> memref<128xi32, #tpu.memory_space<hbm>>
        %dma_start3A_48 = arith.constant 0 : i32
        %dma_start3A_49 = tpu.memref_slice %arg4[%add3A_30, %dma_start3A_48] : memref<2500x128xi32, #tpu.memory_space<hbm>> -> memref<1x128xi32, #tpu.memory_space<hbm>>
        %dma_start3A_50 = tpu.memref_squeeze %dma_start3A_49 : memref<1x128xi32, #tpu.memory_space<hbm>> -> memref<128xi32, #tpu.memory_space<hbm>>
        tpu.enqueue_dma source(%dma_start3A_50 : memref<128xi32, #tpu.memory_space<hbm>>) target(%arg9 : memref<128xi32, #tpu.memory_space<vmem>>) target_semaphore(%run_scoped3A : memref<!tpu.dma_semaphore, #tpu.memory_space<semaphore_mem>>)
        %dma_wait3A_51 = arith.constant 0 : i32
        %dma_wait3A_52 = tpu.memref_slice %arg4[%add3A_30, %dma_wait3A_51] : memref<2500x128xi32, #tpu.memory_space<hbm>> -> memref<1x128xi32, #tpu.memory_space<hbm>>
        %dma_wait3A_53 = tpu.memref_squeeze %dma_wait3A_52 : memref<1x128xi32, #tpu.memory_space<hbm>> -> memref<128xi32, #tpu.memory_space<hbm>>
        %dma_wait3A_54 = arith.constant 0 : i32
        %dma_wait3A_55 = tpu.memref_slice %arg4[%add3A_30, %dma_wait3A_54] : memref<2500x128xi32, #tpu.memory_space<hbm>> -> memref<1x128xi32, #tpu.memory_space<hbm>>
        %dma_wait3A_56 = tpu.memref_squeeze %dma_wait3A_55 : memref<1x128xi32, #tpu.memory_space<hbm>> -> memref<128xi32, #tpu.memory_space<hbm>>
        tpu.wait_dma2 semaphore(%run_scoped3A : memref<!tpu.dma_semaphore, #tpu.memory_space<semaphore_mem>>) src(%dma_wait3A_56 : memref<128xi32, #tpu.memory_space<hbm>>) dst(%arg9 : memref<128xi32, #tpu.memory_space<vmem>>)
        tpu.yield
      }) : () -> ()
      %dma_start3A = arith.constant 0 : i32
      %dma_start3A_31 = arith.constant 0 : i32
      %dma_start3A_32 = tpu.memref_slice %arg2[%dma_start3A, %dma_start3A_31] : memref<10000x128xf32, #tpu.memory_space<hbm>> -> memref<10000x128xf32, #tpu.memory_space<hbm>>
      tpu.enqueue_indirect_dma source(%dma_start3A_32 : memref<10000x128xf32, #tpu.memory_space<hbm>>) target(%arg10 : memref<128x128xf32, #tpu.memory_space<vmem>>) offsets(%arg8 : memref<128xi32, #tpu.memory_space<vmem>>) semaphore(%arg13 : memref<!tpu.dma_semaphore, #tpu.memory_space<semaphore_mem>>)
      %mul3A_33 = arith.constant 128 : i32
      %mul3A_34 = arith.muli %add3A_30, %mul3A_33 : i32
      %multiple_of3A_35 = tpu.assume_multiple %mul3A_34, 128 : i32
      "tpu.region"() ({
        %run_scoped3A = tpu.sem_alloc : memref<!tpu.dma_semaphore, #tpu.memory_space<semaphore_mem>>
        %dma_start3A_45 = arith.constant 0 : i32
        %dma_start3A_46 = tpu.memref_slice %arg3[%multiple_of3A_35, %dma_start3A_45] : memref<321536x128xf32, #tpu.memory_space<hbm>> -> memref<128x128xf32, #tpu.memory_space<hbm>>
        %dma_start3A_47 = arith.constant 0 : i32
        %dma_start3A_48 = tpu.memref_slice %arg3[%multiple_of3A_35, %dma_start3A_47] : memref<321536x128xf32, #tpu.memory_space<hbm>> -> memref<128x128xf32, #tpu.memory_space<hbm>>
        tpu.enqueue_dma source(%dma_start3A_48 : memref<128x128xf32, #tpu.memory_space<hbm>>) target(%arg11 : memref<128x128xf32, #tpu.memory_space<vmem>>) target_semaphore(%run_scoped3A : memref<!tpu.dma_semaphore, #tpu.memory_space<semaphore_mem>>)
        %dma_wait3A_49 = arith.constant 0 : i32
        %dma_wait3A_50 = tpu.memref_slice %arg3[%multiple_of3A_35, %dma_wait3A_49] : memref<321536x128xf32, #tpu.memory_space<hbm>> -> memref<128x128xf32, #tpu.memory_space<hbm>>
        %dma_wait3A_51 = arith.constant 0 : i32
        %dma_wait3A_52 = tpu.memref_slice %arg3[%multiple_of3A_35, %dma_wait3A_51] : memref<321536x128xf32, #tpu.memory_space<hbm>> -> memref<128x128xf32, #tpu.memory_space<hbm>>
        tpu.wait_dma2 semaphore(%run_scoped3A : memref<!tpu.dma_semaphore, #tpu.memory_space<semaphore_mem>>) src(%dma_wait3A_52 : memref<128x128xf32, #tpu.memory_space<hbm>>) dst(%arg11 : memref<128x128xf32, #tpu.memory_space<vmem>>)
        tpu.yield
      }) : () -> ()
      %dma_wait3A = arith.constant 0 : i32
      %dma_wait3A_36 = arith.constant 0 : i32
      %dma_wait3A_37 = tpu.memref_slice %arg2[%dma_wait3A, %dma_wait3A_36] : memref<10000x128xf32, #tpu.memory_space<hbm>> -> memref<10000x128xf32, #tpu.memory_space<hbm>>
      tpu.wait_indirect_dma semaphore(%arg13 : memref<!tpu.dma_semaphore, #tpu.memory_space<semaphore_mem>>) src(%dma_wait3A_37 : memref<10000x128xf32, #tpu.memory_space<hbm>>) dst(%arg10 : memref<128x128xf32, #tpu.memory_space<vmem>>)
      %scan3A_38 = arith.constant 0 : i32
      %scan3A_39 = arith.constant 0 : i32
      %scan3A_40 = arith.constant 128 : i32
      %scan3A_41 = arith.addi %scan3A_39, %scan3A_40 : i32
      %scan3A_42 = arith.constant 1 : i32
      %scan3A_43 = scf.for %scan3A_45 = %scan3A_39 to %scan3A_41 step %scan3A_42 iter_args(%scan3A_46 = %scan3A_38) -> (i32)  : i32 {
        %get3A = arith.index_cast %scan3A_45 : i32 to index
        %get3A_47 = arith.constant 0 : index
        %get3A_48 = tpu.vector_load %arg10[%get3A, %get3A_47] {strides = array<i32>} : memref<128x128xf32, #tpu.memory_space<vmem>>, vector<1x16xf32>,
        %get3A_49 = vector.shape_cast %get3A_48 : vector<1x16xf32> to vector<16xf32>
        %get3A_50 = arith.index_cast %scan3A_45 : i32 to index
        %get3A_51 = arith.constant 0 : index
        %get3A_52 = tpu.vector_load %arg11[%get3A_50, %get3A_51] {strides = array<i32>} : memref<128x128xf32, #tpu.memory_space<vmem>>, vector<1x16xf32>,
        %get3A_53 = vector.shape_cast %get3A_52 : vector<1x16xf32> to vector<16xf32>
        %mul3A_54 = arith.mulf %get3A_49, %get3A_53 : vector<16xf32>
        %swap3A = arith.index_cast %scan3A_45 : i32 to index
        %swap3A_55 = arith.constant 0 : index
        %swap3A_56 = tpu.vector_load %arg10[%swap3A, %swap3A_55] {strides = array<i32>} : memref<128x128xf32, #tpu.memory_space<vmem>>, vector<1x16xf32>,
        %swap3A_57 = vector.shape_cast %swap3A_56 : vector<1x16xf32> to vector<16xf32>
        %swap3A_58 = vector.shape_cast %mul3A_54 : vector<16xf32> to vector<1x16xf32>
        tpu.vector_store %arg10[%swap3A, %swap3A_55], %swap3A_58 {strides = array<i32>} : memref<128x128xf32, #tpu.memory_space<vmem>>, vector<1x16xf32>,
        %get3A_59 = arith.index_cast %scan3A_45 : i32 to index
        %get3A_60 = arith.constant 16 : index
        %get3A_61 = tpu.vector_load %arg10[%get3A_59, %get3A_60] {strides = array<i32>} : memref<128x128xf32, #tpu.memory_space<vmem>>, vector<1x16xf32>,
        %get3A_62 = vector.shape_cast %get3A_61 : vector<1x16xf32> to vector<16xf32>
        %get3A_63 = arith.index_cast %scan3A_45 : i32 to index
        %get3A_64 = arith.constant 16 : index
        %get3A_65 = tpu.vector_load %arg11[%get3A_63, %get3A_64] {strides = array<i32>} : memref<128x128xf32, #tpu.memory_space<vmem>>, vector<1x16xf32>,
        %get3A_66 = vector.shape_cast %get3A_65 : vector<1x16xf32> to vector<16xf32>
        %mul3A_67 = arith.mulf %get3A_62, %get3A_66 : vector<16xf32>
        %swap3A_68 = arith.index_cast %scan3A_45 : i32 to index
        %swap3A_69 = arith.constant 16 : index
        %swap3A_70 = tpu.vector_load %arg10[%swap3A_68, %swap3A_69] {strides = array<i32>} : memref<128x128xf32, #tpu.memory_space<vmem>>, vector<1x16xf32>,
        %swap3A_71 = vector.shape_cast %swap3A_70 : vector<1x16xf32> to vector<16xf32>
        %swap3A_72 = vector.shape_cast %mul3A_67 : vector<16xf32> to vector<1x16xf32>
        tpu.vector_store %arg10[%swap3A_68, %swap3A_69], %swap3A_72 {strides = array<i32>} : memref<128x128xf32, #tpu.memory_space<vmem>>, vector<1x16xf32>,
        %get3A_73 = arith.index_cast %scan3A_45 : i32 to index
        %get3A_74 = arith.constant 32 : index
        %get3A_75 = tpu.vector_load %arg10[%get3A_73, %get3A_74] {strides = array<i32>} : memref<128x128xf32, #tpu.memory_space<vmem>>, vector<1x16xf32>,
        %get3A_76 = vector.shape_cast %get3A_75 : vector<1x16xf32> to vector<16xf32>
        %get3A_77 = arith.index_cast %scan3A_45 : i32 to index
        %get3A_78 = arith.constant 32 : index
        %get3A_79 = tpu.vector_load %arg11[%get3A_77, %get3A_78] {strides = array<i32>} : memref<128x128xf32, #tpu.memory_space<vmem>>, vector<1x16xf32>,
        %get3A_80 = vector.shape_cast %get3A_79 : vector<1x16xf32> to vector<16xf32>
        %mul3A_81 = arith.mulf %get3A_76, %get3A_80 : vector<16xf32>
        %swap3A_82 = arith.index_cast %scan3A_45 : i32 to index
        %swap3A_83 = arith.constant 32 : index
        %swap3A_84 = tpu.vector_load %arg10[%swap3A_82, %swap3A_83] {strides = array<i32>} : memref<128x128xf32, #tpu.memory_space<vmem>>, vector<1x16xf32>,
        %swap3A_85 = vector.shape_cast %swap3A_84 : vector<1x16xf32> to vector<16xf32>
        %swap3A_86 = vector.shape_cast %mul3A_81 : vector<16xf32> to vector<1x16xf32>
        tpu.vector_store %arg10[%swap3A_82, %swap3A_83], %swap3A_86 {strides = array<i32>} : memref<128x128xf32, #tpu.memory_space<vmem>>, vector<1x16xf32>,
        %get3A_87 = arith.index_cast %scan3A_45 : i32 to index
        %get3A_88 = arith.constant 48 : index
        %get3A_89 = tpu.vector_load %arg10[%get3A_87, %get3A_88] {strides = array<i32>} : memref<128x128xf32, #tpu.memory_space<vmem>>, vector<1x16xf32>,
        %get3A_90 = vector.shape_cast %get3A_89 : vector<1x16xf32> to vector<16xf32>
        %get3A_91 = arith.index_cast %scan3A_45 : i32 to index
        %get3A_92 = arith.constant 48 : index
        %get3A_93 = tpu.vector_load %arg11[%get3A_91, %get3A_92] {strides = array<i32>} : memref<128x128xf32, #tpu.memory_space<vmem>>, vector<1x16xf32>,
        %get3A_94 = vector.shape_cast %get3A_93 : vector<1x16xf32> to vector<16xf32>
        %mul3A_95 = arith.mulf %get3A_90, %get3A_94 : vector<16xf32>
        %swap3A_96 = arith.index_cast %scan3A_45 : i32 to index
        %swap3A_97 = arith.constant 48 : index
        %swap3A_98 = tpu.vector_load %arg10[%swap3A_96, %swap3A_97] {strides = array<i32>} : memref<128x128xf32, #tpu.memory_space<vmem>>, vector<1x16xf32>,
        %swap3A_99 = vector.shape_cast %swap3A_98 : vector<1x16xf32> to vector<16xf32>
        %swap3A_100 = vector.shape_cast %mul3A_95 : vector<16xf32> to vector<1x16xf32>
        tpu.vector_store %arg10[%swap3A_96, %swap3A_97], %swap3A_100 {strides = array<i32>} : memref<128x128xf32, #tpu.memory_space<vmem>>, vector<1x16xf32>,
        %get3A_101 = arith.index_cast %scan3A_45 : i32 to index
        %get3A_102 = arith.constant 64 : index
        %get3A_103 = tpu.vector_load %arg10[%get3A_101, %get3A_102] {strides = array<i32>} : memref<128x128xf32, #tpu.memory_space<vmem>>, vector<1x16xf32>,
        %get3A_104 = vector.shape_cast %get3A_103 : vector<1x16xf32> to vector<16xf32>
        %get3A_105 = arith.index_cast %scan3A_45 : i32 to index
        %get3A_106 = arith.constant 64 : index
        %get3A_107 = tpu.vector_load %arg11[%get3A_105, %get3A_106] {strides = array<i32>} : memref<128x128xf32, #tpu.memory_space<vmem>>, vector<1x16xf32>,
        %get3A_108 = vector.shape_cast %get3A_107 : vector<1x16xf32> to vector<16xf32>
        %mul3A_109 = arith.mulf %get3A_104, %get3A_108 : vector<16xf32>
        %swap3A_110 = arith.index_cast %scan3A_45 : i32 to index
        %swap3A_111 = arith.constant 64 : index
        %swap3A_112 = tpu.vector_load %arg10[%swap3A_110, %swap3A_111] {strides = array<i32>} : memref<128x128xf32, #tpu.memory_space<vmem>>, vector<1x16xf32>,
        %swap3A_113 = vector.shape_cast %swap3A_112 : vector<1x16xf32> to vector<16xf32>
        %swap3A_114 = vector.shape_cast %mul3A_109 : vector<16xf32> to vector<1x16xf32>
        tpu.vector_store %arg10[%swap3A_110, %swap3A_111], %swap3A_114 {strides = array<i32>} : memref<128x128xf32, #tpu.memory_space<vmem>>, vector<1x16xf32>,
        %get3A_115 = arith.index_cast %scan3A_45 : i32 to index
        %get3A_116 = arith.constant 80 : index
        %get3A_117 = tpu.vector_load %arg10[%get3A_115, %get3A_116] {strides = array<i32>} : memref<128x128xf32, #tpu.memory_space<vmem>>, vector<1x16xf32>,
        %get3A_118 = vector.shape_cast %get3A_117 : vector<1x16xf32> to vector<16xf32>
        %get3A_119 = arith.index_cast %scan3A_45 : i32 to index
        %get3A_120 = arith.constant 80 : index
        %get3A_121 = tpu.vector_load %arg11[%get3A_119, %get3A_120] {strides = array<i32>} : memref<128x128xf32, #tpu.memory_space<vmem>>, vector<1x16xf32>,
        %get3A_122 = vector.shape_cast %get3A_121 : vector<1x16xf32> to vector<16xf32>
        %mul3A_123 = arith.mulf %get3A_118, %get3A_122 : vector<16xf32>
        %swap3A_124 = arith.index_cast %scan3A_45 : i32 to index
        %swap3A_125 = arith.constant 80 : index
        %swap3A_126 = tpu.vector_load %arg10[%swap3A_124, %swap3A_125] {strides = array<i32>} : memref<128x128xf32, #tpu.memory_space<vmem>>, vector<1x16xf32>,
        %swap3A_127 = vector.shape_cast %swap3A_126 : vector<1x16xf32> to vector<16xf32>
        %swap3A_128 = vector.shape_cast %mul3A_123 : vector<16xf32> to vector<1x16xf32>
        tpu.vector_store %arg10[%swap3A_124, %swap3A_125], %swap3A_128 {strides = array<i32>} : memref<128x128xf32, #tpu.memory_space<vmem>>, vector<1x16xf32>,
        %get3A_129 = arith.index_cast %scan3A_45 : i32 to index
        %get3A_130 = arith.constant 96 : index
        %get3A_131 = tpu.vector_load %arg10[%get3A_129, %get3A_130] {strides = array<i32>} : memref<128x128xf32, #tpu.memory_space<vmem>>, vector<1x16xf32>,
        %get3A_132 = vector.shape_cast %get3A_131 : vector<1x16xf32> to vector<16xf32>
        %get3A_133 = arith.index_cast %scan3A_45 : i32 to index
        %get3A_134 = arith.constant 96 : index
        %get3A_135 = tpu.vector_load %arg11[%get3A_133, %get3A_134] {strides = array<i32>} : memref<128x128xf32, #tpu.memory_space<vmem>>, vector<1x16xf32>,
        %get3A_136 = vector.shape_cast %get3A_135 : vector<1x16xf32> to vector<16xf32>
        %mul3A_137 = arith.mulf %get3A_132, %get3A_136 : vector<16xf32>
        %swap3A_138 = arith.index_cast %scan3A_45 : i32 to index
        %swap3A_139 = arith.constant 96 : index
        %swap3A_140 = tpu.vector_load %arg10[%swap3A_138, %swap3A_139] {strides = array<i32>} : memref<128x128xf32, #tpu.memory_space<vmem>>, vector<1x16xf32>,
        %swap3A_141 = vector.shape_cast %swap3A_140 : vector<1x16xf32> to vector<16xf32>
        %swap3A_142 = vector.shape_cast %mul3A_137 : vector<16xf32> to vector<1x16xf32>
        tpu.vector_store %arg10[%swap3A_138, %swap3A_139], %swap3A_142 {strides = array<i32>} : memref<128x128xf32, #tpu.memory_space<vmem>>, vector<1x16xf32>,
        %get3A_143 = arith.index_cast %scan3A_45 : i32 to index
        %get3A_144 = arith.constant 112 : index
        %get3A_145 = tpu.vector_load %arg10[%get3A_143, %get3A_144] {strides = array<i32>} : memref<128x128xf32, #tpu.memory_space<vmem>>, vector<1x16xf32>,
        %get3A_146 = vector.shape_cast %get3A_145 : vector<1x16xf32> to vector<16xf32>
        %get3A_147 = arith.index_cast %scan3A_45 : i32 to index
        %get3A_148 = arith.constant 112 : index
        %get3A_149 = tpu.vector_load %arg11[%get3A_147, %get3A_148] {strides = array<i32>} : memref<128x128xf32, #tpu.memory_space<vmem>>, vector<1x16xf32>,
        %get3A_150 = vector.shape_cast %get3A_149 : vector<1x16xf32> to vector<16xf32>
        %mul3A_151 = arith.mulf %get3A_146, %get3A_150 : vector<16xf32>
        %swap3A_152 = arith.index_cast %scan3A_45 : i32 to index
        %swap3A_153 = arith.constant 112 : index
        %swap3A_154 = tpu.vector_load %arg10[%swap3A_152, %swap3A_153] {strides = array<i32>} : memref<128x128xf32, #tpu.memory_space<vmem>>, vector<1x16xf32>,
        %swap3A_155 = vector.shape_cast %swap3A_154 : vector<1x16xf32> to vector<16xf32>
        %swap3A_156 = vector.shape_cast %mul3A_151 : vector<16xf32> to vector<1x16xf32>
        tpu.vector_store %arg10[%swap3A_152, %swap3A_153], %swap3A_156 {strides = array<i32>} : memref<128x128xf32, #tpu.memory_space<vmem>>, vector<1x16xf32>,
        %scan3A_157 = arith.constant 0 : i32
        scf.yield %scan3A_157 : i32
      }
      %scan3A_44 = arith.constant 128 : i32
      "tpu.region"() ({
        %run_scoped3A = tpu.sem_alloc : memref<!tpu.dma_semaphore, #tpu.memory_space<semaphore_mem>>
        %dma_start3A_45 = arith.constant 0 : i32
        %dma_start3A_46 = arith.constant 0 : i32
        %dma_start3A_47 = tpu.memref_slice %arg12[%dma_start3A_45, %dma_start3A_46] : memref<10000x128xf32, #tpu.memory_space<vmem_shared>> -> memref<10000x128xf32, #tpu.memory_space<vmem_shared>>
        tpu.enqueue_indirect_dma source(%arg10 : memref<128x128xf32, #tpu.memory_space<vmem>>) target(%dma_start3A_47 : memref<10000x128xf32, #tpu.memory_space<vmem_shared>>) offsets(%arg9 : memref<128xi32, #tpu.memory_space<vmem>>) semaphore(%run_scoped3A : memref<!tpu.dma_semaphore, #tpu.memory_space<semaphore_mem>>) {add = true}
        %dma_wait3A_48 = arith.constant 0 : i32
        %dma_wait3A_49 = arith.constant 0 : i32
        %dma_wait3A_50 = tpu.memref_slice %arg12[%dma_wait3A_48, %dma_wait3A_49] : memref<10000x128xf32, #tpu.memory_space<vmem_shared>> -> memref<10000x128xf32, #tpu.memory_space<vmem_shared>>
        tpu.wait_indirect_dma semaphore(%run_scoped3A : memref<!tpu.dma_semaphore, #tpu.memory_space<semaphore_mem>>) src(%arg10 : memref<128x128xf32, #tpu.memory_space<vmem>>) dst(%dma_wait3A_50 : memref<10000x128xf32, #tpu.memory_space<vmem_shared>>)
        tpu.yield
      }) : () -> ()
    } else {
    }
    %barrier3A_17 = arith.constant 0 : index
    tpu.barrier barrier_id(%barrier3A_17)
    %mul3A_18 = arith.constant 624 : i32
    %mul3A_19 = arith.muli %arg1, %mul3A_18 : i32
    %multiple_of3A_20 = tpu.assume_multiple %mul3A_19, 8 : i32
    "tpu.region"() ({
      %run_scoped3A = tpu.sem_alloc : memref<!tpu.dma_semaphore, #tpu.memory_space<semaphore_mem>>
      %dma_start3A = arith.constant 0 : i32
      %dma_start3A_26 = arith.constant 0 : i32
      %dma_start3A_27 = tpu.memref_slice %arg7[%arg0, %dma_start3A, %dma_start3A_26] : memref<2x10000x128xf32, #tpu.memory_space<hbm>> -> memref<1x10000x128xf32, #tpu.memory_space<hbm>>
      %dma_start3A_28 = tpu.memref_squeeze %dma_start3A_27 : memref<1x10000x128xf32, #tpu.memory_space<hbm>> -> memref<10000x128xf32, #tpu.memory_space<hbm>>
      %dma_start3A_29 = arith.constant 0 : i32
      %dma_start3A_30 = tpu.memref_slice %dma_start3A_28[%multiple_of3A_20, %dma_start3A_29] : memref<10000x128xf32, #tpu.memory_space<hbm>> -> memref<624x128xf32, #tpu.memory_space<hbm>>
      %dma_start3A_31 = arith.constant 0 : i32
      %dma_start3A_32 = tpu.memref_slice %arg12[%multiple_of3A_20, %dma_start3A_31] : memref<10000x128xf32, #tpu.memory_space<vmem_shared>> -> memref<624x128xf32, #tpu.memory_space<vmem_shared>>
      tpu.enqueue_dma source(%dma_start3A_32 : memref<624x128xf32, #tpu.memory_space<vmem_shared>>) target(%dma_start3A_30 : memref<624x128xf32, #tpu.memory_space<hbm>>) target_semaphore(%run_scoped3A : memref<!tpu.dma_semaphore, #tpu.memory_space<semaphore_mem>>)
      %dma_wait3A = arith.constant 0 : i32
      %dma_wait3A_33 = arith.constant 0 : i32
      %dma_wait3A_34 = tpu.memref_slice %arg7[%arg0, %dma_wait3A, %dma_wait3A_33] : memref<2x10000x128xf32, #tpu.memory_space<hbm>> -> memref<1x10000x128xf32, #tpu.memory_space<hbm>>
      %dma_wait3A_35 = tpu.memref_squeeze %dma_wait3A_34 : memref<1x10000x128xf32, #tpu.memory_space<hbm>> -> memref<10000x128xf32, #tpu.memory_space<hbm>>
      %dma_wait3A_36 = arith.constant 0 : i32
      %dma_wait3A_37 = tpu.memref_slice %dma_wait3A_35[%multiple_of3A_20, %dma_wait3A_36] : memref<10000x128xf32, #tpu.memory_space<hbm>> -> memref<624x128xf32, #tpu.memory_space<hbm>>
      %dma_wait3A_38 = arith.constant 0 : i32
      %dma_wait3A_39 = tpu.memref_slice %arg12[%multiple_of3A_20, %dma_wait3A_38] : memref<10000x128xf32, #tpu.memory_space<vmem_shared>> -> memref<624x128xf32, #tpu.memory_space<vmem_shared>>
      tpu.wait_dma2 semaphore(%run_scoped3A : memref<!tpu.dma_semaphore, #tpu.memory_space<semaphore_mem>>) src(%dma_wait3A_39 : memref<624x128xf32, #tpu.memory_space<vmem_shared>>) dst(%dma_wait3A_37 : memref<624x128xf32, #tpu.memory_space<hbm>>)
      tpu.yield
    }) : () -> ()
    %eq3A_21 = arith.constant 15 : i32
    %eq3A_22 = arith.cmpi eq, %arg1, %eq3A_21 : i32
    %convert_element_type3A_23 = arith.extui %eq3A_22 : i1 to i32
    %cond3A_24 = arith.constant 0 : i32
    %cond3A_25 = arith.cmpi ne, %convert_element_type3A_23, %cond3A_24 : i32
    scf.if %cond3A_25 {
      "tpu.region"() ({
        %run_scoped3A = tpu.sem_alloc : memref<!tpu.dma_semaphore, #tpu.memory_space<semaphore_mem>>
        %dma_start3A = arith.constant 0 : i32
        %dma_start3A_26 = arith.constant 0 : i32
        %dma_start3A_27 = tpu.memref_slice %arg7[%arg0, %dma_start3A, %dma_start3A_26] : memref<2x10000x128xf32, #tpu.memory_space<hbm>> -> memref<1x10000x128xf32, #tpu.memory_space<hbm>>
        %dma_start3A_28 = tpu.memref_squeeze %dma_start3A_27 : memref<1x10000x128xf32, #tpu.memory_space<hbm>> -> memref<10000x128xf32, #tpu.memory_space<hbm>>
        %dma_start3A_29 = arith.constant 9984 : i32
        %dma_start3A_30 = arith.constant 0 : i32
        %dma_start3A_31 = tpu.memref_slice %dma_start3A_28[%dma_start3A_29, %dma_start3A_30] : memref<10000x128xf32, #tpu.memory_space<hbm>> -> memref<16x128xf32, #tpu.memory_space<hbm>>
        %dma_start3A_32 = arith.constant 9984 : i32
        %dma_start3A_33 = arith.constant 0 : i32
        %dma_start3A_34 = tpu.memref_slice %arg12[%dma_start3A_32, %dma_start3A_33] : memref<10000x128xf32, #tpu.memory_space<vmem_shared>> -> memref<16x128xf32, #tpu.memory_space<vmem_shared>>
        tpu.enqueue_dma source(%dma_start3A_34 : memref<16x128xf32, #tpu.memory_space<vmem_shared>>) target(%dma_start3A_31 : memref<16x128xf32, #tpu.memory_space<hbm>>) target_semaphore(%run_scoped3A : memref<!tpu.dma_semaphore, #tpu.memory_space<semaphore_mem>>)
        %dma_wait3A = arith.constant 0 : i32
        %dma_wait3A_35 = arith.constant 0 : i32
        %dma_wait3A_36 = tpu.memref_slice %arg7[%arg0, %dma_wait3A, %dma_wait3A_35] : memref<2x10000x128xf32, #tpu.memory_space<hbm>> -> memref<1x10000x128xf32, #tpu.memory_space<hbm>>
        %dma_wait3A_37 = tpu.memref_squeeze %dma_wait3A_36 : memref<1x10000x128xf32, #tpu.memory_space<hbm>> -> memref<10000x128xf32, #tpu.memory_space<hbm>>
        %dma_wait3A_38 = arith.constant 9984 : i32
        %dma_wait3A_39 = arith.constant 0 : i32
        %dma_wait3A_40 = tpu.memref_slice %dma_wait3A_37[%dma_wait3A_38, %dma_wait3A_39] : memref<10000x128xf32, #tpu.memory_space<hbm>> -> memref<16x128xf32, #tpu.memory_space<hbm>>
        %dma_wait3A_41 = arith.constant 9984 : i32
        %dma_wait3A_42 = arith.constant 0 : i32
        %dma_wait3A_43 = tpu.memref_slice %arg12[%dma_wait3A_41, %dma_wait3A_42] : memref<10000x128xf32, #tpu.memory_space<vmem_shared>> -> memref<16x128xf32, #tpu.memory_space<vmem_shared>>
        tpu.wait_dma2 semaphore(%run_scoped3A : memref<!tpu.dma_semaphore, #tpu.memory_space<semaphore_mem>>) src(%dma_wait3A_43 : memref<16x128xf32, #tpu.memory_space<vmem_shared>>) dst(%dma_wait3A_40 : memref<16x128xf32, #tpu.memory_space<hbm>>)
        tpu.yield
      }) : () -> ()
    } else {
    }
    return
  }
}

module attributes {stable_mosaic.version = 14 : i64} {
  func.func @_filt_body(%arg0: i32, %arg1: memref<2048xf32, #tpu.memory_space<vmem>>, %arg2: memref<32x128xf32, #tpu.memory_space<vmem>>, %arg3: memref<1x128xf32, #tpu.memory_space<vmem>>, %arg4: memref<128x128xf32, #tpu.memory_space<vmem>>, %arg5: memref<1x128xf32, #tpu.memory_space<vmem>>, %arg6: memref<2048x128xf32, #tpu.memory_space<vmem>>) attributes {dimension_semantics = [#tpu.dimension_semantics<arbitrary>], iteration_bounds = array<i64: 157>, scalar_prefetch = 0 : i64, scratch_operands = 0 : i64, tpu.core_type = #tpu.core_type<tc>, window_params = [{transform_indices = @transform_0, window_bounds = array<i64: 2048>}, {pipeline_mode = #tpu.pipeline_mode<synchronous>, transform_indices = @transform_1, window_bounds = array<i64: 32, 128>}, {pipeline_mode = #tpu.pipeline_mode<synchronous>, transform_indices = @transform_2, window_bounds = array<i64: 1, 128>}, {pipeline_mode = #tpu.pipeline_mode<synchronous>, transform_indices = @transform_3, window_bounds = array<i64: 128, 128>}, {pipeline_mode = #tpu.pipeline_mode<synchronous>, transform_indices = @transform_4, window_bounds = array<i64: 1, 128>}, {transform_indices = @transform_5, window_bounds = array<i64: 2048, 128>}]} {
    %get3A = arith.constant 0 : index
    %get3A_0 = vector.load %arg1[%get3A] : memref<2048xf32, #tpu.memory_space<vmem>>, vector<2048xf32>
    %reshape3A = vector.shape_cast %get3A_0 : vector<2048xf32> to vector<2048x1xf32>
    %iota3A = tpu.iota {dimensions = array<i32: 1>} : vector<1x32xi32>
    %convert_element_type3A = arith.sitofp %iota3A : vector<1x32xi32> to vector<1x32xf32>
    %mul3A = arith.constant 0.145161286 : f32
    %mul3A_1 = vector.broadcast %mul3A : f32 to vector<1x32xf32>
    %mul3A_2 = arith.mulf %convert_element_type3A, %mul3A_1 : vector<1x32xf32>
    %sub3A = vector.broadcast %reshape3A : vector<2048x1xf32> to vector<2048x32xf32>
    %sub3A_3 = vector.broadcast %mul3A_2 : vector<1x32xf32> to vector<2048x32xf32>
    %sub3A_4 = arith.subf %sub3A, %sub3A_3 : vector<2048x32xf32>
    %integer_pow3A = arith.mulf %sub3A_4, %sub3A_4 : vector<2048x32xf32>
    %mul3A_5 = arith.constant -1.000000e+01 : f32
    %mul3A_6 = vector.broadcast %mul3A_5 : f32 to vector<2048x32xf32>
    %mul3A_7 = arith.mulf %mul3A_6, %integer_pow3A : vector<2048x32xf32>
    %exp3A = math.exp %mul3A_7 : vector<2048x32xf32>
    %get3A_8 = arith.constant 0 : index
    %get3A_9 = arith.constant 0 : index
    %get3A_10 = vector.load %arg2[%get3A_8, %get3A_9] : memref<32x128xf32, #tpu.memory_space<vmem>>, vector<32x128xf32>
    %dot_general3A = arith.constant dense<0.000000e+00> : vector<2048x128xf32>
    %dot_general3A_11 = tpu.matmul %exp3A, %get3A_10, %dot_general3A {dimension_numbers = #tpu.dot_dimension_numbers<[1], [0], [0], [1], [0, 0, 1, 1], [], []>, transpose_lhs_hint = false} : vector<2048x32xf32>, vector<32x128xf32>, vector<2048x128xf32> -> vector<2048x128xf32>
    %get3A_12 = arith.constant 0 : index
    %get3A_13 = arith.constant 0 : index
    %get3A_14 = vector.load %arg3[%get3A_12, %get3A_13] : memref<1x128xf32, #tpu.memory_space<vmem>>, vector<1x128xf32>
    %add3A = vector.broadcast %get3A_14 : vector<1x128xf32> to vector<2048x128xf32>
    %add3A_15 = arith.addf %dot_general3A_11, %add3A : vector<2048x128xf32>
    %custom_jvp_call3A = arith.constant 0.000000e+00 : f32
    %max3A = vector.broadcast %custom_jvp_call3A : f32 to vector<2048x128xf32>
    %max3A_16 = arith.maximumf %add3A_15, %max3A : vector<2048x128xf32>
    %sub3A_17 = vector.broadcast %custom_jvp_call3A : f32 to vector<2048x128xf32>
    %sub3A_18 = arith.subf %add3A_15, %sub3A_17 : vector<2048x128xf32>
    %ne3A = arith.cmpf one, %sub3A_18, %sub3A_18 : vector<2048x128xf32>
    %add3A_19 = vector.broadcast %custom_jvp_call3A : f32 to vector<2048x128xf32>
    %add3A_20 = arith.addf %add3A_15, %add3A_19 : vector<2048x128xf32>
    %abs3A = math.absf %sub3A_18 : vector<2048x128xf32>
    %neg3A = arith.constant 0.000000e+00 : f32
    %neg3A_21 = vector.broadcast %neg3A : f32 to vector<2048x128xf32>
    %neg3A_22 = arith.subf %neg3A_21, %abs3A : vector<2048x128xf32>
    %exp3A_23 = math.exp %neg3A_22 : vector<2048x128xf32>
    %log1p3A = math.log1p %exp3A_23 : vector<2048x128xf32>
    %add3A_24 = arith.addf %max3A_16, %log1p3A : vector<2048x128xf32>
    %select_n3A = arith.select %ne3A, %add3A_20, %add3A_24 : vector<2048x128xi1>, vector<2048x128xf32>
    %log3A = arith.constant 2.000000e+00 : f32
    %log3A_25 = math.log %log3A : f32
    %sub3A_26 = vector.broadcast %log3A_25 : f32 to vector<2048x128xf32>
    %sub3A_27 = arith.subf %select_n3A, %sub3A_26 : vector<2048x128xf32>
    %get3A_28 = arith.constant 0 : index
    %get3A_29 = arith.constant 0 : index
    %get3A_30 = vector.load %arg4[%get3A_28, %get3A_29] : memref<128x128xf32, #tpu.memory_space<vmem>>, vector<128x128xf32>
    %dot_general3A_31 = arith.constant dense<0.000000e+00> : vector<2048x128xf32>
    %dot_general3A_32 = tpu.matmul %sub3A_27, %get3A_30, %dot_general3A_31 {dimension_numbers = #tpu.dot_dimension_numbers<[1], [0], [0], [1], [0, 0, 1, 1], [], []>, transpose_lhs_hint = false} : vector<2048x128xf32>, vector<128x128xf32>, vector<2048x128xf32> -> vector<2048x128xf32>
    %get3A_33 = arith.constant 0 : index
    %get3A_34 = arith.constant 0 : index
    %get3A_35 = vector.load %arg5[%get3A_33, %get3A_34] : memref<1x128xf32, #tpu.memory_space<vmem>>, vector<1x128xf32>
    %add3A_36 = vector.broadcast %get3A_35 : vector<1x128xf32> to vector<2048x128xf32>
    %add3A_37 = arith.addf %dot_general3A_32, %add3A_36 : vector<2048x128xf32>
    %swap3A = arith.constant 0 : index
    %swap3A_38 = arith.constant 0 : index
    %swap3A_39 = vector.load %arg6[%swap3A, %swap3A_38] : memref<2048x128xf32, #tpu.memory_space<vmem>>, vector<2048x128xf32>
    tpu.vector_store %arg6[%swap3A, %swap3A_38], %add3A_37 {strides = array<i32>} : memref<2048x128xf32, #tpu.memory_space<vmem>>, vector<2048x128xf32>,
    return
  }
  func.func @transform_0(%arg0: i32) -> i32 {
    %c0_i32 = arith.constant 0 : i32
    return %arg0 : i32
  }
  func.func @transform_1(%arg0: i32) -> (i32, i32) {
    %c0_i32 = arith.constant 0 : i32
    %c0_i32_0 = arith.constant 0 : i32
    %c0_i32_1 = arith.constant 0 : i32
    return %c0_i32, %c0_i32_0 : i32, i32
  }
  func.func @transform_2(%arg0: i32) -> (i32, i32) {
    %c0_i32 = arith.constant 0 : i32
    %c0_i32_0 = arith.constant 0 : i32
    %c0_i32_1 = arith.constant 0 : i32
    return %c0_i32, %c0_i32_0 : i32, i32
  }
  func.func @transform_3(%arg0: i32) -> (i32, i32) {
    %c0_i32 = arith.constant 0 : i32
    %c0_i32_0 = arith.constant 0 : i32
    %c0_i32_1 = arith.constant 0 : i32
    return %c0_i32, %c0_i32_0 : i32, i32
  }
  func.func @transform_4(%arg0: i32) -> (i32, i32) {
    %c0_i32 = arith.constant 0 : i32
    %c0_i32_0 = arith.constant 0 : i32
    %c0_i32_1 = arith.constant 0 : i32
    return %c0_i32, %c0_i32_0 : i32, i32
  }
  func.func @transform_5(%arg0: i32) -> (i32, i32) {
    %c0_i32 = arith.constant 0 : i32
    %c0_i32_0 = arith.constant 0 : i32
    return %arg0, %c0_i32 : i32, i32
  }
}

module attributes {stable_mosaic.version = 14 : i64} {
  func.func @_embed_body(%arg0: i32, %arg1: memref<2000x1xi32, #tpu.memory_space<vmem>>, %arg2: memref<128x128xf32, #tpu.memory_space<vmem>>, %arg3: memref<128x128xf32, #tpu.memory_space<vmem>>, %arg4: memref<2000x128xf32, #tpu.memory_space<vmem>>, %arg5: memref<2000x128xf32, #tpu.memory_space<vmem>>) attributes {dimension_semantics = [#tpu.dimension_semantics<arbitrary>], iteration_bounds = array<i64: 5>, scalar_prefetch = 0 : i64, scratch_operands = 0 : i64, tpu.core_type = #tpu.core_type<tc>, window_params = [{transform_indices = @transform_0, window_bounds = array<i64: 2000, 1>}, {pipeline_mode = #tpu.pipeline_mode<synchronous>, transform_indices = @transform_1, window_bounds = array<i64: 128, 128>}, {pipeline_mode = #tpu.pipeline_mode<synchronous>, transform_indices = @transform_2, window_bounds = array<i64: 128, 128>}, {transform_indices = @transform_3, window_bounds = array<i64: 2000, 128>}, {transform_indices = @transform_4, window_bounds = array<i64: 2000, 128>}]} {
    %get3A = arith.constant 0 : index
    %get3A_0 = arith.constant 0 : index
    %get3A_1 = vector.load %arg1[%get3A, %get3A_0] : memref<2000x1xi32, #tpu.memory_space<vmem>>, vector<2000x1xi32>
    %iota3A = tpu.iota {dimensions = array<i32: 1>} : vector<1x128xi32>
    %eq3A = vector.broadcast %get3A_1 : vector<2000x1xi32> to vector<2000x128xi32>
    %eq3A_2 = vector.broadcast %iota3A : vector<1x128xi32> to vector<2000x128xi32>
    %eq3A_3 = arith.cmpi eq, %eq3A, %eq3A_2 : vector<2000x128xi32>
    %convert_element_type3A = arith.extui %eq3A_3 : vector<2000x128xi1> to vector<2000x128xi32>
    %convert_element_type3A_4 = arith.sitofp %convert_element_type3A : vector<2000x128xi32> to vector<2000x128xf32>
    %get3A_5 = arith.constant 0 : index
    %get3A_6 = arith.constant 0 : index
    %get3A_7 = vector.load %arg2[%get3A_5, %get3A_6] : memref<128x128xf32, #tpu.memory_space<vmem>>, vector<128x128xf32>
    %dot_general3A = arith.constant dense<0.000000e+00> : vector<2000x128xf32>
    %dot_general3A_8 = tpu.matmul %convert_element_type3A_4, %get3A_7, %dot_general3A {dimension_numbers = #tpu.dot_dimension_numbers<[1], [0], [0], [1], [0, 0, 1, 1], [], []>, transpose_lhs_hint = false} : vector<2000x128xf32>, vector<128x128xf32>, vector<2000x128xf32> -> vector<2000x128xf32>
    %swap3A = arith.constant 0 : index
    %swap3A_9 = arith.constant 0 : index
    %swap3A_10 = vector.load %arg4[%swap3A, %swap3A_9] : memref<2000x128xf32, #tpu.memory_space<vmem>>, vector<2000x128xf32>
    tpu.vector_store %arg4[%swap3A, %swap3A_9], %dot_general3A_8 {strides = array<i32>} : memref<2000x128xf32, #tpu.memory_space<vmem>>, vector<2000x128xf32>,
    %get3A_11 = arith.constant 0 : index
    %get3A_12 = arith.constant 0 : index
    %get3A_13 = vector.load %arg3[%get3A_11, %get3A_12] : memref<128x128xf32, #tpu.memory_space<vmem>>, vector<128x128xf32>
    %dot_general3A_14 = arith.constant dense<0.000000e+00> : vector<2000x128xf32>
    %dot_general3A_15 = tpu.matmul %dot_general3A_8, %get3A_13, %dot_general3A_14 {dimension_numbers = #tpu.dot_dimension_numbers<[1], [0], [0], [1], [0, 0, 1, 1], [], []>, transpose_lhs_hint = false} : vector<2000x128xf32>, vector<128x128xf32>, vector<2000x128xf32> -> vector<2000x128xf32>
    %swap3A_16 = arith.constant 0 : index
    %swap3A_17 = arith.constant 0 : index
    %swap3A_18 = vector.load %arg5[%swap3A_16, %swap3A_17] : memref<2000x128xf32, #tpu.memory_space<vmem>>, vector<2000x128xf32>
    tpu.vector_store %arg5[%swap3A_16, %swap3A_17], %dot_general3A_15 {strides = array<i32>} : memref<2000x128xf32, #tpu.memory_space<vmem>>, vector<2000x128xf32>,
    return
  }
  func.func @transform_0(%arg0: i32) -> (i32, i32) {
    %c0_i32 = arith.constant 0 : i32
    %c0_i32_0 = arith.constant 0 : i32
    return %arg0, %c0_i32 : i32, i32
  }
  func.func @transform_1(%arg0: i32) -> (i32, i32) {
    %c0_i32 = arith.constant 0 : i32
    %c0_i32_0 = arith.constant 0 : i32
    %c0_i32_1 = arith.constant 0 : i32
    return %c0_i32, %c0_i32_0 : i32, i32
  }
  func.func @transform_2(%arg0: i32) -> (i32, i32) {
    %c0_i32 = arith.constant 0 : i32
    %c0_i32_0 = arith.constant 0 : i32
    %c0_i32_1 = arith.constant 0 : i32
    return %c0_i32, %c0_i32_0 : i32, i32
  }
  func.func @transform_3(%arg0: i32) -> (i32, i32) {
    %c0_i32 = arith.constant 0 : i32
    %c0_i32_0 = arith.constant 0 : i32
    return %arg0, %c0_i32 : i32, i32
  }
  func.func @transform_4(%arg0: i32) -> (i32, i32) {
    %c0_i32 = arith.constant 0 : i32
    %c0_i32_0 = arith.constant 0 : i32
    return %arg0, %c0_i32 : i32, i32
  }
}

module attributes {stable_mosaic.version = 14 : i64} {
  func.func @_update_body(%arg0: i32, %arg1: memref<2000x128xf32, #tpu.memory_space<vmem>>, %arg2: memref<2x2000x128xf32, #tpu.memory_space<vmem>>, %arg3: memref<2x2000x128xf32, #tpu.memory_space<vmem>>, %arg4: memref<128x128xf32, #tpu.memory_space<vmem>>, %arg5: memref<128x128xf32, #tpu.memory_space<vmem>>, %arg6: memref<2000x128xf32, #tpu.memory_space<vmem>>, %arg7: memref<2000x128xf32, #tpu.memory_space<vmem>>) attributes {dimension_semantics = [#tpu.dimension_semantics<arbitrary>], iteration_bounds = array<i64: 5>, scalar_prefetch = 0 : i64, scratch_operands = 0 : i64, tpu.core_type = #tpu.core_type<tc>, window_params = [{transform_indices = @transform_0, window_bounds = array<i64: 2000, 128>}, {transform_indices = @transform_1, window_bounds = array<i64: 2, 2000, 128>}, {transform_indices = @transform_2, window_bounds = array<i64: 2, 2000, 128>}, {pipeline_mode = #tpu.pipeline_mode<synchronous>, transform_indices = @transform_3, window_bounds = array<i64: 128, 128>}, {pipeline_mode = #tpu.pipeline_mode<synchronous>, transform_indices = @transform_4, window_bounds = array<i64: 128, 128>}, {transform_indices = @transform_5, window_bounds = array<i64: 2000, 128>}, {transform_indices = @transform_6, window_bounds = array<i64: 2000, 128>}]} {
    %get3A = arith.constant 0 : index
    %get3A_0 = arith.constant 0 : index
    %get3A_1 = arith.constant 0 : index
    %get3A_2 = vector.load %arg2[%get3A, %get3A_0, %get3A_1] : memref<2x2000x128xf32, #tpu.memory_space<vmem>>, vector<1x2000x128xf32>
    %get3A_3 = vector.shape_cast %get3A_2 : vector<1x2000x128xf32> to vector<2000x128xf32>
    %get3A_4 = arith.constant 1 : index
    %get3A_5 = arith.constant 0 : index
    %get3A_6 = arith.constant 0 : index
    %get3A_7 = vector.load %arg2[%get3A_4, %get3A_5, %get3A_6] : memref<2x2000x128xf32, #tpu.memory_space<vmem>>, vector<1x2000x128xf32>
    %get3A_8 = vector.shape_cast %get3A_7 : vector<1x2000x128xf32> to vector<2000x128xf32>
    %add3A = arith.addf %get3A_3, %get3A_8 : vector<2000x128xf32>
    %get3A_9 = arith.constant 0 : index
    %get3A_10 = arith.constant 0 : index
    %get3A_11 = arith.constant 0 : index
    %get3A_12 = vector.load %arg3[%get3A_9, %get3A_10, %get3A_11] : memref<2x2000x128xf32, #tpu.memory_space<vmem>>, vector<1x2000x1xf32>
    %get3A_13 = vector.shape_cast %get3A_12 : vector<1x2000x1xf32> to vector<2000x1xf32>
    %get3A_14 = arith.constant 1 : index
    %get3A_15 = arith.constant 0 : index
    %get3A_16 = arith.constant 0 : index
    %get3A_17 = vector.load %arg3[%get3A_14, %get3A_15, %get3A_16] : memref<2x2000x128xf32, #tpu.memory_space<vmem>>, vector<1x2000x1xf32>
    %get3A_18 = vector.shape_cast %get3A_17 : vector<1x2000x1xf32> to vector<2000x1xf32>
    %add3A_19 = arith.addf %get3A_13, %get3A_18 : vector<2000x1xf32>
    %max3A = arith.constant 1.000000e+00 : f32
    %max3A_20 = vector.broadcast %max3A : f32 to vector<2000x1xf32>
    %max3A_21 = arith.maximumf %add3A_19, %max3A_20 : vector<2000x1xf32>
    %div3A = vector.broadcast %max3A_21 : vector<2000x1xf32> to vector<2000x128xf32>
    %div3A_22 = arith.divf %add3A, %div3A : vector<2000x128xf32>
    %custom_jvp_call3A = arith.constant 0.000000e+00 : f32
    %max3A_23 = vector.broadcast %custom_jvp_call3A : f32 to vector<2000x128xf32>
    %max3A_24 = arith.maximumf %div3A_22, %max3A_23 : vector<2000x128xf32>
    %sub3A = vector.broadcast %custom_jvp_call3A : f32 to vector<2000x128xf32>
    %sub3A_25 = arith.subf %div3A_22, %sub3A : vector<2000x128xf32>
    %ne3A = arith.cmpf one, %sub3A_25, %sub3A_25 : vector<2000x128xf32>
    %add3A_26 = vector.broadcast %custom_jvp_call3A : f32 to vector<2000x128xf32>
    %add3A_27 = arith.addf %div3A_22, %add3A_26 : vector<2000x128xf32>
    %abs3A = math.absf %sub3A_25 : vector<2000x128xf32>
    %neg3A = arith.constant 0.000000e+00 : f32
    %neg3A_28 = vector.broadcast %neg3A : f32 to vector<2000x128xf32>
    %neg3A_29 = arith.subf %neg3A_28, %abs3A : vector<2000x128xf32>
    %exp3A = math.exp %neg3A_29 : vector<2000x128xf32>
    %log1p3A = math.log1p %exp3A : vector<2000x128xf32>
    %add3A_30 = arith.addf %max3A_24, %log1p3A : vector<2000x128xf32>
    %select_n3A = arith.select %ne3A, %add3A_27, %add3A_30 : vector<2000x128xi1>, vector<2000x128xf32>
    %log3A = arith.constant 2.000000e+00 : f32
    %log3A_31 = math.log %log3A : f32
    %sub3A_32 = vector.broadcast %log3A_31 : f32 to vector<2000x128xf32>
    %sub3A_33 = arith.subf %select_n3A, %sub3A_32 : vector<2000x128xf32>
    %get3A_34 = arith.constant 0 : index
    %get3A_35 = arith.constant 0 : index
    %get3A_36 = vector.load %arg1[%get3A_34, %get3A_35] : memref<2000x128xf32, #tpu.memory_space<vmem>>, vector<2000x128xf32>
    %get3A_37 = arith.constant 0 : index
    %get3A_38 = arith.constant 0 : index
    %get3A_39 = vector.load %arg4[%get3A_37, %get3A_38] : memref<128x128xf32, #tpu.memory_space<vmem>>, vector<128x128xf32>
    %dot_general3A = arith.constant dense<0.000000e+00> : vector<2000x128xf32>
    %dot_general3A_40 = tpu.matmul %sub3A_33, %get3A_39, %dot_general3A {dimension_numbers = #tpu.dot_dimension_numbers<[1], [0], [0], [1], [0, 0, 1, 1], [], []>, transpose_lhs_hint = false} : vector<2000x128xf32>, vector<128x128xf32>, vector<2000x128xf32> -> vector<2000x128xf32>
    %add3A_41 = arith.addf %get3A_36, %dot_general3A_40 : vector<2000x128xf32>
    %swap3A = arith.constant 0 : index
    %swap3A_42 = arith.constant 0 : index
    %swap3A_43 = vector.load %arg6[%swap3A, %swap3A_42] : memref<2000x128xf32, #tpu.memory_space<vmem>>, vector<2000x128xf32>
    tpu.vector_store %arg6[%swap3A, %swap3A_42], %add3A_41 {strides = array<i32>} : memref<2000x128xf32, #tpu.memory_space<vmem>>, vector<2000x128xf32>,
    %get3A_44 = arith.constant 0 : index
    %get3A_45 = arith.constant 0 : index
    %get3A_46 = vector.load %arg5[%get3A_44, %get3A_45] : memref<128x128xf32, #tpu.memory_space<vmem>>, vector<128x128xf32>
    %dot_general3A_47 = arith.constant dense<0.000000e+00> : vector<2000x128xf32>
    %dot_general3A_48 = tpu.matmul %add3A_41, %get3A_46, %dot_general3A_47 {dimension_numbers = #tpu.dot_dimension_numbers<[1], [0], [0], [1], [0, 0, 1, 1], [], []>, transpose_lhs_hint = false} : vector<2000x128xf32>, vector<128x128xf32>, vector<2000x128xf32> -> vector<2000x128xf32>
    %swap3A_49 = arith.constant 0 : index
    %swap3A_50 = arith.constant 0 : index
    %swap3A_51 = vector.load %arg7[%swap3A_49, %swap3A_50] : memref<2000x128xf32, #tpu.memory_space<vmem>>, vector<2000x128xf32>
    tpu.vector_store %arg7[%swap3A_49, %swap3A_50], %dot_general3A_48 {strides = array<i32>} : memref<2000x128xf32, #tpu.memory_space<vmem>>, vector<2000x128xf32>,
    return
  }
  func.func @transform_0(%arg0: i32) -> (i32, i32) {
    %c0_i32 = arith.constant 0 : i32
    %c0_i32_0 = arith.constant 0 : i32
    return %arg0, %c0_i32 : i32, i32
  }
  func.func @transform_1(%arg0: i32) -> (i32, i32, i32) {
    %c0_i32 = arith.constant 0 : i32
    %c0_i32_0 = arith.constant 0 : i32
    %c0_i32_1 = arith.constant 0 : i32
    return %c0_i32, %arg0, %c0_i32_0 : i32, i32, i32
  }
  func.func @transform_2(%arg0: i32) -> (i32, i32, i32) {
    %c0_i32 = arith.constant 0 : i32
    %c0_i32_0 = arith.constant 0 : i32
    %c0_i32_1 = arith.constant 0 : i32
    return %c0_i32, %arg0, %c0_i32_0 : i32, i32, i32
  }
  func.func @transform_3(%arg0: i32) -> (i32, i32) {
    %c0_i32 = arith.constant 0 : i32
    %c0_i32_0 = arith.constant 0 : i32
    %c0_i32_1 = arith.constant 0 : i32
    return %c0_i32, %c0_i32_0 : i32, i32
  }
  func.func @transform_4(%arg0: i32) -> (i32, i32) {
    %c0_i32 = arith.constant 0 : i32
    %c0_i32_0 = arith.constant 0 : i32
    %c0_i32_1 = arith.constant 0 : i32
    return %c0_i32, %c0_i32_0 : i32, i32
  }
  func.func @transform_5(%arg0: i32) -> (i32, i32) {
    %c0_i32 = arith.constant 0 : i32
    %c0_i32_0 = arith.constant 0 : i32
    return %arg0, %c0_i32 : i32, i32
  }
  func.func @transform_6(%arg0: i32) -> (i32, i32) {
    %c0_i32 = arith.constant 0 : i32
    %c0_i32_0 = arith.constant 0 : i32
    return %arg0, %c0_i32 : i32, i32
  }
}

module attributes {stable_mosaic.version = 14 : i64} {
  func.func @_update_body(%arg0: i32, %arg1: memref<2000x128xf32, #tpu.memory_space<vmem>>, %arg2: memref<2x2000x128xf32, #tpu.memory_space<vmem>>, %arg3: memref<2x2000x128xf32, #tpu.memory_space<vmem>>, %arg4: memref<128x128xf32, #tpu.memory_space<vmem>>, %arg5: memref<128x128xf32, #tpu.memory_space<vmem>>, %arg6: memref<2000x128xf32, #tpu.memory_space<vmem>>, %arg7: memref<2000x128xf32, #tpu.memory_space<vmem>>) attributes {dimension_semantics = [#tpu.dimension_semantics<arbitrary>], iteration_bounds = array<i64: 5>, scalar_prefetch = 0 : i64, scratch_operands = 0 : i64, tpu.core_type = #tpu.core_type<tc>, window_params = [{transform_indices = @transform_0, window_bounds = array<i64: 2000, 128>}, {transform_indices = @transform_1, window_bounds = array<i64: 2, 2000, 128>}, {transform_indices = @transform_2, window_bounds = array<i64: 2, 2000, 128>}, {pipeline_mode = #tpu.pipeline_mode<synchronous>, transform_indices = @transform_3, window_bounds = array<i64: 128, 128>}, {pipeline_mode = #tpu.pipeline_mode<synchronous>, transform_indices = @transform_4, window_bounds = array<i64: 128, 128>}, {transform_indices = @transform_5, window_bounds = array<i64: 2000, 128>}, {transform_indices = @transform_6, window_bounds = array<i64: 2000, 128>}]} {
    %get3A = arith.constant 0 : index
    %get3A_0 = arith.constant 0 : index
    %get3A_1 = arith.constant 0 : index
    %get3A_2 = vector.load %arg2[%get3A, %get3A_0, %get3A_1] : memref<2x2000x128xf32, #tpu.memory_space<vmem>>, vector<1x2000x128xf32>
    %get3A_3 = vector.shape_cast %get3A_2 : vector<1x2000x128xf32> to vector<2000x128xf32>
    %get3A_4 = arith.constant 1 : index
    %get3A_5 = arith.constant 0 : index
    %get3A_6 = arith.constant 0 : index
    %get3A_7 = vector.load %arg2[%get3A_4, %get3A_5, %get3A_6] : memref<2x2000x128xf32, #tpu.memory_space<vmem>>, vector<1x2000x128xf32>
    %get3A_8 = vector.shape_cast %get3A_7 : vector<1x2000x128xf32> to vector<2000x128xf32>
    %add3A = arith.addf %get3A_3, %get3A_8 : vector<2000x128xf32>
    %get3A_9 = arith.constant 0 : index
    %get3A_10 = arith.constant 0 : index
    %get3A_11 = arith.constant 0 : index
    %get3A_12 = vector.load %arg3[%get3A_9, %get3A_10, %get3A_11] : memref<2x2000x128xf32, #tpu.memory_space<vmem>>, vector<1x2000x1xf32>
    %get3A_13 = vector.shape_cast %get3A_12 : vector<1x2000x1xf32> to vector<2000x1xf32>
    %get3A_14 = arith.constant 1 : index
    %get3A_15 = arith.constant 0 : index
    %get3A_16 = arith.constant 0 : index
    %get3A_17 = vector.load %arg3[%get3A_14, %get3A_15, %get3A_16] : memref<2x2000x128xf32, #tpu.memory_space<vmem>>, vector<1x2000x1xf32>
    %get3A_18 = vector.shape_cast %get3A_17 : vector<1x2000x1xf32> to vector<2000x1xf32>
    %add3A_19 = arith.addf %get3A_13, %get3A_18 : vector<2000x1xf32>
    %max3A = arith.constant 1.000000e+00 : f32
    %max3A_20 = vector.broadcast %max3A : f32 to vector<2000x1xf32>
    %max3A_21 = arith.maximumf %add3A_19, %max3A_20 : vector<2000x1xf32>
    %div3A = vector.broadcast %max3A_21 : vector<2000x1xf32> to vector<2000x128xf32>
    %div3A_22 = arith.divf %add3A, %div3A : vector<2000x128xf32>
    %custom_jvp_call3A = arith.constant 0.000000e+00 : f32
    %max3A_23 = vector.broadcast %custom_jvp_call3A : f32 to vector<2000x128xf32>
    %max3A_24 = arith.maximumf %div3A_22, %max3A_23 : vector<2000x128xf32>
    %sub3A = vector.broadcast %custom_jvp_call3A : f32 to vector<2000x128xf32>
    %sub3A_25 = arith.subf %div3A_22, %sub3A : vector<2000x128xf32>
    %ne3A = arith.cmpf one, %sub3A_25, %sub3A_25 : vector<2000x128xf32>
    %add3A_26 = vector.broadcast %custom_jvp_call3A : f32 to vector<2000x128xf32>
    %add3A_27 = arith.addf %div3A_22, %add3A_26 : vector<2000x128xf32>
    %abs3A = math.absf %sub3A_25 : vector<2000x128xf32>
    %neg3A = arith.constant 0.000000e+00 : f32
    %neg3A_28 = vector.broadcast %neg3A : f32 to vector<2000x128xf32>
    %neg3A_29 = arith.subf %neg3A_28, %abs3A : vector<2000x128xf32>
    %exp3A = math.exp %neg3A_29 : vector<2000x128xf32>
    %log1p3A = math.log1p %exp3A : vector<2000x128xf32>
    %add3A_30 = arith.addf %max3A_24, %log1p3A : vector<2000x128xf32>
    %select_n3A = arith.select %ne3A, %add3A_27, %add3A_30 : vector<2000x128xi1>, vector<2000x128xf32>
    %log3A = arith.constant 2.000000e+00 : f32
    %log3A_31 = math.log %log3A : f32
    %sub3A_32 = vector.broadcast %log3A_31 : f32 to vector<2000x128xf32>
    %sub3A_33 = arith.subf %select_n3A, %sub3A_32 : vector<2000x128xf32>
    %get3A_34 = arith.constant 0 : index
    %get3A_35 = arith.constant 0 : index
    %get3A_36 = vector.load %arg1[%get3A_34, %get3A_35] : memref<2000x128xf32, #tpu.memory_space<vmem>>, vector<2000x128xf32>
    %get3A_37 = arith.constant 0 : index
    %get3A_38 = arith.constant 0 : index
    %get3A_39 = vector.load %arg4[%get3A_37, %get3A_38] : memref<128x128xf32, #tpu.memory_space<vmem>>, vector<128x128xf32>
    %dot_general3A = arith.constant dense<0.000000e+00> : vector<2000x128xf32>
    %dot_general3A_40 = tpu.matmul %sub3A_33, %get3A_39, %dot_general3A {dimension_numbers = #tpu.dot_dimension_numbers<[1], [0], [0], [1], [0, 0, 1, 1], [], []>, transpose_lhs_hint = false} : vector<2000x128xf32>, vector<128x128xf32>, vector<2000x128xf32> -> vector<2000x128xf32>
    %add3A_41 = arith.addf %get3A_36, %dot_general3A_40 : vector<2000x128xf32>
    %swap3A = arith.constant 0 : index
    %swap3A_42 = arith.constant 0 : index
    %swap3A_43 = vector.load %arg6[%swap3A, %swap3A_42] : memref<2000x128xf32, #tpu.memory_space<vmem>>, vector<2000x128xf32>
    tpu.vector_store %arg6[%swap3A, %swap3A_42], %add3A_41 {strides = array<i32>} : memref<2000x128xf32, #tpu.memory_space<vmem>>, vector<2000x128xf32>,
    %swap3A_44 = arith.constant 0 : index
    %swap3A_45 = arith.constant 0 : index
    %swap3A_46 = vector.load %arg7[%swap3A_44, %swap3A_45] : memref<2000x128xf32, #tpu.memory_space<vmem>>, vector<2000x128xf32>
    tpu.vector_store %arg7[%swap3A_44, %swap3A_45], %add3A_41 {strides = array<i32>} : memref<2000x128xf32, #tpu.memory_space<vmem>>, vector<2000x128xf32>,
    return
  }
  func.func @transform_0(%arg0: i32) -> (i32, i32) {
    %c0_i32 = arith.constant 0 : i32
    %c0_i32_0 = arith.constant 0 : i32
    return %arg0, %c0_i32 : i32, i32
  }
  func.func @transform_1(%arg0: i32) -> (i32, i32, i32) {
    %c0_i32 = arith.constant 0 : i32
    %c0_i32_0 = arith.constant 0 : i32
    %c0_i32_1 = arith.constant 0 : i32
    return %c0_i32, %arg0, %c0_i32_0 : i32, i32, i32
  }
  func.func @transform_2(%arg0: i32) -> (i32, i32, i32) {
    %c0_i32 = arith.constant 0 : i32
    %c0_i32_0 = arith.constant 0 : i32
    %c0_i32_1 = arith.constant 0 : i32
    return %c0_i32, %arg0, %c0_i32_0 : i32, i32, i32
  }
  func.func @transform_3(%arg0: i32) -> (i32, i32) {
    %c0_i32 = arith.constant 0 : i32
    %c0_i32_0 = arith.constant 0 : i32
    %c0_i32_1 = arith.constant 0 : i32
    return %c0_i32, %c0_i32_0 : i32, i32
  }
  func.func @transform_4(%arg0: i32) -> (i32, i32) {
    %c0_i32 = arith.constant 0 : i32
    %c0_i32_0 = arith.constant 0 : i32
    %c0_i32_1 = arith.constant 0 : i32
    return %c0_i32, %c0_i32_0 : i32, i32
  }
  func.func @transform_5(%arg0: i32) -> (i32, i32) {
    %c0_i32 = arith.constant 0 : i32
    %c0_i32_0 = arith.constant 0 : i32
    return %arg0, %c0_i32 : i32, i32
  }
  func.func @transform_6(%arg0: i32) -> (i32, i32) {
    %c0_i32 = arith.constant 0 : i32
    %c0_i32_0 = arith.constant 0 : i32
    return %arg0, %c0_i32 : i32, i32
  }
}

module attributes {stable_mosaic.version = 14 : i64} {
  func.func @_final_body(%arg0: memref<10000x128xf32, #tpu.memory_space<vmem>>, %arg1: memref<1x10000xi32, #tpu.memory_space<vmem>>, %arg2: memref<1x10000xi32, #tpu.memory_space<vmem>>, %arg3: memref<1x10000xi32, #tpu.memory_space<vmem>>, %arg4: memref<1x128xf32, #tpu.memory_space<vmem>>, %arg5: memref<1x128xf32, #tpu.memory_space<vmem>>, %arg6: memref<128x128xf32, #tpu.memory_space<vmem>>, %arg7: memref<2x128x128xf32, #tpu.memory_space<vmem>>, %arg8: memref<2x1x128xf32, #tpu.memory_space<vmem>>, %arg9: memref<2x1x128xf32, #tpu.memory_space<vmem>>, %arg10: memref<2x1x1xf32, #tpu.memory_space<vmem>>, %arg11: memref<1x128x128xf32, #tpu.memory_space<vmem>>, %arg12: memref<1x1x128xf32, #tpu.memory_space<vmem>>, %arg13: memref<1x2x128xf32, #tpu.memory_space<vmem>>, %arg14: memref<1x1x2xf32, #tpu.memory_space<vmem>>, %arg15: memref<2x16x128xf32, #tpu.memory_space<vmem>>, %arg16: memref<2x8x128xf32, #tpu.memory_space<vmem>>) attributes {dimension_semantics = [], scalar_prefetch = 0 : i64, scratch_operands = 0 : i64, tpu.core_type = #tpu.core_type<tc>} {
    %get3A = arith.constant 0 : index
    %get3A_0 = arith.constant 0 : index
    %get3A_1 = vector.load %arg0[%get3A, %get3A_0] : memref<10000x128xf32, #tpu.memory_space<vmem>>, vector<10000x128xf32>
    %reduce_sum3A = arith.constant dense<0.000000e+00> : vector<10000xf32>
    %reduce_sum3A_2 = vector.multi_reduction <add>, %get3A_1, %reduce_sum3A [1] : vector<10000x128xf32> to vector<10000xf32>
    %broadcast_in_dim3A = vector.shape_cast %reduce_sum3A_2 : vector<10000xf32> to vector<10000x1xf32>
    %div3A = arith.constant 1.280000e+02 : f32
    %div3A_3 = vector.broadcast %div3A : f32 to vector<10000x1xf32>
    %div3A_4 = arith.divf %broadcast_in_dim3A, %div3A_3 : vector<10000x1xf32>
    %sub3A = vector.broadcast %div3A_4 : vector<10000x1xf32> to vector<10000x128xf32>
    %sub3A_5 = arith.subf %get3A_1, %sub3A : vector<10000x128xf32>
    %mul3A = arith.mulf %sub3A_5, %sub3A_5 : vector<10000x128xf32>
    %reduce_sum3A_6 = arith.constant dense<0.000000e+00> : vector<10000xf32>
    %reduce_sum3A_7 = vector.multi_reduction <add>, %mul3A, %reduce_sum3A_6 [1] : vector<10000x128xf32> to vector<10000xf32>
    %broadcast_in_dim3A_8 = vector.shape_cast %reduce_sum3A_7 : vector<10000xf32> to vector<10000x1xf32>
    %div3A_9 = arith.constant 1.280000e+02 : f32
    %div3A_10 = vector.broadcast %div3A_9 : f32 to vector<10000x1xf32>
    %div3A_11 = arith.divf %broadcast_in_dim3A_8, %div3A_10 : vector<10000x1xf32>
    %get3A_12 = arith.constant 0 : index
    %get3A_13 = arith.constant 0 : index
    %get3A_14 = vector.load %arg4[%get3A_12, %get3A_13] : memref<1x128xf32, #tpu.memory_space<vmem>>, vector<1x128xf32>
    %mul3A_15 = vector.broadcast %get3A_14 : vector<1x128xf32> to vector<10000x128xf32>
    %mul3A_16 = arith.mulf %mul3A_15, %sub3A_5 : vector<10000x128xf32>
    %add3A = arith.constant 9.99999974E-6 : f32
    %add3A_17 = vector.broadcast %add3A : f32 to vector<10000x1xf32>
    %add3A_18 = arith.addf %div3A_11, %add3A_17 : vector<10000x1xf32>
    %rsqrt3A = math.rsqrt %add3A_18 : vector<10000x1xf32>
    %mul3A_19 = vector.broadcast %rsqrt3A : vector<10000x1xf32> to vector<10000x128xf32>
    %mul3A_20 = arith.mulf %mul3A_16, %mul3A_19 : vector<10000x128xf32>
    %get3A_21 = arith.constant 0 : index
    %get3A_22 = arith.constant 0 : index
    %get3A_23 = vector.load %arg5[%get3A_21, %get3A_22] : memref<1x128xf32, #tpu.memory_space<vmem>>, vector<1x128xf32>
    %add3A_24 = vector.broadcast %get3A_23 : vector<1x128xf32> to vector<10000x128xf32>
    %add3A_25 = arith.addf %mul3A_20, %add3A_24 : vector<10000x128xf32>
    %get3A_26 = arith.constant 0 : index
    %get3A_27 = arith.constant 0 : index
    %get3A_28 = vector.load %arg6[%get3A_26, %get3A_27] : memref<128x128xf32, #tpu.memory_space<vmem>>, vector<128x128xf32>
    %dot_general3A = arith.constant dense<0.000000e+00> : vector<10000x128xf32>
    %dot_general3A_29 = tpu.matmul %add3A_25, %get3A_28, %dot_general3A {dimension_numbers = #tpu.dot_dimension_numbers<[1], [0], [0], [1], [0, 0, 1, 1], [], []>, transpose_lhs_hint = false} : vector<10000x128xf32>, vector<128x128xf32>, vector<10000x128xf32> -> vector<10000x128xf32>
    %get3A_30 = arith.constant 0 : index
    %get3A_31 = arith.constant 0 : index
    %get3A_32 = vector.load %arg1[%get3A_30, %get3A_31] : memref<1x10000xi32, #tpu.memory_space<vmem>>, vector<1x10000xi32>
    %iota3A = tpu.iota {dimensions = array<i32: 0>} : vector<16x1xi32>
    %eq3A = vector.broadcast %get3A_32 : vector<1x10000xi32> to vector<16x10000xi32>
    %eq3A_33 = vector.broadcast %iota3A : vector<16x1xi32> to vector<16x10000xi32>
    %eq3A_34 = arith.cmpi eq, %eq3A, %eq3A_33 : vector<16x10000xi32>
    %convert_element_type3A = arith.extui %eq3A_34 : vector<16x10000xi1> to vector<16x10000xi32>
    %convert_element_type3A_35 = arith.sitofp %convert_element_type3A : vector<16x10000xi32> to vector<16x10000xf32>
    %dot_general3A_36 = arith.constant dense<0.000000e+00> : vector<16x128xf32>
    %dot_general3A_37 = tpu.matmul %convert_element_type3A_35, %dot_general3A_29, %dot_general3A_36 {dimension_numbers = #tpu.dot_dimension_numbers<[1], [0], [0], [1], [0, 0, 1, 1], [], []>, transpose_lhs_hint = false} : vector<16x10000xf32>, vector<10000x128xf32>, vector<16x128xf32> -> vector<16x128xf32>
    %reduce_sum3A_38 = arith.constant dense<0.000000e+00> : vector<16xf32>
    %reduce_sum3A_39 = vector.multi_reduction <add>, %convert_element_type3A_35, %reduce_sum3A_38 [1] : vector<16x10000xf32> to vector<16xf32>
    %broadcast_in_dim3A_40 = vector.shape_cast %reduce_sum3A_39 : vector<16xf32> to vector<16x1xf32>
    %max3A = arith.constant 1.000000e+00 : f32
    %max3A_41 = vector.broadcast %max3A : f32 to vector<16x1xf32>
    %max3A_42 = arith.maximumf %broadcast_in_dim3A_40, %max3A_41 : vector<16x1xf32>
    %div3A_43 = vector.broadcast %max3A_42 : vector<16x1xf32> to vector<16x128xf32>
    %div3A_44 = arith.divf %dot_general3A_37, %div3A_43 : vector<16x128xf32>
    %get3A_45 = arith.constant 0 : index
    %get3A_46 = arith.constant 0 : index
    %get3A_47 = arith.constant 0 : index
    %get3A_48 = vector.load %arg7[%get3A_45, %get3A_46, %get3A_47] : memref<2x128x128xf32, #tpu.memory_space<vmem>>, vector<1x128x128xf32>
    %get3A_49 = vector.shape_cast %get3A_48 : vector<1x128x128xf32> to vector<128x128xf32>
    %dot_general3A_50 = arith.constant dense<0.000000e+00> : vector<16x128xf32>
    %dot_general3A_51 = tpu.matmul %div3A_44, %get3A_49, %dot_general3A_50 {dimension_numbers = #tpu.dot_dimension_numbers<[1], [0], [0], [1], [0, 0, 1, 1], [], []>, transpose_lhs_hint = false} : vector<16x128xf32>, vector<128x128xf32>, vector<16x128xf32> -> vector<16x128xf32>
    %get3A_52 = arith.constant 0 : index
    %get3A_53 = arith.constant 0 : index
    %get3A_54 = arith.constant 0 : index
    %get3A_55 = vector.load %arg8[%get3A_52, %get3A_53, %get3A_54] : memref<2x1x128xf32, #tpu.memory_space<vmem>>, vector<1x1x128xf32>
    %get3A_56 = vector.shape_cast %get3A_55 : vector<1x1x128xf32> to vector<1x128xf32>
    %add3A_57 = vector.broadcast %get3A_56 : vector<1x128xf32> to vector<16x128xf32>
    %add3A_58 = arith.addf %dot_general3A_51, %add3A_57 : vector<16x128xf32>
    %neg3A = arith.constant 0.000000e+00 : f32
    %neg3A_59 = vector.broadcast %neg3A : f32 to vector<16x128xf32>
    %neg3A_60 = arith.subf %neg3A_59, %add3A_58 : vector<16x128xf32>
    %exp3A = math.exp %neg3A_60 : vector<16x128xf32>
    %add3A_61 = arith.constant 1.000000e+00 : f32
    %add3A_62 = vector.broadcast %add3A_61 : f32 to vector<16x128xf32>
    %add3A_63 = arith.addf %add3A_62, %exp3A : vector<16x128xf32>
    %div3A_64 = arith.divf %add3A_58, %add3A_63 : vector<16x128xf32>
    %get3A_65 = arith.constant 0 : index
    %get3A_66 = arith.constant 0 : index
    %get3A_67 = arith.constant 0 : index
    %get3A_68 = vector.load %arg9[%get3A_65, %get3A_66, %get3A_67] : memref<2x1x128xf32, #tpu.memory_space<vmem>>, vector<1x1x128xf32>
    %get3A_69 = vector.shape_cast %get3A_68 : vector<1x1x128xf32> to vector<1x128xf32>
    %mul3A_70 = vector.broadcast %get3A_69 : vector<1x128xf32> to vector<16x128xf32>
    %mul3A_71 = arith.mulf %div3A_64, %mul3A_70 : vector<16x128xf32>
    %reduce_sum3A_72 = arith.constant dense<0.000000e+00> : vector<16xf32>
    %reduce_sum3A_73 = vector.multi_reduction <add>, %mul3A_71, %reduce_sum3A_72 [1] : vector<16x128xf32> to vector<16xf32>
    %broadcast_in_dim3A_74 = vector.shape_cast %reduce_sum3A_73 : vector<16xf32> to vector<16x1xf32>
    %get3A_75 = arith.constant 0 : index
    %get3A_76 = arith.constant 0 : index
    %get3A_77 = arith.constant 0 : index
    %get3A_78 = vector.load %arg10[%get3A_75, %get3A_76, %get3A_77] : memref<2x1x1xf32, #tpu.memory_space<vmem>>, vector<1x1x1xf32>
    %get3A_79 = vector.extract %get3A_78[0, 0, 0] : f32 from vector<1x1x1xf32>
    %add3A_80 = vector.broadcast %get3A_79 : f32 to vector<16x1xf32>
    %add3A_81 = arith.addf %broadcast_in_dim3A_74, %add3A_80 : vector<16x1xf32>
    %broadcast_in_dim3A_82 = vector.shape_cast %add3A_81 : vector<16x1xf32> to vector<16x1xf32>
    %broadcast_in_dim3A_83 = vector.broadcast %broadcast_in_dim3A_82 : vector<16x1xf32> to vector<16x128xf32>
    %swap3A = arith.constant 0 : index
    %swap3A_84 = arith.constant 0 : index
    %swap3A_85 = arith.constant 0 : index
    %swap3A_86 = vector.load %arg15[%swap3A, %swap3A_84, %swap3A_85] : memref<2x16x128xf32, #tpu.memory_space<vmem>>, vector<1x16x128xf32>
    %swap3A_87 = vector.shape_cast %swap3A_86 : vector<1x16x128xf32> to vector<16x128xf32>
    %swap3A_88 = vector.shape_cast %broadcast_in_dim3A_83 : vector<16x128xf32> to vector<1x16x128xf32>
    tpu.vector_store %arg15[%swap3A, %swap3A_84, %swap3A_85], %swap3A_88 {strides = array<i32>} : memref<2x16x128xf32, #tpu.memory_space<vmem>>, vector<1x16x128xf32>,
    %get3A_89 = arith.constant 1 : index
    %get3A_90 = arith.constant 0 : index
    %get3A_91 = arith.constant 0 : index
    %get3A_92 = vector.load %arg7[%get3A_89, %get3A_90, %get3A_91] : memref<2x128x128xf32, #tpu.memory_space<vmem>>, vector<1x128x128xf32>
    %get3A_93 = vector.shape_cast %get3A_92 : vector<1x128x128xf32> to vector<128x128xf32>
    %dot_general3A_94 = arith.constant dense<0.000000e+00> : vector<16x128xf32>
    %dot_general3A_95 = tpu.matmul %div3A_44, %get3A_93, %dot_general3A_94 {dimension_numbers = #tpu.dot_dimension_numbers<[1], [0], [0], [1], [0, 0, 1, 1], [], []>, transpose_lhs_hint = false} : vector<16x128xf32>, vector<128x128xf32>, vector<16x128xf32> -> vector<16x128xf32>
    %get3A_96 = arith.constant 1 : index
    %get3A_97 = arith.constant 0 : index
    %get3A_98 = arith.constant 0 : index
    %get3A_99 = vector.load %arg8[%get3A_96, %get3A_97, %get3A_98] : memref<2x1x128xf32, #tpu.memory_space<vmem>>, vector<1x1x128xf32>
    %get3A_100 = vector.shape_cast %get3A_99 : vector<1x1x128xf32> to vector<1x128xf32>
    %add3A_101 = vector.broadcast %get3A_100 : vector<1x128xf32> to vector<16x128xf32>
    %add3A_102 = arith.addf %dot_general3A_95, %add3A_101 : vector<16x128xf32>
    %neg3A_103 = arith.constant 0.000000e+00 : f32
    %neg3A_104 = vector.broadcast %neg3A_103 : f32 to vector<16x128xf32>
    %neg3A_105 = arith.subf %neg3A_104, %add3A_102 : vector<16x128xf32>
    %exp3A_106 = math.exp %neg3A_105 : vector<16x128xf32>
    %add3A_107 = arith.constant 1.000000e+00 : f32
    %add3A_108 = vector.broadcast %add3A_107 : f32 to vector<16x128xf32>
    %add3A_109 = arith.addf %add3A_108, %exp3A_106 : vector<16x128xf32>
    %div3A_110 = arith.divf %add3A_102, %add3A_109 : vector<16x128xf32>
    %get3A_111 = arith.constant 1 : index
    %get3A_112 = arith.constant 0 : index
    %get3A_113 = arith.constant 0 : index
    %get3A_114 = vector.load %arg9[%get3A_111, %get3A_112, %get3A_113] : memref<2x1x128xf32, #tpu.memory_space<vmem>>, vector<1x1x128xf32>
    %get3A_115 = vector.shape_cast %get3A_114 : vector<1x1x128xf32> to vector<1x128xf32>
    %mul3A_116 = vector.broadcast %get3A_115 : vector<1x128xf32> to vector<16x128xf32>
    %mul3A_117 = arith.mulf %div3A_110, %mul3A_116 : vector<16x128xf32>
    %reduce_sum3A_118 = arith.constant dense<0.000000e+00> : vector<16xf32>
    %reduce_sum3A_119 = vector.multi_reduction <add>, %mul3A_117, %reduce_sum3A_118 [1] : vector<16x128xf32> to vector<16xf32>
    %broadcast_in_dim3A_120 = vector.shape_cast %reduce_sum3A_119 : vector<16xf32> to vector<16x1xf32>
    %get3A_121 = arith.constant 1 : index
    %get3A_122 = arith.constant 0 : index
    %get3A_123 = arith.constant 0 : index
    %get3A_124 = vector.load %arg10[%get3A_121, %get3A_122, %get3A_123] : memref<2x1x1xf32, #tpu.memory_space<vmem>>, vector<1x1x1xf32>
    %get3A_125 = vector.extract %get3A_124[0, 0, 0] : f32 from vector<1x1x1xf32>
    %add3A_126 = vector.broadcast %get3A_125 : f32 to vector<16x1xf32>
    %add3A_127 = arith.addf %broadcast_in_dim3A_120, %add3A_126 : vector<16x1xf32>
    %broadcast_in_dim3A_128 = vector.shape_cast %add3A_127 : vector<16x1xf32> to vector<16x1xf32>
    %broadcast_in_dim3A_129 = vector.broadcast %broadcast_in_dim3A_128 : vector<16x1xf32> to vector<16x128xf32>
    %swap3A_130 = arith.constant 1 : index
    %swap3A_131 = arith.constant 0 : index
    %swap3A_132 = arith.constant 0 : index
    %swap3A_133 = vector.load %arg15[%swap3A_130, %swap3A_131, %swap3A_132] : memref<2x16x128xf32, #tpu.memory_space<vmem>>, vector<1x16x128xf32>
    %swap3A_134 = vector.shape_cast %swap3A_133 : vector<1x16x128xf32> to vector<16x128xf32>
    %swap3A_135 = vector.shape_cast %broadcast_in_dim3A_129 : vector<16x128xf32> to vector<1x16x128xf32>
    tpu.vector_store %arg15[%swap3A_130, %swap3A_131, %swap3A_132], %swap3A_135 {strides = array<i32>} : memref<2x16x128xf32, #tpu.memory_space<vmem>>, vector<1x16x128xf32>,
    %get3A_136 = arith.constant 0 : index
    %get3A_137 = arith.constant 0 : index
    %get3A_138 = vector.load %arg2[%get3A_136, %get3A_137] : memref<1x10000xi32, #tpu.memory_space<vmem>>, vector<1x10000xi32>
    %ne3A = arith.constant 0 : i32
    %ne3A_139 = vector.broadcast %ne3A : i32 to vector<1x10000xi32>
    %ne3A_140 = arith.cmpi ne, %get3A_138, %ne3A_139 : vector<1x10000xi32>
    %convert_element_type3A_141 = arith.extui %ne3A_140 : vector<1x10000xi1> to vector<1x10000xi32>
    %convert_element_type3A_142 = arith.sitofp %convert_element_type3A_141 : vector<1x10000xi32> to vector<1x10000xf32>
    %get3A_143 = arith.constant 0 : index
    %get3A_144 = arith.constant 0 : index
    %get3A_145 = vector.load %arg3[%get3A_143, %get3A_144] : memref<1x10000xi32, #tpu.memory_space<vmem>>, vector<1x10000xi32>
    %sub3A_146 = arith.constant 1 : i32
    %sub3A_147 = vector.broadcast %sub3A_146 : i32 to vector<1x10000xi32>
    %sub3A_148 = arith.subi %get3A_145, %sub3A_147 : vector<1x10000xi32>
    %iota3A_149 = tpu.iota {dimensions = array<i32: 0>} : vector<8x1xi32>
    %eq3A_150 = vector.broadcast %sub3A_148 : vector<1x10000xi32> to vector<8x10000xi32>
    %eq3A_151 = vector.broadcast %iota3A_149 : vector<8x1xi32> to vector<8x10000xi32>
    %eq3A_152 = arith.cmpi eq, %eq3A_150, %eq3A_151 : vector<8x10000xi32>
    %convert_element_type3A_153 = arith.extui %eq3A_152 : vector<8x10000xi1> to vector<8x10000xi32>
    %convert_element_type3A_154 = arith.sitofp %convert_element_type3A_153 : vector<8x10000xi32> to vector<8x10000xf32>
    %mul3A_155 = vector.broadcast %convert_element_type3A_142 : vector<1x10000xf32> to vector<8x10000xf32>
    %mul3A_156 = arith.mulf %convert_element_type3A_154, %mul3A_155 : vector<8x10000xf32>
    %dot_general3A_157 = arith.constant dense<0.000000e+00> : vector<8x128xf32>
    %dot_general3A_158 = tpu.matmul %mul3A_156, %dot_general3A_29, %dot_general3A_157 {dimension_numbers = #tpu.dot_dimension_numbers<[1], [0], [0], [1], [0, 0, 1, 1], [], []>, transpose_lhs_hint = false} : vector<8x10000xf32>, vector<10000x128xf32>, vector<8x128xf32> -> vector<8x128xf32>
    %reduce_sum3A_159 = arith.constant dense<0.000000e+00> : vector<8xf32>
    %reduce_sum3A_160 = vector.multi_reduction <add>, %mul3A_156, %reduce_sum3A_159 [1] : vector<8x10000xf32> to vector<8xf32>
    %broadcast_in_dim3A_161 = vector.shape_cast %reduce_sum3A_160 : vector<8xf32> to vector<8x1xf32>
    %max3A_162 = arith.constant 1.000000e+00 : f32
    %max3A_163 = vector.broadcast %max3A_162 : f32 to vector<8x1xf32>
    %max3A_164 = arith.maximumf %broadcast_in_dim3A_161, %max3A_163 : vector<8x1xf32>
    %div3A_165 = vector.broadcast %max3A_164 : vector<8x1xf32> to vector<8x128xf32>
    %div3A_166 = arith.divf %dot_general3A_158, %div3A_165 : vector<8x128xf32>
    %get3A_167 = arith.constant 0 : index
    %get3A_168 = arith.constant 0 : index
    %get3A_169 = arith.constant 0 : index
    %get3A_170 = vector.load %arg11[%get3A_167, %get3A_168, %get3A_169] : memref<1x128x128xf32, #tpu.memory_space<vmem>>, vector<1x128x128xf32>
    %get3A_171 = vector.shape_cast %get3A_170 : vector<1x128x128xf32> to vector<128x128xf32>
    %dot_general3A_172 = arith.constant dense<0.000000e+00> : vector<8x128xf32>
    %dot_general3A_173 = tpu.matmul %div3A_166, %get3A_171, %dot_general3A_172 {dimension_numbers = #tpu.dot_dimension_numbers<[1], [0], [0], [1], [0, 0, 1, 1], [], []>, transpose_lhs_hint = false} : vector<8x128xf32>, vector<128x128xf32>, vector<8x128xf32> -> vector<8x128xf32>
    %get3A_174 = arith.constant 0 : index
    %get3A_175 = arith.constant 0 : index
    %get3A_176 = arith.constant 0 : index
    %get3A_177 = vector.load %arg12[%get3A_174, %get3A_175, %get3A_176] : memref<1x1x128xf32, #tpu.memory_space<vmem>>, vector<1x1x128xf32>
    %get3A_178 = vector.shape_cast %get3A_177 : vector<1x1x128xf32> to vector<1x128xf32>
    %add3A_179 = vector.broadcast %get3A_178 : vector<1x128xf32> to vector<8x128xf32>
    %add3A_180 = arith.addf %dot_general3A_173, %add3A_179 : vector<8x128xf32>
    %neg3A_181 = arith.constant 0.000000e+00 : f32
    %neg3A_182 = vector.broadcast %neg3A_181 : f32 to vector<8x128xf32>
    %neg3A_183 = arith.subf %neg3A_182, %add3A_180 : vector<8x128xf32>
    %exp3A_184 = math.exp %neg3A_183 : vector<8x128xf32>
    %add3A_185 = arith.constant 1.000000e+00 : f32
    %add3A_186 = vector.broadcast %add3A_185 : f32 to vector<8x128xf32>
    %add3A_187 = arith.addf %add3A_186, %exp3A_184 : vector<8x128xf32>
    %div3A_188 = arith.divf %add3A_180, %add3A_187 : vector<8x128xf32>
    %get3A_189 = arith.constant 0 : index
    %get3A_190 = arith.constant 0 : index
    %get3A_191 = arith.constant 0 : index
    %get3A_192 = vector.load %arg13[%get3A_189, %get3A_190, %get3A_191] : memref<1x2x128xf32, #tpu.memory_space<vmem>>, vector<1x1x128xf32>
    %get3A_193 = vector.shape_cast %get3A_192 : vector<1x1x128xf32> to vector<128xf32>
    %broadcast_in_dim3A_194 = vector.shape_cast %get3A_193 : vector<128xf32> to vector<1x128xf32>
    %mul3A_195 = vector.broadcast %broadcast_in_dim3A_194 : vector<1x128xf32> to vector<8x128xf32>
    %mul3A_196 = arith.mulf %div3A_188, %mul3A_195 : vector<8x128xf32>
    %reduce_sum3A_197 = arith.constant dense<0.000000e+00> : vector<8xf32>
    %reduce_sum3A_198 = vector.multi_reduction <add>, %mul3A_196, %reduce_sum3A_197 [1] : vector<8x128xf32> to vector<8xf32>
    %broadcast_in_dim3A_199 = vector.shape_cast %reduce_sum3A_198 : vector<8xf32> to vector<8x1xf32>
    %get3A_200 = arith.constant 0 : index
    %get3A_201 = arith.constant 0 : index
    %get3A_202 = arith.constant 0 : index
    %get3A_203 = vector.load %arg14[%get3A_200, %get3A_201, %get3A_202] : memref<1x1x2xf32, #tpu.memory_space<vmem>>, vector<1x1x1xf32>
    %get3A_204 = vector.extract %get3A_203[0, 0, 0] : f32 from vector<1x1x1xf32>
    %add3A_205 = vector.broadcast %get3A_204 : f32 to vector<8x1xf32>
    %add3A_206 = arith.addf %broadcast_in_dim3A_199, %add3A_205 : vector<8x1xf32>
    %broadcast_in_dim3A_207 = vector.shape_cast %add3A_206 : vector<8x1xf32> to vector<8x1xf32>
    %broadcast_in_dim3A_208 = vector.broadcast %broadcast_in_dim3A_207 : vector<8x1xf32> to vector<8x128xf32>
    %swap3A_209 = arith.constant 0 : index
    %swap3A_210 = arith.constant 0 : index
    %swap3A_211 = arith.constant 0 : index
    %swap3A_212 = vector.load %arg16[%swap3A_209, %swap3A_210, %swap3A_211] : memref<2x8x128xf32, #tpu.memory_space<vmem>>, vector<1x8x128xf32>
    %swap3A_213 = vector.shape_cast %swap3A_212 : vector<1x8x128xf32> to vector<8x128xf32>
    %swap3A_214 = vector.shape_cast %broadcast_in_dim3A_208 : vector<8x128xf32> to vector<1x8x128xf32>
    tpu.vector_store %arg16[%swap3A_209, %swap3A_210, %swap3A_211], %swap3A_214 {strides = array<i32>} : memref<2x8x128xf32, #tpu.memory_space<vmem>>, vector<1x8x128xf32>,
    %get3A_215 = arith.constant 0 : index
    %get3A_216 = arith.constant 1 : index
    %get3A_217 = arith.constant 0 : index
    %get3A_218 = vector.load %arg13[%get3A_215, %get3A_216, %get3A_217] : memref<1x2x128xf32, #tpu.memory_space<vmem>>, vector<1x1x128xf32>
    %get3A_219 = vector.shape_cast %get3A_218 : vector<1x1x128xf32> to vector<128xf32>
    %broadcast_in_dim3A_220 = vector.shape_cast %get3A_219 : vector<128xf32> to vector<1x128xf32>
    %mul3A_221 = vector.broadcast %broadcast_in_dim3A_220 : vector<1x128xf32> to vector<8x128xf32>
    %mul3A_222 = arith.mulf %div3A_188, %mul3A_221 : vector<8x128xf32>
    %reduce_sum3A_223 = arith.constant dense<0.000000e+00> : vector<8xf32>
    %reduce_sum3A_224 = vector.multi_reduction <add>, %mul3A_222, %reduce_sum3A_223 [1] : vector<8x128xf32> to vector<8xf32>
    %broadcast_in_dim3A_225 = vector.shape_cast %reduce_sum3A_224 : vector<8xf32> to vector<8x1xf32>
    %get3A_226 = arith.constant 0 : index
    %get3A_227 = arith.constant 0 : index
    %get3A_228 = arith.constant 1 : index
    %get3A_229 = vector.load %arg14[%get3A_226, %get3A_227, %get3A_228] : memref<1x1x2xf32, #tpu.memory_space<vmem>>, vector<1x1x1xf32>
    %get3A_230 = vector.extract %get3A_229[0, 0, 0] : f32 from vector<1x1x1xf32>
    %add3A_231 = vector.broadcast %get3A_230 : f32 to vector<8x1xf32>
    %add3A_232 = arith.addf %broadcast_in_dim3A_225, %add3A_231 : vector<8x1xf32>
    %broadcast_in_dim3A_233 = vector.shape_cast %add3A_232 : vector<8x1xf32> to vector<8x1xf32>
    %broadcast_in_dim3A_234 = vector.broadcast %broadcast_in_dim3A_233 : vector<8x1xf32> to vector<8x128xf32>
    %swap3A_235 = arith.constant 1 : index
    %swap3A_236 = arith.constant 0 : index
    %swap3A_237 = arith.constant 0 : index
    %swap3A_238 = vector.load %arg16[%swap3A_235, %swap3A_236, %swap3A_237] : memref<2x8x128xf32, #tpu.memory_space<vmem>>, vector<1x8x128xf32>
    %swap3A_239 = vector.shape_cast %swap3A_238 : vector<1x8x128xf32> to vector<8x128xf32>
    %swap3A_240 = vector.shape_cast %broadcast_in_dim3A_234 : vector<8x128xf32> to vector<1x8x128xf32>
    tpu.vector_store %arg16[%swap3A_235, %swap3A_236, %swap3A_237], %swap3A_240 {strides = array<i32>} : memref<2x8x128xf32, #tpu.memory_space<vmem>>, vector<1x8x128xf32>,
    return
  }
}

</mosaic_0001>

<sc_bundles>
// kernel: kernel.14.cloned.1.call-start
scs
__scs_entry_jumppad:
0x0: {  	(pc) =	sbr.rel $0x88, $3  }
0x1: {  	(tag) =	ssettag $0x0;
	lr =	simm.s32 $0x1  }
0x2: {  	[smem:$0x3F89] =	sst lr;
	_ =	strace $0xD0000000  }
0x3: {  	_ = 	snop  }
0x4: {  	_ = 	snop  }
0x5: {  	_ = 	snop  }
0x6: {  	_ = 	snop  }
0x7: {  	_ = 	snop  }
__scs_overlays_trampoline_lowered:
0x8: {  	[smem:$0x3F98] =	sst s0  }
0x9: {  	[smem:$0x3F99] =	sst s1  }
0xa: {  	[smem:$0x3F9A] =	sst s2  }
0xb: {  	[smem:$0x3F9B] =	sst s3  }
0xc: {  	[smem:$0x3F9C] =	sst s4  }
0xd: {  	[smem:$0x3F9D] =	sst s5  }
0xe: {  	[smem:$0x3F9E] =	sst s6  }
0xf: {  	[smem:$0x3F9F] =	sst s7  }
0x10: {  	[smem:$0x3FA0] =	sst s8  }
0x11: {  	[smem:$0x3FA1] =	sst s9;
	s0 =	simm.s32 @!p0 $0x0  }
0x12: {  	s1 =	sld [smem:$0x3F87];
	s0 =	simm.s32 @p0 $0x1  }
0x13: {  	[smem:$0x3FA2] =	sst s0;
	s0 =	simm.s32 @!p1 $0x0  }
0x14: {  	s2 =	sld [smem:$0x3F86];
	s0 =	simm.s32 @p1 $0x1  }
0x15: {  	[smem:$0x3FA3] =	sst s0;
	s0 =	simm.s32 @!p2 $0x0  }
0x16: {  	s3 =	sld [smem:$0x3FDB];
	s0 =	simm.s32 @p2 $0x1  }
0x17: {  	s4 =	simm.s32 $0x1BF5;
	[smem:$0x3FA5] =	sst s0  }
0x18: {  	s0 =	sld [smem:$0x3F88];
	_ =	swait.ge [sflag:s4], $0x0  }
0x19: {  	s7 =	sld [smem:$0x3F89]  }
0x1a: {  	s8 =	sadd.s32 $0xFFFFE003, lr  }
0x1b: {  	s9 =	sadd.s32 $0xFFFFFEF7, lr;
	s5 =	simm.s32 $0xFFFFFFFF;
	p2 =	slt.u32 s8, $0xFFFFF086  }
0x1c: {  	p1 =	slt.u32 s9, $0xF7A;
	s5 =	simm.s32 @!p2 $0x0  }
0x1d: {  	s5 =	simm.s32 @p1 $0x1;
	p0 =	seq.s32 s7, s2  }
0x1e: {  	s7 =	smul.u32 @!p0 $0xF7A, s2;
	p2 =	seq.s32 @!p0 s5, $0x0  }
0x1f: {  	s9 =	smul.u32 $0xF7A, s1;
	s8 =	simm.s32 @!p0 $0x1BF5;
	p2 =	por !p2, p0  }
0x20: {  	[sflag:s8] =	ssyncset.s32 @!p0 $0xFFFFF086;
	s6 =	sadd.s32 @!p0 s3, s7;
	s7 =	simm.s32 @!p0 $0x108  }
0x21: {  	s3 =	sadd.s32 s3, s9;
	s6 =	sadd.s32 @!p0 $0x88, s6;
	s7 =	simm.s32 @p2 $0x1082  }
0x22: {  	[simem:s7], [sflag:s8] =	dma.local @!p0 [hbm:s6], $0xF7A  }
0x23: {  	s9 =	sor.u32 $0xD0000000, s2;
	s6 =	simm.s32 $0x108;
	_ =	swait.ge @!p0 [sflag:s8], $0x0  }
0x24: {  	s3 =	sadd.s32 $0x88, s3;
	s6 =	simm.s32 @!p1 $0x1082;
	[sflag:s4] =	ssyncset.s32 $0xFFFFF086  }
0x25: {  	[simem:s6], [sflag:s4] =	dma.local [hbm:s3], $0xF7A  }
0x26: {  	[smem:$0x3F89] =	sst s1;
	(tag) =	ssettag s2;
	_ =	strace s9  }
0x27: {  	s1 =	sld [smem:$0x3F99]  }
0x28: {  	s2 =	sld [smem:$0x3F9A]  }
0x29: {  	s4 =	sld [smem:$0x3F9C]  }
0x2a: {  	p0 =	seq.s32 s5, $0x0;
	s5 =	sld [smem:$0x3F9D]  }
0x2b: {  	s6 =	sld [smem:$0x3F9E]  }
0x2c: {  	s7 =	sld [smem:$0x3F9F]  }
0x2d: {  	s3 =	simm.s32 $0x108;
	s8 =	sld [smem:$0x3FA0]  }
0x2e: {  	s3 =	simm.s32 @!p0 $0x1082;
	s9 =	sld [smem:$0x3FA1]  }
0x2f: {  	lr =	sadd.s32 s0, s3;
	s0 =	sld [smem:$0x3F98]  }
0x30: {  	s3 =	sld [smem:$0x3F9B]  }
0x31: {  	[smem:$0x3FA4] =	sst s10  }
0x32: {  	s10 =	sld [smem:$0x3FA2];
	_ =	sdelay $0x3  }
0x33: {  	p0 =	seq.s32 s10, $0x1;
	s10 =	sld [smem:$0x3FA4];
	_ =	sdelay $0x3  }
0x34: {  	[smem:$0x3FA4] =	sst s10  }
0x35: {  	s10 =	sld [smem:$0x3FA3];
	_ =	sdelay $0x3  }
0x36: {  	p1 =	seq.s32 s10, $0x1;
	s10 =	sld [smem:$0x3FA4];
	_ =	sdelay $0x3  }
0x37: {  	[smem:$0x3FA4] =	sst s10  }
0x38: {  	s10 =	sld [smem:$0x3FA5]  }
0x39: {  	_ = 	snop;
	(pc) =	sbr.ind lr, $3  }
0x3a: {  	_ = 	snop  }
0x3b: {  	_ = 	snop  }
0x3c: {  	p2 =	seq.s32 s10, $0x1;
	s10 =	sld [smem:$0x3FA4]  }
0x3d: {  	_ =	shalt  }
0x3e: {  	_ =	shalt  }
0x3f: {  	_ =	shalt  }
0x40: {  	_ =	shalt  }
0x41: {  	_ =	shalt  }
0x42: {  	_ =	shalt  }
0x43: {  	_ =	shalt  }
0x44: {  	_ =	shalt  }
0x45: {  	_ =	shalt  }
0x46: {  	_ =	shalt  }
0x47: {  	_ =	shalt  }
0x48: {  	_ =	shalt  }
0x49: {  	_ =	shalt  }
0x4a: {  	_ =	shalt  }
0x4b: {  	_ =	shalt  }
0x4c: {  	_ =	shalt  }
0x4d: {  	_ =	shalt  }
0x4e: {  	_ =	shalt  }
0x4f: {  	_ =	shalt  }
0x50: {  	_ =	shalt  }
0x51: {  	_ =	shalt  }
0x52: {  	_ =	shalt  }
0x53: {  	_ =	shalt  }
0x54: {  	_ =	shalt  }
0x55: {  	_ =	shalt  }
0x56: {  	_ =	shalt  }
0x57: {  	_ =	shalt  }
0x58: {  	_ =	shalt  }
0x59: {  	_ =	shalt  }
0x5a: {  	_ =	shalt  }
0x5b: {  	_ =	shalt  }
0x5c: {  	_ =	shalt  }
0x5d: {  	_ =	shalt  }
0x5e: {  	_ =	shalt  }
0x5f: {  	_ =	shalt  }
0x60: {  	_ =	shalt  }
0x61: {  	_ =	shalt  }
0x62: {  	_ =	shalt  }
0x63: {  	_ =	shalt  }
0x64: {  	_ =	shalt  }
0x65: {  	_ =	shalt  }
0x66: {  	_ =	shalt  }
0x67: {  	_ =	shalt  }
0x68: {  	_ =	shalt  }
0x69: {  	_ =	shalt  }
0x6a: {  	_ =	shalt  }
0x6b: {  	_ =	shalt  }
0x6c: {  	_ =	shalt  }
0x6d: {  	_ =	shalt  }
0x6e: {  	_ =	shalt  }
0x6f: {  	_ =	shalt  }
0x70: {  	_ =	shalt  }
0x71: {  	_ =	shalt  }
0x72: {  	_ =	shalt  }
0x73: {  	_ =	shalt  }
0x74: {  	_ =	shalt  }
0x75: {  	_ =	shalt  }
0x76: {  	_ =	shalt  }
0x77: {  	_ =	shalt  }
0x78: {  	_ =	shalt  }
0x79: {  	_ =	shalt  }
0x7a: {  	_ =	shalt  }
0x7b: {  	_ =	shalt  }
0x7c: {  	_ =	shalt  }
0x7d: {  	_ =	shalt  }
0x7e: {  	_ =	shalt  }
0x7f: {  	_ =	shalt  }
0x80: {  	_ =	shalt  }
0x81: {  	_ =	shalt  }
0x82: {  	_ =	shalt  }
0x83: {  	_ =	shalt  }
0x84: {  	_ =	shalt  }
0x85: {  	_ =	shalt  }
0x86: {  	_ =	shalt  }
0x87: {  	_ =	shalt  }
.Lfunc_end0:
.L_simem_size_0:
called_computation_lowered:
.L_overlay_start_0:
0x88: {  	s2 =	sld [smem:$0x3FD9]  }
0x89: {  	s3 =	sld [smem:$0x3FFE];
	_ =	sdelay $0x1  }
0x8a: {  	s1 =	srdreg.scid  }
0x8b: {  	s0 =	sand.u32 $0x1, s1  }
0x8c: {  	s16 =	sshll.u32 s0, $0xA;
	s2 =	sadd.s32 s3, s2  }
0x8d: {  	s2 =	sadd.s32 s2, s16  }
0x8e: {  	[smem:$0x3FB0] =	sst s2  }
0x8f: {  	_ = 	snop  }
0x90: {  	(tm) =	ssettm $0x1  }
0x91: {  	s17 =	sld [smem:$0x3FFB];
	_ =	sdelay $0x3  }
0x92: {  	_ =	strace s17  }
0x93: {  	s2 =	sld [smem:$0x3FFC];
	_ =	sdelay $0x3  }
0x94: {  	_ =	strace s2  }
0x95: {  	s2 =	sld [smem:$0x3FFD];
	_ =	sdelay $0x3  }
0x96: {  	_ =	strace s2  }
0x97: {  	_ =	strace $0x8FFFFFFF  }
0x98: {  	s18 =	sld [smem:$0x3FDB];
	_ =	sdelay $0x1  }
0x99: {  	s19 =	simm.s32 $_scs_section_size  }
0x9a: {  	s4 =	simm.s32 $_size__tile_overlayer_lowered;
	s5 =	simm.s32 $_tile_overlayer_lowered  }
0x9b: {  	s22 =	simm.s32 $0x1BFF;
	s21 =	sshll.u32 s5, $0x1;
	s2 =	sadd.s32 s19, s18  }
0x9c: {  	s6 =	simm.s32 $0x0;
	s20 =	sshll.u32 s4, $0x1;
	s4 =	sadd.s32 s21, s2  }
0x9d: {  	[timem:s6], [sflag:s22] =	dma.local [hbm:s4], s20  }
0x9e: {  	_ =	swait.ge [sflag:s22], s20  }
0x9f: {  	s3 =	ssub.s32 $0x0, s20;
	[sflag:s22] =	ssyncset.done $0x0  }
0xa0: {  	[sflag:s22] =	ssyncadd.s32 s3;
	_ =	sdelay $0x1  }
0xa1: {  	s23 =	simm.s32 $0x1B8B  }
0xa2: {  	_ =	swait.ge [sflag:s23], $0x1  }
0xa3: {  	[sflag:s23] =	ssyncset.done $0x0  }
0xa4: {  	s25 =	simm.s32 $0x1B8E;
	s24 =	sld [smem:$0x3FFE];
	[sflag:s23] =	ssyncadd.s32 $0xFFFFFFFF  }
0xa5: {  	s26 =	simm.s32 $execute0_lowered;
	[smem:$0x3FD2] =	sst s25  }
0xa6: {  	s4 =	sshll.u32 s26, $0x1;
	_ =	strace $0x80000046;
	[dreg:$0x1] =	wrdreg $0xFFFFFFFF  }
0xa7: {  	s28 =	simm.s32 $_size_execute0_lowered;
	s2 =	sadd.s32 s2, s4;
	[dreg:$0x0] =	wrdreg $0x0  }
0xa8: {  	s4 =	sshll.u32 s28, $0x1;
	[dreg:$0x2] =	wrdreg s2  }
0xa9: {  	[dreg:$0x3] =	wrdreg s4  }
0xaa: {  	[dreg:$0x4] =	wrdreg $0xC0  }
0xab: {  	_ =	task [dreg:s6], $0x5FFFF  }
0xac: {  	[dreg:$0x1] =	wrdreg $0xFFFFFFFF  }
0xad: {  	[dreg:$0x0] =	wrdreg $0x60  }
0xae: {  	[dreg:$0x2] =	wrdreg s24  }
0xaf: {  	[dreg:$0x3] =	wrdreg $0x40800  }
0xb0: {  	[dreg:$0x4] =	wrdreg $0x9  }
0xb1: {  	_ =	task.clear_ibuf [dreg:s6], $0x5FFFF;
	_ =	strace $0x90000046  }
0xb2: {  	s29 =	simm.s32 $0x9;
	_ =	strace $0x80000048  }
0xb3: {  	_ =	swait.ge [sflag:s29], $0x1  }
0xb4: {  	[sflag:s29] =	ssyncadd.s32 $0xFFFFFFFF  }
0xb5: {  	_ =	strace $0x90000048  }
0xb6: {  	_ =	sfence  }
0xb7: {  	s30 =	sld [smem:$0x0];
	_ =	sdelay $0x2  }
0xb8: {  	s31 =	sshll.u32 s1, $0xD;
	s1 =	sshrl.u32 s1, $0x2  }
0xb9: {  	s3 =	sand.u32 $0x4000, s31;
	s1 =	sadd.s32 s1, s30  }
0xba: {  	s0 =	sor.u32 s3, s0;
	s1 =	sshll.u32 s1, $0x11  }
0xbb: {  	s0 =	sor.u32 s1, s0  }
0xbc: {  	s0 =	sadd.s32 $0x8F2B, s0  }
0xbd: {  	[sflag:s0] =	ssyncadd.remote.s32 $0x1  }
0xbe: {  	_ =	sfence.sel $0xFFFF  }
0xbf: {  	[dreg:$0x0] =	wrdreg $0xFFFFFFFF;
	(pc) =	sbr.abs _section_cstart, $3  }
0xc0: {  	[dreg:$0x1] =	wrdreg $0xFFFFFFFF  }
0xc1: {  	_ =	task.clear_ibuf [dreg:s6], $0x2FFFF;
	_ =	strace $0x9FFFFFFF  }
0xc2: {  	(tm) =	ssettm $0x7FFFFFFF  }
0xc3: {  	_ =	shalt  }
tec
execute0_lowered:
.L_overlay_start_1:
0x0: {  	(tag) =	ssettag $0x1  }
0x1: {  	s6 =	rddreg [dreg:$0x0]  }
0x2: {  	s2 =	rddreg [dreg:$0x1]  }
0x3: {  	s0 =	rddreg [dreg:$0x2];
	s1 =	stileid.u32  }
0x4: {  	s3 =	simm.s32 $0x0;
	s4 =	srdreg.scid;
	s14 =	smul.u32 $0x2700, s1  }
0x5: {  	[smem:$0x7FF] =	sst s3;
	s26 =	smul.u32 $0x4E000, s1  }
0x6: {  	s8 =	sadd.s32 $0x11600, s6;
	s7 =	sand.u32 $0x1, s4;
	s31 =	smul.u32 $0x4E0, s1  }
0x7: {  	s29 =	sshll.u32 s1, $0x6;
	s15 =	sadd.s32 $0x138000, s2;
	s9 =	smul.u32 $0x27100, s7  }
0x8: {  	p0 =	sne.s32 s1, $0xF;
	p1 =	sgt.u32 s1, $0x1;
	s12 =	smul.u32 $0x4E2, s7  }
0x9: {  	_ =	strace $0x80000047;
	s10 =	ssub.s32 $0x2, s7;
	s13 =	smul.u32 $0x4E20, s7  }
0xa: {  	s5 =	sadd.s32 s14, s6;
	s11 =	sshrl.u32 s10, $0x1;
	s4 =	sshrl.u32 s26, $0x2  }
0xb: {  	s9 =	sadd.s32 s9, s6;
	s10 =	ssub.s32 s10, s11;
	s28 =	sadd.s32 s4, s2  }
0xc: {  	s4 =	sadd.s32 $0x1B400, s5;
	s12 =	sadd.s32 s1, s12;
	s5 =	sor.u32 $0x1C01, s29  }
0xd: {  	s6 =	sadd.s32 $0x42400, s6;
	s13 =	sadd.s32 s13, s8;
	s11 =	simm.s32 $0x1  }
0xe: {  	s12 =	sshll.u32 s12, $0x4;
	s16 =	sadd.s32 $0x42600, s9;
	s9 =	sadd.s32 s31, s13  }
0xf: {  	s13 =	simm.s32 $0x80;
	s30 =	sadd.s32 s8, s12;
	s8 =	smax.u32 s10, $0x1  }
0x10: {  	s10 =	sshrl.u32 s28, $0x3;
	s12 =	sshrl.u32 @!p0 s15, $0x3;
	s14 =	sadd.s32 s14, s16  }
0x11: {  	v0 =	vimm.f32 $1.000000000e+00;
	s15 =	sadd.s32 @!p0 $0x27000, s16;
	s16 =	simm.s32 $0x0;
	s7 =	sadd.s32 $0x4E00, s30  }
.LBB2_1:
0x12: {  	[spmem:s10], [sflag:s5] =	dma.local [hbm:s4], $0x2700  }
0x13: {  	_ =	swait.ge [sflag:s11], $0x2700  }
0x14: {  	[sflag:s11] =	ssyncset.done $0x0  }
0x15: {  	s17 =	simm.s32 @!p0 $0x1;
	[sflag:s11] =	ssyncadd.s32 $0xFFFFD900  }
0x16: {  	[spmem:s12], [sflag:s5] =	dma.local @!p0 [hbm:s6], $0x100  }
0x17: {  	_ =	swait.ge @!p0 [sflag:s17], $0x100  }
0x18: {  	[sflag:s17] =	ssyncset.done @!p0 $0x0  }
0x19: {  	s18 =	simm.s32 $0x200;
	[sflag:s17] =	ssyncadd.s32 @!p0 $0xFFFFFF00;
	s17 =	simm.s32 $0x0  }
.LBB2_2:
0x1a: {  	p2 =	sne.s32 s18, $0xFE00;
	[tilespmem:s17+$0xF0] =	vst v0  }
0x1b: {  	[tilespmem:s17+$0x80] =	vst v0  }
0x1c: {  	[tilespmem:s17+$0x90] =	vst v0  }
.Ltmp0:
0x1d: {  	[tilespmem:s17+$0xA0] =	vst v0;
	(pc) =	sbr.rel @p2 .LBB2_2-.Ltmp0, $4  }
0x1e: {  	[tilespmem:s17+$0xB0] =	vst v0  }
0x1f: {  	[tilespmem:s17+$0xC0] =	vst v0  }
0x20: {  	[tilespmem:s17+$0xD0] =	vst v0  }
0x21: {  	[tilespmem:s17+$0xE0] =	vst v0;
	s17 =	sshra.s32 s18, $0x2;
	s18 =	sadd.s32 $0x200, s18  }
0x22: {  	[tilespmem:s17+$0xF0] =	vst v0  }
0x23: {  	[tilespmem:s17+$0x80] =	vst v0  }
0x24: {  	[tilespmem:s17+$0x90] =	vst v0  }
0x25: {  	[tilespmem:s17+$0xA0] =	vst v0  }
0x26: {  	[tilespmem:s17+$0xB0] =	vst v0  }
0x27: {  	[tilespmem:s17+$0xC0] =	vst v0  }
0x28: {  	[tilespmem:s17+$0xD0] =	vst v0  }
0x29: {  	[tilespmem:s17+$0xE0] =	vst v0  }
0x2a: {  	s31 =	sadd.s32 $0x0, s9;
	[bflag:$0x0] =	sbarrier.arrive $0xFFFF  }
0x2b: {  	[tilespmem:s3], [sflag:$0x1] =	stream.linear.gather [hbm4b:s31+s3], $0x80, $0x38;
	[tilespmem:$0x17900] =	vst v63  }
0x2c: {  	_ =	swait.ge [sflag:s11], $0x80  }
0x2d: {  	[sflag:s11] =	ssyncset.done $0x0  }
0x2e: {  	[sflag:s11] =	ssyncadd.s32 $0xFFFFFF80  }
0x2f: {  	[spmem:s2] =	stream.indirect.scatter.add.f32 [tilespmem:s13], [sflag:$0x1], $0x80, s3, s13, $0xb8;
	[tilespmem:$0x17900] =	vst v63  }
0x30: {  	_ =	swait.ge [sflag:s11], $0x4000  }
0x31: {  	s17 =	simm.s32 $0x10;
	s18 =	simm.s32 $0x20;
	[sflag:s11] =	ssyncset.done $0x0  }
.LBB2_4:
0x32: {  	s19 =	sadd.s32 s17, s9  }
0x33: {  	[sflag:s11] =	ssyncadd.s32 $0xFFFFC000;
	s17 =	smov.u32 s18;
	s20 =	sadd.s32 $0x10, s18  }
0x34: {  	[tilespmem:s3], [sflag:$0x1] =	stream.linear.gather [hbm4b:s19+s3], $0x80, $0x38;
	[tilespmem:$0x17900] =	vst v63  }
0x35: {  	p2 =	sne.s32 s18, $0x4D0;
	_ =	swait.ge [sflag:s11], $0x80  }
.Ltmp1:
0x36: {  	[sflag:s11] =	ssyncset.done $0x0;
	(pc) =	sbr.rel @p2 .LBB2_4-.Ltmp1, $4  }
0x37: {  	[sflag:s11] =	ssyncadd.s32 $0xFFFFFF80  }
0x38: {  	[spmem:s2] =	stream.indirect.scatter.add.f32 [tilespmem:s13], [sflag:$0x1], $0x80, s3, s13, $0xb8;
	[tilespmem:$0x17900] =	vst v63  }
0x39: {  	_ =	swait.ge [sflag:s11], $0x4000  }
0x3a: {  	s18 =	smov.u32 s20;
	[sflag:s11] =	ssyncset.done $0x0  }
0x3b: {  	s17 =	sadd.s32 s17, s9;
	[sflag:s11] =	ssyncadd.s32 $0xFFFFC000  }
0x3c: {  	[tilespmem:s3], [sflag:$0x1] =	stream.linear.gather [hbm4b:s17+s3], $0x80, $0x38;
	[tilespmem:$0x17900] =	vst v63  }
0x3d: {  	_ =	swait.ge [sflag:s11], $0x80  }
0x3e: {  	[sflag:s11] =	ssyncset.done $0x0  }
0x3f: {  	[sflag:s11] =	ssyncadd.s32 $0xFFFFFF80  }
0x40: {  	[spmem:s2] =	stream.indirect.scatter.add.f32 [tilespmem:s13], [sflag:$0x1], $0x80, s3, s13, $0xb8;
	[tilespmem:$0x17900] =	vst v63  }
0x41: {  	_ =	swait.ge [sflag:s11], $0x4000  }
0x42: {  	[sflag:s11] =	ssyncset.done $0x0  }
0x43: {  	s18 =	simm.s32 @!p1 $0x1;
	s17 =	simm.s32 @!p1 $0x0;
	[sflag:s11] =	ssyncadd.s32 $0xFFFFC000  }
0x44: {  	[tilespmem:s17], [sflag:$0x1] =	stream.linear.gather @!p1 [hbm4b:s7+s17], $0x80, $0x38;
	[tilespmem:$0x17900] =	vst v63  }
0x45: {  	_ =	swait.ge @!p1 [sflag:s18], $0x80  }
0x46: {  	[sflag:s18] =	ssyncset.done @!p1 $0x0  }
0x47: {  	s19 =	simm.s32 @!p1 $0x80;
	[sflag:s18] =	ssyncadd.s32 @!p1 $0xFFFFFF80  }
0x48: {  	[spmem:s2] =	stream.indirect.scatter.add.f32 @!p1 [tilespmem:s19], [sflag:$0x1], $0x80, s17, s19, $0xb8;
	[tilespmem:$0x17900] =	vst v63  }
0x49: {  	_ =	swait.ge @!p1 [sflag:s18], $0x4000  }
0x4a: {  	[sflag:s18] =	ssyncset.done @!p1 $0x0  }
0x4b: {  	[sflag:s18] =	ssyncadd.s32 @!p1 $0xFFFFC000  }
0x4c: {  	[bflag:$0x0] =	sbarrier.arrive $0xFFFF  }
0x4d: {  	[hbm:s14], [sflag:s5] =	dma.local [spmem:s10], $0x2700  }
0x4e: {  	s16 =	sadd.s32 $0x1, s16;
	_ =	swait.ge [sflag:s11], $0x2700  }
0x4f: {  	p2 =	sne.s32 s16, s8;
	[sflag:s11] =	ssyncset.done $0x0  }
.Ltmp2:
0x50: {  	s17 =	simm.s32 @!p0 $0x1;
	[sflag:s11] =	ssyncadd.s32 $0xFFFFD900;
	(pc) =	sbr.rel @p2 .LBB2_1-.Ltmp2, $4  }
0x51: {  	[hbm:s15], [sflag:s5] =	dma.local @!p0 [spmem:s12], $0x100  }
0x52: {  	_ =	swait.ge @!p0 [sflag:s17], $0x100  }
0x53: {  	[sflag:s17] =	ssyncset.done @!p0 $0x0  }
0x54: {  	[sflag:s17] =	ssyncadd.s32 @!p0 $0xFFFFFF00  }
0x55: {  	_ =	sfence.sel $0x180000  }
0x56: {  	[bflag:$0x0] =	sbarrier.arrive $0xFFFF  }
0x57: {  	p0 =	sne.s32 s1, $0x0;
	_ =	strace $0x90000047  }
0x58: {  	s0 =	sadd.s32 @!p0 $0x100000, s0;
	[bflag:$0x2] =	sbarrier.arrive $0xFFFF  }
0x59: {  	[sflag:s0] =	ssyncadd.tile.s32 @!p0 $0x1;
	_ =	shalt  }
.Lfunc_end2:
_tile_overlayer_lowered:
.L_overlay_start_2:
0x5a: {  	(tag) =	ssettag $0x2  }
0x5b: {  	s0 =	rddreg [dreg:$0x0];
	s2 =	stileid.u32  }
0x5c: {  	s1 =	rddreg [dreg:$0x1];
	p0 =	sne.s32 s2, $0x0  }
0x5d: {  	s3 =	rddreg [dreg:$0x2];
	[bflag:$0x3] =	sbarrier.arrive $0xFFFF;
	s2 =	simm.s32 @!p0 $0x1C01  }
0x5e: {  	[timem:s3], [sflag:s2] =	dma.local @!p0 [hbm:s0], s1  }
0x5f: {  	s0 =	simm.s32 @!p0 $0x1  }
0x60: {  	_ =	swait.ge @!p0 [sflag:s0], s1  }
0x61: {  	s1 =	ssub.s32 @!p0 $0x0, s1;
	[sflag:s0] =	ssyncset.done @!p0 $0x0  }
0x62: {  	[sflag:s0] =	ssyncadd.s32 @!p0 s1  }
0x63: {  	[bflag:$0x3] =	sbarrier.arrive $0xFFFF  }
0x64: {  	_ =	shalt  }

// kernel: kernel.17.cloned.1.call-start
scs
__scs_entry_jumppad:
0x0: {  	(pc) =	sbr.rel $0x88, $3  }
0x1: {  	(tag) =	ssettag $0x0;
	lr =	simm.s32 $0x1  }
0x2: {  	[smem:$0x3F89] =	sst lr;
	_ =	strace $0xD0000000  }
0x3: {  	_ = 	snop  }
0x4: {  	_ = 	snop  }
0x5: {  	_ = 	snop  }
0x6: {  	_ = 	snop  }
0x7: {  	_ = 	snop  }
__scs_overlays_trampoline_lowered:
0x8: {  	[smem:$0x3F98] =	sst s0  }
0x9: {  	[smem:$0x3F99] =	sst s1  }
0xa: {  	[smem:$0x3F9A] =	sst s2  }
0xb: {  	[smem:$0x3F9B] =	sst s3  }
0xc: {  	[smem:$0x3F9C] =	sst s4  }
0xd: {  	[smem:$0x3F9D] =	sst s5  }
0xe: {  	[smem:$0x3F9E] =	sst s6  }
0xf: {  	[smem:$0x3F9F] =	sst s7  }
0x10: {  	[smem:$0x3FA0] =	sst s8  }
0x11: {  	[smem:$0x3FA1] =	sst s9;
	s0 =	simm.s32 @!p0 $0x0  }
0x12: {  	s1 =	sld [smem:$0x3F87];
	s0 =	simm.s32 @p0 $0x1  }
0x13: {  	[smem:$0x3FA2] =	sst s0;
	s0 =	simm.s32 @!p1 $0x0  }
0x14: {  	s2 =	sld [smem:$0x3F86];
	s0 =	simm.s32 @p1 $0x1  }
0x15: {  	[smem:$0x3FA3] =	sst s0;
	s0 =	simm.s32 @!p2 $0x0  }
0x16: {  	s3 =	sld [smem:$0x3FDB];
	s0 =	simm.s32 @p2 $0x1  }
0x17: {  	s4 =	simm.s32 $0x1BF5;
	[smem:$0x3FA5] =	sst s0  }
0x18: {  	s0 =	sld [smem:$0x3F88];
	_ =	swait.ge [sflag:s4], $0x0  }
0x19: {  	s7 =	sld [smem:$0x3F89]  }
0x1a: {  	s8 =	sadd.s32 $0xFFFFE003, lr  }
0x1b: {  	s9 =	sadd.s32 $0xFFFFFEF7, lr;
	s5 =	simm.s32 $0xFFFFFFFF;
	p2 =	slt.u32 s8, $0xFFFFF086  }
0x1c: {  	p1 =	slt.u32 s9, $0xF7A;
	s5 =	simm.s32 @!p2 $0x0  }
0x1d: {  	s5 =	simm.s32 @p1 $0x1;
	p0 =	seq.s32 s7, s2  }
0x1e: {  	s7 =	smul.u32 @!p0 $0xF7A, s2;
	p2 =	seq.s32 @!p0 s5, $0x0  }
0x1f: {  	s9 =	smul.u32 $0xF7A, s1;
	s8 =	simm.s32 @!p0 $0x1BF5;
	p2 =	por !p2, p0  }
0x20: {  	[sflag:s8] =	ssyncset.s32 @!p0 $0xFFFFF086;
	s6 =	sadd.s32 @!p0 s3, s7;
	s7 =	simm.s32 @!p0 $0x108  }
0x21: {  	s3 =	sadd.s32 s3, s9;
	s6 =	sadd.s32 @!p0 $0x88, s6;
	s7 =	simm.s32 @p2 $0x1082  }
0x22: {  	[simem:s7], [sflag:s8] =	dma.local @!p0 [hbm:s6], $0xF7A  }
0x23: {  	s9 =	sor.u32 $0xD0000000, s2;
	s6 =	simm.s32 $0x108;
	_ =	swait.ge @!p0 [sflag:s8], $0x0  }
0x24: {  	s3 =	sadd.s32 $0x88, s3;
	s6 =	simm.s32 @!p1 $0x1082;
	[sflag:s4] =	ssyncset.s32 $0xFFFFF086  }
0x25: {  	[simem:s6], [sflag:s4] =	dma.local [hbm:s3], $0xF7A  }
0x26: {  	[smem:$0x3F89] =	sst s1;
	(tag) =	ssettag s2;
	_ =	strace s9  }
0x27: {  	s1 =	sld [smem:$0x3F99]  }
0x28: {  	s2 =	sld [smem:$0x3F9A]  }
0x29: {  	s4 =	sld [smem:$0x3F9C]  }
0x2a: {  	p0 =	seq.s32 s5, $0x0;
	s5 =	sld [smem:$0x3F9D]  }
0x2b: {  	s6 =	sld [smem:$0x3F9E]  }
0x2c: {  	s7 =	sld [smem:$0x3F9F]  }
0x2d: {  	s3 =	simm.s32 $0x108;
	s8 =	sld [smem:$0x3FA0]  }
0x2e: {  	s3 =	simm.s32 @!p0 $0x1082;
	s9 =	sld [smem:$0x3FA1]  }
0x2f: {  	lr =	sadd.s32 s0, s3;
	s0 =	sld [smem:$0x3F98]  }
0x30: {  	s3 =	sld [smem:$0x3F9B]  }
0x31: {  	[smem:$0x3FA4] =	sst s10  }
0x32: {  	s10 =	sld [smem:$0x3FA2];
	_ =	sdelay $0x3  }
0x33: {  	p0 =	seq.s32 s10, $0x1;
	s10 =	sld [smem:$0x3FA4];
	_ =	sdelay $0x3  }
0x34: {  	[smem:$0x3FA4] =	sst s10  }
0x35: {  	s10 =	sld [smem:$0x3FA3];
	_ =	sdelay $0x3  }
0x36: {  	p1 =	seq.s32 s10, $0x1;
	s10 =	sld [smem:$0x3FA4];
	_ =	sdelay $0x3  }
0x37: {  	[smem:$0x3FA4] =	sst s10  }
0x38: {  	s10 =	sld [smem:$0x3FA5]  }
0x39: {  	_ = 	snop;
	(pc) =	sbr.ind lr, $3  }
0x3a: {  	_ = 	snop  }
0x3b: {  	_ = 	snop  }
0x3c: {  	p2 =	seq.s32 s10, $0x1;
	s10 =	sld [smem:$0x3FA4]  }
0x3d: {  	_ =	shalt  }
0x3e: {  	_ =	shalt  }
0x3f: {  	_ =	shalt  }
0x40: {  	_ =	shalt  }
0x41: {  	_ =	shalt  }
0x42: {  	_ =	shalt  }
0x43: {  	_ =	shalt  }
0x44: {  	_ =	shalt  }
0x45: {  	_ =	shalt  }
0x46: {  	_ =	shalt  }
0x47: {  	_ =	shalt  }
0x48: {  	_ =	shalt  }
0x49: {  	_ =	shalt  }
0x4a: {  	_ =	shalt  }
0x4b: {  	_ =	shalt  }
0x4c: {  	_ =	shalt  }
0x4d: {  	_ =	shalt  }
0x4e: {  	_ =	shalt  }
0x4f: {  	_ =	shalt  }
0x50: {  	_ =	shalt  }
0x51: {  	_ =	shalt  }
0x52: {  	_ =	shalt  }
0x53: {  	_ =	shalt  }
0x54: {  	_ =	shalt  }
0x55: {  	_ =	shalt  }
0x56: {  	_ =	shalt  }
0x57: {  	_ =	shalt  }
0x58: {  	_ =	shalt  }
0x59: {  	_ =	shalt  }
0x5a: {  	_ =	shalt  }
0x5b: {  	_ =	shalt  }
0x5c: {  	_ =	shalt  }
0x5d: {  	_ =	shalt  }
0x5e: {  	_ =	shalt  }
0x5f: {  	_ =	shalt  }
0x60: {  	_ =	shalt  }
0x61: {  	_ =	shalt  }
0x62: {  	_ =	shalt  }
0x63: {  	_ =	shalt  }
0x64: {  	_ =	shalt  }
0x65: {  	_ =	shalt  }
0x66: {  	_ =	shalt  }
0x67: {  	_ =	shalt  }
0x68: {  	_ =	shalt  }
0x69: {  	_ =	shalt  }
0x6a: {  	_ =	shalt  }
0x6b: {  	_ =	shalt  }
0x6c: {  	_ =	shalt  }
0x6d: {  	_ =	shalt  }
0x6e: {  	_ =	shalt  }
0x6f: {  	_ =	shalt  }
0x70: {  	_ =	shalt  }
0x71: {  	_ =	shalt  }
0x72: {  	_ =	shalt  }
0x73: {  	_ =	shalt  }
0x74: {  	_ =	shalt  }
0x75: {  	_ =	shalt  }
0x76: {  	_ =	shalt  }
0x77: {  	_ =	shalt  }
0x78: {  	_ =	shalt  }
0x79: {  	_ =	shalt  }
0x7a: {  	_ =	shalt  }
0x7b: {  	_ =	shalt  }
0x7c: {  	_ =	shalt  }
0x7d: {  	_ =	shalt  }
0x7e: {  	_ =	shalt  }
0x7f: {  	_ =	shalt  }
0x80: {  	_ =	shalt  }
0x81: {  	_ =	shalt  }
0x82: {  	_ =	shalt  }
0x83: {  	_ =	shalt  }
0x84: {  	_ =	shalt  }
0x85: {  	_ =	shalt  }
0x86: {  	_ =	shalt  }
0x87: {  	_ =	shalt  }
.Lfunc_end0:
.L_simem_size_0:
called_computation.1_lowered:
.L_overlay_start_0:
0x88: {  	s2 =	sld [smem:$0x3FD9]  }
0x89: {  	s3 =	sld [smem:$0x3FFE];
	_ =	sdelay $0x1  }
0x8a: {  	s1 =	srdreg.scid  }
0x8b: {  	s0 =	sand.u32 $0x1, s1  }
0x8c: {  	s16 =	sshll.u32 s0, $0xA;
	s2 =	sadd.s32 s3, s2  }
0x8d: {  	s2 =	sadd.s32 s2, s16  }
0x8e: {  	[smem:$0x3FB0] =	sst s2  }
0x8f: {  	_ = 	snop  }
0x90: {  	(tm) =	ssettm $0x1  }
0x91: {  	s17 =	sld [smem:$0x3FFB];
	_ =	sdelay $0x3  }
0x92: {  	_ =	strace s17  }
0x93: {  	s2 =	sld [smem:$0x3FFC];
	_ =	sdelay $0x3  }
0x94: {  	_ =	strace s2  }
0x95: {  	s2 =	sld [smem:$0x3FFD];
	_ =	sdelay $0x3  }
0x96: {  	_ =	strace s2  }
0x97: {  	_ =	strace $0x8FFFFFFF  }
0x98: {  	s18 =	sld [smem:$0x3FDB];
	_ =	sdelay $0x1  }
0x99: {  	s19 =	simm.s32 $_scs_section_size  }
0x9a: {  	s4 =	simm.s32 $_size__tile_overlayer_lowered;
	s5 =	simm.s32 $_tile_overlayer_lowered  }
0x9b: {  	s22 =	simm.s32 $0x1BFF;
	s21 =	sshll.u32 s5, $0x1;
	s2 =	sadd.s32 s19, s18  }
0x9c: {  	s6 =	simm.s32 $0x0;
	s20 =	sshll.u32 s4, $0x1;
	s4 =	sadd.s32 s21, s2  }
0x9d: {  	[timem:s6], [sflag:s22] =	dma.local [hbm:s4], s20  }
0x9e: {  	_ =	swait.ge [sflag:s22], s20  }
0x9f: {  	s3 =	ssub.s32 $0x0, s20;
	[sflag:s22] =	ssyncset.done $0x0  }
0xa0: {  	[sflag:s22] =	ssyncadd.s32 s3;
	_ =	sdelay $0x1  }
0xa1: {  	s23 =	simm.s32 $0x1B8B  }
0xa2: {  	_ =	swait.ge [sflag:s23], $0x1  }
0xa3: {  	[sflag:s23] =	ssyncset.done $0x0  }
0xa4: {  	s25 =	simm.s32 $0x1B8E;
	s24 =	sld [smem:$0x3FFE];
	[sflag:s23] =	ssyncadd.s32 $0xFFFFFFFF  }
0xa5: {  	s26 =	simm.s32 $execute0_lowered;
	[smem:$0x3FD2] =	sst s25  }
0xa6: {  	s4 =	sshll.u32 s26, $0x1;
	_ =	strace $0x80000049;
	[dreg:$0x1] =	wrdreg $0xFFFFFFFF  }
0xa7: {  	s28 =	simm.s32 $_size_execute0_lowered;
	s2 =	sadd.s32 s2, s4;
	[dreg:$0x0] =	wrdreg $0x0  }
0xa8: {  	s4 =	sshll.u32 s28, $0x1;
	[dreg:$0x2] =	wrdreg s2  }
0xa9: {  	[dreg:$0x3] =	wrdreg s4  }
0xaa: {  	[dreg:$0x4] =	wrdreg $0xC0  }
0xab: {  	_ =	task [dreg:s6], $0x5FFFF  }
0xac: {  	[dreg:$0x1] =	wrdreg $0xFFFFFFFF  }
0xad: {  	[dreg:$0x0] =	wrdreg $0x60  }
0xae: {  	[dreg:$0x2] =	wrdreg s24  }
0xaf: {  	[dreg:$0x3] =	wrdreg $0x81000  }
0xb0: {  	[dreg:$0x4] =	wrdreg $0x9  }
0xb1: {  	_ =	task.clear_ibuf [dreg:s6], $0x5FFFF;
	_ =	strace $0x90000049  }
0xb2: {  	s29 =	simm.s32 $0x9;
	_ =	strace $0x8000004B  }
0xb3: {  	_ =	swait.ge [sflag:s29], $0x1  }
0xb4: {  	[sflag:s29] =	ssyncadd.s32 $0xFFFFFFFF  }
0xb5: {  	_ =	strace $0x9000004B  }
0xb6: {  	_ =	sfence  }
0xb7: {  	s30 =	sld [smem:$0x0];
	_ =	sdelay $0x2  }
0xb8: {  	s31 =	sshll.u32 s1, $0xD;
	s1 =	sshrl.u32 s1, $0x2  }
0xb9: {  	s3 =	sand.u32 $0x4000, s31;
	s1 =	sadd.s32 s1, s30  }
0xba: {  	s0 =	sor.u32 s3, s0;
	s1 =	sshll.u32 s1, $0x11  }
0xbb: {  	s0 =	sor.u32 s1, s0  }
0xbc: {  	s0 =	sadd.s32 $0x8F2B, s0  }
0xbd: {  	[sflag:s0] =	ssyncadd.remote.s32 $0x1  }
0xbe: {  	_ =	sfence.sel $0xFFFF  }
0xbf: {  	[dreg:$0x0] =	wrdreg $0xFFFFFFFF;
	(pc) =	sbr.abs _section_cstart, $3  }
0xc0: {  	[dreg:$0x1] =	wrdreg $0xFFFFFFFF  }
0xc1: {  	_ =	task.clear_ibuf [dreg:s6], $0x2FFFF;
	_ =	strace $0x9FFFFFFF  }
0xc2: {  	(tm) =	ssettm $0x7FFFFFFF  }
0xc3: {  	_ =	shalt  }
tec
execute0_lowered:
.L_overlay_start_1:
0x0: {  	(tag) =	ssettag $0x1  }
0x1: {  	s11 =	rddreg [dreg:$0x0]  }
0x2: {  	s2 =	rddreg [dreg:$0x1]  }
0x3: {  	s0 =	rddreg [dreg:$0x2]  }
0x4: {  	s3 =	simm.s32 $0x0;
	s1 =	stileid.u32;
	s5 =	srdreg.scid  }
0x5: {  	s21 =	simm.s32 $0x80;
	s22 =	simm.s32 $0x100;
	s23 =	simm.s32 $0x4100  }
0x6: {  	s30 =	simm.s32 $0x0;
	[smem:$0x7FF] =	sst s3;
	s4 =	smul.u32 $0x2700, s1  }
0x7: {  	s9 =	sand.u32 $0x1, s5;
	s5 =	sadd.s32 $0x9D600, s11;
	s6 =	sadd.s32 $0xED200, s11  }
0x8: {  	s7 =	sadd.s32 $0x11600, s11;
	s8 =	sadd.s32 $0x7800, s11;
	s12 =	smul.u32 $0x4E000, s1  }
0x9: {  	s25 =	sshll.u32 s1, $0x6;
	s26 =	smul.u32 $0x4E, s1;
	s20 =	sadd.s32 $0x138000, s2  }
0xa: {  	p0 =	sne.s32 s1, $0xF;
	p1 =	sgt.u32 s1, $0x1;
	s10 =	smul.u32 $0x27100, s9  }
0xb: {  	_ =	strace $0x8000004A;
	s24 =	ssub.s32 $0x2, s9;
	s15 =	smul.u32 $0x4E2, s9  }
0xc: {  	s20 =	sshrl.u32 @!p0 s20, $0x3;
	s13 =	sadd.s32 s4, s11;
	s14 =	sshrl.u32 s24, $0x1  }
0xd: {  	s12 =	sshrl.u32 s12, $0x2;
	s16 =	sadd.s32 s10, s11;
	s17 =	ssub.s32 s24, s14  }
0xe: {  	s18 =	sadd.s32 s12, s2;
	s9 =	sadd.s32 $0x1B400, s13;
	s28 =	sadd.s32 s1, s15  }
.Ltmp0:
0xf: {  	s10 =	sor.u32 $0x1C02, s25;
	s11 =	sadd.s32 $0x42400, s11;
	(pc) =	sbr.rel .LBB2_1-.Ltmp0, $4  }
0x10: {  	s12 =	sadd.s32 s26, s15;
	s24 =	simm.s32 $0x1;
	s19 =	sadd.s32 $0x4E0, s28  }
0x11: {  	s16 =	sadd.s32 $0x5D5200, s16;
	s17 =	smax.u32 s17, $0x1;
	s18 =	sshrl.u32 s18, $0x3  }
0x12: {  	s29 =	sshll.u32 s19, $0x4;
	s31 =	sshll.u32 s19, $0xB;
	s19 =	simm.s32 $0x2  }
0x13: {  	s13 =	sadd.s32 s8, s29;
	s14 =	sadd.s32 s7, s29;
	s15 =	sadd.s32 s6, s31  }
.LBB2_9:
0x14: {  	[bflag:$0x0] =	sbarrier.arrive $0xFFFF;
	s25 =	sadd.s32 s4, s16  }
0x15: {  	[hbm:s25], [sflag:s10] =	dma.local [spmem:s18], $0x2700  }
0x16: {  	_ =	swait.ge [sflag:s19], $0x2700  }
0x17: {  	s3 =	sadd.s32 $0x1, s3;
	[sflag:s19] =	ssyncset.done $0x0  }
0x18: {  	s25 =	sadd.s32 @!p0 $0x27000, s16;
	p2 =	sne.s32 s3, s17;
	[sflag:s19] =	ssyncadd.s32 $0xFFFFD900  }
0x19: {  	[hbm:s25], [sflag:s10] =	dma.local @!p0 [spmem:s20], $0x100  }
.Ltmp1:
0x1a: {  	_ = 	snop;
	(pc) =	sbr.rel @!p2 .LBB2_10-.Ltmp1, $4  }
0x1b: {  	s25 =	simm.s32 @!p0 $0x2  }
0x1c: {  	_ =	swait.ge @!p0 [sflag:s25], $0x100  }
0x1d: {  	[sflag:s25] =	ssyncset.done @!p0 $0x0  }
0x1e: {  	[sflag:s25] =	ssyncadd.s32 @!p0 $0xFFFFFF00  }
.LBB2_1:
0x1f: {  	[spmem:s18], [sflag:s10] =	dma.local [hbm:s9], $0x2700  }
0x20: {  	_ =	swait.ge [sflag:s19], $0x2700  }
0x21: {  	[sflag:s19] =	ssyncset.done $0x0  }
0x22: {  	s25 =	simm.s32 @!p0 $0x2;
	[sflag:s19] =	ssyncadd.s32 $0xFFFFD900  }
0x23: {  	[spmem:s20], [sflag:s10] =	dma.local @!p0 [hbm:s11], $0x100  }
0x24: {  	_ =	swait.ge @!p0 [sflag:s25], $0x100  }
0x25: {  	[sflag:s25] =	ssyncset.done @!p0 $0x0  }
0x26: {  	[sflag:s25] =	ssyncadd.s32 @!p0 $0xFFFFFF00  }
0x27: {  	s25 =	simm.s32 $0x0;
	[bflag:$0x0] =	sbarrier.arrive $0xFFFF  }
.LBB2_2:
0x28: {  	s26 =	sadd.s32 s25, s12  }
0x29: {  	s28 =	sshll.u32 s26, $0x4  }
0x2a: {  	s29 =	sadd.s32 s8, s28  }
0x2b: {  	[tilespmem:s30], [sflag:$0x2] =	stream.linear.gather [hbm4b:s29+s30], $0x80, $0x38;
	[tilespmem:$0x1B980] =	vst v63  }
0x2c: {  	_ =	swait.ge [sflag:s19], $0x80  }
0x2d: {  	[sflag:s19] =	ssyncset.done $0x0  }
0x2e: {  	s28 =	sadd.s32 s7, s28;
	[sflag:s19] =	ssyncadd.s32 $0xFFFFFF80  }
0x2f: {  	[tilespmem:s21], [sflag:$0x2] =	stream.linear.gather [hbm4b:s28+s30], $0x80, $0x38;
	[tilespmem:$0x1B980] =	vst v63  }
0x30: {  	_ =	swait.ge [sflag:s19], $0x80  }
0x31: {  	[sflag:s19] =	ssyncset.done $0x0  }
0x32: {  	s26 =	sshll.u32 s26, $0xB;
	[sflag:s19] =	ssyncadd.s32 $0xFFFFFF80  }
0x33: {  	[tilespmem:s22], [sflag:$0x1] =	stream.indirect.gather [hbm4b:s5+s21], $0x80, s30, s21, $0xb8;
	[tilespmem:$0x1B980] =	vst v63  }
0x34: {  	s26 =	sadd.s32 s6, s26  }
0x35: {  	[tilespmem:s23], [sflag:$0x2] =	stream.linear.gather [hbm4b:s26+s30], $0x4000, $0x38;
	[tilespmem:$0x1B980] =	vst v63  }
0x36: {  	_ =	swait.ge [sflag:s19], $0x4000  }
0x37: {  	[sflag:s19] =	ssyncset.done $0x0  }
0x38: {  	[sflag:s19] =	ssyncadd.s32 $0xFFFFC000  }
0x39: {  	_ =	swait.ge [sflag:s24], $0x4000  }
0x3a: {  	[sflag:s24] =	ssyncset.done $0x0  }
0x3b: {  	s26 =	simm.s32 $0x0;
	[sflag:s24] =	ssyncadd.s32 $0xFFFFC000  }
0x3c: {  	v7 =	vld [tilespmem:s26+$0x4100]  }
0x3d: {  	v11 =	vld [tilespmem:s26+$0x4110]  }
0x3e: {  	v5 =	vld [tilespmem:s26+$0x4120]  }
0x3f: {  	v4 =	vld [tilespmem:s26+$0x4130]  }
0x40: {  	v3 =	vld [tilespmem:s26+$0x4140]  }
0x41: {  	v2 =	vld [tilespmem:s26+$0x4150]  }
0x42: {  	v1 =	vld [tilespmem:s26+$0x4160]  }
0x43: {  	v0 =	vld [tilespmem:s26+$0x4170]  }
0x44: {  	v12 =	vld [tilespmem:s26+$0x100]  }
0x45: {  	v13 =	vld [tilespmem:s26+$0x110]  }
0x46: {  	v10 =	vld [tilespmem:s26+$0x120]  }
0x47: {  	v9 =	vld [tilespmem:s26+$0x130]  }
0x48: {  	v8 =	vld [tilespmem:s26+$0x140]  }
0x49: {  	v6 =	vld [tilespmem:s26+$0x150];
	v12 =	vmul.f32 v7, v12  }
0x4a: {  	s28 =	simm.s32 $0x200;
	v11 =	vmul.f32 v11, v13;
	v7 =	vld [tilespmem:s26+$0x160]  }
.LBB2_3:
0x4b: {  	s29 =	sshra.s32 s28, $0x2;
	p2 =	sne.s32 s28, $0xFE00;
	[tilespmem:s26+$0x100] =	vst v12;
	v5 =	vmul.f32 v5, v10;
	v10 =	vld [tilespmem:s26+$0x170]  }
0x4c: {  	v12 =	vld [tilespmem:s29+$0x4100];
	[tilespmem:s26+$0x110] =	vst v11;
	v4 =	vmul.f32 v4, v9  }
0x4d: {  	v11 =	vld [tilespmem:s29+$0x4110];
	[tilespmem:s26+$0x120] =	vst v5;
	v3 =	vmul.f32 v3, v8  }
0x4e: {  	v5 =	vld [tilespmem:s29+$0x4120];
	[tilespmem:s26+$0x130] =	vst v4;
	v2 =	vmul.f32 v2, v6  }
0x4f: {  	v4 =	vld [tilespmem:s29+$0x4130];
	[tilespmem:s26+$0x140] =	vst v3;
	v1 =	vmul.f32 v1, v7  }
0x50: {  	v3 =	vld [tilespmem:s29+$0x4140];
	[tilespmem:s26+$0x150] =	vst v2;
	v0 =	vmul.f32 v0, v10  }
0x51: {  	v2 =	vld [tilespmem:s29+$0x4150];
	[tilespmem:s26+$0x160] =	vst v1  }
0x52: {  	v1 =	vld [tilespmem:s29+$0x4160];
	[tilespmem:s26+$0x170] =	vst v0;
	s26 =	smov.u32 s29  }
0x53: {  	v0 =	vld [tilespmem:s26+$0x4170]  }
0x54: {  	v6 =	vld [tilespmem:s26+$0x100]  }
0x55: {  	v7 =	vld [tilespmem:s26+$0x110]  }
.Ltmp2:
0x56: {  	v10 =	vld [tilespmem:s26+$0x120];
	(pc) =	sbr.rel @p2 .LBB2_3-.Ltmp2, $4  }
0x57: {  	v9 =	vld [tilespmem:s26+$0x130]  }
0x58: {  	v8 =	vld [tilespmem:s26+$0x140]  }
0x59: {  	v12 =	vmul.f32 v12, v6;
	v6 =	vld [tilespmem:s26+$0x150]  }
0x5a: {  	s28 =	sadd.s32 $0x200, s28;
	v11 =	vmul.f32 v11, v7;
	v7 =	vld [tilespmem:s26+$0x160]  }
0x5b: {  	[tilespmem:s26+$0x100] =	vst v12;
	v5 =	vmul.f32 v5, v10;
	v63 =	vld [tilespmem:s26+$0x170]  }
0x5c: {  	[tilespmem:s26+$0x110] =	vst v11;
	v4 =	vmul.f32 v4, v9  }
0x5d: {  	[tilespmem:s26+$0x120] =	vst v5;
	v3 =	vmul.f32 v3, v8  }
0x5e: {  	[tilespmem:s26+$0x130] =	vst v4;
	v2 =	vmul.f32 v2, v6  }
0x5f: {  	[tilespmem:s26+$0x140] =	vst v3;
	v1 =	vmul.f32 v1, v7  }
0x60: {  	s25 =	sadd.s32 $0x1, s25;
	[tilespmem:s26+$0x150] =	vst v2;
	v0 =	vmul.f32 v0, v63  }
0x61: {  	p2 =	sne.s32 s25, $0x4E;
	[tilespmem:s26+$0x160] =	vst v1  }
.Ltmp3:
0x62: {  	[tilespmem:s26+$0x170] =	vst v0;
	(pc) =	sbr.rel @p2 .LBB2_2-.Ltmp3, $4  }
0x63: {  	[spmem:s2] =	stream.indirect.scatter.add.f32 [tilespmem:s22], [sflag:$0x2], $0x80, s21, s21, $0xb8;
	[tilespmem:$0x1B980] =	vst v63  }
0x64: {  	_ =	swait.ge [sflag:s19], $0x4000  }
0x65: {  	[sflag:s19] =	ssyncset.done $0x0  }
0x66: {  	[sflag:s19] =	ssyncadd.s32 $0xFFFFC000  }
.Ltmp4:
0x67: {  	(pc) =	sbr.rel @p1 .LBB2_9-.Ltmp4, $1  }
0x68: {  	_ =	sdelay $0x3  }
0x69: {  	s25 =	simm.s32 $0x0  }
0x6a: {  	[tilespmem:s25], [sflag:$0x2] =	stream.linear.gather [hbm4b:s13+s25], $0x80, $0x38;
	[tilespmem:$0x1B980] =	vst v63  }
0x6b: {  	_ =	swait.ge [sflag:s19], $0x80  }
0x6c: {  	[sflag:s19] =	ssyncset.done $0x0  }
0x6d: {  	[sflag:s19] =	ssyncadd.s32 $0xFFFFFF80  }
0x6e: {  	[tilespmem:s21], [sflag:$0x2] =	stream.linear.gather [hbm4b:s14+s25], $0x80, $0x38;
	[tilespmem:$0x1B980] =	vst v63  }
0x6f: {  	_ =	swait.ge [sflag:s19], $0x80  }
0x70: {  	[sflag:s19] =	ssyncset.done $0x0  }
0x71: {  	[sflag:s19] =	ssyncadd.s32 $0xFFFFFF80  }
0x72: {  	[tilespmem:s22], [sflag:$0x1] =	stream.indirect.gather [hbm4b:s5+s21], $0x80, s25, s21, $0xb8;
	[tilespmem:$0x1B980] =	vst v63  }
0x73: {  	_ = 	snop  }
0x74: {  	[tilespmem:s23], [sflag:$0x2] =	stream.linear.gather [hbm4b:s15+s25], $0x4000, $0x38;
	[tilespmem:$0x1B980] =	vst v63  }
0x75: {  	_ =	swait.ge [sflag:s19], $0x4000  }
0x76: {  	[sflag:s19] =	ssyncset.done $0x0  }
0x77: {  	[sflag:s19] =	ssyncadd.s32 $0xFFFFC000  }
0x78: {  	_ =	swait.ge [sflag:s24], $0x4000  }
0x79: {  	[sflag:s24] =	ssyncset.done $0x0  }
0x7a: {  	s25 =	simm.s32 $0x0;
	[sflag:s24] =	ssyncadd.s32 $0xFFFFC000  }
0x7b: {  	v7 =	vld [tilespmem:s25+$0x4100]  }
0x7c: {  	v11 =	vld [tilespmem:s25+$0x4110]  }
0x7d: {  	v5 =	vld [tilespmem:s25+$0x4120]  }
0x7e: {  	v4 =	vld [tilespmem:s25+$0x4130]  }
0x7f: {  	v3 =	vld [tilespmem:s25+$0x4140]  }
0x80: {  	v2 =	vld [tilespmem:s25+$0x4150]  }
0x81: {  	v1 =	vld [tilespmem:s25+$0x4160]  }
0x82: {  	v0 =	vld [tilespmem:s25+$0x4170]  }
0x83: {  	v12 =	vld [tilespmem:s25+$0x100]  }
0x84: {  	v13 =	vld [tilespmem:s25+$0x110]  }
0x85: {  	v10 =	vld [tilespmem:s25+$0x120]  }
0x86: {  	v9 =	vld [tilespmem:s25+$0x130]  }
0x87: {  	v8 =	vld [tilespmem:s25+$0x140]  }
0x88: {  	v6 =	vld [tilespmem:s25+$0x150];
	v12 =	vmul.f32 v7, v12  }
0x89: {  	s26 =	simm.s32 $0x200;
	v11 =	vmul.f32 v11, v13;
	v7 =	vld [tilespmem:s25+$0x160]  }
.LBB2_7:
0x8a: {  	s28 =	sshra.s32 s26, $0x2;
	p2 =	sne.s32 s26, $0xFE00;
	[tilespmem:s25+$0x100] =	vst v12;
	v5 =	vmul.f32 v5, v10;
	v10 =	vld [tilespmem:s25+$0x170]  }
0x8b: {  	v12 =	vld [tilespmem:s28+$0x4100];
	[tilespmem:s25+$0x110] =	vst v11;
	v4 =	vmul.f32 v4, v9  }
0x8c: {  	v11 =	vld [tilespmem:s28+$0x4110];
	[tilespmem:s25+$0x120] =	vst v5;
	v3 =	vmul.f32 v3, v8  }
0x8d: {  	v5 =	vld [tilespmem:s28+$0x4120];
	[tilespmem:s25+$0x130] =	vst v4;
	v2 =	vmul.f32 v2, v6  }
0x8e: {  	v4 =	vld [tilespmem:s28+$0x4130];
	[tilespmem:s25+$0x140] =	vst v3;
	v1 =	vmul.f32 v1, v7  }
0x8f: {  	v3 =	vld [tilespmem:s28+$0x4140];
	[tilespmem:s25+$0x150] =	vst v2;
	v0 =	vmul.f32 v0, v10  }
0x90: {  	v2 =	vld [tilespmem:s28+$0x4150];
	[tilespmem:s25+$0x160] =	vst v1  }
0x91: {  	v1 =	vld [tilespmem:s28+$0x4160];
	[tilespmem:s25+$0x170] =	vst v0;
	s25 =	smov.u32 s28  }
0x92: {  	v0 =	vld [tilespmem:s25+$0x4170]  }
0x93: {  	v6 =	vld [tilespmem:s25+$0x100]  }
0x94: {  	v7 =	vld [tilespmem:s25+$0x110]  }
.Ltmp5:
0x95: {  	v10 =	vld [tilespmem:s25+$0x120];
	(pc) =	sbr.rel @p2 .LBB2_7-.Ltmp5, $4  }
0x96: {  	v9 =	vld [tilespmem:s25+$0x130]  }
0x97: {  	v8 =	vld [tilespmem:s25+$0x140]  }
0x98: {  	v12 =	vmul.f32 v12, v6;
	v6 =	vld [tilespmem:s25+$0x150]  }
0x99: {  	s26 =	sadd.s32 $0x200, s26;
	v11 =	vmul.f32 v11, v7;
	v7 =	vld [tilespmem:s25+$0x160]  }
0x9a: {  	[tilespmem:s25+$0x100] =	vst v12;
	v5 =	vmul.f32 v5, v10;
	v63 =	vld [tilespmem:s25+$0x170]  }
0x9b: {  	[tilespmem:s25+$0x110] =	vst v11;
	v4 =	vmul.f32 v4, v9  }
0x9c: {  	[tilespmem:s25+$0x120] =	vst v5;
	v3 =	vmul.f32 v3, v8  }
0x9d: {  	[tilespmem:s25+$0x130] =	vst v4;
	v2 =	vmul.f32 v2, v6  }
0x9e: {  	[tilespmem:s25+$0x140] =	vst v3;
	v1 =	vmul.f32 v1, v7  }
0x9f: {  	[tilespmem:s25+$0x150] =	vst v2;
	v0 =	vmul.f32 v0, v63  }
0xa0: {  	[tilespmem:s25+$0x160] =	vst v1  }
.Ltmp6:
0xa1: {  	[tilespmem:s25+$0x170] =	vst v0;
	(pc) =	sbr.rel .LBB2_9-.Ltmp6, $4  }
0xa2: {  	[spmem:s2] =	stream.indirect.scatter.add.f32 [tilespmem:s22], [sflag:$0x2], $0x80, s21, s21, $0xb8;
	[tilespmem:$0x1B980] =	vst v63  }
0xa3: {  	_ =	swait.ge [sflag:s19], $0x4000  }
0xa4: {  	[sflag:s19] =	ssyncset.done $0x0  }
0xa5: {  	[sflag:s19] =	ssyncadd.s32 $0xFFFFC000  }
.LBB2_10:
0xa6: {  	_ =	sfence.sel $0x180000  }
0xa7: {  	[bflag:$0x0] =	sbarrier.arrive $0xFFFF  }
0xa8: {  	p0 =	sne.s32 s1, $0x0;
	_ =	strace $0x9000004A  }
0xa9: {  	s0 =	sadd.s32 @!p0 $0x100000, s0;
	[bflag:$0x2] =	sbarrier.arrive $0xFFFF  }
0xaa: {  	[sflag:s0] =	ssyncadd.tile.s32 @!p0 $0x1;
	_ =	shalt  }
.Lfunc_end2:
_tile_overlayer_lowered:
.L_overlay_start_2:
0xab: {  	(tag) =	ssettag $0x2  }
0xac: {  	s0 =	rddreg [dreg:$0x0];
	s2 =	stileid.u32  }
0xad: {  	s1 =	rddreg [dreg:$0x1];
	p0 =	sne.s32 s2, $0x0  }
0xae: {  	s3 =	rddreg [dreg:$0x2];
	[bflag:$0x3] =	sbarrier.arrive $0xFFFF;
	s2 =	simm.s32 @!p0 $0x1C02  }
0xaf: {  	[timem:s3], [sflag:s2] =	dma.local @!p0 [hbm:s0], s1  }
0xb0: {  	s0 =	simm.s32 @!p0 $0x2  }
0xb1: {  	_ =	swait.ge @!p0 [sflag:s0], s1  }
0xb2: {  	s1 =	ssub.s32 @!p0 $0x0, s1;
	[sflag:s0] =	ssyncset.done @!p0 $0x0  }
0xb3: {  	[sflag:s0] =	ssyncadd.s32 @!p0 s1  }
0xb4: {  	[bflag:$0x3] =	sbarrier.arrive $0xFFFF  }
0xb5: {  	_ =	shalt  }

// kernel: kernel.20.cloned.1.call-start
scs
__scs_entry_jumppad:
0x0: {  	(pc) =	sbr.rel $0x88, $3  }
0x1: {  	(tag) =	ssettag $0x0;
	lr =	simm.s32 $0x1  }
0x2: {  	[smem:$0x3F89] =	sst lr;
	_ =	strace $0xD0000000  }
0x3: {  	_ = 	snop  }
0x4: {  	_ = 	snop  }
0x5: {  	_ = 	snop  }
0x6: {  	_ = 	snop  }
0x7: {  	_ = 	snop  }
__scs_overlays_trampoline_lowered:
0x8: {  	[smem:$0x3F98] =	sst s0  }
0x9: {  	[smem:$0x3F99] =	sst s1  }
0xa: {  	[smem:$0x3F9A] =	sst s2  }
0xb: {  	[smem:$0x3F9B] =	sst s3  }
0xc: {  	[smem:$0x3F9C] =	sst s4  }
0xd: {  	[smem:$0x3F9D] =	sst s5  }
0xe: {  	[smem:$0x3F9E] =	sst s6  }
0xf: {  	[smem:$0x3F9F] =	sst s7  }
0x10: {  	[smem:$0x3FA0] =	sst s8  }
0x11: {  	[smem:$0x3FA1] =	sst s9;
	s0 =	simm.s32 @!p0 $0x0  }
0x12: {  	s1 =	sld [smem:$0x3F87];
	s0 =	simm.s32 @p0 $0x1  }
0x13: {  	[smem:$0x3FA2] =	sst s0;
	s0 =	simm.s32 @!p1 $0x0  }
0x14: {  	s2 =	sld [smem:$0x3F86];
	s0 =	simm.s32 @p1 $0x1  }
0x15: {  	[smem:$0x3FA3] =	sst s0;
	s0 =	simm.s32 @!p2 $0x0  }
0x16: {  	s3 =	sld [smem:$0x3FDB];
	s0 =	simm.s32 @p2 $0x1  }
0x17: {  	s4 =	simm.s32 $0x1BF5;
	[smem:$0x3FA5] =	sst s0  }
0x18: {  	s0 =	sld [smem:$0x3F88];
	_ =	swait.ge [sflag:s4], $0x0  }
0x19: {  	s7 =	sld [smem:$0x3F89]  }
0x1a: {  	s8 =	sadd.s32 $0xFFFFE003, lr  }
0x1b: {  	s9 =	sadd.s32 $0xFFFFFEF7, lr;
	s5 =	simm.s32 $0xFFFFFFFF;
	p2 =	slt.u32 s8, $0xFFFFF086  }
0x1c: {  	p1 =	slt.u32 s9, $0xF7A;
	s5 =	simm.s32 @!p2 $0x0  }
0x1d: {  	s5 =	simm.s32 @p1 $0x1;
	p0 =	seq.s32 s7, s2  }
0x1e: {  	s7 =	smul.u32 @!p0 $0xF7A, s2;
	p2 =	seq.s32 @!p0 s5, $0x0  }
0x1f: {  	s9 =	smul.u32 $0xF7A, s1;
	s8 =	simm.s32 @!p0 $0x1BF5;
	p2 =	por !p2, p0  }
0x20: {  	[sflag:s8] =	ssyncset.s32 @!p0 $0xFFFFF086;
	s6 =	sadd.s32 @!p0 s3, s7;
	s7 =	simm.s32 @!p0 $0x108  }
0x21: {  	s3 =	sadd.s32 s3, s9;
	s6 =	sadd.s32 @!p0 $0x88, s6;
	s7 =	simm.s32 @p2 $0x1082  }
0x22: {  	[simem:s7], [sflag:s8] =	dma.local @!p0 [hbm:s6], $0xF7A  }
0x23: {  	s9 =	sor.u32 $0xD0000000, s2;
	s6 =	simm.s32 $0x108;
	_ =	swait.ge @!p0 [sflag:s8], $0x0  }
0x24: {  	s3 =	sadd.s32 $0x88, s3;
	s6 =	simm.s32 @!p1 $0x1082;
	[sflag:s4] =	ssyncset.s32 $0xFFFFF086  }
0x25: {  	[simem:s6], [sflag:s4] =	dma.local [hbm:s3], $0xF7A  }
0x26: {  	[smem:$0x3F89] =	sst s1;
	(tag) =	ssettag s2;
	_ =	strace s9  }
0x27: {  	s1 =	sld [smem:$0x3F99]  }
0x28: {  	s2 =	sld [smem:$0x3F9A]  }
0x29: {  	s4 =	sld [smem:$0x3F9C]  }
0x2a: {  	p0 =	seq.s32 s5, $0x0;
	s5 =	sld [smem:$0x3F9D]  }
0x2b: {  	s6 =	sld [smem:$0x3F9E]  }
0x2c: {  	s7 =	sld [smem:$0x3F9F]  }
0x2d: {  	s3 =	simm.s32 $0x108;
	s8 =	sld [smem:$0x3FA0]  }
0x2e: {  	s3 =	simm.s32 @!p0 $0x1082;
	s9 =	sld [smem:$0x3FA1]  }
0x2f: {  	lr =	sadd.s32 s0, s3;
	s0 =	sld [smem:$0x3F98]  }
0x30: {  	s3 =	sld [smem:$0x3F9B]  }
0x31: {  	[smem:$0x3FA4] =	sst s10  }
0x32: {  	s10 =	sld [smem:$0x3FA2];
	_ =	sdelay $0x3  }
0x33: {  	p0 =	seq.s32 s10, $0x1;
	s10 =	sld [smem:$0x3FA4];
	_ =	sdelay $0x3  }
0x34: {  	[smem:$0x3FA4] =	sst s10  }
0x35: {  	s10 =	sld [smem:$0x3FA3];
	_ =	sdelay $0x3  }
0x36: {  	p1 =	seq.s32 s10, $0x1;
	s10 =	sld [smem:$0x3FA4];
	_ =	sdelay $0x3  }
0x37: {  	[smem:$0x3FA4] =	sst s10  }
0x38: {  	s10 =	sld [smem:$0x3FA5]  }
0x39: {  	_ = 	snop;
	(pc) =	sbr.ind lr, $3  }
0x3a: {  	_ = 	snop  }
0x3b: {  	_ = 	snop  }
0x3c: {  	p2 =	seq.s32 s10, $0x1;
	s10 =	sld [smem:$0x3FA4]  }
0x3d: {  	_ =	shalt  }
0x3e: {  	_ =	shalt  }
0x3f: {  	_ =	shalt  }
0x40: {  	_ =	shalt  }
0x41: {  	_ =	shalt  }
0x42: {  	_ =	shalt  }
0x43: {  	_ =	shalt  }
0x44: {  	_ =	shalt  }
0x45: {  	_ =	shalt  }
0x46: {  	_ =	shalt  }
0x47: {  	_ =	shalt  }
0x48: {  	_ =	shalt  }
0x49: {  	_ =	shalt  }
0x4a: {  	_ =	shalt  }
0x4b: {  	_ =	shalt  }
0x4c: {  	_ =	shalt  }
0x4d: {  	_ =	shalt  }
0x4e: {  	_ =	shalt  }
0x4f: {  	_ =	shalt  }
0x50: {  	_ =	shalt  }
0x51: {  	_ =	shalt  }
0x52: {  	_ =	shalt  }
0x53: {  	_ =	shalt  }
0x54: {  	_ =	shalt  }
0x55: {  	_ =	shalt  }
0x56: {  	_ =	shalt  }
0x57: {  	_ =	shalt  }
0x58: {  	_ =	shalt  }
0x59: {  	_ =	shalt  }
0x5a: {  	_ =	shalt  }
0x5b: {  	_ =	shalt  }
0x5c: {  	_ =	shalt  }
0x5d: {  	_ =	shalt  }
0x5e: {  	_ =	shalt  }
0x5f: {  	_ =	shalt  }
0x60: {  	_ =	shalt  }
0x61: {  	_ =	shalt  }
0x62: {  	_ =	shalt  }
0x63: {  	_ =	shalt  }
0x64: {  	_ =	shalt  }
0x65: {  	_ =	shalt  }
0x66: {  	_ =	shalt  }
0x67: {  	_ =	shalt  }
0x68: {  	_ =	shalt  }
0x69: {  	_ =	shalt  }
0x6a: {  	_ =	shalt  }
0x6b: {  	_ =	shalt  }
0x6c: {  	_ =	shalt  }
0x6d: {  	_ =	shalt  }
0x6e: {  	_ =	shalt  }
0x6f: {  	_ =	shalt  }
0x70: {  	_ =	shalt  }
0x71: {  	_ =	shalt  }
0x72: {  	_ =	shalt  }
0x73: {  	_ =	shalt  }
0x74: {  	_ =	shalt  }
0x75: {  	_ =	shalt  }
0x76: {  	_ =	shalt  }
0x77: {  	_ =	shalt  }
0x78: {  	_ =	shalt  }
0x79: {  	_ =	shalt  }
0x7a: {  	_ =	shalt  }
0x7b: {  	_ =	shalt  }
0x7c: {  	_ =	shalt  }
0x7d: {  	_ =	shalt  }
0x7e: {  	_ =	shalt  }
0x7f: {  	_ =	shalt  }
0x80: {  	_ =	shalt  }
0x81: {  	_ =	shalt  }
0x82: {  	_ =	shalt  }
0x83: {  	_ =	shalt  }
0x84: {  	_ =	shalt  }
0x85: {  	_ =	shalt  }
0x86: {  	_ =	shalt  }
0x87: {  	_ =	shalt  }
.Lfunc_end0:
.L_simem_size_0:
called_computation.2_lowered:
.L_overlay_start_0:
0x88: {  	s2 =	sld [smem:$0x3FD9]  }
0x89: {  	s3 =	sld [smem:$0x3FFE];
	_ =	sdelay $0x1  }
0x8a: {  	s1 =	srdreg.scid  }
0x8b: {  	s0 =	sand.u32 $0x1, s1  }
0x8c: {  	s16 =	sshll.u32 s0, $0xA;
	s2 =	sadd.s32 s3, s2  }
0x8d: {  	s2 =	sadd.s32 s2, s16  }
0x8e: {  	[smem:$0x3FB0] =	sst s2  }
0x8f: {  	_ = 	snop  }
0x90: {  	(tm) =	ssettm $0x1  }
0x91: {  	s17 =	sld [smem:$0x3FFB];
	_ =	sdelay $0x3  }
0x92: {  	_ =	strace s17  }
0x93: {  	s2 =	sld [smem:$0x3FFC];
	_ =	sdelay $0x3  }
0x94: {  	_ =	strace s2  }
0x95: {  	s2 =	sld [smem:$0x3FFD];
	_ =	sdelay $0x3  }
0x96: {  	_ =	strace s2  }
0x97: {  	_ =	strace $0x8FFFFFFF  }
0x98: {  	s18 =	sld [smem:$0x3FDB];
	_ =	sdelay $0x1  }
0x99: {  	s19 =	simm.s32 $_scs_section_size  }
0x9a: {  	s4 =	simm.s32 $_size__tile_overlayer_lowered;
	s5 =	simm.s32 $_tile_overlayer_lowered  }
0x9b: {  	s22 =	simm.s32 $0x1BFF;
	s21 =	sshll.u32 s5, $0x1;
	s2 =	sadd.s32 s19, s18  }
0x9c: {  	s6 =	simm.s32 $0x0;
	s20 =	sshll.u32 s4, $0x1;
	s4 =	sadd.s32 s21, s2  }
0x9d: {  	[timem:s6], [sflag:s22] =	dma.local [hbm:s4], s20  }
0x9e: {  	_ =	swait.ge [sflag:s22], s20  }
0x9f: {  	s3 =	ssub.s32 $0x0, s20;
	[sflag:s22] =	ssyncset.done $0x0  }
0xa0: {  	[sflag:s22] =	ssyncadd.s32 s3;
	_ =	sdelay $0x1  }
0xa1: {  	s23 =	simm.s32 $0x1B8B  }
0xa2: {  	_ =	swait.ge [sflag:s23], $0x1  }
0xa3: {  	[sflag:s23] =	ssyncset.done $0x0  }
0xa4: {  	s25 =	simm.s32 $0x1B8E;
	s24 =	sld [smem:$0x3FFE];
	[sflag:s23] =	ssyncadd.s32 $0xFFFFFFFF  }
0xa5: {  	s26 =	simm.s32 $execute0_lowered;
	[smem:$0x3FD2] =	sst s25  }
0xa6: {  	s4 =	sshll.u32 s26, $0x1;
	_ =	strace $0x8000004C;
	[dreg:$0x1] =	wrdreg $0xFFFFFFFF  }
0xa7: {  	s28 =	simm.s32 $_size_execute0_lowered;
	s2 =	sadd.s32 s2, s4;
	[dreg:$0x0] =	wrdreg $0x0  }
0xa8: {  	s4 =	sshll.u32 s28, $0x1;
	[dreg:$0x2] =	wrdreg s2  }
0xa9: {  	[dreg:$0x3] =	wrdreg s4  }
0xaa: {  	[dreg:$0x4] =	wrdreg $0xC0  }
0xab: {  	_ =	task [dreg:s6], $0x5FFFF  }
0xac: {  	[dreg:$0x1] =	wrdreg $0xFFFFFFFF  }
0xad: {  	[dreg:$0x0] =	wrdreg $0x60  }
0xae: {  	[dreg:$0x2] =	wrdreg s24  }
0xaf: {  	[dreg:$0x3] =	wrdreg $0x81000  }
0xb0: {  	[dreg:$0x4] =	wrdreg $0x9  }
0xb1: {  	_ =	task.clear_ibuf [dreg:s6], $0x5FFFF;
	_ =	strace $0x9000004C  }
0xb2: {  	s29 =	simm.s32 $0x9;
	_ =	strace $0x8000004E  }
0xb3: {  	_ =	swait.ge [sflag:s29], $0x1  }
0xb4: {  	[sflag:s29] =	ssyncadd.s32 $0xFFFFFFFF  }
0xb5: {  	_ =	strace $0x9000004E  }
0xb6: {  	_ =	sfence  }
0xb7: {  	s30 =	sld [smem:$0x0];
	_ =	sdelay $0x2  }
0xb8: {  	s31 =	sshll.u32 s1, $0xD;
	s1 =	sshrl.u32 s1, $0x2  }
0xb9: {  	s3 =	sand.u32 $0x4000, s31;
	s1 =	sadd.s32 s1, s30  }
0xba: {  	s0 =	sor.u32 s3, s0;
	s1 =	sshll.u32 s1, $0x11  }
0xbb: {  	s0 =	sor.u32 s1, s0  }
0xbc: {  	s0 =	sadd.s32 $0x8F2B, s0  }
0xbd: {  	[sflag:s0] =	ssyncadd.remote.s32 $0x1  }
0xbe: {  	_ =	sfence.sel $0xFFFF  }
0xbf: {  	[dreg:$0x0] =	wrdreg $0xFFFFFFFF;
	(pc) =	sbr.abs _section_cstart, $3  }
0xc0: {  	[dreg:$0x1] =	wrdreg $0xFFFFFFFF  }
0xc1: {  	_ =	task.clear_ibuf [dreg:s6], $0x2FFFF;
	_ =	strace $0x9FFFFFFF  }
0xc2: {  	(tm) =	ssettm $0x7FFFFFFF  }
0xc3: {  	_ =	shalt  }
tec
execute0_lowered:
.L_overlay_start_1:
0x0: {  	(tag) =	ssettag $0x1  }
0x1: {  	s11 =	rddreg [dreg:$0x0]  }
0x2: {  	s2 =	rddreg [dreg:$0x1]  }
0x3: {  	s0 =	rddreg [dreg:$0x2]  }
0x4: {  	s3 =	simm.s32 $0x0;
	s1 =	stileid.u32;
	s5 =	srdreg.scid  }
0x5: {  	s21 =	simm.s32 $0x80;
	s22 =	simm.s32 $0x100;
	s23 =	simm.s32 $0x4100  }
0x6: {  	s30 =	simm.s32 $0x0;
	[smem:$0x7FF] =	sst s3;
	s4 =	smul.u32 $0x2700, s1  }
0x7: {  	s9 =	sand.u32 $0x1, s5;
	s5 =	sadd.s32 $0x9D600, s11;
	s6 =	sadd.s32 $0x623400, s11  }
0x8: {  	s7 =	sadd.s32 $0x11600, s11;
	s8 =	sadd.s32 $0x7800, s11;
	s12 =	smul.u32 $0x4E000, s1  }
0x9: {  	s25 =	sshll.u32 s1, $0x6;
	s26 =	smul.u32 $0x4E, s1;
	s20 =	sadd.s32 $0x138000, s2  }
0xa: {  	p0 =	sne.s32 s1, $0xF;
	p1 =	sgt.u32 s1, $0x1;
	s10 =	smul.u32 $0x27100, s9  }
0xb: {  	_ =	strace $0x8000004D;
	s24 =	ssub.s32 $0x2, s9;
	s15 =	smul.u32 $0x4E2, s9  }
0xc: {  	s20 =	sshrl.u32 @!p0 s20, $0x3;
	s13 =	sadd.s32 s4, s11;
	s14 =	sshrl.u32 s24, $0x1  }
0xd: {  	s12 =	sshrl.u32 s12, $0x2;
	s16 =	sadd.s32 s10, s11;
	s17 =	ssub.s32 s24, s14  }
0xe: {  	s18 =	sadd.s32 s12, s2;
	s9 =	sadd.s32 $0x1B400, s13;
	s28 =	sadd.s32 s1, s15  }
.Ltmp0:
0xf: {  	s10 =	sor.u32 $0x1C02, s25;
	s11 =	sadd.s32 $0x42400, s11;
	(pc) =	sbr.rel .LBB2_1-.Ltmp0, $4  }
0x10: {  	s12 =	sadd.s32 s26, s15;
	s24 =	simm.s32 $0x1;
	s19 =	sadd.s32 $0x4E0, s28  }
0x11: {  	s16 =	sadd.s32 $0xED200, s16;
	s17 =	smax.u32 s17, $0x1;
	s18 =	sshrl.u32 s18, $0x3  }
0x12: {  	s29 =	sshll.u32 s19, $0x4;
	s31 =	sshll.u32 s19, $0xB;
	s19 =	simm.s32 $0x2  }
0x13: {  	s13 =	sadd.s32 s8, s29;
	s14 =	sadd.s32 s7, s29;
	s15 =	sadd.s32 s6, s31  }
.LBB2_9:
0x14: {  	[bflag:$0x0] =	sbarrier.arrive $0xFFFF;
	s25 =	sadd.s32 s4, s16  }
0x15: {  	[hbm:s25], [sflag:s10] =	dma.local [spmem:s18], $0x2700  }
0x16: {  	_ =	swait.ge [sflag:s19], $0x2700  }
0x17: {  	s3 =	sadd.s32 $0x1, s3;
	[sflag:s19] =	ssyncset.done $0x0  }
0x18: {  	s25 =	sadd.s32 @!p0 $0x27000, s16;
	p2 =	sne.s32 s3, s17;
	[sflag:s19] =	ssyncadd.s32 $0xFFFFD900  }
0x19: {  	[hbm:s25], [sflag:s10] =	dma.local @!p0 [spmem:s20], $0x100  }
.Ltmp1:
0x1a: {  	_ = 	snop;
	(pc) =	sbr.rel @!p2 .LBB2_10-.Ltmp1, $4  }
0x1b: {  	s25 =	simm.s32 @!p0 $0x2  }
0x1c: {  	_ =	swait.ge @!p0 [sflag:s25], $0x100  }
0x1d: {  	[sflag:s25] =	ssyncset.done @!p0 $0x0  }
0x1e: {  	[sflag:s25] =	ssyncadd.s32 @!p0 $0xFFFFFF00  }
.LBB2_1:
0x1f: {  	[spmem:s18], [sflag:s10] =	dma.local [hbm:s9], $0x2700  }
0x20: {  	_ =	swait.ge [sflag:s19], $0x2700  }
0x21: {  	[sflag:s19] =	ssyncset.done $0x0  }
0x22: {  	s25 =	simm.s32 @!p0 $0x2;
	[sflag:s19] =	ssyncadd.s32 $0xFFFFD900  }
0x23: {  	[spmem:s20], [sflag:s10] =	dma.local @!p0 [hbm:s11], $0x100  }
0x24: {  	_ =	swait.ge @!p0 [sflag:s25], $0x100  }
0x25: {  	[sflag:s25] =	ssyncset.done @!p0 $0x0  }
0x26: {  	[sflag:s25] =	ssyncadd.s32 @!p0 $0xFFFFFF00  }
0x27: {  	s25 =	simm.s32 $0x0;
	[bflag:$0x0] =	sbarrier.arrive $0xFFFF  }
.LBB2_2:
0x28: {  	s26 =	sadd.s32 s25, s12  }
0x29: {  	s28 =	sshll.u32 s26, $0x4  }
0x2a: {  	s29 =	sadd.s32 s8, s28  }
0x2b: {  	[tilespmem:s30], [sflag:$0x2] =	stream.linear.gather [hbm4b:s29+s30], $0x80, $0x38;
	[tilespmem:$0x1B980] =	vst v63  }
0x2c: {  	_ =	swait.ge [sflag:s19], $0x80  }
0x2d: {  	[sflag:s19] =	ssyncset.done $0x0  }
0x2e: {  	s28 =	sadd.s32 s7, s28;
	[sflag:s19] =	ssyncadd.s32 $0xFFFFFF80  }
0x2f: {  	[tilespmem:s21], [sflag:$0x2] =	stream.linear.gather [hbm4b:s28+s30], $0x80, $0x38;
	[tilespmem:$0x1B980] =	vst v63  }
0x30: {  	_ =	swait.ge [sflag:s19], $0x80  }
0x31: {  	[sflag:s19] =	ssyncset.done $0x0  }
0x32: {  	s26 =	sshll.u32 s26, $0xB;
	[sflag:s19] =	ssyncadd.s32 $0xFFFFFF80  }
0x33: {  	[tilespmem:s22], [sflag:$0x1] =	stream.indirect.gather [hbm4b:s5+s21], $0x80, s30, s21, $0xb8;
	[tilespmem:$0x1B980] =	vst v63  }
0x34: {  	s26 =	sadd.s32 s6, s26  }
0x35: {  	[tilespmem:s23], [sflag:$0x2] =	stream.linear.gather [hbm4b:s26+s30], $0x4000, $0x38;
	[tilespmem:$0x1B980] =	vst v63  }
0x36: {  	_ =	swait.ge [sflag:s19], $0x4000  }
0x37: {  	[sflag:s19] =	ssyncset.done $0x0  }
0x38: {  	[sflag:s19] =	ssyncadd.s32 $0xFFFFC000  }
0x39: {  	_ =	swait.ge [sflag:s24], $0x4000  }
0x3a: {  	[sflag:s24] =	ssyncset.done $0x0  }
0x3b: {  	s26 =	simm.s32 $0x0;
	[sflag:s24] =	ssyncadd.s32 $0xFFFFC000  }
0x3c: {  	v7 =	vld [tilespmem:s26+$0x4100]  }
0x3d: {  	v11 =	vld [tilespmem:s26+$0x4110]  }
0x3e: {  	v5 =	vld [tilespmem:s26+$0x4120]  }
0x3f: {  	v4 =	vld [tilespmem:s26+$0x4130]  }
0x40: {  	v3 =	vld [tilespmem:s26+$0x4140]  }
0x41: {  	v2 =	vld [tilespmem:s26+$0x4150]  }
0x42: {  	v1 =	vld [tilespmem:s26+$0x4160]  }
0x43: {  	v0 =	vld [tilespmem:s26+$0x4170]  }
0x44: {  	v12 =	vld [tilespmem:s26+$0x100]  }
0x45: {  	v13 =	vld [tilespmem:s26+$0x110]  }
0x46: {  	v10 =	vld [tilespmem:s26+$0x120]  }
0x47: {  	v9 =	vld [tilespmem:s26+$0x130]  }
0x48: {  	v8 =	vld [tilespmem:s26+$0x140]  }
0x49: {  	v6 =	vld [tilespmem:s26+$0x150];
	v12 =	vmul.f32 v7, v12  }
0x4a: {  	s28 =	simm.s32 $0x200;
	v11 =	vmul.f32 v11, v13;
	v7 =	vld [tilespmem:s26+$0x160]  }
.LBB2_3:
0x4b: {  	s29 =	sshra.s32 s28, $0x2;
	p2 =	sne.s32 s28, $0xFE00;
	[tilespmem:s26+$0x100] =	vst v12;
	v5 =	vmul.f32 v5, v10;
	v10 =	vld [tilespmem:s26+$0x170]  }
0x4c: {  	v12 =	vld [tilespmem:s29+$0x4100];
	[tilespmem:s26+$0x110] =	vst v11;
	v4 =	vmul.f32 v4, v9  }
0x4d: {  	v11 =	vld [tilespmem:s29+$0x4110];
	[tilespmem:s26+$0x120] =	vst v5;
	v3 =	vmul.f32 v3, v8  }
0x4e: {  	v5 =	vld [tilespmem:s29+$0x4120];
	[tilespmem:s26+$0x130] =	vst v4;
	v2 =	vmul.f32 v2, v6  }
0x4f: {  	v4 =	vld [tilespmem:s29+$0x4130];
	[tilespmem:s26+$0x140] =	vst v3;
	v1 =	vmul.f32 v1, v7  }
0x50: {  	v3 =	vld [tilespmem:s29+$0x4140];
	[tilespmem:s26+$0x150] =	vst v2;
	v0 =	vmul.f32 v0, v10  }
0x51: {  	v2 =	vld [tilespmem:s29+$0x4150];
	[tilespmem:s26+$0x160] =	vst v1  }
0x52: {  	v1 =	vld [tilespmem:s29+$0x4160];
	[tilespmem:s26+$0x170] =	vst v0;
	s26 =	smov.u32 s29  }
0x53: {  	v0 =	vld [tilespmem:s26+$0x4170]  }
0x54: {  	v6 =	vld [tilespmem:s26+$0x100]  }
0x55: {  	v7 =	vld [tilespmem:s26+$0x110]  }
.Ltmp2:
0x56: {  	v10 =	vld [tilespmem:s26+$0x120];
	(pc) =	sbr.rel @p2 .LBB2_3-.Ltmp2, $4  }
0x57: {  	v9 =	vld [tilespmem:s26+$0x130]  }
0x58: {  	v8 =	vld [tilespmem:s26+$0x140]  }
0x59: {  	v12 =	vmul.f32 v12, v6;
	v6 =	vld [tilespmem:s26+$0x150]  }
0x5a: {  	s28 =	sadd.s32 $0x200, s28;
	v11 =	vmul.f32 v11, v7;
	v7 =	vld [tilespmem:s26+$0x160]  }
0x5b: {  	[tilespmem:s26+$0x100] =	vst v12;
	v5 =	vmul.f32 v5, v10;
	v63 =	vld [tilespmem:s26+$0x170]  }
0x5c: {  	[tilespmem:s26+$0x110] =	vst v11;
	v4 =	vmul.f32 v4, v9  }
0x5d: {  	[tilespmem:s26+$0x120] =	vst v5;
	v3 =	vmul.f32 v3, v8  }
0x5e: {  	[tilespmem:s26+$0x130] =	vst v4;
	v2 =	vmul.f32 v2, v6  }
0x5f: {  	[tilespmem:s26+$0x140] =	vst v3;
	v1 =	vmul.f32 v1, v7  }
0x60: {  	s25 =	sadd.s32 $0x1, s25;
	[tilespmem:s26+$0x150] =	vst v2;
	v0 =	vmul.f32 v0, v63  }
0x61: {  	p2 =	sne.s32 s25, $0x4E;
	[tilespmem:s26+$0x160] =	vst v1  }
.Ltmp3:
0x62: {  	[tilespmem:s26+$0x170] =	vst v0;
	(pc) =	sbr.rel @p2 .LBB2_2-.Ltmp3, $4  }
0x63: {  	[spmem:s2] =	stream.indirect.scatter.add.f32 [tilespmem:s22], [sflag:$0x2], $0x80, s21, s21, $0xb8;
	[tilespmem:$0x1B980] =	vst v63  }
0x64: {  	_ =	swait.ge [sflag:s19], $0x4000  }
0x65: {  	[sflag:s19] =	ssyncset.done $0x0  }
0x66: {  	[sflag:s19] =	ssyncadd.s32 $0xFFFFC000  }
.Ltmp4:
0x67: {  	(pc) =	sbr.rel @p1 .LBB2_9-.Ltmp4, $1  }
0x68: {  	_ =	sdelay $0x3  }
0x69: {  	s25 =	simm.s32 $0x0  }
0x6a: {  	[tilespmem:s25], [sflag:$0x2] =	stream.linear.gather [hbm4b:s13+s25], $0x80, $0x38;
	[tilespmem:$0x1B980] =	vst v63  }
0x6b: {  	_ =	swait.ge [sflag:s19], $0x80  }
0x6c: {  	[sflag:s19] =	ssyncset.done $0x0  }
0x6d: {  	[sflag:s19] =	ssyncadd.s32 $0xFFFFFF80  }
0x6e: {  	[tilespmem:s21], [sflag:$0x2] =	stream.linear.gather [hbm4b:s14+s25], $0x80, $0x38;
	[tilespmem:$0x1B980] =	vst v63  }
0x6f: {  	_ =	swait.ge [sflag:s19], $0x80  }
0x70: {  	[sflag:s19] =	ssyncset.done $0x0  }
0x71: {  	[sflag:s19] =	ssyncadd.s32 $0xFFFFFF80  }
0x72: {  	[tilespmem:s22], [sflag:$0x1] =	stream.indirect.gather [hbm4b:s5+s21], $0x80, s25, s21, $0xb8;
	[tilespmem:$0x1B980] =	vst v63  }
0x73: {  	_ = 	snop  }
0x74: {  	[tilespmem:s23], [sflag:$0x2] =	stream.linear.gather [hbm4b:s15+s25], $0x4000, $0x38;
	[tilespmem:$0x1B980] =	vst v63  }
0x75: {  	_ =	swait.ge [sflag:s19], $0x4000  }
0x76: {  	[sflag:s19] =	ssyncset.done $0x0  }
0x77: {  	[sflag:s19] =	ssyncadd.s32 $0xFFFFC000  }
0x78: {  	_ =	swait.ge [sflag:s24], $0x4000  }
0x79: {  	[sflag:s24] =	ssyncset.done $0x0  }
0x7a: {  	s25 =	simm.s32 $0x0;
	[sflag:s24] =	ssyncadd.s32 $0xFFFFC000  }
0x7b: {  	v7 =	vld [tilespmem:s25+$0x4100]  }
0x7c: {  	v11 =	vld [tilespmem:s25+$0x4110]  }
0x7d: {  	v5 =	vld [tilespmem:s25+$0x4120]  }
0x7e: {  	v4 =	vld [tilespmem:s25+$0x4130]  }
0x7f: {  	v3 =	vld [tilespmem:s25+$0x4140]  }
0x80: {  	v2 =	vld [tilespmem:s25+$0x4150]  }
0x81: {  	v1 =	vld [tilespmem:s25+$0x4160]  }
0x82: {  	v0 =	vld [tilespmem:s25+$0x4170]  }
0x83: {  	v12 =	vld [tilespmem:s25+$0x100]  }
0x84: {  	v13 =	vld [tilespmem:s25+$0x110]  }
0x85: {  	v10 =	vld [tilespmem:s25+$0x120]  }
0x86: {  	v9 =	vld [tilespmem:s25+$0x130]  }
0x87: {  	v8 =	vld [tilespmem:s25+$0x140]  }
0x88: {  	v6 =	vld [tilespmem:s25+$0x150];
	v12 =	vmul.f32 v7, v12  }
0x89: {  	s26 =	simm.s32 $0x200;
	v11 =	vmul.f32 v11, v13;
	v7 =	vld [tilespmem:s25+$0x160]  }
.LBB2_7:
0x8a: {  	s28 =	sshra.s32 s26, $0x2;
	p2 =	sne.s32 s26, $0xFE00;
	[tilespmem:s25+$0x100] =	vst v12;
	v5 =	vmul.f32 v5, v10;
	v10 =	vld [tilespmem:s25+$0x170]  }
0x8b: {  	v12 =	vld [tilespmem:s28+$0x4100];
	[tilespmem:s25+$0x110] =	vst v11;
	v4 =	vmul.f32 v4, v9  }
0x8c: {  	v11 =	vld [tilespmem:s28+$0x4110];
	[tilespmem:s25+$0x120] =	vst v5;
	v3 =	vmul.f32 v3, v8  }
0x8d: {  	v5 =	vld [tilespmem:s28+$0x4120];
	[tilespmem:s25+$0x130] =	vst v4;
	v2 =	vmul.f32 v2, v6  }
0x8e: {  	v4 =	vld [tilespmem:s28+$0x4130];
	[tilespmem:s25+$0x140] =	vst v3;
	v1 =	vmul.f32 v1, v7  }
0x8f: {  	v3 =	vld [tilespmem:s28+$0x4140];
	[tilespmem:s25+$0x150] =	vst v2;
	v0 =	vmul.f32 v0, v10  }
0x90: {  	v2 =	vld [tilespmem:s28+$0x4150];
	[tilespmem:s25+$0x160] =	vst v1  }
0x91: {  	v1 =	vld [tilespmem:s28+$0x4160];
	[tilespmem:s25+$0x170] =	vst v0;
	s25 =	smov.u32 s28  }
0x92: {  	v0 =	vld [tilespmem:s25+$0x4170]  }
0x93: {  	v6 =	vld [tilespmem:s25+$0x100]  }
0x94: {  	v7 =	vld [tilespmem:s25+$0x110]  }
.Ltmp5:
0x95: {  	v10 =	vld [tilespmem:s25+$0x120];
	(pc) =	sbr.rel @p2 .LBB2_7-.Ltmp5, $4  }
0x96: {  	v9 =	vld [tilespmem:s25+$0x130]  }
0x97: {  	v8 =	vld [tilespmem:s25+$0x140]  }
0x98: {  	v12 =	vmul.f32 v12, v6;
	v6 =	vld [tilespmem:s25+$0x150]  }
0x99: {  	s26 =	sadd.s32 $0x200, s26;
	v11 =	vmul.f32 v11, v7;
	v7 =	vld [tilespmem:s25+$0x160]  }
0x9a: {  	[tilespmem:s25+$0x100] =	vst v12;
	v5 =	vmul.f32 v5, v10;
	v63 =	vld [tilespmem:s25+$0x170]  }
0x9b: {  	[tilespmem:s25+$0x110] =	vst v11;
	v4 =	vmul.f32 v4, v9  }
0x9c: {  	[tilespmem:s25+$0x120] =	vst v5;
	v3 =	vmul.f32 v3, v8  }
0x9d: {  	[tilespmem:s25+$0x130] =	vst v4;
	v2 =	vmul.f32 v2, v6  }
0x9e: {  	[tilespmem:s25+$0x140] =	vst v3;
	v1 =	vmul.f32 v1, v7  }
0x9f: {  	[tilespmem:s25+$0x150] =	vst v2;
	v0 =	vmul.f32 v0, v63  }
0xa0: {  	[tilespmem:s25+$0x160] =	vst v1  }
.Ltmp6:
0xa1: {  	[tilespmem:s25+$0x170] =	vst v0;
	(pc) =	sbr.rel .LBB2_9-.Ltmp6, $4  }
0xa2: {  	[spmem:s2] =	stream.indirect.scatter.add.f32 [tilespmem:s22], [sflag:$0x2], $0x80, s21, s21, $0xb8;
	[tilespmem:$0x1B980] =	vst v63  }
0xa3: {  	_ =	swait.ge [sflag:s19], $0x4000  }
0xa4: {  	[sflag:s19] =	ssyncset.done $0x0  }
0xa5: {  	[sflag:s19] =	ssyncadd.s32 $0xFFFFC000  }
.LBB2_10:
0xa6: {  	_ =	sfence.sel $0x180000  }
0xa7: {  	[bflag:$0x0] =	sbarrier.arrive $0xFFFF  }
0xa8: {  	p0 =	sne.s32 s1, $0x0;
	_ =	strace $0x9000004D  }
0xa9: {  	s0 =	sadd.s32 @!p0 $0x100000, s0;
	[bflag:$0x2] =	sbarrier.arrive $0xFFFF  }
0xaa: {  	[sflag:s0] =	ssyncadd.tile.s32 @!p0 $0x1;
	_ =	shalt  }
.Lfunc_end2:
_tile_overlayer_lowered:
.L_overlay_start_2:
0xab: {  	(tag) =	ssettag $0x2  }
0xac: {  	s0 =	rddreg [dreg:$0x0];
	s2 =	stileid.u32  }
0xad: {  	s1 =	rddreg [dreg:$0x1];
	p0 =	sne.s32 s2, $0x0  }
0xae: {  	s3 =	rddreg [dreg:$0x2];
	[bflag:$0x3] =	sbarrier.arrive $0xFFFF;
	s2 =	simm.s32 @!p0 $0x1C02  }
0xaf: {  	[timem:s3], [sflag:s2] =	dma.local @!p0 [hbm:s0], s1  }
0xb0: {  	s0 =	simm.s32 @!p0 $0x2  }
0xb1: {  	_ =	swait.ge @!p0 [sflag:s0], s1  }
0xb2: {  	s1 =	ssub.s32 @!p0 $0x0, s1;
	[sflag:s0] =	ssyncset.done @!p0 $0x0  }
0xb3: {  	[sflag:s0] =	ssyncadd.s32 @!p0 s1  }
0xb4: {  	[bflag:$0x3] =	sbarrier.arrive $0xFFFF  }
0xb5: {  	_ =	shalt  }

// kernel: kernel.23.cloned.1.call-start
scs
__scs_entry_jumppad:
0x0: {  	(pc) =	sbr.rel $0x88, $3  }
0x1: {  	(tag) =	ssettag $0x0;
	lr =	simm.s32 $0x1  }
0x2: {  	[smem:$0x3F89] =	sst lr;
	_ =	strace $0xD0000000  }
0x3: {  	_ = 	snop  }
0x4: {  	_ = 	snop  }
0x5: {  	_ = 	snop  }
0x6: {  	_ = 	snop  }
0x7: {  	_ = 	snop  }
__scs_overlays_trampoline_lowered:
0x8: {  	[smem:$0x3F98] =	sst s0  }
0x9: {  	[smem:$0x3F99] =	sst s1  }
0xa: {  	[smem:$0x3F9A] =	sst s2  }
0xb: {  	[smem:$0x3F9B] =	sst s3  }
0xc: {  	[smem:$0x3F9C] =	sst s4  }
0xd: {  	[smem:$0x3F9D] =	sst s5  }
0xe: {  	[smem:$0x3F9E] =	sst s6  }
0xf: {  	[smem:$0x3F9F] =	sst s7  }
0x10: {  	[smem:$0x3FA0] =	sst s8  }
0x11: {  	[smem:$0x3FA1] =	sst s9;
	s0 =	simm.s32 @!p0 $0x0  }
0x12: {  	s1 =	sld [smem:$0x3F87];
	s0 =	simm.s32 @p0 $0x1  }
0x13: {  	[smem:$0x3FA2] =	sst s0;
	s0 =	simm.s32 @!p1 $0x0  }
0x14: {  	s2 =	sld [smem:$0x3F86];
	s0 =	simm.s32 @p1 $0x1  }
0x15: {  	[smem:$0x3FA3] =	sst s0;
	s0 =	simm.s32 @!p2 $0x0  }
0x16: {  	s3 =	sld [smem:$0x3FDB];
	s0 =	simm.s32 @p2 $0x1  }
0x17: {  	s4 =	simm.s32 $0x1BF5;
	[smem:$0x3FA5] =	sst s0  }
0x18: {  	s0 =	sld [smem:$0x3F88];
	_ =	swait.ge [sflag:s4], $0x0  }
0x19: {  	s7 =	sld [smem:$0x3F89]  }
0x1a: {  	s8 =	sadd.s32 $0xFFFFE003, lr  }
0x1b: {  	s9 =	sadd.s32 $0xFFFFFEF7, lr;
	s5 =	simm.s32 $0xFFFFFFFF;
	p2 =	slt.u32 s8, $0xFFFFF086  }
0x1c: {  	p1 =	slt.u32 s9, $0xF7A;
	s5 =	simm.s32 @!p2 $0x0  }
0x1d: {  	s5 =	simm.s32 @p1 $0x1;
	p0 =	seq.s32 s7, s2  }
0x1e: {  	s7 =	smul.u32 @!p0 $0xF7A, s2;
	p2 =	seq.s32 @!p0 s5, $0x0  }
0x1f: {  	s9 =	smul.u32 $0xF7A, s1;
	s8 =	simm.s32 @!p0 $0x1BF5;
	p2 =	por !p2, p0  }
0x20: {  	[sflag:s8] =	ssyncset.s32 @!p0 $0xFFFFF086;
	s6 =	sadd.s32 @!p0 s3, s7;
	s7 =	simm.s32 @!p0 $0x108  }
0x21: {  	s3 =	sadd.s32 s3, s9;
	s6 =	sadd.s32 @!p0 $0x88, s6;
	s7 =	simm.s32 @p2 $0x1082  }
0x22: {  	[simem:s7], [sflag:s8] =	dma.local @!p0 [hbm:s6], $0xF7A  }
0x23: {  	s9 =	sor.u32 $0xD0000000, s2;
	s6 =	simm.s32 $0x108;
	_ =	swait.ge @!p0 [sflag:s8], $0x0  }
0x24: {  	s3 =	sadd.s32 $0x88, s3;
	s6 =	simm.s32 @!p1 $0x1082;
	[sflag:s4] =	ssyncset.s32 $0xFFFFF086  }
0x25: {  	[simem:s6], [sflag:s4] =	dma.local [hbm:s3], $0xF7A  }
0x26: {  	[smem:$0x3F89] =	sst s1;
	(tag) =	ssettag s2;
	_ =	strace s9  }
0x27: {  	s1 =	sld [smem:$0x3F99]  }
0x28: {  	s2 =	sld [smem:$0x3F9A]  }
0x29: {  	s4 =	sld [smem:$0x3F9C]  }
0x2a: {  	p0 =	seq.s32 s5, $0x0;
	s5 =	sld [smem:$0x3F9D]  }
0x2b: {  	s6 =	sld [smem:$0x3F9E]  }
0x2c: {  	s7 =	sld [smem:$0x3F9F]  }
0x2d: {  	s3 =	simm.s32 $0x108;
	s8 =	sld [smem:$0x3FA0]  }
0x2e: {  	s3 =	simm.s32 @!p0 $0x1082;
	s9 =	sld [smem:$0x3FA1]  }
0x2f: {  	lr =	sadd.s32 s0, s3;
	s0 =	sld [smem:$0x3F98]  }
0x30: {  	s3 =	sld [smem:$0x3F9B]  }
0x31: {  	[smem:$0x3FA4] =	sst s10  }
0x32: {  	s10 =	sld [smem:$0x3FA2];
	_ =	sdelay $0x3  }
0x33: {  	p0 =	seq.s32 s10, $0x1;
	s10 =	sld [smem:$0x3FA4];
	_ =	sdelay $0x3  }
0x34: {  	[smem:$0x3FA4] =	sst s10  }
0x35: {  	s10 =	sld [smem:$0x3FA3];
	_ =	sdelay $0x3  }
0x36: {  	p1 =	seq.s32 s10, $0x1;
	s10 =	sld [smem:$0x3FA4];
	_ =	sdelay $0x3  }
0x37: {  	[smem:$0x3FA4] =	sst s10  }
0x38: {  	s10 =	sld [smem:$0x3FA5]  }
0x39: {  	_ = 	snop;
	(pc) =	sbr.ind lr, $3  }
0x3a: {  	_ = 	snop  }
0x3b: {  	_ = 	snop  }
0x3c: {  	p2 =	seq.s32 s10, $0x1;
	s10 =	sld [smem:$0x3FA4]  }
0x3d: {  	_ =	shalt  }
0x3e: {  	_ =	shalt  }
0x3f: {  	_ =	shalt  }
0x40: {  	_ =	shalt  }
0x41: {  	_ =	shalt  }
0x42: {  	_ =	shalt  }
0x43: {  	_ =	shalt  }
0x44: {  	_ =	shalt  }
0x45: {  	_ =	shalt  }
0x46: {  	_ =	shalt  }
0x47: {  	_ =	shalt  }
0x48: {  	_ =	shalt  }
0x49: {  	_ =	shalt  }
0x4a: {  	_ =	shalt  }
0x4b: {  	_ =	shalt  }
0x4c: {  	_ =	shalt  }
0x4d: {  	_ =	shalt  }
0x4e: {  	_ =	shalt  }
0x4f: {  	_ =	shalt  }
0x50: {  	_ =	shalt  }
0x51: {  	_ =	shalt  }
0x52: {  	_ =	shalt  }
0x53: {  	_ =	shalt  }
0x54: {  	_ =	shalt  }
0x55: {  	_ =	shalt  }
0x56: {  	_ =	shalt  }
0x57: {  	_ =	shalt  }
0x58: {  	_ =	shalt  }
0x59: {  	_ =	shalt  }
0x5a: {  	_ =	shalt  }
0x5b: {  	_ =	shalt  }
0x5c: {  	_ =	shalt  }
0x5d: {  	_ =	shalt  }
0x5e: {  	_ =	shalt  }
0x5f: {  	_ =	shalt  }
0x60: {  	_ =	shalt  }
0x61: {  	_ =	shalt  }
0x62: {  	_ =	shalt  }
0x63: {  	_ =	shalt  }
0x64: {  	_ =	shalt  }
0x65: {  	_ =	shalt  }
0x66: {  	_ =	shalt  }
0x67: {  	_ =	shalt  }
0x68: {  	_ =	shalt  }
0x69: {  	_ =	shalt  }
0x6a: {  	_ =	shalt  }
0x6b: {  	_ =	shalt  }
0x6c: {  	_ =	shalt  }
0x6d: {  	_ =	shalt  }
0x6e: {  	_ =	shalt  }
0x6f: {  	_ =	shalt  }
0x70: {  	_ =	shalt  }
0x71: {  	_ =	shalt  }
0x72: {  	_ =	shalt  }
0x73: {  	_ =	shalt  }
0x74: {  	_ =	shalt  }
0x75: {  	_ =	shalt  }
0x76: {  	_ =	shalt  }
0x77: {  	_ =	shalt  }
0x78: {  	_ =	shalt  }
0x79: {  	_ =	shalt  }
0x7a: {  	_ =	shalt  }
0x7b: {  	_ =	shalt  }
0x7c: {  	_ =	shalt  }
0x7d: {  	_ =	shalt  }
0x7e: {  	_ =	shalt  }
0x7f: {  	_ =	shalt  }
0x80: {  	_ =	shalt  }
0x81: {  	_ =	shalt  }
0x82: {  	_ =	shalt  }
0x83: {  	_ =	shalt  }
0x84: {  	_ =	shalt  }
0x85: {  	_ =	shalt  }
0x86: {  	_ =	shalt  }
0x87: {  	_ =	shalt  }
.Lfunc_end0:
.L_simem_size_0:
called_computation.3_lowered:
.L_overlay_start_0:
0x88: {  	s2 =	sld [smem:$0x3FD9]  }
0x89: {  	s3 =	sld [smem:$0x3FFE];
	_ =	sdelay $0x1  }
0x8a: {  	s1 =	srdreg.scid  }
0x8b: {  	s0 =	sand.u32 $0x1, s1  }
0x8c: {  	s16 =	sshll.u32 s0, $0xA;
	s2 =	sadd.s32 s3, s2  }
0x8d: {  	s2 =	sadd.s32 s2, s16  }
0x8e: {  	[smem:$0x3FB0] =	sst s2  }
0x8f: {  	_ = 	snop  }
0x90: {  	(tm) =	ssettm $0x1  }
0x91: {  	s17 =	sld [smem:$0x3FFB];
	_ =	sdelay $0x3  }
0x92: {  	_ =	strace s17  }
0x93: {  	s2 =	sld [smem:$0x3FFC];
	_ =	sdelay $0x3  }
0x94: {  	_ =	strace s2  }
0x95: {  	s2 =	sld [smem:$0x3FFD];
	_ =	sdelay $0x3  }
0x96: {  	_ =	strace s2  }
0x97: {  	_ =	strace $0x8FFFFFFF  }
0x98: {  	s18 =	sld [smem:$0x3FDB];
	_ =	sdelay $0x1  }
0x99: {  	s19 =	simm.s32 $_scs_section_size  }
0x9a: {  	s4 =	simm.s32 $_size__tile_overlayer_lowered;
	s5 =	simm.s32 $_tile_overlayer_lowered  }
0x9b: {  	s22 =	simm.s32 $0x1BFF;
	s21 =	sshll.u32 s5, $0x1;
	s2 =	sadd.s32 s19, s18  }
0x9c: {  	s6 =	simm.s32 $0x0;
	s20 =	sshll.u32 s4, $0x1;
	s4 =	sadd.s32 s21, s2  }
0x9d: {  	[timem:s6], [sflag:s22] =	dma.local [hbm:s4], s20  }
0x9e: {  	_ =	swait.ge [sflag:s22], s20  }
0x9f: {  	s3 =	ssub.s32 $0x0, s20;
	[sflag:s22] =	ssyncset.done $0x0  }
0xa0: {  	[sflag:s22] =	ssyncadd.s32 s3;
	_ =	sdelay $0x1  }
0xa1: {  	s23 =	simm.s32 $0x1B8B  }
0xa2: {  	_ =	swait.ge [sflag:s23], $0x1  }
0xa3: {  	[sflag:s23] =	ssyncset.done $0x0  }
0xa4: {  	s25 =	simm.s32 $0x1B8E;
	s24 =	sld [smem:$0x3FFE];
	[sflag:s23] =	ssyncadd.s32 $0xFFFFFFFF  }
0xa5: {  	s26 =	simm.s32 $execute0_lowered;
	[smem:$0x3FD2] =	sst s25  }
0xa6: {  	s4 =	sshll.u32 s26, $0x1;
	_ =	strace $0x8000004F;
	[dreg:$0x1] =	wrdreg $0xFFFFFFFF  }
0xa7: {  	s28 =	simm.s32 $_size_execute0_lowered;
	s2 =	sadd.s32 s2, s4;
	[dreg:$0x0] =	wrdreg $0x0  }
0xa8: {  	s4 =	sshll.u32 s28, $0x1;
	[dreg:$0x2] =	wrdreg s2  }
0xa9: {  	[dreg:$0x3] =	wrdreg s4  }
0xaa: {  	[dreg:$0x4] =	wrdreg $0xC0  }
0xab: {  	_ =	task [dreg:s6], $0x5FFFF  }
0xac: {  	[dreg:$0x1] =	wrdreg $0xFFFFFFFF  }
0xad: {  	[dreg:$0x0] =	wrdreg $0x60  }
0xae: {  	[dreg:$0x2] =	wrdreg s24  }
0xaf: {  	[dreg:$0x3] =	wrdreg $0x81000  }
0xb0: {  	[dreg:$0x4] =	wrdreg $0x9  }
0xb1: {  	_ =	task.clear_ibuf [dreg:s6], $0x5FFFF;
	_ =	strace $0x9000004F  }
0xb2: {  	s29 =	simm.s32 $0x9;
	_ =	strace $0x80000051  }
0xb3: {  	_ =	swait.ge [sflag:s29], $0x1  }
0xb4: {  	[sflag:s29] =	ssyncadd.s32 $0xFFFFFFFF  }
0xb5: {  	_ =	strace $0x90000051  }
0xb6: {  	_ =	sfence  }
0xb7: {  	s30 =	sld [smem:$0x0];
	_ =	sdelay $0x2  }
0xb8: {  	s31 =	sshll.u32 s1, $0xD;
	s1 =	sshrl.u32 s1, $0x2  }
0xb9: {  	s3 =	sand.u32 $0x4000, s31;
	s1 =	sadd.s32 s1, s30  }
0xba: {  	s0 =	sor.u32 s3, s0;
	s1 =	sshll.u32 s1, $0x11  }
0xbb: {  	s0 =	sor.u32 s1, s0  }
0xbc: {  	s0 =	sadd.s32 $0x8F2B, s0  }
0xbd: {  	[sflag:s0] =	ssyncadd.remote.s32 $0x1  }
0xbe: {  	_ =	sfence.sel $0xFFFF  }
0xbf: {  	[dreg:$0x0] =	wrdreg $0xFFFFFFFF;
	(pc) =	sbr.abs _section_cstart, $3  }
0xc0: {  	[dreg:$0x1] =	wrdreg $0xFFFFFFFF  }
0xc1: {  	_ =	task.clear_ibuf [dreg:s6], $0x2FFFF;
	_ =	strace $0x9FFFFFFF  }
0xc2: {  	(tm) =	ssettm $0x7FFFFFFF  }
0xc3: {  	_ =	shalt  }
tec
execute0_lowered:
.L_overlay_start_1:
0x0: {  	(tag) =	ssettag $0x1  }
0x1: {  	s11 =	rddreg [dreg:$0x0]  }
0x2: {  	s2 =	rddreg [dreg:$0x1]  }
0x3: {  	s0 =	rddreg [dreg:$0x2]  }
0x4: {  	s3 =	simm.s32 $0x0;
	s1 =	stileid.u32;
	s5 =	srdreg.scid  }
0x5: {  	s21 =	simm.s32 $0x80;
	s22 =	simm.s32 $0x100;
	s23 =	simm.s32 $0x4100  }
0x6: {  	s30 =	simm.s32 $0x0;
	[smem:$0x7FF] =	sst s3;
	s4 =	smul.u32 $0x2700, s1  }
0x7: {  	s9 =	sand.u32 $0x1, s5;
	s5 =	sadd.s32 $0x9D600, s11;
	s6 =	sadd.s32 $0x13B400, s11  }
0x8: {  	s7 =	sadd.s32 $0x11600, s11;
	s8 =	sadd.s32 $0x7800, s11;
	s12 =	smul.u32 $0x4E000, s1  }
0x9: {  	s25 =	sshll.u32 s1, $0x6;
	s26 =	smul.u32 $0x4E, s1;
	s20 =	sadd.s32 $0x138000, s2  }
0xa: {  	p0 =	sne.s32 s1, $0xF;
	p1 =	sgt.u32 s1, $0x1;
	s10 =	smul.u32 $0x27100, s9  }
0xb: {  	_ =	strace $0x80000050;
	s24 =	ssub.s32 $0x2, s9;
	s15 =	smul.u32 $0x4E2, s9  }
0xc: {  	s20 =	sshrl.u32 @!p0 s20, $0x3;
	s13 =	sadd.s32 s4, s11;
	s14 =	sshrl.u32 s24, $0x1  }
0xd: {  	s12 =	sshrl.u32 s12, $0x2;
	s16 =	sadd.s32 s10, s11;
	s17 =	ssub.s32 s24, s14  }
0xe: {  	s18 =	sadd.s32 s12, s2;
	s9 =	sadd.s32 $0x1B400, s13;
	s28 =	sadd.s32 s1, s15  }
.Ltmp0:
0xf: {  	s10 =	sor.u32 $0x1C02, s25;
	s11 =	sadd.s32 $0x42400, s11;
	(pc) =	sbr.rel .LBB2_1-.Ltmp0, $4  }
0x10: {  	s12 =	sadd.s32 s26, s15;
	s24 =	simm.s32 $0x1;
	s19 =	sadd.s32 $0x4E0, s28  }
0x11: {  	s16 =	sadd.s32 $0xEBA00, s16;
	s17 =	smax.u32 s17, $0x1;
	s18 =	sshrl.u32 s18, $0x3  }
0x12: {  	s29 =	sshll.u32 s19, $0x4;
	s31 =	sshll.u32 s19, $0xB;
	s19 =	simm.s32 $0x2  }
0x13: {  	s13 =	sadd.s32 s8, s29;
	s14 =	sadd.s32 s7, s29;
	s15 =	sadd.s32 s6, s31  }
.LBB2_9:
0x14: {  	[bflag:$0x0] =	sbarrier.arrive $0xFFFF;
	s25 =	sadd.s32 s4, s16  }
0x15: {  	[hbm:s25], [sflag:s10] =	dma.local [spmem:s18], $0x2700  }
0x16: {  	_ =	swait.ge [sflag:s19], $0x2700  }
0x17: {  	s3 =	sadd.s32 $0x1, s3;
	[sflag:s19] =	ssyncset.done $0x0  }
0x18: {  	s25 =	sadd.s32 @!p0 $0x27000, s16;
	p2 =	sne.s32 s3, s17;
	[sflag:s19] =	ssyncadd.s32 $0xFFFFD900  }
0x19: {  	[hbm:s25], [sflag:s10] =	dma.local @!p0 [spmem:s20], $0x100  }
.Ltmp1:
0x1a: {  	_ = 	snop;
	(pc) =	sbr.rel @!p2 .LBB2_10-.Ltmp1, $4  }
0x1b: {  	s25 =	simm.s32 @!p0 $0x2  }
0x1c: {  	_ =	swait.ge @!p0 [sflag:s25], $0x100  }
0x1d: {  	[sflag:s25] =	ssyncset.done @!p0 $0x0  }
0x1e: {  	[sflag:s25] =	ssyncadd.s32 @!p0 $0xFFFFFF00  }
.LBB2_1:
0x1f: {  	[spmem:s18], [sflag:s10] =	dma.local [hbm:s9], $0x2700  }
0x20: {  	_ =	swait.ge [sflag:s19], $0x2700  }
0x21: {  	[sflag:s19] =	ssyncset.done $0x0  }
0x22: {  	s25 =	simm.s32 @!p0 $0x2;
	[sflag:s19] =	ssyncadd.s32 $0xFFFFD900  }
0x23: {  	[spmem:s20], [sflag:s10] =	dma.local @!p0 [hbm:s11], $0x100  }
0x24: {  	_ =	swait.ge @!p0 [sflag:s25], $0x100  }
0x25: {  	[sflag:s25] =	ssyncset.done @!p0 $0x0  }
0x26: {  	[sflag:s25] =	ssyncadd.s32 @!p0 $0xFFFFFF00  }
0x27: {  	s25 =	simm.s32 $0x0;
	[bflag:$0x0] =	sbarrier.arrive $0xFFFF  }
.LBB2_2:
0x28: {  	s26 =	sadd.s32 s25, s12  }
0x29: {  	s28 =	sshll.u32 s26, $0x4  }
0x2a: {  	s29 =	sadd.s32 s8, s28  }
0x2b: {  	[tilespmem:s30], [sflag:$0x2] =	stream.linear.gather [hbm4b:s29+s30], $0x80, $0x38;
	[tilespmem:$0x1B980] =	vst v63  }
0x2c: {  	_ =	swait.ge [sflag:s19], $0x80  }
0x2d: {  	[sflag:s19] =	ssyncset.done $0x0  }
0x2e: {  	s28 =	sadd.s32 s7, s28;
	[sflag:s19] =	ssyncadd.s32 $0xFFFFFF80  }
0x2f: {  	[tilespmem:s21], [sflag:$0x2] =	stream.linear.gather [hbm4b:s28+s30], $0x80, $0x38;
	[tilespmem:$0x1B980] =	vst v63  }
0x30: {  	_ =	swait.ge [sflag:s19], $0x80  }
0x31: {  	[sflag:s19] =	ssyncset.done $0x0  }
0x32: {  	s26 =	sshll.u32 s26, $0xB;
	[sflag:s19] =	ssyncadd.s32 $0xFFFFFF80  }
0x33: {  	[tilespmem:s22], [sflag:$0x1] =	stream.indirect.gather [hbm4b:s5+s21], $0x80, s30, s21, $0xb8;
	[tilespmem:$0x1B980] =	vst v63  }
0x34: {  	s26 =	sadd.s32 s6, s26  }
0x35: {  	[tilespmem:s23], [sflag:$0x2] =	stream.linear.gather [hbm4b:s26+s30], $0x4000, $0x38;
	[tilespmem:$0x1B980] =	vst v63  }
0x36: {  	_ =	swait.ge [sflag:s19], $0x4000  }
0x37: {  	[sflag:s19] =	ssyncset.done $0x0  }
0x38: {  	[sflag:s19] =	ssyncadd.s32 $0xFFFFC000  }
0x39: {  	_ =	swait.ge [sflag:s24], $0x4000  }
0x3a: {  	[sflag:s24] =	ssyncset.done $0x0  }
0x3b: {  	s26 =	simm.s32 $0x0;
	[sflag:s24] =	ssyncadd.s32 $0xFFFFC000  }
0x3c: {  	v7 =	vld [tilespmem:s26+$0x4100]  }
0x3d: {  	v11 =	vld [tilespmem:s26+$0x4110]  }
0x3e: {  	v5 =	vld [tilespmem:s26+$0x4120]  }
0x3f: {  	v4 =	vld [tilespmem:s26+$0x4130]  }
0x40: {  	v3 =	vld [tilespmem:s26+$0x4140]  }
0x41: {  	v2 =	vld [tilespmem:s26+$0x4150]  }
0x42: {  	v1 =	vld [tilespmem:s26+$0x4160]  }
0x43: {  	v0 =	vld [tilespmem:s26+$0x4170]  }
0x44: {  	v12 =	vld [tilespmem:s26+$0x100]  }
0x45: {  	v13 =	vld [tilespmem:s26+$0x110]  }
0x46: {  	v10 =	vld [tilespmem:s26+$0x120]  }
0x47: {  	v9 =	vld [tilespmem:s26+$0x130]  }
0x48: {  	v8 =	vld [tilespmem:s26+$0x140]  }
0x49: {  	v6 =	vld [tilespmem:s26+$0x150];
	v12 =	vmul.f32 v7, v12  }
0x4a: {  	s28 =	simm.s32 $0x200;
	v11 =	vmul.f32 v11, v13;
	v7 =	vld [tilespmem:s26+$0x160]  }
.LBB2_3:
0x4b: {  	s29 =	sshra.s32 s28, $0x2;
	p2 =	sne.s32 s28, $0xFE00;
	[tilespmem:s26+$0x100] =	vst v12;
	v5 =	vmul.f32 v5, v10;
	v10 =	vld [tilespmem:s26+$0x170]  }
0x4c: {  	v12 =	vld [tilespmem:s29+$0x4100];
	[tilespmem:s26+$0x110] =	vst v11;
	v4 =	vmul.f32 v4, v9  }
0x4d: {  	v11 =	vld [tilespmem:s29+$0x4110];
	[tilespmem:s26+$0x120] =	vst v5;
	v3 =	vmul.f32 v3, v8  }
0x4e: {  	v5 =	vld [tilespmem:s29+$0x4120];
	[tilespmem:s26+$0x130] =	vst v4;
	v2 =	vmul.f32 v2, v6  }
0x4f: {  	v4 =	vld [tilespmem:s29+$0x4130];
	[tilespmem:s26+$0x140] =	vst v3;
	v1 =	vmul.f32 v1, v7  }
0x50: {  	v3 =	vld [tilespmem:s29+$0x4140];
	[tilespmem:s26+$0x150] =	vst v2;
	v0 =	vmul.f32 v0, v10  }
0x51: {  	v2 =	vld [tilespmem:s29+$0x4150];
	[tilespmem:s26+$0x160] =	vst v1  }
0x52: {  	v1 =	vld [tilespmem:s29+$0x4160];
	[tilespmem:s26+$0x170] =	vst v0;
	s26 =	smov.u32 s29  }
0x53: {  	v0 =	vld [tilespmem:s26+$0x4170]  }
0x54: {  	v6 =	vld [tilespmem:s26+$0x100]  }
0x55: {  	v7 =	vld [tilespmem:s26+$0x110]  }
.Ltmp2:
0x56: {  	v10 =	vld [tilespmem:s26+$0x120];
	(pc) =	sbr.rel @p2 .LBB2_3-.Ltmp2, $4  }
0x57: {  	v9 =	vld [tilespmem:s26+$0x130]  }
0x58: {  	v8 =	vld [tilespmem:s26+$0x140]  }
0x59: {  	v12 =	vmul.f32 v12, v6;
	v6 =	vld [tilespmem:s26+$0x150]  }
0x5a: {  	s28 =	sadd.s32 $0x200, s28;
	v11 =	vmul.f32 v11, v7;
	v7 =	vld [tilespmem:s26+$0x160]  }
0x5b: {  	[tilespmem:s26+$0x100] =	vst v12;
	v5 =	vmul.f32 v5, v10;
	v63 =	vld [tilespmem:s26+$0x170]  }
0x5c: {  	[tilespmem:s26+$0x110] =	vst v11;
	v4 =	vmul.f32 v4, v9  }
0x5d: {  	[tilespmem:s26+$0x120] =	vst v5;
	v3 =	vmul.f32 v3, v8  }
0x5e: {  	[tilespmem:s26+$0x130] =	vst v4;
	v2 =	vmul.f32 v2, v6  }
0x5f: {  	[tilespmem:s26+$0x140] =	vst v3;
	v1 =	vmul.f32 v1, v7  }
0x60: {  	s25 =	sadd.s32 $0x1, s25;
	[tilespmem:s26+$0x150] =	vst v2;
	v0 =	vmul.f32 v0, v63  }
0x61: {  	p2 =	sne.s32 s25, $0x4E;
	[tilespmem:s26+$0x160] =	vst v1  }
.Ltmp3:
0x62: {  	[tilespmem:s26+$0x170] =	vst v0;
	(pc) =	sbr.rel @p2 .LBB2_2-.Ltmp3, $4  }
0x63: {  	[spmem:s2] =	stream.indirect.scatter.add.f32 [tilespmem:s22], [sflag:$0x2], $0x80, s21, s21, $0xb8;
	[tilespmem:$0x1B980] =	vst v63  }
0x64: {  	_ =	swait.ge [sflag:s19], $0x4000  }
0x65: {  	[sflag:s19] =	ssyncset.done $0x0  }
0x66: {  	[sflag:s19] =	ssyncadd.s32 $0xFFFFC000  }
.Ltmp4:
0x67: {  	(pc) =	sbr.rel @p1 .LBB2_9-.Ltmp4, $1  }
0x68: {  	_ =	sdelay $0x3  }
0x69: {  	s25 =	simm.s32 $0x0  }
0x6a: {  	[tilespmem:s25], [sflag:$0x2] =	stream.linear.gather [hbm4b:s13+s25], $0x80, $0x38;
	[tilespmem:$0x1B980] =	vst v63  }
0x6b: {  	_ =	swait.ge [sflag:s19], $0x80  }
0x6c: {  	[sflag:s19] =	ssyncset.done $0x0  }
0x6d: {  	[sflag:s19] =	ssyncadd.s32 $0xFFFFFF80  }
0x6e: {  	[tilespmem:s21], [sflag:$0x2] =	stream.linear.gather [hbm4b:s14+s25], $0x80, $0x38;
	[tilespmem:$0x1B980] =	vst v63  }
0x6f: {  	_ =	swait.ge [sflag:s19], $0x80  }
0x70: {  	[sflag:s19] =	ssyncset.done $0x0  }
0x71: {  	[sflag:s19] =	ssyncadd.s32 $0xFFFFFF80  }
0x72: {  	[tilespmem:s22], [sflag:$0x1] =	stream.indirect.gather [hbm4b:s5+s21], $0x80, s25, s21, $0xb8;
	[tilespmem:$0x1B980] =	vst v63  }
0x73: {  	_ = 	snop  }
0x74: {  	[tilespmem:s23], [sflag:$0x2] =	stream.linear.gather [hbm4b:s15+s25], $0x4000, $0x38;
	[tilespmem:$0x1B980] =	vst v63  }
0x75: {  	_ =	swait.ge [sflag:s19], $0x4000  }
0x76: {  	[sflag:s19] =	ssyncset.done $0x0  }
0x77: {  	[sflag:s19] =	ssyncadd.s32 $0xFFFFC000  }
0x78: {  	_ =	swait.ge [sflag:s24], $0x4000  }
0x79: {  	[sflag:s24] =	ssyncset.done $0x0  }
0x7a: {  	s25 =	simm.s32 $0x0;
	[sflag:s24] =	ssyncadd.s32 $0xFFFFC000  }
0x7b: {  	v7 =	vld [tilespmem:s25+$0x4100]  }
0x7c: {  	v11 =	vld [tilespmem:s25+$0x4110]  }
0x7d: {  	v5 =	vld [tilespmem:s25+$0x4120]  }
0x7e: {  	v4 =	vld [tilespmem:s25+$0x4130]  }
0x7f: {  	v3 =	vld [tilespmem:s25+$0x4140]  }
0x80: {  	v2 =	vld [tilespmem:s25+$0x4150]  }
0x81: {  	v1 =	vld [tilespmem:s25+$0x4160]  }
0x82: {  	v0 =	vld [tilespmem:s25+$0x4170]  }
0x83: {  	v12 =	vld [tilespmem:s25+$0x100]  }
0x84: {  	v13 =	vld [tilespmem:s25+$0x110]  }
0x85: {  	v10 =	vld [tilespmem:s25+$0x120]  }
0x86: {  	v9 =	vld [tilespmem:s25+$0x130]  }
0x87: {  	v8 =	vld [tilespmem:s25+$0x140]  }
0x88: {  	v6 =	vld [tilespmem:s25+$0x150];
	v12 =	vmul.f32 v7, v12  }
0x89: {  	s26 =	simm.s32 $0x200;
	v11 =	vmul.f32 v11, v13;
	v7 =	vld [tilespmem:s25+$0x160]  }
.LBB2_7:
0x8a: {  	s28 =	sshra.s32 s26, $0x2;
	p2 =	sne.s32 s26, $0xFE00;
	[tilespmem:s25+$0x100] =	vst v12;
	v5 =	vmul.f32 v5, v10;
	v10 =	vld [tilespmem:s25+$0x170]  }
0x8b: {  	v12 =	vld [tilespmem:s28+$0x4100];
	[tilespmem:s25+$0x110] =	vst v11;
	v4 =	vmul.f32 v4, v9  }
0x8c: {  	v11 =	vld [tilespmem:s28+$0x4110];
	[tilespmem:s25+$0x120] =	vst v5;
	v3 =	vmul.f32 v3, v8  }
0x8d: {  	v5 =	vld [tilespmem:s28+$0x4120];
	[tilespmem:s25+$0x130] =	vst v4;
	v2 =	vmul.f32 v2, v6  }
0x8e: {  	v4 =	vld [tilespmem:s28+$0x4130];
	[tilespmem:s25+$0x140] =	vst v3;
	v1 =	vmul.f32 v1, v7  }
0x8f: {  	v3 =	vld [tilespmem:s28+$0x4140];
	[tilespmem:s25+$0x150] =	vst v2;
	v0 =	vmul.f32 v0, v10  }
0x90: {  	v2 =	vld [tilespmem:s28+$0x4150];
	[tilespmem:s25+$0x160] =	vst v1  }
0x91: {  	v1 =	vld [tilespmem:s28+$0x4160];
	[tilespmem:s25+$0x170] =	vst v0;
	s25 =	smov.u32 s28  }
0x92: {  	v0 =	vld [tilespmem:s25+$0x4170]  }
0x93: {  	v6 =	vld [tilespmem:s25+$0x100]  }
0x94: {  	v7 =	vld [tilespmem:s25+$0x110]  }
.Ltmp5:
0x95: {  	v10 =	vld [tilespmem:s25+$0x120];
	(pc) =	sbr.rel @p2 .LBB2_7-.Ltmp5, $4  }
0x96: {  	v9 =	vld [tilespmem:s25+$0x130]  }
0x97: {  	v8 =	vld [tilespmem:s25+$0x140]  }
0x98: {  	v12 =	vmul.f32 v12, v6;
	v6 =	vld [tilespmem:s25+$0x150]  }
0x99: {  	s26 =	sadd.s32 $0x200, s26;
	v11 =	vmul.f32 v11, v7;
	v7 =	vld [tilespmem:s25+$0x160]  }
0x9a: {  	[tilespmem:s25+$0x100] =	vst v12;
	v5 =	vmul.f32 v5, v10;
	v63 =	vld [tilespmem:s25+$0x170]  }
0x9b: {  	[tilespmem:s25+$0x110] =	vst v11;
	v4 =	vmul.f32 v4, v9  }
0x9c: {  	[tilespmem:s25+$0x120] =	vst v5;
	v3 =	vmul.f32 v3, v8  }
0x9d: {  	[tilespmem:s25+$0x130] =	vst v4;
	v2 =	vmul.f32 v2, v6  }
0x9e: {  	[tilespmem:s25+$0x140] =	vst v3;
	v1 =	vmul.f32 v1, v7  }
0x9f: {  	[tilespmem:s25+$0x150] =	vst v2;
	v0 =	vmul.f32 v0, v63  }
0xa0: {  	[tilespmem:s25+$0x160] =	vst v1  }
.Ltmp6:
0xa1: {  	[tilespmem:s25+$0x170] =	vst v0;
	(pc) =	sbr.rel .LBB2_9-.Ltmp6, $4  }
0xa2: {  	[spmem:s2] =	stream.indirect.scatter.add.f32 [tilespmem:s22], [sflag:$0x2], $0x80, s21, s21, $0xb8;
	[tilespmem:$0x1B980] =	vst v63  }
0xa3: {  	_ =	swait.ge [sflag:s19], $0x4000  }
0xa4: {  	[sflag:s19] =	ssyncset.done $0x0  }
0xa5: {  	[sflag:s19] =	ssyncadd.s32 $0xFFFFC000  }
.LBB2_10:
0xa6: {  	_ =	sfence.sel $0x180000  }
0xa7: {  	[bflag:$0x0] =	sbarrier.arrive $0xFFFF  }
0xa8: {  	p0 =	sne.s32 s1, $0x0;
	_ =	strace $0x90000050  }
0xa9: {  	s0 =	sadd.s32 @!p0 $0x100000, s0;
	[bflag:$0x2] =	sbarrier.arrive $0xFFFF  }
0xaa: {  	[sflag:s0] =	ssyncadd.tile.s32 @!p0 $0x1;
	_ =	shalt  }
.Lfunc_end2:
_tile_overlayer_lowered:
.L_overlay_start_2:
0xab: {  	(tag) =	ssettag $0x2  }
0xac: {  	s0 =	rddreg [dreg:$0x0];
	s2 =	stileid.u32  }
0xad: {  	s1 =	rddreg [dreg:$0x1];
	p0 =	sne.s32 s2, $0x0  }
0xae: {  	s3 =	rddreg [dreg:$0x2];
	[bflag:$0x3] =	sbarrier.arrive $0xFFFF;
	s2 =	simm.s32 @!p0 $0x1C02  }
0xaf: {  	[timem:s3], [sflag:s2] =	dma.local @!p0 [hbm:s0], s1  }
0xb0: {  	s0 =	simm.s32 @!p0 $0x2  }
0xb1: {  	_ =	swait.ge @!p0 [sflag:s0], s1  }
0xb2: {  	s1 =	ssub.s32 @!p0 $0x0, s1;
	[sflag:s0] =	ssyncset.done @!p0 $0x0  }
0xb3: {  	[sflag:s0] =	ssyncadd.s32 @!p0 s1  }
0xb4: {  	[bflag:$0x3] =	sbarrier.arrive $0xFFFF  }
0xb5: {  	_ =	shalt  }

</sc_bundles>
